<compile_context>
chip_gen: v7x
topology: tpu7x:2x2x1
jax: 0.10.2.dev20260603
libtpu: 0.0.44.dev20260713+nightly
codegen_flags: <defaults>
</compile_context>

<pallas_src>
import functools

import jax
import jax.numpy as jnp
import numpy as np
from jax import lax
from jax.experimental import pallas as pl
from jax.experimental.pallas import tpu as pltpu
from jax.experimental.pallas import tpu_sc as plsc

N = 10000
D = 128
E = 320000
NLAB = 8

NCORES = 2
NSUB = 16
CH = 128
NCH = 2560
E_PAD = NCH * CH
NCH_T = NCH // NSUB
NPAD = 10112
RT = NPAD // NSUB
CW = 16
IB = 8
NB = NCH_T // IB

_PERM = np.empty((D,), np.int32)
for _g in range(D // 32):
    for _k in range(16):
        _PERM[_g * 32 + 2 * _k] = _g * 32 + _k
        _PERM[_g * 32 + 2 * _k + 1] = _g * 32 + 16 + _k


def _make_segsum(with_counts):
    mesh = plsc.VectorSubcoreMesh(
        core_axis_name="c", subcore_axis_name="s",
        num_cores=NCORES, num_subcores=NSUB)

    f32 = jnp.float32
    bf16 = jnp.bfloat16
    out_type = [jax.ShapeDtypeStruct((NPAD, D), bf16),
                jax.ShapeDtypeStruct((NPAD, D), bf16)]
    scratch = [
        pltpu.VMEM_SHARED((NPAD, D), bf16),
        pltpu.VMEM((2, IB, CH), jnp.int32),
        pltpu.VMEM((2, IB, CH), jnp.int32),
        pltpu.VMEM((CH, D), bf16),
        pltpu.VMEM((CH, D), bf16),
        pltpu.VMEM((CH, D), bf16),
        pltpu.VMEM((CH, D), bf16),
        pltpu.SemaphoreType.DMA,
        pltpu.SemaphoreType.DMA,
        pltpu.SemaphoreType.DMA,
        pltpu.SemaphoreType.DMA,
        pltpu.SemaphoreType.DMA,
        pltpu.SemaphoreType.DMA,
        pltpu.SemaphoreType.DMA,
        pltpu.SemaphoreType.DMA,
        pltpu.SemaphoreType.DMA,
    ]
    if with_counts:
        out_type += [jax.ShapeDtypeStruct((NPAD, CW), f32),
                     jax.ShapeDtypeStruct((NPAD, CW), f32)]
        scratch += [
            pltpu.VMEM_SHARED((NPAD, CW), f32),
            pltpu.VMEM((CH, CW), f32),
            pltpu.SemaphoreType.DMA,
        ]

    def body(*refs):
        if with_counts:
            (xa, xp, sap, dap, spa, dpa,
             sum_ap, sum_pa, cnt_ap, cnt_pa,
             acc, srcv, dstv, rows0, rows1, rows2, rows3,
             semg0, semg1, semg2, semg3,
             sems0, sems1, sems2, sems3, semi, cacc, onesv, semc) = refs
        else:
            (xa, xp, sap, dap, spa, dpa,
             sum_ap, sum_pa,
             acc, srcv, dstv, rows0, rows1, rows2, rows3,
             semg0, semg1, semg2, semg3,
             sems0, sems1, sems2, sems3, semi) = refs
            cnt_ap = cnt_pa = cacc = onesv = semc = None
        rows = (rows0, rows1, rows2, rows3)
        semg = (semg0, semg1, semg2, semg3)
        sems = (sems0, sems1, sems2, sems3)

        cid = lax.axis_index("c")
        wid = lax.axis_index("s")
        base = wid * RT
        cbase = wid * NCH_T

        def run(x_ref, s_ref, d_ref, sum_out, cnt_out):
            zv = jnp.zeros((16,), jnp.float32)
            zvb = jnp.zeros((32,), jnp.bfloat16)

            def zrow(i, carry):
                def zcol(j, carry2):
                    rows0[i, pl.ds(j * 32, 32)] = zvb
                    return carry2
                return lax.fori_loop(0, D // 32, zcol, carry)

            lax.fori_loop(0, CH, zrow, 0)
            for k in range(4):
                pltpu.sync_copy(rows0, acc.at[pl.ds(base + 128 * k, 128)])
            pltpu.sync_copy(rows0.at[pl.ds(0, RT - 512)],
                            acc.at[pl.ds(base + 512, RT - 512)])
            if with_counts:
                def z16row(i, carry):
                    onesv[i, :] = zv
                    return carry
                lax.fori_loop(0, CH, z16row, 0)
                for k in range(4):
                    pltpu.sync_copy(onesv,
                                    cacc.at[pl.ds(base + 128 * k, 128)])
                pltpu.sync_copy(onesv.at[pl.ds(0, RT - 512)],
                                cacc.at[pl.ds(base + 512, RT - 512)])
                onepat = jnp.where(
                    lax.iota(jnp.int32, 16) == 0, 1.0, 0.0
                ).astype(jnp.float32)

                def o16row(i, carry):
                    onesv[i, :] = onepat
                    return carry
                lax.fori_loop(0, CH, o16row, 0)
            plsc.subcore_barrier()

            def _wait_scatter(q):
                pltpu.make_async_copy(rows[q], acc.at[dstv.at[0, 0]],
                                      sems[q]).wait()

            def _wait_gather(p):
                pltpu.make_async_copy(x_ref.at[srcv.at[0, 0]], rows[p],
                                      semg[p]).wait()

            def _wait_idx():
                pltpu.make_async_copy(s_ref.at[pl.ds(cbase, IB)],
                                      srcv.at[0], semi).wait()

            def _wait_cnt():
                pltpu.make_async_copy(onesv, cacc.at[dstv.at[0, 0]],
                                      semc).wait()

            pltpu.sync_copy(s_ref.at[pl.ds(cbase, IB)], srcv.at[0])
            pltpu.sync_copy(d_ref.at[pl.ds(cbase, IB)], dstv.at[0])
            pltpu.async_copy(x_ref.at[srcv.at[0, 0]], rows[0], semg[0])
            pltpu.async_copy(x_ref.at[srcv.at[0, 1]], rows[1], semg[1])

            def block(b, carry):
                par = lax.rem(b, 2)
                nxt = lax.rem(b + 1, 2)
                cbn = cbase + (b + 1) * IB

                @pl.when(b + 1 < NB)
                def _():
                    pltpu.async_copy(s_ref.at[pl.ds(cbn, IB)],
                                     srcv.at[nxt], semi)
                    pltpu.async_copy(d_ref.at[pl.ds(cbn, IB)],
                                     dstv.at[nxt], semi)

                for j in range(IB):
                    p = j % 4
                    f = (j + 2) % 4
                    if j < 2:
                        @pl.when(b > 0)
                        def _():
                            _wait_scatter(f)
                    else:
                        _wait_scatter(f)
                    if j + 2 < IB:
                        pltpu.async_copy(x_ref.at[srcv.at[par, j + 2]],
                                         rows[f], semg[f])
                    else:
                        @pl.when(b + 1 < NB)
                        def _():
                            if j + 2 == IB:
                                _wait_idx()
                                _wait_idx()
                            pltpu.async_copy(
                                x_ref.at[srcv.at[nxt, j + 2 - IB]],
                                rows[f], semg[f])
                    _wait_gather(p)
                    pltpu.async_copy(rows[p], acc.at[dstv.at[par, j]],
                                     sems[p], add=True)
                    if with_counts:
                        pltpu.async_copy(onesv, cacc.at[dstv.at[par, j]],
                                         semc, add=True)
                        if j == 0:
                            @pl.when(b > 0)
                            def _():
                                _wait_cnt()
                        else:
                            _wait_cnt()
                return carry

            lax.fori_loop(0, NB, block, 0)
            _wait_scatter((NCH_T - 2) % 4)
            _wait_scatter((NCH_T - 1) % 4)
            if with_counts:
                _wait_cnt()
            plsc.subcore_barrier()
            pltpu.sync_copy(acc.at[pl.ds(base, RT)],
                            sum_out.at[pl.ds(base, RT)])
            if with_counts:
                pltpu.sync_copy(cacc.at[pl.ds(base, RT)],
                                cnt_out.at[pl.ds(base, RT)])

        @pl.when(cid == 0)
        def _():
            run(xa, sap, dap, sum_ap, cnt_ap)

        @pl.when(cid == 1)
        def _():
            run(xp, spa, dpa, sum_pa, cnt_pa)

    return pl.kernel(body, out_type=out_type, mesh=mesh,
                     scratch_types=scratch,
                     compiler_params=pltpu.CompilerParams(
                         use_tc_tiling_on_sc=False),
                     name="segsum_l1" if with_counts else "segsum_l2")


_segsum_l1 = _make_segsum(True)
_segsum_l2 = _make_segsum(False)


def _dense_body(head, *refs):
    f32 = jnp.float32
    if head:
        (x_ref, s_ref, c_ref, Ws, Wd, Wu, bs, bd, bu, g, b, Wp, bp,
         o_ref) = refs
    else:
        (x_ref, s_ref, c_ref, Ws, Wd, Wu, bs, bd, bu, g, b, o_ref) = refs
    dot = functools.partial(jnp.dot, preferred_element_type=f32)
    Wu_d = Wu[0:D, :]
    Wu_s = Wu[D:2 * D, :]
    A = dot(Wd[...], Wu_d)
    B = dot(Ws[...], Wu_s)
    c = dot(bd[...], Wu_d) + dot(bs[...], Wu_s) + bu[...]
    cnt = jnp.maximum(c_ref[0:N, 0:1], 1.0)
    aggr = s_ref[0:N, :].astype(f32) / cnt
    h = dot(x_ref[...], A) + dot(aggr, B) + c
    mu = jnp.mean(h, axis=0, keepdims=True)
    dlt = h - mu
    var = jnp.mean(dlt * dlt, axis=0, keepdims=True)
    hn = dlt * lax.rsqrt(var + 1.0) * g[...] + b[...]
    act = jnp.where(hn >= 0.0, hn, 0.01 * hn)
    if head:
        o_ref[...] = dot(act, Wp[...]) + bp[...]
    else:
        o_ref[...] = act


def _dense(x, ssum, cnt, conv, bn, post=None):
    args = [x, ssum, cnt, conv["W_src"][_PERM], conv["W_dst"], conv["W_upd"],
            conv["b_src"].reshape(1, D), conv["b_dst"].reshape(1, D),
            conv["b_upd"].reshape(1, D),
            bn["gamma"].reshape(1, D), bn["beta"].reshape(1, D)]
    if post is None:
        out = jax.ShapeDtypeStruct((N, D), jnp.float32)
    else:
        args += [post["W"], post["b"].reshape(1, NLAB)]
        out = jax.ShapeDtypeStruct((N, NLAB), jnp.float32)
    return pl.pallas_call(
        functools.partial(_dense_body, post is not None),
        out_shape=out)(*args)


def kernel(x_author, x_paper, edge_index_ap, edge_index_pa, params):
    i32 = jnp.int32
    f32 = jnp.float32
    ei_ap = edge_index_ap.astype(i32)
    ei_pa = edge_index_pa.astype(i32)
    pad_src = jnp.zeros((E_PAD - E,), i32)
    pad_dst = jnp.full((E_PAD - E,), N, i32)
    sap = jnp.concatenate([ei_ap[0], pad_src]).reshape(NCH, CH)
    dap = jnp.concatenate([ei_ap[1], pad_dst]).reshape(NCH, CH)
    spa = jnp.concatenate([ei_pa[0], pad_src]).reshape(NCH, CH)
    dpa = jnp.concatenate([ei_pa[1], pad_dst]).reshape(NCH, CH)
    xb_author = x_author.astype(jnp.bfloat16)[:, _PERM]
    xb_paper = x_paper.astype(jnp.bfloat16)[:, _PERM]
    sum_ap, sum_pa, cnt_ap, cnt_pa = _segsum_l1(
        xb_author, xb_paper, sap, dap, spa, dpa)

    p = params
    h_paper = _dense(x_paper, sum_ap, cnt_ap, p["conv1_ap"], p["bn1_paper"])
    h_author = _dense(x_author, sum_pa, cnt_pa, p["conv1_pa"], p["bn1_author"])

    hb_author = h_author.astype(jnp.bfloat16)[:, _PERM]
    hb_paper = h_paper.astype(jnp.bfloat16)[:, _PERM]
    sum2_ap, sum2_pa = _segsum_l2(
        hb_author, hb_paper, sap, dap, spa, dpa)

    out_paper = _dense(h_paper, sum2_ap, cnt_ap, p["conv2_ap"],
                       p["bn2_paper"], p["post_paper"])
    out_author = _dense(h_author, sum2_pa, cnt_pa, p["conv2_pa"],
                        p["bn2_author"], p["post_author"])
    return (out_author, out_paper)

# --- scband reference (transcript-rebuilt; emitter-appended) ---
"""Pipeline reference for scband-hetero-gnn-88940182765819 (READ-ONLY COPY).

The authoritative reference and input builder live on the scoring server;
editing this copy changes nothing except your own understanding.
"""

import jax, jax.numpy as jnp
import numpy as np

HIDDEN = 128
D_FEAT = 128
N_LABELS = 8
N_NODES = 10000
N_EDGES = 320000


def _linear_params(key, fan_in, fan_out):
    k1, k2 = jax.random.split(key)
    lim = 1.0 / np.sqrt(fan_in)
    W = jax.random.uniform(k1, (fan_in, fan_out), minval=-lim, maxval=lim, dtype=jnp.float32)
    b = jax.random.uniform(k2, (fan_out,), minval=-lim, maxval=lim, dtype=jnp.float32)
    return W, b


def _conv_params(key, in_src, in_dst, out):
    k1, k2, k3 = jax.random.split(key, 3)
    Ws, bs = _linear_params(k1, in_src, out)
    Wd, bd = _linear_params(k2, in_dst, out)
    Wu, bu = _linear_params(k3, 2 * out, out)
    return {"W_src": Ws, "b_src": bs, "W_dst": Wd, "b_dst": bd, "W_upd": Wu, "b_upd": bu}


def setup_inputs(seed: int = 0) -> dict:
    key = jax.random.key(seed)
    ks = jax.random.split(key, 16)
    x_author = jax.random.normal(ks[0], (N_NODES, D_FEAT), dtype=jnp.float32)
    x_paper = jax.random.normal(ks[1], (N_NODES, D_FEAT), dtype=jnp.float32)
    edge_index_ap = jax.random.randint(ks[2], (2, N_EDGES), 0, N_NODES, dtype=jnp.int64)
    edge_index_pa = jax.random.randint(ks[3], (2, N_EDGES), 0, N_NODES, dtype=jnp.int64)
    params = {
        "conv1_ap": _conv_params(ks[4], D_FEAT, D_FEAT, HIDDEN),
        "conv1_pa": _conv_params(ks[5], D_FEAT, D_FEAT, HIDDEN),
        "conv2_ap": _conv_params(ks[6], HIDDEN, HIDDEN, HIDDEN),
        "conv2_pa": _conv_params(ks[7], HIDDEN, HIDDEN, HIDDEN),
        "bn1_author": {"gamma": jnp.ones((HIDDEN,), jnp.float32), "beta": jnp.zeros((HIDDEN,), jnp.float32)},
        "bn1_paper": {"gamma": jnp.ones((HIDDEN,), jnp.float32), "beta": jnp.zeros((HIDDEN,), jnp.float32)},
        "bn2_author": {"gamma": jnp.ones((HIDDEN,), jnp.float32), "beta": jnp.zeros((HIDDEN,), jnp.float32)},
        "bn2_paper": {"gamma": jnp.ones((HIDDEN,), jnp.float32), "beta": jnp.zeros((HIDDEN,), jnp.float32)},
        "post_author": dict(zip(("W", "b"), _linear_params(ks[8], HIDDEN, N_LABELS))),
        "post_paper": dict(zip(("W", "b"), _linear_params(ks[9], HIDDEN, N_LABELS))),
    }
    return {"x_author": x_author, "x_paper": x_paper, "edge_index_ap": edge_index_ap, "edge_index_pa": edge_index_pa, "params": params}


def _mean_aggregate(x_src, edge_index, n_dst):
    src = edge_index[0]
    dst = edge_index[1]
    msgs = jnp.take(x_src, src, axis=0)
    summed = jax.ops.segment_sum(msgs, dst, num_segments=n_dst)
    counts = jax.ops.segment_sum(jnp.ones((dst.shape[0], 1), jnp.float32), dst, num_segments=n_dst)
    return summed / jnp.maximum(counts, 1.0)


def _hetero_conv(p, x_src, x_dst, edge_index):
    aggr = _mean_aggregate(x_src, edge_index, x_dst.shape[0])
    h_src = aggr @ p["W_src"] + p["b_src"]
    h_dst = x_dst @ p["W_dst"] + p["b_dst"]
    h = jnp.concatenate([h_dst, h_src], axis=1)
    return h @ p["W_upd"] + p["b_upd"]


def _batch_norm(x, bn, eps=1.0):
    mu = jnp.mean(x, axis=0)
    var = jnp.var(x, axis=0)
    return (x - mu) / jnp.sqrt(var + eps) * bn["gamma"] + bn["beta"]


def _leaky_relu(x, slope=0.01):
    return jnp.where(x >= 0, x, slope * x)


def reference(x_author, x_paper, edge_index_ap, edge_index_pa, params):
    # Layer 1: per-message-type conv, each dst type has one incoming message type
    h_paper = _hetero_conv(params["conv1_ap"], x_author, x_paper, edge_index_ap)
    h_author = _hetero_conv(params["conv1_pa"], x_paper, x_author, edge_index_pa)
    h_author = _leaky_relu(_batch_norm(h_author, params["bn1_author"]))
    h_paper = _leaky_relu(_batch_norm(h_paper, params["bn1_paper"]))
    # Layer 2
    h_paper2 = _hetero_conv(params["conv2_ap"], h_author, h_paper, edge_index_ap)
    h_author2 = _hetero_conv(params["conv2_pa"], h_paper, h_author, edge_index_pa)
    h_author2 = _leaky_relu(_batch_norm(h_author2, params["bn2_author"]))
    h_paper2 = _leaky_relu(_batch_norm(h_paper2, params["bn2_paper"]))
    # Post message-passing linear heads
    out_author = h_author2 @ params["post_author"]["W"] + params["post_author"]["b"]
    out_paper = h_paper2 @ params["post_paper"]["W"] + params["post_paper"]["b"]
    return (out_author, out_paper)

if __name__ == "__main__":
    import jax
    _d = setup_inputs()
    print(jax.jit(kernel)(*tuple(_d.values())))

</pallas_src>

<mosaic_0001>
#map = affine_map<(d0, d1) -> (0, 0)>
module attributes {stable_mosaic.version = 14 : i64} {
  func.func @segsum_l1(%arg0: i32, %arg1: i32, %arg2: memref<10000x128xbf16, #tpu.memory_space<hbm>>, %arg3: memref<10000x128xbf16, #tpu.memory_space<hbm>>, %arg4: memref<2560x128xi32, #tpu.memory_space<hbm>>, %arg5: memref<2560x128xi32, #tpu.memory_space<hbm>>, %arg6: memref<2560x128xi32, #tpu.memory_space<hbm>>, %arg7: memref<2560x128xi32, #tpu.memory_space<hbm>>, %arg8: memref<10112x128xbf16, #tpu.memory_space<hbm>>, %arg9: memref<10112x128xbf16, #tpu.memory_space<hbm>>, %arg10: memref<10112x16xf32, #tpu.memory_space<hbm>>, %arg11: memref<10112x16xf32, #tpu.memory_space<hbm>>, %arg12: memref<10112x128xbf16, #tpu.memory_space<vmem_shared>>, %arg13: memref<2x8x128xi32, #tpu.memory_space<vmem>>, %arg14: memref<2x8x128xi32, #tpu.memory_space<vmem>>, %arg15: memref<128x128xbf16, #tpu.memory_space<vmem>>, %arg16: memref<128x128xbf16, #tpu.memory_space<vmem>>, %arg17: memref<128x128xbf16, #tpu.memory_space<vmem>>, %arg18: memref<128x128xbf16, #tpu.memory_space<vmem>>, %arg19: memref<!tpu.dma_semaphore, #tpu.memory_space<semaphore_mem>>, %arg20: memref<!tpu.dma_semaphore, #tpu.memory_space<semaphore_mem>>, %arg21: memref<!tpu.dma_semaphore, #tpu.memory_space<semaphore_mem>>, %arg22: memref<!tpu.dma_semaphore, #tpu.memory_space<semaphore_mem>>, %arg23: memref<!tpu.dma_semaphore, #tpu.memory_space<semaphore_mem>>, %arg24: memref<!tpu.dma_semaphore, #tpu.memory_space<semaphore_mem>>, %arg25: memref<!tpu.dma_semaphore, #tpu.memory_space<semaphore_mem>>, %arg26: memref<!tpu.dma_semaphore, #tpu.memory_space<semaphore_mem>>, %arg27: memref<!tpu.dma_semaphore, #tpu.memory_space<semaphore_mem>>, %arg28: memref<10112x16xf32, #tpu.memory_space<vmem_shared>>, %arg29: memref<128x16xf32, #tpu.memory_space<vmem>>, %arg30: memref<!tpu.dma_semaphore, #tpu.memory_space<semaphore_mem>>) attributes {dimension_semantics = [#tpu.dimension_semantics<core_parallel>, #tpu.dimension_semantics<subcore_parallel>], iteration_bounds = array<i64: 2, 16>, scalar_prefetch = 0 : i64, scratch_operands = 19 : i64, tpu.core_type = #tpu.core_type<sc_vector_subcore>, window_params = [{transform_indices = #map}, {transform_indices = #map}, {transform_indices = #map}, {transform_indices = #map}, {transform_indices = #map}, {transform_indices = #map}, {transform_indices = #map}, {transform_indices = #map}, {transform_indices = #map}, {transform_indices = #map}]} {
    %mul3A = arith.constant 632 : i32
    %mul3A_0 = arith.muli %arg1, %mul3A : i32
    %mul3A_1 = arith.constant 160 : i32
    %mul3A_2 = arith.muli %arg1, %mul3A_1 : i32
    %eq3A = arith.constant 0 : i32
    %eq3A_3 = arith.cmpi eq, %arg0, %eq3A : i32
    %convert_element_type3A = arith.extui %eq3A_3 : i1 to i32
    %cond3A = arith.constant 0 : i32
    %cond3A_4 = arith.cmpi ne, %convert_element_type3A, %cond3A : i32
    scf.if %cond3A_4 {
      %broadcast_in_dim3A = arith.constant 0.000000e+00 : f32
      %broadcast_in_dim3A_10 = vector.broadcast %broadcast_in_dim3A : f32 to vector<16xf32>
      %broadcast_in_dim3A_11 = arith.constant 0.000000e+00 : bf16
      %broadcast_in_dim3A_12 = vector.broadcast %broadcast_in_dim3A_11 : bf16 to vector<32xbf16>
      %scan3A = arith.constant 0 : i32
      %scan3A_13 = arith.constant 0 : i32
      %scan3A_14 = arith.constant 128 : i32
      %scan3A_15 = arith.addi %scan3A_13, %scan3A_14 : i32
      %scan3A_16 = arith.constant 1 : i32
      scf.for %scan3A_101 = %scan3A_13 to %scan3A_15 step %scan3A_16  : i32 {
        %scan3A_102 = arith.constant 0 : i32
        %scan3A_103 = arith.constant 4 : i32
        %scan3A_104 = arith.addi %scan3A_102, %scan3A_103 : i32
        %scan3A_105 = arith.constant 1 : i32
        scf.for %scan3A_107 = %scan3A_102 to %scan3A_104 step %scan3A_105  : i32 {
          %mul3A_108 = arith.constant 32 : i32
          %mul3A_109 = arith.muli %scan3A_107, %mul3A_108 : i32
          %swap3A = arith.index_cast %scan3A_101 : i32 to index
          %swap3A_110 = arith.index_cast %mul3A_109 : i32 to index
          %swap3A_111 = tpu.vector_load %arg15[%swap3A, %swap3A_110] {strides = array<i32>} : memref<128x128xbf16, #tpu.memory_space<vmem>>, vector<1x32xbf16>,
          %swap3A_112 = vector.shape_cast %swap3A_111 : vector<1x32xbf16> to vector<32xbf16>
          %swap3A_113 = vector.shape_cast %broadcast_in_dim3A_12 : vector<32xbf16> to vector<1x32xbf16>
          tpu.vector_store %arg15[%swap3A, %swap3A_110], %swap3A_113 {strides = array<i32>} : memref<128x128xbf16, #tpu.memory_space<vmem>>, vector<1x32xbf16>,
        }
        %scan3A_106 = arith.constant 4 : i32
      }
      %scan3A_17 = arith.constant 128 : i32
      %add3A = arith.constant 0 : i32
      %add3A_18 = arith.addi %mul3A_0, %add3A : i32
      "tpu.region"() ({
        %run_scoped3A_101 = tpu.sem_alloc : memref<!tpu.dma_semaphore, #tpu.memory_space<semaphore_mem>>
        %dma_start3A_102 = arith.constant 0 : i32
        %dma_start3A_103 = tpu.memref_slice %arg12[%add3A_18, %dma_start3A_102] : memref<10112x128xbf16, #tpu.memory_space<vmem_shared>> -> memref<128x128xbf16, #tpu.memory_space<vmem_shared>>
        %dma_start3A_104 = arith.constant 0 : i32
        %dma_start3A_105 = tpu.memref_slice %arg12[%add3A_18, %dma_start3A_104] : memref<10112x128xbf16, #tpu.memory_space<vmem_shared>> -> memref<128x128xbf16, #tpu.memory_space<vmem_shared>>
        tpu.enqueue_dma source(%arg15 : memref<128x128xbf16, #tpu.memory_space<vmem>>) target(%dma_start3A_105 : memref<128x128xbf16, #tpu.memory_space<vmem_shared>>) target_semaphore(%run_scoped3A_101 : memref<!tpu.dma_semaphore, #tpu.memory_space<semaphore_mem>>)
        %dma_wait3A_106 = arith.constant 0 : i32
        %dma_wait3A_107 = tpu.memref_slice %arg12[%add3A_18, %dma_wait3A_106] : memref<10112x128xbf16, #tpu.memory_space<vmem_shared>> -> memref<128x128xbf16, #tpu.memory_space<vmem_shared>>
        %dma_wait3A_108 = arith.constant 0 : i32
        %dma_wait3A_109 = tpu.memref_slice %arg12[%add3A_18, %dma_wait3A_108] : memref<10112x128xbf16, #tpu.memory_space<vmem_shared>> -> memref<128x128xbf16, #tpu.memory_space<vmem_shared>>
        tpu.wait_dma2 semaphore(%run_scoped3A_101 : memref<!tpu.dma_semaphore, #tpu.memory_space<semaphore_mem>>) src(%arg15 : memref<128x128xbf16, #tpu.memory_space<vmem>>) dst(%dma_wait3A_109 : memref<128x128xbf16, #tpu.memory_space<vmem_shared>>)
        tpu.yield
      }) : () -> ()
      %add3A_19 = arith.constant 128 : i32
      %add3A_20 = arith.addi %mul3A_0, %add3A_19 : i32
      "tpu.region"() ({
        %run_scoped3A_101 = tpu.sem_alloc : memref<!tpu.dma_semaphore, #tpu.memory_space<semaphore_mem>>
        %dma_start3A_102 = arith.constant 0 : i32
        %dma_start3A_103 = tpu.memref_slice %arg12[%add3A_20, %dma_start3A_102] : memref<10112x128xbf16, #tpu.memory_space<vmem_shared>> -> memref<128x128xbf16, #tpu.memory_space<vmem_shared>>
        %dma_start3A_104 = arith.constant 0 : i32
        %dma_start3A_105 = tpu.memref_slice %arg12[%add3A_20, %dma_start3A_104] : memref<10112x128xbf16, #tpu.memory_space<vmem_shared>> -> memref<128x128xbf16, #tpu.memory_space<vmem_shared>>
        tpu.enqueue_dma source(%arg15 : memref<128x128xbf16, #tpu.memory_space<vmem>>) target(%dma_start3A_105 : memref<128x128xbf16, #tpu.memory_space<vmem_shared>>) target_semaphore(%run_scoped3A_101 : memref<!tpu.dma_semaphore, #tpu.memory_space<semaphore_mem>>)
        %dma_wait3A_106 = arith.constant 0 : i32
        %dma_wait3A_107 = tpu.memref_slice %arg12[%add3A_20, %dma_wait3A_106] : memref<10112x128xbf16, #tpu.memory_space<vmem_shared>> -> memref<128x128xbf16, #tpu.memory_space<vmem_shared>>
        %dma_wait3A_108 = arith.constant 0 : i32
        %dma_wait3A_109 = tpu.memref_slice %arg12[%add3A_20, %dma_wait3A_108] : memref<10112x128xbf16, #tpu.memory_space<vmem_shared>> -> memref<128x128xbf16, #tpu.memory_space<vmem_shared>>
        tpu.wait_dma2 semaphore(%run_scoped3A_101 : memref<!tpu.dma_semaphore, #tpu.memory_space<semaphore_mem>>) src(%arg15 : memref<128x128xbf16, #tpu.memory_space<vmem>>) dst(%dma_wait3A_109 : memref<128x128xbf16, #tpu.memory_space<vmem_shared>>)
        tpu.yield
      }) : () -> ()
      %add3A_21 = arith.constant 256 : i32
      %add3A_22 = arith.addi %mul3A_0, %add3A_21 : i32
      "tpu.region"() ({
        %run_scoped3A_101 = tpu.sem_alloc : memref<!tpu.dma_semaphore, #tpu.memory_space<semaphore_mem>>
        %dma_start3A_102 = arith.constant 0 : i32
        %dma_start3A_103 = tpu.memref_slice %arg12[%add3A_22, %dma_start3A_102] : memref<10112x128xbf16, #tpu.memory_space<vmem_shared>> -> memref<128x128xbf16, #tpu.memory_space<vmem_shared>>
        %dma_start3A_104 = arith.constant 0 : i32
        %dma_start3A_105 = tpu.memref_slice %arg12[%add3A_22, %dma_start3A_104] : memref<10112x128xbf16, #tpu.memory_space<vmem_shared>> -> memref<128x128xbf16, #tpu.memory_space<vmem_shared>>
        tpu.enqueue_dma source(%arg15 : memref<128x128xbf16, #tpu.memory_space<vmem>>) target(%dma_start3A_105 : memref<128x128xbf16, #tpu.memory_space<vmem_shared>>) target_semaphore(%run_scoped3A_101 : memref<!tpu.dma_semaphore, #tpu.memory_space<semaphore_mem>>)
        %dma_wait3A_106 = arith.constant 0 : i32
        %dma_wait3A_107 = tpu.memref_slice %arg12[%add3A_22, %dma_wait3A_106] : memref<10112x128xbf16, #tpu.memory_space<vmem_shared>> -> memref<128x128xbf16, #tpu.memory_space<vmem_shared>>
        %dma_wait3A_108 = arith.constant 0 : i32
        %dma_wait3A_109 = tpu.memref_slice %arg12[%add3A_22, %dma_wait3A_108] : memref<10112x128xbf16, #tpu.memory_space<vmem_shared>> -> memref<128x128xbf16, #tpu.memory_space<vmem_shared>>
        tpu.wait_dma2 semaphore(%run_scoped3A_101 : memref<!tpu.dma_semaphore, #tpu.memory_space<semaphore_mem>>) src(%arg15 : memref<128x128xbf16, #tpu.memory_space<vmem>>) dst(%dma_wait3A_109 : memref<128x128xbf16, #tpu.memory_space<vmem_shared>>)
        tpu.yield
      }) : () -> ()
      %add3A_23 = arith.constant 384 : i32
      %add3A_24 = arith.addi %mul3A_0, %add3A_23 : i32
      "tpu.region"() ({
        %run_scoped3A_101 = tpu.sem_alloc : memref<!tpu.dma_semaphore, #tpu.memory_space<semaphore_mem>>
        %dma_start3A_102 = arith.constant 0 : i32
        %dma_start3A_103 = tpu.memref_slice %arg12[%add3A_24, %dma_start3A_102] : memref<10112x128xbf16, #tpu.memory_space<vmem_shared>> -> memref<128x128xbf16, #tpu.memory_space<vmem_shared>>
        %dma_start3A_104 = arith.constant 0 : i32
        %dma_start3A_105 = tpu.memref_slice %arg12[%add3A_24, %dma_start3A_104] : memref<10112x128xbf16, #tpu.memory_space<vmem_shared>> -> memref<128x128xbf16, #tpu.memory_space<vmem_shared>>
        tpu.enqueue_dma source(%arg15 : memref<128x128xbf16, #tpu.memory_space<vmem>>) target(%dma_start3A_105 : memref<128x128xbf16, #tpu.memory_space<vmem_shared>>) target_semaphore(%run_scoped3A_101 : memref<!tpu.dma_semaphore, #tpu.memory_space<semaphore_mem>>)
        %dma_wait3A_106 = arith.constant 0 : i32
        %dma_wait3A_107 = tpu.memref_slice %arg12[%add3A_24, %dma_wait3A_106] : memref<10112x128xbf16, #tpu.memory_space<vmem_shared>> -> memref<128x128xbf16, #tpu.memory_space<vmem_shared>>
        %dma_wait3A_108 = arith.constant 0 : i32
        %dma_wait3A_109 = tpu.memref_slice %arg12[%add3A_24, %dma_wait3A_108] : memref<10112x128xbf16, #tpu.memory_space<vmem_shared>> -> memref<128x128xbf16, #tpu.memory_space<vmem_shared>>
        tpu.wait_dma2 semaphore(%run_scoped3A_101 : memref<!tpu.dma_semaphore, #tpu.memory_space<semaphore_mem>>) src(%arg15 : memref<128x128xbf16, #tpu.memory_space<vmem>>) dst(%dma_wait3A_109 : memref<128x128xbf16, #tpu.memory_space<vmem_shared>>)
        tpu.yield
      }) : () -> ()
      %add3A_25 = arith.constant 512 : i32
      %add3A_26 = arith.addi %mul3A_0, %add3A_25 : i32
      "tpu.region"() ({
        %run_scoped3A_101 = tpu.sem_alloc : memref<!tpu.dma_semaphore, #tpu.memory_space<semaphore_mem>>
        %dma_start3A_102 = arith.constant 0 : i32
        %dma_start3A_103 = arith.constant 0 : i32
        %dma_start3A_104 = tpu.memref_slice %arg15[%dma_start3A_102, %dma_start3A_103] : memref<128x128xbf16, #tpu.memory_space<vmem>> -> memref<120x128xbf16, #tpu.memory_space<vmem>>
        %dma_start3A_105 = arith.constant 0 : i32
        %dma_start3A_106 = tpu.memref_slice %arg12[%add3A_26, %dma_start3A_105] : memref<10112x128xbf16, #tpu.memory_space<vmem_shared>> -> memref<120x128xbf16, #tpu.memory_space<vmem_shared>>
        %dma_start3A_107 = arith.constant 0 : i32
        %dma_start3A_108 = tpu.memref_slice %arg12[%add3A_26, %dma_start3A_107] : memref<10112x128xbf16, #tpu.memory_space<vmem_shared>> -> memref<120x128xbf16, #tpu.memory_space<vmem_shared>>
        %dma_start3A_109 = arith.constant 0 : i32
        %dma_start3A_110 = arith.constant 0 : i32
        %dma_start3A_111 = tpu.memref_slice %arg15[%dma_start3A_109, %dma_start3A_110] : memref<128x128xbf16, #tpu.memory_space<vmem>> -> memref<120x128xbf16, #tpu.memory_space<vmem>>
        tpu.enqueue_dma source(%dma_start3A_111 : memref<120x128xbf16, #tpu.memory_space<vmem>>) target(%dma_start3A_108 : memref<120x128xbf16, #tpu.memory_space<vmem_shared>>) target_semaphore(%run_scoped3A_101 : memref<!tpu.dma_semaphore, #tpu.memory_space<semaphore_mem>>)
        %dma_wait3A_112 = arith.constant 0 : i32
        %dma_wait3A_113 = arith.constant 0 : i32
        %dma_wait3A_114 = tpu.memref_slice %arg15[%dma_wait3A_112, %dma_wait3A_113] : memref<128x128xbf16, #tpu.memory_space<vmem>> -> memref<120x128xbf16, #tpu.memory_space<vmem>>
        %dma_wait3A_115 = arith.constant 0 : i32
        %dma_wait3A_116 = tpu.memref_slice %arg12[%add3A_26, %dma_wait3A_115] : memref<10112x128xbf16, #tpu.memory_space<vmem_shared>> -> memref<120x128xbf16, #tpu.memory_space<vmem_shared>>
        %dma_wait3A_117 = arith.constant 0 : i32
        %dma_wait3A_118 = tpu.memref_slice %arg12[%add3A_26, %dma_wait3A_117] : memref<10112x128xbf16, #tpu.memory_space<vmem_shared>> -> memref<120x128xbf16, #tpu.memory_space<vmem_shared>>
        %dma_wait3A_119 = arith.constant 0 : i32
        %dma_wait3A_120 = arith.constant 0 : i32
        %dma_wait3A_121 = tpu.memref_slice %arg15[%dma_wait3A_119, %dma_wait3A_120] : memref<128x128xbf16, #tpu.memory_space<vmem>> -> memref<120x128xbf16, #tpu.memory_space<vmem>>
        tpu.wait_dma2 semaphore(%run_scoped3A_101 : memref<!tpu.dma_semaphore, #tpu.memory_space<semaphore_mem>>) src(%dma_wait3A_121 : memref<120x128xbf16, #tpu.memory_space<vmem>>) dst(%dma_wait3A_118 : memref<120x128xbf16, #tpu.memory_space<vmem_shared>>)
        tpu.yield
      }) : () -> ()
      %scan3A_27 = arith.constant 0 : i32
      %scan3A_28 = arith.constant 0 : i32
      %scan3A_29 = arith.constant 128 : i32
      %scan3A_30 = arith.addi %scan3A_28, %scan3A_29 : i32
      %scan3A_31 = arith.constant 1 : i32
      scf.for %scan3A_101 = %scan3A_28 to %scan3A_30 step %scan3A_31  : i32 {
        %swap3A = arith.index_cast %scan3A_101 : i32 to index
        %swap3A_102 = arith.constant 0 : index
        %swap3A_103 = tpu.vector_load %arg29[%swap3A, %swap3A_102] {strides = array<i32>} : memref<128x16xf32, #tpu.memory_space<vmem>>, vector<1x16xf32>,
        %swap3A_104 = vector.shape_cast %swap3A_103 : vector<1x16xf32> to vector<16xf32>
        %swap3A_105 = vector.shape_cast %broadcast_in_dim3A_10 : vector<16xf32> to vector<1x16xf32>
        tpu.vector_store %arg29[%swap3A, %swap3A_102], %swap3A_105 {strides = array<i32>} : memref<128x16xf32, #tpu.memory_space<vmem>>, vector<1x16xf32>,
      }
      %scan3A_32 = arith.constant 128 : i32
      %add3A_33 = arith.constant 0 : i32
      %add3A_34 = arith.addi %mul3A_0, %add3A_33 : i32
      "tpu.region"() ({
        %run_scoped3A_101 = tpu.sem_alloc : memref<!tpu.dma_semaphore, #tpu.memory_space<semaphore_mem>>
        %dma_start3A_102 = arith.constant 0 : i32
        %dma_start3A_103 = tpu.memref_slice %arg28[%add3A_34, %dma_start3A_102] : memref<10112x16xf32, #tpu.memory_space<vmem_shared>> -> memref<128x16xf32, #tpu.memory_space<vmem_shared>>
        %dma_start3A_104 = arith.constant 0 : i32
        %dma_start3A_105 = tpu.memref_slice %arg28[%add3A_34, %dma_start3A_104] : memref<10112x16xf32, #tpu.memory_space<vmem_shared>> -> memref<128x16xf32, #tpu.memory_space<vmem_shared>>
        tpu.enqueue_dma source(%arg29 : memref<128x16xf32, #tpu.memory_space<vmem>>) target(%dma_start3A_105 : memref<128x16xf32, #tpu.memory_space<vmem_shared>>) target_semaphore(%run_scoped3A_101 : memref<!tpu.dma_semaphore, #tpu.memory_space<semaphore_mem>>)
        %dma_wait3A_106 = arith.constant 0 : i32
        %dma_wait3A_107 = tpu.memref_slice %arg28[%add3A_34, %dma_wait3A_106] : memref<10112x16xf32, #tpu.memory_space<vmem_shared>> -> memref<128x16xf32, #tpu.memory_space<vmem_shared>>
        %dma_wait3A_108 = arith.constant 0 : i32
        %dma_wait3A_109 = tpu.memref_slice %arg28[%add3A_34, %dma_wait3A_108] : memref<10112x16xf32, #tpu.memory_space<vmem_shared>> -> memref<128x16xf32, #tpu.memory_space<vmem_shared>>
        tpu.wait_dma2 semaphore(%run_scoped3A_101 : memref<!tpu.dma_semaphore, #tpu.memory_space<semaphore_mem>>) src(%arg29 : memref<128x16xf32, #tpu.memory_space<vmem>>) dst(%dma_wait3A_109 : memref<128x16xf32, #tpu.memory_space<vmem_shared>>)
        tpu.yield
      }) : () -> ()
      %add3A_35 = arith.constant 128 : i32
      %add3A_36 = arith.addi %mul3A_0, %add3A_35 : i32
      "tpu.region"() ({
        %run_scoped3A_101 = tpu.sem_alloc : memref<!tpu.dma_semaphore, #tpu.memory_space<semaphore_mem>>
        %dma_start3A_102 = arith.constant 0 : i32
        %dma_start3A_103 = tpu.memref_slice %arg28[%add3A_36, %dma_start3A_102] : memref<10112x16xf32, #tpu.memory_space<vmem_shared>> -> memref<128x16xf32, #tpu.memory_space<vmem_shared>>
        %dma_start3A_104 = arith.constant 0 : i32
        %dma_start3A_105 = tpu.memref_slice %arg28[%add3A_36, %dma_start3A_104] : memref<10112x16xf32, #tpu.memory_space<vmem_shared>> -> memref<128x16xf32, #tpu.memory_space<vmem_shared>>
        tpu.enqueue_dma source(%arg29 : memref<128x16xf32, #tpu.memory_space<vmem>>) target(%dma_start3A_105 : memref<128x16xf32, #tpu.memory_space<vmem_shared>>) target_semaphore(%run_scoped3A_101 : memref<!tpu.dma_semaphore, #tpu.memory_space<semaphore_mem>>)
        %dma_wait3A_106 = arith.constant 0 : i32
        %dma_wait3A_107 = tpu.memref_slice %arg28[%add3A_36, %dma_wait3A_106] : memref<10112x16xf32, #tpu.memory_space<vmem_shared>> -> memref<128x16xf32, #tpu.memory_space<vmem_shared>>
        %dma_wait3A_108 = arith.constant 0 : i32
        %dma_wait3A_109 = tpu.memref_slice %arg28[%add3A_36, %dma_wait3A_108] : memref<10112x16xf32, #tpu.memory_space<vmem_shared>> -> memref<128x16xf32, #tpu.memory_space<vmem_shared>>
        tpu.wait_dma2 semaphore(%run_scoped3A_101 : memref<!tpu.dma_semaphore, #tpu.memory_space<semaphore_mem>>) src(%arg29 : memref<128x16xf32, #tpu.memory_space<vmem>>) dst(%dma_wait3A_109 : memref<128x16xf32, #tpu.memory_space<vmem_shared>>)
        tpu.yield
      }) : () -> ()
      %add3A_37 = arith.constant 256 : i32
      %add3A_38 = arith.addi %mul3A_0, %add3A_37 : i32
      "tpu.region"() ({
        %run_scoped3A_101 = tpu.sem_alloc : memref<!tpu.dma_semaphore, #tpu.memory_space<semaphore_mem>>
        %dma_start3A_102 = arith.constant 0 : i32
        %dma_start3A_103 = tpu.memref_slice %arg28[%add3A_38, %dma_start3A_102] : memref<10112x16xf32, #tpu.memory_space<vmem_shared>> -> memref<128x16xf32, #tpu.memory_space<vmem_shared>>
        %dma_start3A_104 = arith.constant 0 : i32
        %dma_start3A_105 = tpu.memref_slice %arg28[%add3A_38, %dma_start3A_104] : memref<10112x16xf32, #tpu.memory_space<vmem_shared>> -> memref<128x16xf32, #tpu.memory_space<vmem_shared>>
        tpu.enqueue_dma source(%arg29 : memref<128x16xf32, #tpu.memory_space<vmem>>) target(%dma_start3A_105 : memref<128x16xf32, #tpu.memory_space<vmem_shared>>) target_semaphore(%run_scoped3A_101 : memref<!tpu.dma_semaphore, #tpu.memory_space<semaphore_mem>>)
        %dma_wait3A_106 = arith.constant 0 : i32
        %dma_wait3A_107 = tpu.memref_slice %arg28[%add3A_38, %dma_wait3A_106] : memref<10112x16xf32, #tpu.memory_space<vmem_shared>> -> memref<128x16xf32, #tpu.memory_space<vmem_shared>>
        %dma_wait3A_108 = arith.constant 0 : i32
        %dma_wait3A_109 = tpu.memref_slice %arg28[%add3A_38, %dma_wait3A_108] : memref<10112x16xf32, #tpu.memory_space<vmem_shared>> -> memref<128x16xf32, #tpu.memory_space<vmem_shared>>
        tpu.wait_dma2 semaphore(%run_scoped3A_101 : memref<!tpu.dma_semaphore, #tpu.memory_space<semaphore_mem>>) src(%arg29 : memref<128x16xf32, #tpu.memory_space<vmem>>) dst(%dma_wait3A_109 : memref<128x16xf32, #tpu.memory_space<vmem_shared>>)
        tpu.yield
      }) : () -> ()
      %add3A_39 = arith.constant 384 : i32
      %add3A_40 = arith.addi %mul3A_0, %add3A_39 : i32
      "tpu.region"() ({
        %run_scoped3A_101 = tpu.sem_alloc : memref<!tpu.dma_semaphore, #tpu.memory_space<semaphore_mem>>
        %dma_start3A_102 = arith.constant 0 : i32
        %dma_start3A_103 = tpu.memref_slice %arg28[%add3A_40, %dma_start3A_102] : memref<10112x16xf32, #tpu.memory_space<vmem_shared>> -> memref<128x16xf32, #tpu.memory_space<vmem_shared>>
        %dma_start3A_104 = arith.constant 0 : i32
        %dma_start3A_105 = tpu.memref_slice %arg28[%add3A_40, %dma_start3A_104] : memref<10112x16xf32, #tpu.memory_space<vmem_shared>> -> memref<128x16xf32, #tpu.memory_space<vmem_shared>>
        tpu.enqueue_dma source(%arg29 : memref<128x16xf32, #tpu.memory_space<vmem>>) target(%dma_start3A_105 : memref<128x16xf32, #tpu.memory_space<vmem_shared>>) target_semaphore(%run_scoped3A_101 : memref<!tpu.dma_semaphore, #tpu.memory_space<semaphore_mem>>)
        %dma_wait3A_106 = arith.constant 0 : i32
        %dma_wait3A_107 = tpu.memref_slice %arg28[%add3A_40, %dma_wait3A_106] : memref<10112x16xf32, #tpu.memory_space<vmem_shared>> -> memref<128x16xf32, #tpu.memory_space<vmem_shared>>
        %dma_wait3A_108 = arith.constant 0 : i32
        %dma_wait3A_109 = tpu.memref_slice %arg28[%add3A_40, %dma_wait3A_108] : memref<10112x16xf32, #tpu.memory_space<vmem_shared>> -> memref<128x16xf32, #tpu.memory_space<vmem_shared>>
        tpu.wait_dma2 semaphore(%run_scoped3A_101 : memref<!tpu.dma_semaphore, #tpu.memory_space<semaphore_mem>>) src(%arg29 : memref<128x16xf32, #tpu.memory_space<vmem>>) dst(%dma_wait3A_109 : memref<128x16xf32, #tpu.memory_space<vmem_shared>>)
        tpu.yield
      }) : () -> ()
      %add3A_41 = arith.constant 512 : i32
      %add3A_42 = arith.addi %mul3A_0, %add3A_41 : i32
      "tpu.region"() ({
        %run_scoped3A_101 = tpu.sem_alloc : memref<!tpu.dma_semaphore, #tpu.memory_space<semaphore_mem>>
        %dma_start3A_102 = arith.constant 0 : i32
        %dma_start3A_103 = arith.constant 0 : i32
        %dma_start3A_104 = tpu.memref_slice %arg29[%dma_start3A_102, %dma_start3A_103] : memref<128x16xf32, #tpu.memory_space<vmem>> -> memref<120x16xf32, #tpu.memory_space<vmem>>
        %dma_start3A_105 = arith.constant 0 : i32
        %dma_start3A_106 = tpu.memref_slice %arg28[%add3A_42, %dma_start3A_105] : memref<10112x16xf32, #tpu.memory_space<vmem_shared>> -> memref<120x16xf32, #tpu.memory_space<vmem_shared>>
        %dma_start3A_107 = arith.constant 0 : i32
        %dma_start3A_108 = tpu.memref_slice %arg28[%add3A_42, %dma_start3A_107] : memref<10112x16xf32, #tpu.memory_space<vmem_shared>> -> memref<120x16xf32, #tpu.memory_space<vmem_shared>>
        %dma_start3A_109 = arith.constant 0 : i32
        %dma_start3A_110 = arith.constant 0 : i32
        %dma_start3A_111 = tpu.memref_slice %arg29[%dma_start3A_109, %dma_start3A_110] : memref<128x16xf32, #tpu.memory_space<vmem>> -> memref<120x16xf32, #tpu.memory_space<vmem>>
        tpu.enqueue_dma source(%dma_start3A_111 : memref<120x16xf32, #tpu.memory_space<vmem>>) target(%dma_start3A_108 : memref<120x16xf32, #tpu.memory_space<vmem_shared>>) target_semaphore(%run_scoped3A_101 : memref<!tpu.dma_semaphore, #tpu.memory_space<semaphore_mem>>)
        %dma_wait3A_112 = arith.constant 0 : i32
        %dma_wait3A_113 = arith.constant 0 : i32
        %dma_wait3A_114 = tpu.memref_slice %arg29[%dma_wait3A_112, %dma_wait3A_113] : memref<128x16xf32, #tpu.memory_space<vmem>> -> memref<120x16xf32, #tpu.memory_space<vmem>>
        %dma_wait3A_115 = arith.constant 0 : i32
        %dma_wait3A_116 = tpu.memref_slice %arg28[%add3A_42, %dma_wait3A_115] : memref<10112x16xf32, #tpu.memory_space<vmem_shared>> -> memref<120x16xf32, #tpu.memory_space<vmem_shared>>
        %dma_wait3A_117 = arith.constant 0 : i32
        %dma_wait3A_118 = tpu.memref_slice %arg28[%add3A_42, %dma_wait3A_117] : memref<10112x16xf32, #tpu.memory_space<vmem_shared>> -> memref<120x16xf32, #tpu.memory_space<vmem_shared>>
        %dma_wait3A_119 = arith.constant 0 : i32
        %dma_wait3A_120 = arith.constant 0 : i32
        %dma_wait3A_121 = tpu.memref_slice %arg29[%dma_wait3A_119, %dma_wait3A_120] : memref<128x16xf32, #tpu.memory_space<vmem>> -> memref<120x16xf32, #tpu.memory_space<vmem>>
        tpu.wait_dma2 semaphore(%run_scoped3A_101 : memref<!tpu.dma_semaphore, #tpu.memory_space<semaphore_mem>>) src(%dma_wait3A_121 : memref<120x16xf32, #tpu.memory_space<vmem>>) dst(%dma_wait3A_118 : memref<120x16xf32, #tpu.memory_space<vmem_shared>>)
        tpu.yield
      }) : () -> ()
      %iota3A = tpu.iota {dimensions = array<i32: 0>} : vector<16xi32>
      %eq3A_43 = arith.constant 0 : i32
      %eq3A_44 = vector.broadcast %eq3A_43 : i32 to vector<16xi32>
      %eq3A_45 = arith.cmpi eq, %iota3A, %eq3A_44 : vector<16xi32>
      %jit3A = arith.constant 1.000000e+00 : f32
      %jit3A_46 = arith.constant 0.000000e+00 : f32
      %broadcast_in_dim3A_47 = vector.broadcast %jit3A : f32 to vector<16xf32>
      %broadcast_in_dim3A_48 = vector.broadcast %jit3A_46 : f32 to vector<16xf32>
      %select_n3A = arith.select %eq3A_45, %broadcast_in_dim3A_47, %broadcast_in_dim3A_48 : vector<16xi1>, vector<16xf32>
      %scan3A_49 = arith.constant 0 : i32
      %scan3A_50 = arith.constant 0 : i32
      %scan3A_51 = arith.constant 128 : i32
      %scan3A_52 = arith.addi %scan3A_50, %scan3A_51 : i32
      %scan3A_53 = arith.constant 1 : i32
      scf.for %scan3A_101 = %scan3A_50 to %scan3A_52 step %scan3A_53  : i32 {
        %swap3A = arith.index_cast %scan3A_101 : i32 to index
        %swap3A_102 = arith.constant 0 : index
        %swap3A_103 = tpu.vector_load %arg29[%swap3A, %swap3A_102] {strides = array<i32>} : memref<128x16xf32, #tpu.memory_space<vmem>>, vector<1x16xf32>,
        %swap3A_104 = vector.shape_cast %swap3A_103 : vector<1x16xf32> to vector<16xf32>
        %swap3A_105 = vector.shape_cast %select_n3A : vector<16xf32> to vector<1x16xf32>
        tpu.vector_store %arg29[%swap3A, %swap3A_102], %swap3A_105 {strides = array<i32>} : memref<128x16xf32, #tpu.memory_space<vmem>>, vector<1x16xf32>,
      }
      %scan3A_54 = arith.constant 128 : i32
      %barrier3A = arith.constant 0 : index
      tpu.barrier barrier_id(%barrier3A)
      %run_scoped3A = arith.constant 0 : i32
      "tpu.region"() ({
        %run_scoped3A_101 = tpu.sem_alloc : memref<!tpu.dma_semaphore, #tpu.memory_space<semaphore_mem>>
        %dma_start3A_102 = arith.constant 0 : i32
        %dma_start3A_103 = arith.constant 0 : i32
        %dma_start3A_104 = tpu.memref_slice %arg13[%run_scoped3A, %dma_start3A_102, %dma_start3A_103] : memref<2x8x128xi32, #tpu.memory_space<vmem>> -> memref<1x8x128xi32, #tpu.memory_space<vmem>>
        %dma_start3A_105 = tpu.memref_squeeze %dma_start3A_104 : memref<1x8x128xi32, #tpu.memory_space<vmem>> -> memref<8x128xi32, #tpu.memory_space<vmem>>
        %dma_start3A_106 = arith.constant 0 : i32
        %dma_start3A_107 = tpu.memref_slice %arg4[%mul3A_2, %dma_start3A_106] : memref<2560x128xi32, #tpu.memory_space<hbm>> -> memref<8x128xi32, #tpu.memory_space<hbm>>
        %dma_start3A_108 = arith.constant 0 : i32
        %dma_start3A_109 = arith.constant 0 : i32
        %dma_start3A_110 = tpu.memref_slice %arg13[%run_scoped3A, %dma_start3A_108, %dma_start3A_109] : memref<2x8x128xi32, #tpu.memory_space<vmem>> -> memref<1x8x128xi32, #tpu.memory_space<vmem>>
        %dma_start3A_111 = tpu.memref_squeeze %dma_start3A_110 : memref<1x8x128xi32, #tpu.memory_space<vmem>> -> memref<8x128xi32, #tpu.memory_space<vmem>>
        %dma_start3A_112 = arith.constant 0 : i32
        %dma_start3A_113 = tpu.memref_slice %arg4[%mul3A_2, %dma_start3A_112] : memref<2560x128xi32, #tpu.memory_space<hbm>> -> memref<8x128xi32, #tpu.memory_space<hbm>>
        tpu.enqueue_dma source(%dma_start3A_113 : memref<8x128xi32, #tpu.memory_space<hbm>>) target(%dma_start3A_111 : memref<8x128xi32, #tpu.memory_space<vmem>>) target_semaphore(%run_scoped3A_101 : memref<!tpu.dma_semaphore, #tpu.memory_space<semaphore_mem>>)
        %dma_wait3A_114 = arith.constant 0 : i32
        %dma_wait3A_115 = arith.constant 0 : i32
        %dma_wait3A_116 = tpu.memref_slice %arg13[%run_scoped3A, %dma_wait3A_114, %dma_wait3A_115] : memref<2x8x128xi32, #tpu.memory_space<vmem>> -> memref<1x8x128xi32, #tpu.memory_space<vmem>>
        %dma_wait3A_117 = tpu.memref_squeeze %dma_wait3A_116 : memref<1x8x128xi32, #tpu.memory_space<vmem>> -> memref<8x128xi32, #tpu.memory_space<vmem>>
        %dma_wait3A_118 = arith.constant 0 : i32
        %dma_wait3A_119 = tpu.memref_slice %arg4[%mul3A_2, %dma_wait3A_118] : memref<2560x128xi32, #tpu.memory_space<hbm>> -> memref<8x128xi32, #tpu.memory_space<hbm>>
        %dma_wait3A_120 = arith.constant 0 : i32
        %dma_wait3A_121 = arith.constant 0 : i32
        %dma_wait3A_122 = tpu.memref_slice %arg13[%run_scoped3A, %dma_wait3A_120, %dma_wait3A_121] : memref<2x8x128xi32, #tpu.memory_space<vmem>> -> memref<1x8x128xi32, #tpu.memory_space<vmem>>
        %dma_wait3A_123 = tpu.memref_squeeze %dma_wait3A_122 : memref<1x8x128xi32, #tpu.memory_space<vmem>> -> memref<8x128xi32, #tpu.memory_space<vmem>>
        %dma_wait3A_124 = arith.constant 0 : i32
        %dma_wait3A_125 = tpu.memref_slice %arg4[%mul3A_2, %dma_wait3A_124] : memref<2560x128xi32, #tpu.memory_space<hbm>> -> memref<8x128xi32, #tpu.memory_space<hbm>>
        tpu.wait_dma2 semaphore(%run_scoped3A_101 : memref<!tpu.dma_semaphore, #tpu.memory_space<semaphore_mem>>) src(%dma_wait3A_125 : memref<8x128xi32, #tpu.memory_space<hbm>>) dst(%dma_wait3A_123 : memref<8x128xi32, #tpu.memory_space<vmem>>)
        tpu.yield
      }) : () -> ()
      %run_scoped3A_55 = arith.constant 0 : i32
      "tpu.region"() ({
        %run_scoped3A_101 = tpu.sem_alloc : memref<!tpu.dma_semaphore, #tpu.memory_space<semaphore_mem>>
        %dma_start3A_102 = arith.constant 0 : i32
        %dma_start3A_103 = arith.constant 0 : i32
        %dma_start3A_104 = tpu.memref_slice %arg14[%run_scoped3A_55, %dma_start3A_102, %dma_start3A_103] : memref<2x8x128xi32, #tpu.memory_space<vmem>> -> memref<1x8x128xi32, #tpu.memory_space<vmem>>
        %dma_start3A_105 = tpu.memref_squeeze %dma_start3A_104 : memref<1x8x128xi32, #tpu.memory_space<vmem>> -> memref<8x128xi32, #tpu.memory_space<vmem>>
        %dma_start3A_106 = arith.constant 0 : i32
        %dma_start3A_107 = tpu.memref_slice %arg5[%mul3A_2, %dma_start3A_106] : memref<2560x128xi32, #tpu.memory_space<hbm>> -> memref<8x128xi32, #tpu.memory_space<hbm>>
        %dma_start3A_108 = arith.constant 0 : i32
        %dma_start3A_109 = arith.constant 0 : i32
        %dma_start3A_110 = tpu.memref_slice %arg14[%run_scoped3A_55, %dma_start3A_108, %dma_start3A_109] : memref<2x8x128xi32, #tpu.memory_space<vmem>> -> memref<1x8x128xi32, #tpu.memory_space<vmem>>
        %dma_start3A_111 = tpu.memref_squeeze %dma_start3A_110 : memref<1x8x128xi32, #tpu.memory_space<vmem>> -> memref<8x128xi32, #tpu.memory_space<vmem>>
        %dma_start3A_112 = arith.constant 0 : i32
        %dma_start3A_113 = tpu.memref_slice %arg5[%mul3A_2, %dma_start3A_112] : memref<2560x128xi32, #tpu.memory_space<hbm>> -> memref<8x128xi32, #tpu.memory_space<hbm>>
        tpu.enqueue_dma source(%dma_start3A_113 : memref<8x128xi32, #tpu.memory_space<hbm>>) target(%dma_start3A_111 : memref<8x128xi32, #tpu.memory_space<vmem>>) target_semaphore(%run_scoped3A_101 : memref<!tpu.dma_semaphore, #tpu.memory_space<semaphore_mem>>)
        %dma_wait3A_114 = arith.constant 0 : i32
        %dma_wait3A_115 = arith.constant 0 : i32
        %dma_wait3A_116 = tpu.memref_slice %arg14[%run_scoped3A_55, %dma_wait3A_114, %dma_wait3A_115] : memref<2x8x128xi32, #tpu.memory_space<vmem>> -> memref<1x8x128xi32, #tpu.memory_space<vmem>>
        %dma_wait3A_117 = tpu.memref_squeeze %dma_wait3A_116 : memref<1x8x128xi32, #tpu.memory_space<vmem>> -> memref<8x128xi32, #tpu.memory_space<vmem>>
        %dma_wait3A_118 = arith.constant 0 : i32
        %dma_wait3A_119 = tpu.memref_slice %arg5[%mul3A_2, %dma_wait3A_118] : memref<2560x128xi32, #tpu.memory_space<hbm>> -> memref<8x128xi32, #tpu.memory_space<hbm>>
        %dma_wait3A_120 = arith.constant 0 : i32
        %dma_wait3A_121 = arith.constant 0 : i32
        %dma_wait3A_122 = tpu.memref_slice %arg14[%run_scoped3A_55, %dma_wait3A_120, %dma_wait3A_121] : memref<2x8x128xi32, #tpu.memory_space<vmem>> -> memref<1x8x128xi32, #tpu.memory_space<vmem>>
        %dma_wait3A_123 = tpu.memref_squeeze %dma_wait3A_122 : memref<1x8x128xi32, #tpu.memory_space<vmem>> -> memref<8x128xi32, #tpu.memory_space<vmem>>
        %dma_wait3A_124 = arith.constant 0 : i32
        %dma_wait3A_125 = tpu.memref_slice %arg5[%mul3A_2, %dma_wait3A_124] : memref<2560x128xi32, #tpu.memory_space<hbm>> -> memref<8x128xi32, #tpu.memory_space<hbm>>
        tpu.wait_dma2 semaphore(%run_scoped3A_101 : memref<!tpu.dma_semaphore, #tpu.memory_space<semaphore_mem>>) src(%dma_wait3A_125 : memref<8x128xi32, #tpu.memory_space<hbm>>) dst(%dma_wait3A_123 : memref<8x128xi32, #tpu.memory_space<vmem>>)
        tpu.yield
      }) : () -> ()
      %dma_start3A = arith.constant 0 : i32
      %dma_start3A_56 = arith.constant 0 : i32
      %dma_start3A_57 = arith.constant 0 : i32
      %dma_start3A_58 = tpu.memref_slice %arg13[%dma_start3A, %dma_start3A_56, %dma_start3A_57] : memref<2x8x128xi32, #tpu.memory_space<vmem>> -> memref<1x1x128xi32, #tpu.memory_space<vmem>>
      %dma_start3A_59 = tpu.memref_squeeze %dma_start3A_58 : memref<1x1x128xi32, #tpu.memory_space<vmem>> -> memref<128xi32, #tpu.memory_space<vmem>>
      %dma_start3A_60 = arith.constant 0 : i32
      %dma_start3A_61 = arith.constant 0 : i32
      %dma_start3A_62 = tpu.memref_slice %arg2[%dma_start3A_60, %dma_start3A_61] : memref<10000x128xbf16, #tpu.memory_space<hbm>> -> memref<10000x128xbf16, #tpu.memory_space<hbm>>
      tpu.enqueue_indirect_dma source(%dma_start3A_62 : memref<10000x128xbf16, #tpu.memory_space<hbm>>) target(%arg15 : memref<128x128xbf16, #tpu.memory_space<vmem>>) offsets(%dma_start3A_59 : memref<128xi32, #tpu.memory_space<vmem>>) semaphore(%arg19 : memref<!tpu.dma_semaphore, #tpu.memory_space<semaphore_mem>>)
      %dma_start3A_63 = arith.constant 0 : i32
      %dma_start3A_64 = arith.constant 1 : i32
      %dma_start3A_65 = arith.constant 0 : i32
      %dma_start3A_66 = tpu.memref_slice %arg13[%dma_start3A_63, %dma_start3A_64, %dma_start3A_65] : memref<2x8x128xi32, #tpu.memory_space<vmem>> -> memref<1x1x128xi32, #tpu.memory_space<vmem>>
      %dma_start3A_67 = tpu.memref_squeeze %dma_start3A_66 : memref<1x1x128xi32, #tpu.memory_space<vmem>> -> memref<128xi32, #tpu.memory_space<vmem>>
      %dma_start3A_68 = arith.constant 0 : i32
      %dma_start3A_69 = arith.constant 0 : i32
      %dma_start3A_70 = tpu.memref_slice %arg2[%dma_start3A_68, %dma_start3A_69] : memref<10000x128xbf16, #tpu.memory_space<hbm>> -> memref<10000x128xbf16, #tpu.memory_space<hbm>>
      tpu.enqueue_indirect_dma source(%dma_start3A_70 : memref<10000x128xbf16, #tpu.memory_space<hbm>>) target(%arg16 : memref<128x128xbf16, #tpu.memory_space<vmem>>) offsets(%dma_start3A_67 : memref<128xi32, #tpu.memory_space<vmem>>) semaphore(%arg20 : memref<!tpu.dma_semaphore, #tpu.memory_space<semaphore_mem>>)
      %scan3A_71 = arith.constant 0 : i32
      %scan3A_72 = arith.constant 0 : i32
      %scan3A_73 = arith.constant 20 : i32
      %scan3A_74 = arith.addi %scan3A_72, %scan3A_73 : i32
      %scan3A_75 = arith.constant 1 : i32
      scf.for %scan3A_101 = %scan3A_72 to %scan3A_74 step %scan3A_75  : i32 {
        %rem3A = arith.constant 2 : i32
        %rem3A_102 = arith.remsi %scan3A_101, %rem3A : i32
        %add3A_103 = arith.constant 1 : i32
        %add3A_104 = arith.addi %scan3A_101, %add3A_103 : i32
        %rem3A_105 = arith.constant 2 : i32
        %rem3A_106 = arith.remsi %add3A_104, %rem3A_105 : i32
        %add3A_107 = arith.constant 1 : i32
        %add3A_108 = arith.addi %scan3A_101, %add3A_107 : i32
        %mul3A_109 = arith.constant 8 : i32
        %mul3A_110 = arith.muli %add3A_108, %mul3A_109 : i32
        %add3A_111 = arith.addi %mul3A_2, %mul3A_110 : i32
        %add3A_112 = arith.constant 1 : i32
        %add3A_113 = arith.addi %scan3A_101, %add3A_112 : i32
        %lt3A = arith.constant 20 : i32
        %lt3A_114 = arith.cmpi slt, %add3A_113, %lt3A : i32
        %convert_element_type3A_115 = arith.extui %lt3A_114 : i1 to i32
        %cond3A_116 = arith.constant 0 : i32
        %cond3A_117 = arith.cmpi ne, %convert_element_type3A_115, %cond3A_116 : i32
        scf.if %cond3A_117 {
          %dma_start3A_468 = arith.constant 0 : i32
          %dma_start3A_469 = arith.constant 0 : i32
          %dma_start3A_470 = tpu.memref_slice %arg13[%rem3A_106, %dma_start3A_468, %dma_start3A_469] : memref<2x8x128xi32, #tpu.memory_space<vmem>> -> memref<1x8x128xi32, #tpu.memory_space<vmem>>
          %dma_start3A_471 = tpu.memref_squeeze %dma_start3A_470 : memref<1x8x128xi32, #tpu.memory_space<vmem>> -> memref<8x128xi32, #tpu.memory_space<vmem>>
          %dma_start3A_472 = arith.constant 0 : i32
          %dma_start3A_473 = tpu.memref_slice %arg4[%add3A_111, %dma_start3A_472] : memref<2560x128xi32, #tpu.memory_space<hbm>> -> memref<8x128xi32, #tpu.memory_space<hbm>>
          %dma_start3A_474 = arith.constant 0 : i32
          %dma_start3A_475 = arith.constant 0 : i32
          %dma_start3A_476 = tpu.memref_slice %arg13[%rem3A_106, %dma_start3A_474, %dma_start3A_475] : memref<2x8x128xi32, #tpu.memory_space<vmem>> -> memref<1x8x128xi32, #tpu.memory_space<vmem>>
          %dma_start3A_477 = tpu.memref_squeeze %dma_start3A_476 : memref<1x8x128xi32, #tpu.memory_space<vmem>> -> memref<8x128xi32, #tpu.memory_space<vmem>>
          %dma_start3A_478 = arith.constant 0 : i32
          %dma_start3A_479 = tpu.memref_slice %arg4[%add3A_111, %dma_start3A_478] : memref<2560x128xi32, #tpu.memory_space<hbm>> -> memref<8x128xi32, #tpu.memory_space<hbm>>
          tpu.enqueue_dma source(%dma_start3A_479 : memref<8x128xi32, #tpu.memory_space<hbm>>) target(%dma_start3A_477 : memref<8x128xi32, #tpu.memory_space<vmem>>) target_semaphore(%arg27 : memref<!tpu.dma_semaphore, #tpu.memory_space<semaphore_mem>>)
          %dma_start3A_480 = arith.constant 0 : i32
          %dma_start3A_481 = arith.constant 0 : i32
          %dma_start3A_482 = tpu.memref_slice %arg14[%rem3A_106, %dma_start3A_480, %dma_start3A_481] : memref<2x8x128xi32, #tpu.memory_space<vmem>> -> memref<1x8x128xi32, #tpu.memory_space<vmem>>
          %dma_start3A_483 = tpu.memref_squeeze %dma_start3A_482 : memref<1x8x128xi32, #tpu.memory_space<vmem>> -> memref<8x128xi32, #tpu.memory_space<vmem>>
          %dma_start3A_484 = arith.constant 0 : i32
          %dma_start3A_485 = tpu.memref_slice %arg5[%add3A_111, %dma_start3A_484] : memref<2560x128xi32, #tpu.memory_space<hbm>> -> memref<8x128xi32, #tpu.memory_space<hbm>>
          %dma_start3A_486 = arith.constant 0 : i32
          %dma_start3A_487 = arith.constant 0 : i32
          %dma_start3A_488 = tpu.memref_slice %arg14[%rem3A_106, %dma_start3A_486, %dma_start3A_487] : memref<2x8x128xi32, #tpu.memory_space<vmem>> -> memref<1x8x128xi32, #tpu.memory_space<vmem>>
          %dma_start3A_489 = tpu.memref_squeeze %dma_start3A_488 : memref<1x8x128xi32, #tpu.memory_space<vmem>> -> memref<8x128xi32, #tpu.memory_space<vmem>>
          %dma_start3A_490 = arith.constant 0 : i32
          %dma_start3A_491 = tpu.memref_slice %arg5[%add3A_111, %dma_start3A_490] : memref<2560x128xi32, #tpu.memory_space<hbm>> -> memref<8x128xi32, #tpu.memory_space<hbm>>
          tpu.enqueue_dma source(%dma_start3A_491 : memref<8x128xi32, #tpu.memory_space<hbm>>) target(%dma_start3A_489 : memref<8x128xi32, #tpu.memory_space<vmem>>) target_semaphore(%arg27 : memref<!tpu.dma_semaphore, #tpu.memory_space<semaphore_mem>>)
        } else {
        }
        %gt3A = arith.constant 0 : i32
        %gt3A_118 = arith.cmpi sgt, %scan3A_101, %gt3A : i32
        %convert_element_type3A_119 = arith.extui %gt3A_118 : i1 to i32
        %cond3A_120 = arith.constant 0 : i32
        %cond3A_121 = arith.cmpi ne, %convert_element_type3A_119, %cond3A_120 : i32
        scf.if %cond3A_121 {
          %dma_wait3A_468 = arith.constant 0 : i32
          %dma_wait3A_469 = arith.constant 0 : i32
          %dma_wait3A_470 = arith.constant 0 : i32
          %dma_wait3A_471 = tpu.memref_slice %arg14[%dma_wait3A_468, %dma_wait3A_469, %dma_wait3A_470] : memref<2x8x128xi32, #tpu.memory_space<vmem>> -> memref<1x1x128xi32, #tpu.memory_space<vmem>>
          %dma_wait3A_472 = tpu.memref_squeeze %dma_wait3A_471 : memref<1x1x128xi32, #tpu.memory_space<vmem>> -> memref<128xi32, #tpu.memory_space<vmem>>
          %dma_wait3A_473 = arith.constant 0 : i32
          %dma_wait3A_474 = arith.constant 0 : i32
          %dma_wait3A_475 = tpu.memref_slice %arg12[%dma_wait3A_473, %dma_wait3A_474] : memref<10112x128xbf16, #tpu.memory_space<vmem_shared>> -> memref<10112x128xbf16, #tpu.memory_space<vmem_shared>>
          tpu.wait_indirect_dma semaphore(%arg25 : memref<!tpu.dma_semaphore, #tpu.memory_space<semaphore_mem>>) src(%arg17 : memref<128x128xbf16, #tpu.memory_space<vmem>>) dst(%dma_wait3A_475 : memref<10112x128xbf16, #tpu.memory_space<vmem_shared>>)
        } else {
        }
        %dma_start3A_122 = arith.constant 2 : i32
        %dma_start3A_123 = arith.constant 0 : i32
        %dma_start3A_124 = tpu.memref_slice %arg13[%rem3A_102, %dma_start3A_122, %dma_start3A_123] : memref<2x8x128xi32, #tpu.memory_space<vmem>> -> memref<1x1x128xi32, #tpu.memory_space<vmem>>
        %dma_start3A_125 = tpu.memref_squeeze %dma_start3A_124 : memref<1x1x128xi32, #tpu.memory_space<vmem>> -> memref<128xi32, #tpu.memory_space<vmem>>
        %dma_start3A_126 = arith.constant 0 : i32
        %dma_start3A_127 = arith.constant 0 : i32
        %dma_start3A_128 = tpu.memref_slice %arg2[%dma_start3A_126, %dma_start3A_127] : memref<10000x128xbf16, #tpu.memory_space<hbm>> -> memref<10000x128xbf16, #tpu.memory_space<hbm>>
        tpu.enqueue_indirect_dma source(%dma_start3A_128 : memref<10000x128xbf16, #tpu.memory_space<hbm>>) target(%arg17 : memref<128x128xbf16, #tpu.memory_space<vmem>>) offsets(%dma_start3A_125 : memref<128xi32, #tpu.memory_space<vmem>>) semaphore(%arg21 : memref<!tpu.dma_semaphore, #tpu.memory_space<semaphore_mem>>)
        %dma_wait3A_129 = arith.constant 0 : i32
        %dma_wait3A_130 = arith.constant 0 : i32
        %dma_wait3A_131 = arith.constant 0 : i32
        %dma_wait3A_132 = tpu.memref_slice %arg13[%dma_wait3A_129, %dma_wait3A_130, %dma_wait3A_131] : memref<2x8x128xi32, #tpu.memory_space<vmem>> -> memref<1x1x128xi32, #tpu.memory_space<vmem>>
        %dma_wait3A_133 = tpu.memref_squeeze %dma_wait3A_132 : memref<1x1x128xi32, #tpu.memory_space<vmem>> -> memref<128xi32, #tpu.memory_space<vmem>>
        %dma_wait3A_134 = arith.constant 0 : i32
        %dma_wait3A_135 = arith.constant 0 : i32
        %dma_wait3A_136 = tpu.memref_slice %arg2[%dma_wait3A_134, %dma_wait3A_135] : memref<10000x128xbf16, #tpu.memory_space<hbm>> -> memref<10000x128xbf16, #tpu.memory_space<hbm>>
        tpu.wait_indirect_dma semaphore(%arg19 : memref<!tpu.dma_semaphore, #tpu.memory_space<semaphore_mem>>) src(%dma_wait3A_136 : memref<10000x128xbf16, #tpu.memory_space<hbm>>) dst(%arg15 : memref<128x128xbf16, #tpu.memory_space<vmem>>)
        %dma_start3A_137 = arith.constant 0 : i32
        %dma_start3A_138 = arith.constant 0 : i32
        %dma_start3A_139 = tpu.memref_slice %arg14[%rem3A_102, %dma_start3A_137, %dma_start3A_138] : memref<2x8x128xi32, #tpu.memory_space<vmem>> -> memref<1x1x128xi32, #tpu.memory_space<vmem>>
        %dma_start3A_140 = tpu.memref_squeeze %dma_start3A_139 : memref<1x1x128xi32, #tpu.memory_space<vmem>> -> memref<128xi32, #tpu.memory_space<vmem>>
        %dma_start3A_141 = arith.constant 0 : i32
        %dma_start3A_142 = arith.constant 0 : i32
        %dma_start3A_143 = tpu.memref_slice %arg12[%dma_start3A_141, %dma_start3A_142] : memref<10112x128xbf16, #tpu.memory_space<vmem_shared>> -> memref<10112x128xbf16, #tpu.memory_space<vmem_shared>>
        tpu.enqueue_indirect_dma source(%arg15 : memref<128x128xbf16, #tpu.memory_space<vmem>>) target(%dma_start3A_143 : memref<10112x128xbf16, #tpu.memory_space<vmem_shared>>) offsets(%dma_start3A_140 : memref<128xi32, #tpu.memory_space<vmem>>) semaphore(%arg23 : memref<!tpu.dma_semaphore, #tpu.memory_space<semaphore_mem>>) {add = true}
        %dma_start3A_144 = arith.constant 0 : i32
        %dma_start3A_145 = arith.constant 0 : i32
        %dma_start3A_146 = tpu.memref_slice %arg14[%rem3A_102, %dma_start3A_144, %dma_start3A_145] : memref<2x8x128xi32, #tpu.memory_space<vmem>> -> memref<1x1x128xi32, #tpu.memory_space<vmem>>
        %dma_start3A_147 = tpu.memref_squeeze %dma_start3A_146 : memref<1x1x128xi32, #tpu.memory_space<vmem>> -> memref<128xi32, #tpu.memory_space<vmem>>
        %dma_start3A_148 = arith.constant 0 : i32
        %dma_start3A_149 = arith.constant 0 : i32
        %dma_start3A_150 = tpu.memref_slice %arg28[%dma_start3A_148, %dma_start3A_149] : memref<10112x16xf32, #tpu.memory_space<vmem_shared>> -> memref<10112x16xf32, #tpu.memory_space<vmem_shared>>
        tpu.enqueue_indirect_dma source(%arg29 : memref<128x16xf32, #tpu.memory_space<vmem>>) target(%dma_start3A_150 : memref<10112x16xf32, #tpu.memory_space<vmem_shared>>) offsets(%dma_start3A_147 : memref<128xi32, #tpu.memory_space<vmem>>) semaphore(%arg30 : memref<!tpu.dma_semaphore, #tpu.memory_space<semaphore_mem>>) {add = true}
        %gt3A_151 = arith.constant 0 : i32
        %gt3A_152 = arith.cmpi sgt, %scan3A_101, %gt3A_151 : i32
        %convert_element_type3A_153 = arith.extui %gt3A_152 : i1 to i32
        %cond3A_154 = arith.constant 0 : i32
        %cond3A_155 = arith.cmpi ne, %convert_element_type3A_153, %cond3A_154 : i32
        scf.if %cond3A_155 {
          %dma_wait3A_468 = arith.constant 0 : i32
          %dma_wait3A_469 = arith.constant 0 : i32
          %dma_wait3A_470 = arith.constant 0 : i32
          %dma_wait3A_471 = tpu.memref_slice %arg14[%dma_wait3A_468, %dma_wait3A_469, %dma_wait3A_470] : memref<2x8x128xi32, #tpu.memory_space<vmem>> -> memref<1x1x128xi32, #tpu.memory_space<vmem>>
          %dma_wait3A_472 = tpu.memref_squeeze %dma_wait3A_471 : memref<1x1x128xi32, #tpu.memory_space<vmem>> -> memref<128xi32, #tpu.memory_space<vmem>>
          %dma_wait3A_473 = arith.constant 0 : i32
          %dma_wait3A_474 = arith.constant 0 : i32
          %dma_wait3A_475 = tpu.memref_slice %arg28[%dma_wait3A_473, %dma_wait3A_474] : memref<10112x16xf32, #tpu.memory_space<vmem_shared>> -> memref<10112x16xf32, #tpu.memory_space<vmem_shared>>
          tpu.wait_indirect_dma semaphore(%arg30 : memref<!tpu.dma_semaphore, #tpu.memory_space<semaphore_mem>>) src(%arg29 : memref<128x16xf32, #tpu.memory_space<vmem>>) dst(%dma_wait3A_475 : memref<10112x16xf32, #tpu.memory_space<vmem_shared>>)
        } else {
        }
        %gt3A_156 = arith.constant 0 : i32
        %gt3A_157 = arith.cmpi sgt, %scan3A_101, %gt3A_156 : i32
        %convert_element_type3A_158 = arith.extui %gt3A_157 : i1 to i32
        %cond3A_159 = arith.constant 0 : i32
        %cond3A_160 = arith.cmpi ne, %convert_element_type3A_158, %cond3A_159 : i32
        scf.if %cond3A_160 {
          %dma_wait3A_468 = arith.constant 0 : i32
          %dma_wait3A_469 = arith.constant 0 : i32
          %dma_wait3A_470 = arith.constant 0 : i32
          %dma_wait3A_471 = tpu.memref_slice %arg14[%dma_wait3A_468, %dma_wait3A_469, %dma_wait3A_470] : memref<2x8x128xi32, #tpu.memory_space<vmem>> -> memref<1x1x128xi32, #tpu.memory_space<vmem>>
          %dma_wait3A_472 = tpu.memref_squeeze %dma_wait3A_471 : memref<1x1x128xi32, #tpu.memory_space<vmem>> -> memref<128xi32, #tpu.memory_space<vmem>>
          %dma_wait3A_473 = arith.constant 0 : i32
          %dma_wait3A_474 = arith.constant 0 : i32
          %dma_wait3A_475 = tpu.memref_slice %arg12[%dma_wait3A_473, %dma_wait3A_474] : memref<10112x128xbf16, #tpu.memory_space<vmem_shared>> -> memref<10112x128xbf16, #tpu.memory_space<vmem_shared>>
          tpu.wait_indirect_dma semaphore(%arg26 : memref<!tpu.dma_semaphore, #tpu.memory_space<semaphore_mem>>) src(%arg18 : memref<128x128xbf16, #tpu.memory_space<vmem>>) dst(%dma_wait3A_475 : memref<10112x128xbf16, #tpu.memory_space<vmem_shared>>)
        } else {
        }
        %dma_start3A_161 = arith.constant 3 : i32
        %dma_start3A_162 = arith.constant 0 : i32
        %dma_start3A_163 = tpu.memref_slice %arg13[%rem3A_102, %dma_start3A_161, %dma_start3A_162] : memref<2x8x128xi32, #tpu.memory_space<vmem>> -> memref<1x1x128xi32, #tpu.memory_space<vmem>>
        %dma_start3A_164 = tpu.memref_squeeze %dma_start3A_163 : memref<1x1x128xi32, #tpu.memory_space<vmem>> -> memref<128xi32, #tpu.memory_space<vmem>>
        %dma_start3A_165 = arith.constant 0 : i32
        %dma_start3A_166 = arith.constant 0 : i32
        %dma_start3A_167 = tpu.memref_slice %arg2[%dma_start3A_165, %dma_start3A_166] : memref<10000x128xbf16, #tpu.memory_space<hbm>> -> memref<10000x128xbf16, #tpu.memory_space<hbm>>
        tpu.enqueue_indirect_dma source(%dma_start3A_167 : memref<10000x128xbf16, #tpu.memory_space<hbm>>) target(%arg18 : memref<128x128xbf16, #tpu.memory_space<vmem>>) offsets(%dma_start3A_164 : memref<128xi32, #tpu.memory_space<vmem>>) semaphore(%arg22 : memref<!tpu.dma_semaphore, #tpu.memory_space<semaphore_mem>>)
        %dma_wait3A_168 = arith.constant 0 : i32
        %dma_wait3A_169 = arith.constant 0 : i32
        %dma_wait3A_170 = arith.constant 0 : i32
        %dma_wait3A_171 = tpu.memref_slice %arg13[%dma_wait3A_168, %dma_wait3A_169, %dma_wait3A_170] : memref<2x8x128xi32, #tpu.memory_space<vmem>> -> memref<1x1x128xi32, #tpu.memory_space<vmem>>
        %dma_wait3A_172 = tpu.memref_squeeze %dma_wait3A_171 : memref<1x1x128xi32, #tpu.memory_space<vmem>> -> memref<128xi32, #tpu.memory_space<vmem>>
        %dma_wait3A_173 = arith.constant 0 : i32
        %dma_wait3A_174 = arith.constant 0 : i32
        %dma_wait3A_175 = tpu.memref_slice %arg2[%dma_wait3A_173, %dma_wait3A_174] : memref<10000x128xbf16, #tpu.memory_space<hbm>> -> memref<10000x128xbf16, #tpu.memory_space<hbm>>
        tpu.wait_indirect_dma semaphore(%arg20 : memref<!tpu.dma_semaphore, #tpu.memory_space<semaphore_mem>>) src(%dma_wait3A_175 : memref<10000x128xbf16, #tpu.memory_space<hbm>>) dst(%arg16 : memref<128x128xbf16, #tpu.memory_space<vmem>>)
        %dma_start3A_176 = arith.constant 1 : i32
        %dma_start3A_177 = arith.constant 0 : i32
        %dma_start3A_178 = tpu.memref_slice %arg14[%rem3A_102, %dma_start3A_176, %dma_start3A_177] : memref<2x8x128xi32, #tpu.memory_space<vmem>> -> memref<1x1x128xi32, #tpu.memory_space<vmem>>
        %dma_start3A_179 = tpu.memref_squeeze %dma_start3A_178 : memref<1x1x128xi32, #tpu.memory_space<vmem>> -> memref<128xi32, #tpu.memory_space<vmem>>
        %dma_start3A_180 = arith.constant 0 : i32
        %dma_start3A_181 = arith.constant 0 : i32
        %dma_start3A_182 = tpu.memref_slice %arg12[%dma_start3A_180, %dma_start3A_181] : memref<10112x128xbf16, #tpu.memory_space<vmem_shared>> -> memref<10112x128xbf16, #tpu.memory_space<vmem_shared>>
        tpu.enqueue_indirect_dma source(%arg16 : memref<128x128xbf16, #tpu.memory_space<vmem>>) target(%dma_start3A_182 : memref<10112x128xbf16, #tpu.memory_space<vmem_shared>>) offsets(%dma_start3A_179 : memref<128xi32, #tpu.memory_space<vmem>>) semaphore(%arg24 : memref<!tpu.dma_semaphore, #tpu.memory_space<semaphore_mem>>) {add = true}
        %dma_start3A_183 = arith.constant 1 : i32
        %dma_start3A_184 = arith.constant 0 : i32
        %dma_start3A_185 = tpu.memref_slice %arg14[%rem3A_102, %dma_start3A_183, %dma_start3A_184] : memref<2x8x128xi32, #tpu.memory_space<vmem>> -> memref<1x1x128xi32, #tpu.memory_space<vmem>>
        %dma_start3A_186 = tpu.memref_squeeze %dma_start3A_185 : memref<1x1x128xi32, #tpu.memory_space<vmem>> -> memref<128xi32, #tpu.memory_space<vmem>>
        %dma_start3A_187 = arith.constant 0 : i32
        %dma_start3A_188 = arith.constant 0 : i32
        %dma_start3A_189 = tpu.memref_slice %arg28[%dma_start3A_187, %dma_start3A_188] : memref<10112x16xf32, #tpu.memory_space<vmem_shared>> -> memref<10112x16xf32, #tpu.memory_space<vmem_shared>>
        tpu.enqueue_indirect_dma source(%arg29 : memref<128x16xf32, #tpu.memory_space<vmem>>) target(%dma_start3A_189 : memref<10112x16xf32, #tpu.memory_space<vmem_shared>>) offsets(%dma_start3A_186 : memref<128xi32, #tpu.memory_space<vmem>>) semaphore(%arg30 : memref<!tpu.dma_semaphore, #tpu.memory_space<semaphore_mem>>) {add = true}
        %dma_wait3A_190 = arith.constant 0 : i32
        %dma_wait3A_191 = arith.constant 0 : i32
        %dma_wait3A_192 = arith.constant 0 : i32
        %dma_wait3A_193 = tpu.memref_slice %arg14[%dma_wait3A_190, %dma_wait3A_191, %dma_wait3A_192] : memref<2x8x128xi32, #tpu.memory_space<vmem>> -> memref<1x1x128xi32, #tpu.memory_space<vmem>>
        %dma_wait3A_194 = tpu.memref_squeeze %dma_wait3A_193 : memref<1x1x128xi32, #tpu.memory_space<vmem>> -> memref<128xi32, #tpu.memory_space<vmem>>
        %dma_wait3A_195 = arith.constant 0 : i32
        %dma_wait3A_196 = arith.constant 0 : i32
        %dma_wait3A_197 = tpu.memref_slice %arg28[%dma_wait3A_195, %dma_wait3A_196] : memref<10112x16xf32, #tpu.memory_space<vmem_shared>> -> memref<10112x16xf32, #tpu.memory_space<vmem_shared>>
        tpu.wait_indirect_dma semaphore(%arg30 : memref<!tpu.dma_semaphore, #tpu.memory_space<semaphore_mem>>) src(%arg29 : memref<128x16xf32, #tpu.memory_space<vmem>>) dst(%dma_wait3A_197 : memref<10112x16xf32, #tpu.memory_space<vmem_shared>>)
        %dma_wait3A_198 = arith.constant 0 : i32
        %dma_wait3A_199 = arith.constant 0 : i32
        %dma_wait3A_200 = arith.constant 0 : i32
        %dma_wait3A_201 = tpu.memref_slice %arg14[%dma_wait3A_198, %dma_wait3A_199, %dma_wait3A_200] : memref<2x8x128xi32, #tpu.memory_space<vmem>> -> memref<1x1x128xi32, #tpu.memory_space<vmem>>
        %dma_wait3A_202 = tpu.memref_squeeze %dma_wait3A_201 : memref<1x1x128xi32, #tpu.memory_space<vmem>> -> memref<128xi32, #tpu.memory_space<vmem>>
        %dma_wait3A_203 = arith.constant 0 : i32
        %dma_wait3A_204 = arith.constant 0 : i32
        %dma_wait3A_205 = tpu.memref_slice %arg12[%dma_wait3A_203, %dma_wait3A_204] : memref<10112x128xbf16, #tpu.memory_space<vmem_shared>> -> memref<10112x128xbf16, #tpu.memory_space<vmem_shared>>
        tpu.wait_indirect_dma semaphore(%arg23 : memref<!tpu.dma_semaphore, #tpu.memory_space<semaphore_mem>>) src(%arg15 : memref<128x128xbf16, #tpu.memory_space<vmem>>) dst(%dma_wait3A_205 : memref<10112x128xbf16, #tpu.memory_space<vmem_shared>>)
        %dma_start3A_206 = arith.constant 4 : i32
        %dma_start3A_207 = arith.constant 0 : i32
        %dma_start3A_208 = tpu.memref_slice %arg13[%rem3A_102, %dma_start3A_206, %dma_start3A_207] : memref<2x8x128xi32, #tpu.memory_space<vmem>> -> memref<1x1x128xi32, #tpu.memory_space<vmem>>
        %dma_start3A_209 = tpu.memref_squeeze %dma_start3A_208 : memref<1x1x128xi32, #tpu.memory_space<vmem>> -> memref<128xi32, #tpu.memory_space<vmem>>
        %dma_start3A_210 = arith.constant 0 : i32
        %dma_start3A_211 = arith.constant 0 : i32
        %dma_start3A_212 = tpu.memref_slice %arg2[%dma_start3A_210, %dma_start3A_211] : memref<10000x128xbf16, #tpu.memory_space<hbm>> -> memref<10000x128xbf16, #tpu.memory_space<hbm>>
        tpu.enqueue_indirect_dma source(%dma_start3A_212 : memref<10000x128xbf16, #tpu.memory_space<hbm>>) target(%arg15 : memref<128x128xbf16, #tpu.memory_space<vmem>>) offsets(%dma_start3A_209 : memref<128xi32, #tpu.memory_space<vmem>>) semaphore(%arg19 : memref<!tpu.dma_semaphore, #tpu.memory_space<semaphore_mem>>)
        %dma_wait3A_213 = arith.constant 0 : i32
        %dma_wait3A_214 = arith.constant 0 : i32
        %dma_wait3A_215 = arith.constant 0 : i32
        %dma_wait3A_216 = tpu.memref_slice %arg13[%dma_wait3A_213, %dma_wait3A_214, %dma_wait3A_215] : memref<2x8x128xi32, #tpu.memory_space<vmem>> -> memref<1x1x128xi32, #tpu.memory_space<vmem>>
        %dma_wait3A_217 = tpu.memref_squeeze %dma_wait3A_216 : memref<1x1x128xi32, #tpu.memory_space<vmem>> -> memref<128xi32, #tpu.memory_space<vmem>>
        %dma_wait3A_218 = arith.constant 0 : i32
        %dma_wait3A_219 = arith.constant 0 : i32
        %dma_wait3A_220 = tpu.memref_slice %arg2[%dma_wait3A_218, %dma_wait3A_219] : memref<10000x128xbf16, #tpu.memory_space<hbm>> -> memref<10000x128xbf16, #tpu.memory_space<hbm>>
        tpu.wait_indirect_dma semaphore(%arg21 : memref<!tpu.dma_semaphore, #tpu.memory_space<semaphore_mem>>) src(%dma_wait3A_220 : memref<10000x128xbf16, #tpu.memory_space<hbm>>) dst(%arg17 : memref<128x128xbf16, #tpu.memory_space<vmem>>)
        %dma_start3A_221 = arith.constant 2 : i32
        %dma_start3A_222 = arith.constant 0 : i32
        %dma_start3A_223 = tpu.memref_slice %arg14[%rem3A_102, %dma_start3A_221, %dma_start3A_222] : memref<2x8x128xi32, #tpu.memory_space<vmem>> -> memref<1x1x128xi32, #tpu.memory_space<vmem>>
        %dma_start3A_224 = tpu.memref_squeeze %dma_start3A_223 : memref<1x1x128xi32, #tpu.memory_space<vmem>> -> memref<128xi32, #tpu.memory_space<vmem>>
        %dma_start3A_225 = arith.constant 0 : i32
        %dma_start3A_226 = arith.constant 0 : i32
        %dma_start3A_227 = tpu.memref_slice %arg12[%dma_start3A_225, %dma_start3A_226] : memref<10112x128xbf16, #tpu.memory_space<vmem_shared>> -> memref<10112x128xbf16, #tpu.memory_space<vmem_shared>>
        tpu.enqueue_indirect_dma source(%arg17 : memref<128x128xbf16, #tpu.memory_space<vmem>>) target(%dma_start3A_227 : memref<10112x128xbf16, #tpu.memory_space<vmem_shared>>) offsets(%dma_start3A_224 : memref<128xi32, #tpu.memory_space<vmem>>) semaphore(%arg25 : memref<!tpu.dma_semaphore, #tpu.memory_space<semaphore_mem>>) {add = true}
        %dma_start3A_228 = arith.constant 2 : i32
        %dma_start3A_229 = arith.constant 0 : i32
        %dma_start3A_230 = tpu.memref_slice %arg14[%rem3A_102, %dma_start3A_228, %dma_start3A_229] : memref<2x8x128xi32, #tpu.memory_space<vmem>> -> memref<1x1x128xi32, #tpu.memory_space<vmem>>
        %dma_start3A_231 = tpu.memref_squeeze %dma_start3A_230 : memref<1x1x128xi32, #tpu.memory_space<vmem>> -> memref<128xi32, #tpu.memory_space<vmem>>
        %dma_start3A_232 = arith.constant 0 : i32
        %dma_start3A_233 = arith.constant 0 : i32
        %dma_start3A_234 = tpu.memref_slice %arg28[%dma_start3A_232, %dma_start3A_233] : memref<10112x16xf32, #tpu.memory_space<vmem_shared>> -> memref<10112x16xf32, #tpu.memory_space<vmem_shared>>
        tpu.enqueue_indirect_dma source(%arg29 : memref<128x16xf32, #tpu.memory_space<vmem>>) target(%dma_start3A_234 : memref<10112x16xf32, #tpu.memory_space<vmem_shared>>) offsets(%dma_start3A_231 : memref<128xi32, #tpu.memory_space<vmem>>) semaphore(%arg30 : memref<!tpu.dma_semaphore, #tpu.memory_space<semaphore_mem>>) {add = true}
        %dma_wait3A_235 = arith.constant 0 : i32
        %dma_wait3A_236 = arith.constant 0 : i32
        %dma_wait3A_237 = arith.constant 0 : i32
        %dma_wait3A_238 = tpu.memref_slice %arg14[%dma_wait3A_235, %dma_wait3A_236, %dma_wait3A_237] : memref<2x8x128xi32, #tpu.memory_space<vmem>> -> memref<1x1x128xi32, #tpu.memory_space<vmem>>
        %dma_wait3A_239 = tpu.memref_squeeze %dma_wait3A_238 : memref<1x1x128xi32, #tpu.memory_space<vmem>> -> memref<128xi32, #tpu.memory_space<vmem>>
        %dma_wait3A_240 = arith.constant 0 : i32
        %dma_wait3A_241 = arith.constant 0 : i32
        %dma_wait3A_242 = tpu.memref_slice %arg28[%dma_wait3A_240, %dma_wait3A_241] : memref<10112x16xf32, #tpu.memory_space<vmem_shared>> -> memref<10112x16xf32, #tpu.memory_space<vmem_shared>>
        tpu.wait_indirect_dma semaphore(%arg30 : memref<!tpu.dma_semaphore, #tpu.memory_space<semaphore_mem>>) src(%arg29 : memref<128x16xf32, #tpu.memory_space<vmem>>) dst(%dma_wait3A_242 : memref<10112x16xf32, #tpu.memory_space<vmem_shared>>)
        %dma_wait3A_243 = arith.constant 0 : i32
        %dma_wait3A_244 = arith.constant 0 : i32
        %dma_wait3A_245 = arith.constant 0 : i32
        %dma_wait3A_246 = tpu.memref_slice %arg14[%dma_wait3A_243, %dma_wait3A_244, %dma_wait3A_245] : memref<2x8x128xi32, #tpu.memory_space<vmem>> -> memref<1x1x128xi32, #tpu.memory_space<vmem>>
        %dma_wait3A_247 = tpu.memref_squeeze %dma_wait3A_246 : memref<1x1x128xi32, #tpu.memory_space<vmem>> -> memref<128xi32, #tpu.memory_space<vmem>>
        %dma_wait3A_248 = arith.constant 0 : i32
        %dma_wait3A_249 = arith.constant 0 : i32
        %dma_wait3A_250 = tpu.memref_slice %arg12[%dma_wait3A_248, %dma_wait3A_249] : memref<10112x128xbf16, #tpu.memory_space<vmem_shared>> -> memref<10112x128xbf16, #tpu.memory_space<vmem_shared>>
        tpu.wait_indirect_dma semaphore(%arg24 : memref<!tpu.dma_semaphore, #tpu.memory_space<semaphore_mem>>) src(%arg16 : memref<128x128xbf16, #tpu.memory_space<vmem>>) dst(%dma_wait3A_250 : memref<10112x128xbf16, #tpu.memory_space<vmem_shared>>)
        %dma_start3A_251 = arith.constant 5 : i32
        %dma_start3A_252 = arith.constant 0 : i32
        %dma_start3A_253 = tpu.memref_slice %arg13[%rem3A_102, %dma_start3A_251, %dma_start3A_252] : memref<2x8x128xi32, #tpu.memory_space<vmem>> -> memref<1x1x128xi32, #tpu.memory_space<vmem>>
        %dma_start3A_254 = tpu.memref_squeeze %dma_start3A_253 : memref<1x1x128xi32, #tpu.memory_space<vmem>> -> memref<128xi32, #tpu.memory_space<vmem>>
        %dma_start3A_255 = arith.constant 0 : i32
        %dma_start3A_256 = arith.constant 0 : i32
        %dma_start3A_257 = tpu.memref_slice %arg2[%dma_start3A_255, %dma_start3A_256] : memref<10000x128xbf16, #tpu.memory_space<hbm>> -> memref<10000x128xbf16, #tpu.memory_space<hbm>>
        tpu.enqueue_indirect_dma source(%dma_start3A_257 : memref<10000x128xbf16, #tpu.memory_space<hbm>>) target(%arg16 : memref<128x128xbf16, #tpu.memory_space<vmem>>) offsets(%dma_start3A_254 : memref<128xi32, #tpu.memory_space<vmem>>) semaphore(%arg20 : memref<!tpu.dma_semaphore, #tpu.memory_space<semaphore_mem>>)
        %dma_wait3A_258 = arith.constant 0 : i32
        %dma_wait3A_259 = arith.constant 0 : i32
        %dma_wait3A_260 = arith.constant 0 : i32
        %dma_wait3A_261 = tpu.memref_slice %arg13[%dma_wait3A_258, %dma_wait3A_259, %dma_wait3A_260] : memref<2x8x128xi32, #tpu.memory_space<vmem>> -> memref<1x1x128xi32, #tpu.memory_space<vmem>>
        %dma_wait3A_262 = tpu.memref_squeeze %dma_wait3A_261 : memref<1x1x128xi32, #tpu.memory_space<vmem>> -> memref<128xi32, #tpu.memory_space<vmem>>
        %dma_wait3A_263 = arith.constant 0 : i32
        %dma_wait3A_264 = arith.constant 0 : i32
        %dma_wait3A_265 = tpu.memref_slice %arg2[%dma_wait3A_263, %dma_wait3A_264] : memref<10000x128xbf16, #tpu.memory_space<hbm>> -> memref<10000x128xbf16, #tpu.memory_space<hbm>>
        tpu.wait_indirect_dma semaphore(%arg22 : memref<!tpu.dma_semaphore, #tpu.memory_space<semaphore_mem>>) src(%dma_wait3A_265 : memref<10000x128xbf16, #tpu.memory_space<hbm>>) dst(%arg18 : memref<128x128xbf16, #tpu.memory_space<vmem>>)
        %dma_start3A_266 = arith.constant 3 : i32
        %dma_start3A_267 = arith.constant 0 : i32
        %dma_start3A_268 = tpu.memref_slice %arg14[%rem3A_102, %dma_start3A_266, %dma_start3A_267] : memref<2x8x128xi32, #tpu.memory_space<vmem>> -> memref<1x1x128xi32, #tpu.memory_space<vmem>>
        %dma_start3A_269 = tpu.memref_squeeze %dma_start3A_268 : memref<1x1x128xi32, #tpu.memory_space<vmem>> -> memref<128xi32, #tpu.memory_space<vmem>>
        %dma_start3A_270 = arith.constant 0 : i32
        %dma_start3A_271 = arith.constant 0 : i32
        %dma_start3A_272 = tpu.memref_slice %arg12[%dma_start3A_270, %dma_start3A_271] : memref<10112x128xbf16, #tpu.memory_space<vmem_shared>> -> memref<10112x128xbf16, #tpu.memory_space<vmem_shared>>
        tpu.enqueue_indirect_dma source(%arg18 : memref<128x128xbf16, #tpu.memory_space<vmem>>) target(%dma_start3A_272 : memref<10112x128xbf16, #tpu.memory_space<vmem_shared>>) offsets(%dma_start3A_269 : memref<128xi32, #tpu.memory_space<vmem>>) semaphore(%arg26 : memref<!tpu.dma_semaphore, #tpu.memory_space<semaphore_mem>>) {add = true}
        %dma_start3A_273 = arith.constant 3 : i32
        %dma_start3A_274 = arith.constant 0 : i32
        %dma_start3A_275 = tpu.memref_slice %arg14[%rem3A_102, %dma_start3A_273, %dma_start3A_274] : memref<2x8x128xi32, #tpu.memory_space<vmem>> -> memref<1x1x128xi32, #tpu.memory_space<vmem>>
        %dma_start3A_276 = tpu.memref_squeeze %dma_start3A_275 : memref<1x1x128xi32, #tpu.memory_space<vmem>> -> memref<128xi32, #tpu.memory_space<vmem>>
        %dma_start3A_277 = arith.constant 0 : i32
        %dma_start3A_278 = arith.constant 0 : i32
        %dma_start3A_279 = tpu.memref_slice %arg28[%dma_start3A_277, %dma_start3A_278] : memref<10112x16xf32, #tpu.memory_space<vmem_shared>> -> memref<10112x16xf32, #tpu.memory_space<vmem_shared>>
        tpu.enqueue_indirect_dma source(%arg29 : memref<128x16xf32, #tpu.memory_space<vmem>>) target(%dma_start3A_279 : memref<10112x16xf32, #tpu.memory_space<vmem_shared>>) offsets(%dma_start3A_276 : memref<128xi32, #tpu.memory_space<vmem>>) semaphore(%arg30 : memref<!tpu.dma_semaphore, #tpu.memory_space<semaphore_mem>>) {add = true}
        %dma_wait3A_280 = arith.constant 0 : i32
        %dma_wait3A_281 = arith.constant 0 : i32
        %dma_wait3A_282 = arith.constant 0 : i32
        %dma_wait3A_283 = tpu.memref_slice %arg14[%dma_wait3A_280, %dma_wait3A_281, %dma_wait3A_282] : memref<2x8x128xi32, #tpu.memory_space<vmem>> -> memref<1x1x128xi32, #tpu.memory_space<vmem>>
        %dma_wait3A_284 = tpu.memref_squeeze %dma_wait3A_283 : memref<1x1x128xi32, #tpu.memory_space<vmem>> -> memref<128xi32, #tpu.memory_space<vmem>>
        %dma_wait3A_285 = arith.constant 0 : i32
        %dma_wait3A_286 = arith.constant 0 : i32
        %dma_wait3A_287 = tpu.memref_slice %arg28[%dma_wait3A_285, %dma_wait3A_286] : memref<10112x16xf32, #tpu.memory_space<vmem_shared>> -> memref<10112x16xf32, #tpu.memory_space<vmem_shared>>
        tpu.wait_indirect_dma semaphore(%arg30 : memref<!tpu.dma_semaphore, #tpu.memory_space<semaphore_mem>>) src(%arg29 : memref<128x16xf32, #tpu.memory_space<vmem>>) dst(%dma_wait3A_287 : memref<10112x16xf32, #tpu.memory_space<vmem_shared>>)
        %dma_wait3A_288 = arith.constant 0 : i32
        %dma_wait3A_289 = arith.constant 0 : i32
        %dma_wait3A_290 = arith.constant 0 : i32
        %dma_wait3A_291 = tpu.memref_slice %arg14[%dma_wait3A_288, %dma_wait3A_289, %dma_wait3A_290] : memref<2x8x128xi32, #tpu.memory_space<vmem>> -> memref<1x1x128xi32, #tpu.memory_space<vmem>>
        %dma_wait3A_292 = tpu.memref_squeeze %dma_wait3A_291 : memref<1x1x128xi32, #tpu.memory_space<vmem>> -> memref<128xi32, #tpu.memory_space<vmem>>
        %dma_wait3A_293 = arith.constant 0 : i32
        %dma_wait3A_294 = arith.constant 0 : i32
        %dma_wait3A_295 = tpu.memref_slice %arg12[%dma_wait3A_293, %dma_wait3A_294] : memref<10112x128xbf16, #tpu.memory_space<vmem_shared>> -> memref<10112x128xbf16, #tpu.memory_space<vmem_shared>>
        tpu.wait_indirect_dma semaphore(%arg25 : memref<!tpu.dma_semaphore, #tpu.memory_space<semaphore_mem>>) src(%arg17 : memref<128x128xbf16, #tpu.memory_space<vmem>>) dst(%dma_wait3A_295 : memref<10112x128xbf16, #tpu.memory_space<vmem_shared>>)
        %dma_start3A_296 = arith.constant 6 : i32
        %dma_start3A_297 = arith.constant 0 : i32
        %dma_start3A_298 = tpu.memref_slice %arg13[%rem3A_102, %dma_start3A_296, %dma_start3A_297] : memref<2x8x128xi32, #tpu.memory_space<vmem>> -> memref<1x1x128xi32, #tpu.memory_space<vmem>>
        %dma_start3A_299 = tpu.memref_squeeze %dma_start3A_298 : memref<1x1x128xi32, #tpu.memory_space<vmem>> -> memref<128xi32, #tpu.memory_space<vmem>>
        %dma_start3A_300 = arith.constant 0 : i32
        %dma_start3A_301 = arith.constant 0 : i32
        %dma_start3A_302 = tpu.memref_slice %arg2[%dma_start3A_300, %dma_start3A_301] : memref<10000x128xbf16, #tpu.memory_space<hbm>> -> memref<10000x128xbf16, #tpu.memory_space<hbm>>
        tpu.enqueue_indirect_dma source(%dma_start3A_302 : memref<10000x128xbf16, #tpu.memory_space<hbm>>) target(%arg17 : memref<128x128xbf16, #tpu.memory_space<vmem>>) offsets(%dma_start3A_299 : memref<128xi32, #tpu.memory_space<vmem>>) semaphore(%arg21 : memref<!tpu.dma_semaphore, #tpu.memory_space<semaphore_mem>>)
        %dma_wait3A_303 = arith.constant 0 : i32
        %dma_wait3A_304 = arith.constant 0 : i32
        %dma_wait3A_305 = arith.constant 0 : i32
        %dma_wait3A_306 = tpu.memref_slice %arg13[%dma_wait3A_303, %dma_wait3A_304, %dma_wait3A_305] : memref<2x8x128xi32, #tpu.memory_space<vmem>> -> memref<1x1x128xi32, #tpu.memory_space<vmem>>
        %dma_wait3A_307 = tpu.memref_squeeze %dma_wait3A_306 : memref<1x1x128xi32, #tpu.memory_space<vmem>> -> memref<128xi32, #tpu.memory_space<vmem>>
        %dma_wait3A_308 = arith.constant 0 : i32
        %dma_wait3A_309 = arith.constant 0 : i32
        %dma_wait3A_310 = tpu.memref_slice %arg2[%dma_wait3A_308, %dma_wait3A_309] : memref<10000x128xbf16, #tpu.memory_space<hbm>> -> memref<10000x128xbf16, #tpu.memory_space<hbm>>
        tpu.wait_indirect_dma semaphore(%arg19 : memref<!tpu.dma_semaphore, #tpu.memory_space<semaphore_mem>>) src(%dma_wait3A_310 : memref<10000x128xbf16, #tpu.memory_space<hbm>>) dst(%arg15 : memref<128x128xbf16, #tpu.memory_space<vmem>>)
        %dma_start3A_311 = arith.constant 4 : i32
        %dma_start3A_312 = arith.constant 0 : i32
        %dma_start3A_313 = tpu.memref_slice %arg14[%rem3A_102, %dma_start3A_311, %dma_start3A_312] : memref<2x8x128xi32, #tpu.memory_space<vmem>> -> memref<1x1x128xi32, #tpu.memory_space<vmem>>
        %dma_start3A_314 = tpu.memref_squeeze %dma_start3A_313 : memref<1x1x128xi32, #tpu.memory_space<vmem>> -> memref<128xi32, #tpu.memory_space<vmem>>
        %dma_start3A_315 = arith.constant 0 : i32
        %dma_start3A_316 = arith.constant 0 : i32
        %dma_start3A_317 = tpu.memref_slice %arg12[%dma_start3A_315, %dma_start3A_316] : memref<10112x128xbf16, #tpu.memory_space<vmem_shared>> -> memref<10112x128xbf16, #tpu.memory_space<vmem_shared>>
        tpu.enqueue_indirect_dma source(%arg15 : memref<128x128xbf16, #tpu.memory_space<vmem>>) target(%dma_start3A_317 : memref<10112x128xbf16, #tpu.memory_space<vmem_shared>>) offsets(%dma_start3A_314 : memref<128xi32, #tpu.memory_space<vmem>>) semaphore(%arg23 : memref<!tpu.dma_semaphore, #tpu.memory_space<semaphore_mem>>) {add = true}
        %dma_start3A_318 = arith.constant 4 : i32
        %dma_start3A_319 = arith.constant 0 : i32
        %dma_start3A_320 = tpu.memref_slice %arg14[%rem3A_102, %dma_start3A_318, %dma_start3A_319] : memref<2x8x128xi32, #tpu.memory_space<vmem>> -> memref<1x1x128xi32, #tpu.memory_space<vmem>>
        %dma_start3A_321 = tpu.memref_squeeze %dma_start3A_320 : memref<1x1x128xi32, #tpu.memory_space<vmem>> -> memref<128xi32, #tpu.memory_space<vmem>>
        %dma_start3A_322 = arith.constant 0 : i32
        %dma_start3A_323 = arith.constant 0 : i32
        %dma_start3A_324 = tpu.memref_slice %arg28[%dma_start3A_322, %dma_start3A_323] : memref<10112x16xf32, #tpu.memory_space<vmem_shared>> -> memref<10112x16xf32, #tpu.memory_space<vmem_shared>>
        tpu.enqueue_indirect_dma source(%arg29 : memref<128x16xf32, #tpu.memory_space<vmem>>) target(%dma_start3A_324 : memref<10112x16xf32, #tpu.memory_space<vmem_shared>>) offsets(%dma_start3A_321 : memref<128xi32, #tpu.memory_space<vmem>>) semaphore(%arg30 : memref<!tpu.dma_semaphore, #tpu.memory_space<semaphore_mem>>) {add = true}
        %dma_wait3A_325 = arith.constant 0 : i32
        %dma_wait3A_326 = arith.constant 0 : i32
        %dma_wait3A_327 = arith.constant 0 : i32
        %dma_wait3A_328 = tpu.memref_slice %arg14[%dma_wait3A_325, %dma_wait3A_326, %dma_wait3A_327] : memref<2x8x128xi32, #tpu.memory_space<vmem>> -> memref<1x1x128xi32, #tpu.memory_space<vmem>>
        %dma_wait3A_329 = tpu.memref_squeeze %dma_wait3A_328 : memref<1x1x128xi32, #tpu.memory_space<vmem>> -> memref<128xi32, #tpu.memory_space<vmem>>
        %dma_wait3A_330 = arith.constant 0 : i32
        %dma_wait3A_331 = arith.constant 0 : i32
        %dma_wait3A_332 = tpu.memref_slice %arg28[%dma_wait3A_330, %dma_wait3A_331] : memref<10112x16xf32, #tpu.memory_space<vmem_shared>> -> memref<10112x16xf32, #tpu.memory_space<vmem_shared>>
        tpu.wait_indirect_dma semaphore(%arg30 : memref<!tpu.dma_semaphore, #tpu.memory_space<semaphore_mem>>) src(%arg29 : memref<128x16xf32, #tpu.memory_space<vmem>>) dst(%dma_wait3A_332 : memref<10112x16xf32, #tpu.memory_space<vmem_shared>>)
        %dma_wait3A_333 = arith.constant 0 : i32
        %dma_wait3A_334 = arith.constant 0 : i32
        %dma_wait3A_335 = arith.constant 0 : i32
        %dma_wait3A_336 = tpu.memref_slice %arg14[%dma_wait3A_333, %dma_wait3A_334, %dma_wait3A_335] : memref<2x8x128xi32, #tpu.memory_space<vmem>> -> memref<1x1x128xi32, #tpu.memory_space<vmem>>
        %dma_wait3A_337 = tpu.memref_squeeze %dma_wait3A_336 : memref<1x1x128xi32, #tpu.memory_space<vmem>> -> memref<128xi32, #tpu.memory_space<vmem>>
        %dma_wait3A_338 = arith.constant 0 : i32
        %dma_wait3A_339 = arith.constant 0 : i32
        %dma_wait3A_340 = tpu.memref_slice %arg12[%dma_wait3A_338, %dma_wait3A_339] : memref<10112x128xbf16, #tpu.memory_space<vmem_shared>> -> memref<10112x128xbf16, #tpu.memory_space<vmem_shared>>
        tpu.wait_indirect_dma semaphore(%arg26 : memref<!tpu.dma_semaphore, #tpu.memory_space<semaphore_mem>>) src(%arg18 : memref<128x128xbf16, #tpu.memory_space<vmem>>) dst(%dma_wait3A_340 : memref<10112x128xbf16, #tpu.memory_space<vmem_shared>>)
        %dma_start3A_341 = arith.constant 7 : i32
        %dma_start3A_342 = arith.constant 0 : i32
        %dma_start3A_343 = tpu.memref_slice %arg13[%rem3A_102, %dma_start3A_341, %dma_start3A_342] : memref<2x8x128xi32, #tpu.memory_space<vmem>> -> memref<1x1x128xi32, #tpu.memory_space<vmem>>
        %dma_start3A_344 = tpu.memref_squeeze %dma_start3A_343 : memref<1x1x128xi32, #tpu.memory_space<vmem>> -> memref<128xi32, #tpu.memory_space<vmem>>
        %dma_start3A_345 = arith.constant 0 : i32
        %dma_start3A_346 = arith.constant 0 : i32
        %dma_start3A_347 = tpu.memref_slice %arg2[%dma_start3A_345, %dma_start3A_346] : memref<10000x128xbf16, #tpu.memory_space<hbm>> -> memref<10000x128xbf16, #tpu.memory_space<hbm>>
        tpu.enqueue_indirect_dma source(%dma_start3A_347 : memref<10000x128xbf16, #tpu.memory_space<hbm>>) target(%arg18 : memref<128x128xbf16, #tpu.memory_space<vmem>>) offsets(%dma_start3A_344 : memref<128xi32, #tpu.memory_space<vmem>>) semaphore(%arg22 : memref<!tpu.dma_semaphore, #tpu.memory_space<semaphore_mem>>)
        %dma_wait3A_348 = arith.constant 0 : i32
        %dma_wait3A_349 = arith.constant 0 : i32
        %dma_wait3A_350 = arith.constant 0 : i32
        %dma_wait3A_351 = tpu.memref_slice %arg13[%dma_wait3A_348, %dma_wait3A_349, %dma_wait3A_350] : memref<2x8x128xi32, #tpu.memory_space<vmem>> -> memref<1x1x128xi32, #tpu.memory_space<vmem>>
        %dma_wait3A_352 = tpu.memref_squeeze %dma_wait3A_351 : memref<1x1x128xi32, #tpu.memory_space<vmem>> -> memref<128xi32, #tpu.memory_space<vmem>>
        %dma_wait3A_353 = arith.constant 0 : i32
        %dma_wait3A_354 = arith.constant 0 : i32
        %dma_wait3A_355 = tpu.memref_slice %arg2[%dma_wait3A_353, %dma_wait3A_354] : memref<10000x128xbf16, #tpu.memory_space<hbm>> -> memref<10000x128xbf16, #tpu.memory_space<hbm>>
        tpu.wait_indirect_dma semaphore(%arg20 : memref<!tpu.dma_semaphore, #tpu.memory_space<semaphore_mem>>) src(%dma_wait3A_355 : memref<10000x128xbf16, #tpu.memory_space<hbm>>) dst(%arg16 : memref<128x128xbf16, #tpu.memory_space<vmem>>)
        %dma_start3A_356 = arith.constant 5 : i32
        %dma_start3A_357 = arith.constant 0 : i32
        %dma_start3A_358 = tpu.memref_slice %arg14[%rem3A_102, %dma_start3A_356, %dma_start3A_357] : memref<2x8x128xi32, #tpu.memory_space<vmem>> -> memref<1x1x128xi32, #tpu.memory_space<vmem>>
        %dma_start3A_359 = tpu.memref_squeeze %dma_start3A_358 : memref<1x1x128xi32, #tpu.memory_space<vmem>> -> memref<128xi32, #tpu.memory_space<vmem>>
        %dma_start3A_360 = arith.constant 0 : i32
        %dma_start3A_361 = arith.constant 0 : i32
        %dma_start3A_362 = tpu.memref_slice %arg12[%dma_start3A_360, %dma_start3A_361] : memref<10112x128xbf16, #tpu.memory_space<vmem_shared>> -> memref<10112x128xbf16, #tpu.memory_space<vmem_shared>>
        tpu.enqueue_indirect_dma source(%arg16 : memref<128x128xbf16, #tpu.memory_space<vmem>>) target(%dma_start3A_362 : memref<10112x128xbf16, #tpu.memory_space<vmem_shared>>) offsets(%dma_start3A_359 : memref<128xi32, #tpu.memory_space<vmem>>) semaphore(%arg24 : memref<!tpu.dma_semaphore, #tpu.memory_space<semaphore_mem>>) {add = true}
        %dma_start3A_363 = arith.constant 5 : i32
        %dma_start3A_364 = arith.constant 0 : i32
        %dma_start3A_365 = tpu.memref_slice %arg14[%rem3A_102, %dma_start3A_363, %dma_start3A_364] : memref<2x8x128xi32, #tpu.memory_space<vmem>> -> memref<1x1x128xi32, #tpu.memory_space<vmem>>
        %dma_start3A_366 = tpu.memref_squeeze %dma_start3A_365 : memref<1x1x128xi32, #tpu.memory_space<vmem>> -> memref<128xi32, #tpu.memory_space<vmem>>
        %dma_start3A_367 = arith.constant 0 : i32
        %dma_start3A_368 = arith.constant 0 : i32
        %dma_start3A_369 = tpu.memref_slice %arg28[%dma_start3A_367, %dma_start3A_368] : memref<10112x16xf32, #tpu.memory_space<vmem_shared>> -> memref<10112x16xf32, #tpu.memory_space<vmem_shared>>
        tpu.enqueue_indirect_dma source(%arg29 : memref<128x16xf32, #tpu.memory_space<vmem>>) target(%dma_start3A_369 : memref<10112x16xf32, #tpu.memory_space<vmem_shared>>) offsets(%dma_start3A_366 : memref<128xi32, #tpu.memory_space<vmem>>) semaphore(%arg30 : memref<!tpu.dma_semaphore, #tpu.memory_space<semaphore_mem>>) {add = true}
        %dma_wait3A_370 = arith.constant 0 : i32
        %dma_wait3A_371 = arith.constant 0 : i32
        %dma_wait3A_372 = arith.constant 0 : i32
        %dma_wait3A_373 = tpu.memref_slice %arg14[%dma_wait3A_370, %dma_wait3A_371, %dma_wait3A_372] : memref<2x8x128xi32, #tpu.memory_space<vmem>> -> memref<1x1x128xi32, #tpu.memory_space<vmem>>
        %dma_wait3A_374 = tpu.memref_squeeze %dma_wait3A_373 : memref<1x1x128xi32, #tpu.memory_space<vmem>> -> memref<128xi32, #tpu.memory_space<vmem>>
        %dma_wait3A_375 = arith.constant 0 : i32
        %dma_wait3A_376 = arith.constant 0 : i32
        %dma_wait3A_377 = tpu.memref_slice %arg28[%dma_wait3A_375, %dma_wait3A_376] : memref<10112x16xf32, #tpu.memory_space<vmem_shared>> -> memref<10112x16xf32, #tpu.memory_space<vmem_shared>>
        tpu.wait_indirect_dma semaphore(%arg30 : memref<!tpu.dma_semaphore, #tpu.memory_space<semaphore_mem>>) src(%arg29 : memref<128x16xf32, #tpu.memory_space<vmem>>) dst(%dma_wait3A_377 : memref<10112x16xf32, #tpu.memory_space<vmem_shared>>)
        %dma_wait3A_378 = arith.constant 0 : i32
        %dma_wait3A_379 = arith.constant 0 : i32
        %dma_wait3A_380 = arith.constant 0 : i32
        %dma_wait3A_381 = tpu.memref_slice %arg14[%dma_wait3A_378, %dma_wait3A_379, %dma_wait3A_380] : memref<2x8x128xi32, #tpu.memory_space<vmem>> -> memref<1x1x128xi32, #tpu.memory_space<vmem>>
        %dma_wait3A_382 = tpu.memref_squeeze %dma_wait3A_381 : memref<1x1x128xi32, #tpu.memory_space<vmem>> -> memref<128xi32, #tpu.memory_space<vmem>>
        %dma_wait3A_383 = arith.constant 0 : i32
        %dma_wait3A_384 = arith.constant 0 : i32
        %dma_wait3A_385 = tpu.memref_slice %arg12[%dma_wait3A_383, %dma_wait3A_384] : memref<10112x128xbf16, #tpu.memory_space<vmem_shared>> -> memref<10112x128xbf16, #tpu.memory_space<vmem_shared>>
        tpu.wait_indirect_dma semaphore(%arg23 : memref<!tpu.dma_semaphore, #tpu.memory_space<semaphore_mem>>) src(%arg15 : memref<128x128xbf16, #tpu.memory_space<vmem>>) dst(%dma_wait3A_385 : memref<10112x128xbf16, #tpu.memory_space<vmem_shared>>)
        %add3A_386 = arith.constant 1 : i32
        %add3A_387 = arith.addi %scan3A_101, %add3A_386 : i32
        %lt3A_388 = arith.constant 20 : i32
        %lt3A_389 = arith.cmpi slt, %add3A_387, %lt3A_388 : i32
        %convert_element_type3A_390 = arith.extui %lt3A_389 : i1 to i32
        %cond3A_391 = arith.constant 0 : i32
        %cond3A_392 = arith.cmpi ne, %convert_element_type3A_390, %cond3A_391 : i32
        scf.if %cond3A_392 {
          %dma_wait3A_468 = arith.constant 0 : i32
          %dma_wait3A_469 = arith.constant 0 : i32
          %dma_wait3A_470 = arith.constant 0 : i32
          %dma_wait3A_471 = tpu.memref_slice %arg13[%dma_wait3A_468, %dma_wait3A_469, %dma_wait3A_470] : memref<2x8x128xi32, #tpu.memory_space<vmem>> -> memref<1x8x128xi32, #tpu.memory_space<vmem>>
          %dma_wait3A_472 = tpu.memref_squeeze %dma_wait3A_471 : memref<1x8x128xi32, #tpu.memory_space<vmem>> -> memref<8x128xi32, #tpu.memory_space<vmem>>
          %dma_wait3A_473 = arith.constant 0 : i32
          %dma_wait3A_474 = tpu.memref_slice %arg4[%mul3A_2, %dma_wait3A_473] : memref<2560x128xi32, #tpu.memory_space<hbm>> -> memref<8x128xi32, #tpu.memory_space<hbm>>
          %dma_wait3A_475 = arith.constant 0 : i32
          %dma_wait3A_476 = arith.constant 0 : i32
          %dma_wait3A_477 = tpu.memref_slice %arg13[%dma_wait3A_468, %dma_wait3A_475, %dma_wait3A_476] : memref<2x8x128xi32, #tpu.memory_space<vmem>> -> memref<1x8x128xi32, #tpu.memory_space<vmem>>
          %dma_wait3A_478 = tpu.memref_squeeze %dma_wait3A_477 : memref<1x8x128xi32, #tpu.memory_space<vmem>> -> memref<8x128xi32, #tpu.memory_space<vmem>>
          %dma_wait3A_479 = arith.constant 0 : i32
          %dma_wait3A_480 = tpu.memref_slice %arg4[%mul3A_2, %dma_wait3A_479] : memref<2560x128xi32, #tpu.memory_space<hbm>> -> memref<8x128xi32, #tpu.memory_space<hbm>>
          tpu.wait_dma2 semaphore(%arg27 : memref<!tpu.dma_semaphore, #tpu.memory_space<semaphore_mem>>) src(%dma_wait3A_480 : memref<8x128xi32, #tpu.memory_space<hbm>>) dst(%dma_wait3A_478 : memref<8x128xi32, #tpu.memory_space<vmem>>)
          %dma_wait3A_481 = arith.constant 0 : i32
          %dma_wait3A_482 = arith.constant 0 : i32
          %dma_wait3A_483 = arith.constant 0 : i32
          %dma_wait3A_484 = tpu.memref_slice %arg13[%dma_wait3A_481, %dma_wait3A_482, %dma_wait3A_483] : memref<2x8x128xi32, #tpu.memory_space<vmem>> -> memref<1x8x128xi32, #tpu.memory_space<vmem>>
          %dma_wait3A_485 = tpu.memref_squeeze %dma_wait3A_484 : memref<1x8x128xi32, #tpu.memory_space<vmem>> -> memref<8x128xi32, #tpu.memory_space<vmem>>
          %dma_wait3A_486 = arith.constant 0 : i32
          %dma_wait3A_487 = tpu.memref_slice %arg4[%mul3A_2, %dma_wait3A_486] : memref<2560x128xi32, #tpu.memory_space<hbm>> -> memref<8x128xi32, #tpu.memory_space<hbm>>
          %dma_wait3A_488 = arith.constant 0 : i32
          %dma_wait3A_489 = arith.constant 0 : i32
          %dma_wait3A_490 = tpu.memref_slice %arg13[%dma_wait3A_481, %dma_wait3A_488, %dma_wait3A_489] : memref<2x8x128xi32, #tpu.memory_space<vmem>> -> memref<1x8x128xi32, #tpu.memory_space<vmem>>
          %dma_wait3A_491 = tpu.memref_squeeze %dma_wait3A_490 : memref<1x8x128xi32, #tpu.memory_space<vmem>> -> memref<8x128xi32, #tpu.memory_space<vmem>>
          %dma_wait3A_492 = arith.constant 0 : i32
          %dma_wait3A_493 = tpu.memref_slice %arg4[%mul3A_2, %dma_wait3A_492] : memref<2560x128xi32, #tpu.memory_space<hbm>> -> memref<8x128xi32, #tpu.memory_space<hbm>>
          tpu.wait_dma2 semaphore(%arg27 : memref<!tpu.dma_semaphore, #tpu.memory_space<semaphore_mem>>) src(%dma_wait3A_493 : memref<8x128xi32, #tpu.memory_space<hbm>>) dst(%dma_wait3A_491 : memref<8x128xi32, #tpu.memory_space<vmem>>)
          %dma_start3A_494 = arith.constant 0 : i32
          %dma_start3A_495 = arith.constant 0 : i32
          %dma_start3A_496 = tpu.memref_slice %arg13[%rem3A_106, %dma_start3A_494, %dma_start3A_495] : memref<2x8x128xi32, #tpu.memory_space<vmem>> -> memref<1x1x128xi32, #tpu.memory_space<vmem>>
          %dma_start3A_497 = tpu.memref_squeeze %dma_start3A_496 : memref<1x1x128xi32, #tpu.memory_space<vmem>> -> memref<128xi32, #tpu.memory_space<vmem>>
          %dma_start3A_498 = arith.constant 0 : i32
          %dma_start3A_499 = arith.constant 0 : i32
          %dma_start3A_500 = tpu.memref_slice %arg2[%dma_start3A_498, %dma_start3A_499] : memref<10000x128xbf16, #tpu.memory_space<hbm>> -> memref<10000x128xbf16, #tpu.memory_space<hbm>>
          tpu.enqueue_indirect_dma source(%dma_start3A_500 : memref<10000x128xbf16, #tpu.memory_space<hbm>>) target(%arg15 : memref<128x128xbf16, #tpu.memory_space<vmem>>) offsets(%dma_start3A_497 : memref<128xi32, #tpu.memory_space<vmem>>) semaphore(%arg19 : memref<!tpu.dma_semaphore, #tpu.memory_space<semaphore_mem>>)
        } else {
        }
        %dma_wait3A_393 = arith.constant 0 : i32
        %dma_wait3A_394 = arith.constant 0 : i32
        %dma_wait3A_395 = arith.constant 0 : i32
        %dma_wait3A_396 = tpu.memref_slice %arg13[%dma_wait3A_393, %dma_wait3A_394, %dma_wait3A_395] : memref<2x8x128xi32, #tpu.memory_space<vmem>> -> memref<1x1x128xi32, #tpu.memory_space<vmem>>
        %dma_wait3A_397 = tpu.memref_squeeze %dma_wait3A_396 : memref<1x1x128xi32, #tpu.memory_space<vmem>> -> memref<128xi32, #tpu.memory_space<vmem>>
        %dma_wait3A_398 = arith.constant 0 : i32
        %dma_wait3A_399 = arith.constant 0 : i32
        %dma_wait3A_400 = tpu.memref_slice %arg2[%dma_wait3A_398, %dma_wait3A_399] : memref<10000x128xbf16, #tpu.memory_space<hbm>> -> memref<10000x128xbf16, #tpu.memory_space<hbm>>
        tpu.wait_indirect_dma semaphore(%arg21 : memref<!tpu.dma_semaphore, #tpu.memory_space<semaphore_mem>>) src(%dma_wait3A_400 : memref<10000x128xbf16, #tpu.memory_space<hbm>>) dst(%arg17 : memref<128x128xbf16, #tpu.memory_space<vmem>>)
        %dma_start3A_401 = arith.constant 6 : i32
        %dma_start3A_402 = arith.constant 0 : i32
        %dma_start3A_403 = tpu.memref_slice %arg14[%rem3A_102, %dma_start3A_401, %dma_start3A_402] : memref<2x8x128xi32, #tpu.memory_space<vmem>> -> memref<1x1x128xi32, #tpu.memory_space<vmem>>
        %dma_start3A_404 = tpu.memref_squeeze %dma_start3A_403 : memref<1x1x128xi32, #tpu.memory_space<vmem>> -> memref<128xi32, #tpu.memory_space<vmem>>
        %dma_start3A_405 = arith.constant 0 : i32
        %dma_start3A_406 = arith.constant 0 : i32
        %dma_start3A_407 = tpu.memref_slice %arg12[%dma_start3A_405, %dma_start3A_406] : memref<10112x128xbf16, #tpu.memory_space<vmem_shared>> -> memref<10112x128xbf16, #tpu.memory_space<vmem_shared>>
        tpu.enqueue_indirect_dma source(%arg17 : memref<128x128xbf16, #tpu.memory_space<vmem>>) target(%dma_start3A_407 : memref<10112x128xbf16, #tpu.memory_space<vmem_shared>>) offsets(%dma_start3A_404 : memref<128xi32, #tpu.memory_space<vmem>>) semaphore(%arg25 : memref<!tpu.dma_semaphore, #tpu.memory_space<semaphore_mem>>) {add = true}
        %dma_start3A_408 = arith.constant 6 : i32
        %dma_start3A_409 = arith.constant 0 : i32
        %dma_start3A_410 = tpu.memref_slice %arg14[%rem3A_102, %dma_start3A_408, %dma_start3A_409] : memref<2x8x128xi32, #tpu.memory_space<vmem>> -> memref<1x1x128xi32, #tpu.memory_space<vmem>>
        %dma_start3A_411 = tpu.memref_squeeze %dma_start3A_410 : memref<1x1x128xi32, #tpu.memory_space<vmem>> -> memref<128xi32, #tpu.memory_space<vmem>>
        %dma_start3A_412 = arith.constant 0 : i32
        %dma_start3A_413 = arith.constant 0 : i32
        %dma_start3A_414 = tpu.memref_slice %arg28[%dma_start3A_412, %dma_start3A_413] : memref<10112x16xf32, #tpu.memory_space<vmem_shared>> -> memref<10112x16xf32, #tpu.memory_space<vmem_shared>>
        tpu.enqueue_indirect_dma source(%arg29 : memref<128x16xf32, #tpu.memory_space<vmem>>) target(%dma_start3A_414 : memref<10112x16xf32, #tpu.memory_space<vmem_shared>>) offsets(%dma_start3A_411 : memref<128xi32, #tpu.memory_space<vmem>>) semaphore(%arg30 : memref<!tpu.dma_semaphore, #tpu.memory_space<semaphore_mem>>) {add = true}
        %dma_wait3A_415 = arith.constant 0 : i32
        %dma_wait3A_416 = arith.constant 0 : i32
        %dma_wait3A_417 = arith.constant 0 : i32
        %dma_wait3A_418 = tpu.memref_slice %arg14[%dma_wait3A_415, %dma_wait3A_416, %dma_wait3A_417] : memref<2x8x128xi32, #tpu.memory_space<vmem>> -> memref<1x1x128xi32, #tpu.memory_space<vmem>>
        %dma_wait3A_419 = tpu.memref_squeeze %dma_wait3A_418 : memref<1x1x128xi32, #tpu.memory_space<vmem>> -> memref<128xi32, #tpu.memory_space<vmem>>
        %dma_wait3A_420 = arith.constant 0 : i32
        %dma_wait3A_421 = arith.constant 0 : i32
        %dma_wait3A_422 = tpu.memref_slice %arg28[%dma_wait3A_420, %dma_wait3A_421] : memref<10112x16xf32, #tpu.memory_space<vmem_shared>> -> memref<10112x16xf32, #tpu.memory_space<vmem_shared>>
        tpu.wait_indirect_dma semaphore(%arg30 : memref<!tpu.dma_semaphore, #tpu.memory_space<semaphore_mem>>) src(%arg29 : memref<128x16xf32, #tpu.memory_space<vmem>>) dst(%dma_wait3A_422 : memref<10112x16xf32, #tpu.memory_space<vmem_shared>>)
        %dma_wait3A_423 = arith.constant 0 : i32
        %dma_wait3A_424 = arith.constant 0 : i32
        %dma_wait3A_425 = arith.constant 0 : i32
        %dma_wait3A_426 = tpu.memref_slice %arg14[%dma_wait3A_423, %dma_wait3A_424, %dma_wait3A_425] : memref<2x8x128xi32, #tpu.memory_space<vmem>> -> memref<1x1x128xi32, #tpu.memory_space<vmem>>
        %dma_wait3A_427 = tpu.memref_squeeze %dma_wait3A_426 : memref<1x1x128xi32, #tpu.memory_space<vmem>> -> memref<128xi32, #tpu.memory_space<vmem>>
        %dma_wait3A_428 = arith.constant 0 : i32
        %dma_wait3A_429 = arith.constant 0 : i32
        %dma_wait3A_430 = tpu.memref_slice %arg12[%dma_wait3A_428, %dma_wait3A_429] : memref<10112x128xbf16, #tpu.memory_space<vmem_shared>> -> memref<10112x128xbf16, #tpu.memory_space<vmem_shared>>
        tpu.wait_indirect_dma semaphore(%arg24 : memref<!tpu.dma_semaphore, #tpu.memory_space<semaphore_mem>>) src(%arg16 : memref<128x128xbf16, #tpu.memory_space<vmem>>) dst(%dma_wait3A_430 : memref<10112x128xbf16, #tpu.memory_space<vmem_shared>>)
        %add3A_431 = arith.constant 1 : i32
        %add3A_432 = arith.addi %scan3A_101, %add3A_431 : i32
        %lt3A_433 = arith.constant 20 : i32
        %lt3A_434 = arith.cmpi slt, %add3A_432, %lt3A_433 : i32
        %convert_element_type3A_435 = arith.extui %lt3A_434 : i1 to i32
        %cond3A_436 = arith.constant 0 : i32
        %cond3A_437 = arith.cmpi ne, %convert_element_type3A_435, %cond3A_436 : i32
        scf.if %cond3A_437 {
          %dma_start3A_468 = arith.constant 1 : i32
          %dma_start3A_469 = arith.constant 0 : i32
          %dma_start3A_470 = tpu.memref_slice %arg13[%rem3A_106, %dma_start3A_468, %dma_start3A_469] : memref<2x8x128xi32, #tpu.memory_space<vmem>> -> memref<1x1x128xi32, #tpu.memory_space<vmem>>
          %dma_start3A_471 = tpu.memref_squeeze %dma_start3A_470 : memref<1x1x128xi32, #tpu.memory_space<vmem>> -> memref<128xi32, #tpu.memory_space<vmem>>
          %dma_start3A_472 = arith.constant 0 : i32
          %dma_start3A_473 = arith.constant 0 : i32
          %dma_start3A_474 = tpu.memref_slice %arg2[%dma_start3A_472, %dma_start3A_473] : memref<10000x128xbf16, #tpu.memory_space<hbm>> -> memref<10000x128xbf16, #tpu.memory_space<hbm>>
          tpu.enqueue_indirect_dma source(%dma_start3A_474 : memref<10000x128xbf16, #tpu.memory_space<hbm>>) target(%arg16 : memref<128x128xbf16, #tpu.memory_space<vmem>>) offsets(%dma_start3A_471 : memref<128xi32, #tpu.memory_space<vmem>>) semaphore(%arg20 : memref<!tpu.dma_semaphore, #tpu.memory_space<semaphore_mem>>)
        } else {
        }
        %dma_wait3A_438 = arith.constant 0 : i32
        %dma_wait3A_439 = arith.constant 0 : i32
        %dma_wait3A_440 = arith.constant 0 : i32
        %dma_wait3A_441 = tpu.memref_slice %arg13[%dma_wait3A_438, %dma_wait3A_439, %dma_wait3A_440] : memref<2x8x128xi32, #tpu.memory_space<vmem>> -> memref<1x1x128xi32, #tpu.memory_space<vmem>>
        %dma_wait3A_442 = tpu.memref_squeeze %dma_wait3A_441 : memref<1x1x128xi32, #tpu.memory_space<vmem>> -> memref<128xi32, #tpu.memory_space<vmem>>
        %dma_wait3A_443 = arith.constant 0 : i32
        %dma_wait3A_444 = arith.constant 0 : i32
        %dma_wait3A_445 = tpu.memref_slice %arg2[%dma_wait3A_443, %dma_wait3A_444] : memref<10000x128xbf16, #tpu.memory_space<hbm>> -> memref<10000x128xbf16, #tpu.memory_space<hbm>>
        tpu.wait_indirect_dma semaphore(%arg22 : memref<!tpu.dma_semaphore, #tpu.memory_space<semaphore_mem>>) src(%dma_wait3A_445 : memref<10000x128xbf16, #tpu.memory_space<hbm>>) dst(%arg18 : memref<128x128xbf16, #tpu.memory_space<vmem>>)
        %dma_start3A_446 = arith.constant 7 : i32
        %dma_start3A_447 = arith.constant 0 : i32
        %dma_start3A_448 = tpu.memref_slice %arg14[%rem3A_102, %dma_start3A_446, %dma_start3A_447] : memref<2x8x128xi32, #tpu.memory_space<vmem>> -> memref<1x1x128xi32, #tpu.memory_space<vmem>>
        %dma_start3A_449 = tpu.memref_squeeze %dma_start3A_448 : memref<1x1x128xi32, #tpu.memory_space<vmem>> -> memref<128xi32, #tpu.memory_space<vmem>>
        %dma_start3A_450 = arith.constant 0 : i32
        %dma_start3A_451 = arith.constant 0 : i32
        %dma_start3A_452 = tpu.memref_slice %arg12[%dma_start3A_450, %dma_start3A_451] : memref<10112x128xbf16, #tpu.memory_space<vmem_shared>> -> memref<10112x128xbf16, #tpu.memory_space<vmem_shared>>
        tpu.enqueue_indirect_dma source(%arg18 : memref<128x128xbf16, #tpu.memory_space<vmem>>) target(%dma_start3A_452 : memref<10112x128xbf16, #tpu.memory_space<vmem_shared>>) offsets(%dma_start3A_449 : memref<128xi32, #tpu.memory_space<vmem>>) semaphore(%arg26 : memref<!tpu.dma_semaphore, #tpu.memory_space<semaphore_mem>>) {add = true}
        %dma_start3A_453 = arith.constant 7 : i32
        %dma_start3A_454 = arith.constant 0 : i32
        %dma_start3A_455 = tpu.memref_slice %arg14[%rem3A_102, %dma_start3A_453, %dma_start3A_454] : memref<2x8x128xi32, #tpu.memory_space<vmem>> -> memref<1x1x128xi32, #tpu.memory_space<vmem>>
        %dma_start3A_456 = tpu.memref_squeeze %dma_start3A_455 : memref<1x1x128xi32, #tpu.memory_space<vmem>> -> memref<128xi32, #tpu.memory_space<vmem>>
        %dma_start3A_457 = arith.constant 0 : i32
        %dma_start3A_458 = arith.constant 0 : i32
        %dma_start3A_459 = tpu.memref_slice %arg28[%dma_start3A_457, %dma_start3A_458] : memref<10112x16xf32, #tpu.memory_space<vmem_shared>> -> memref<10112x16xf32, #tpu.memory_space<vmem_shared>>
        tpu.enqueue_indirect_dma source(%arg29 : memref<128x16xf32, #tpu.memory_space<vmem>>) target(%dma_start3A_459 : memref<10112x16xf32, #tpu.memory_space<vmem_shared>>) offsets(%dma_start3A_456 : memref<128xi32, #tpu.memory_space<vmem>>) semaphore(%arg30 : memref<!tpu.dma_semaphore, #tpu.memory_space<semaphore_mem>>) {add = true}
        %dma_wait3A_460 = arith.constant 0 : i32
        %dma_wait3A_461 = arith.constant 0 : i32
        %dma_wait3A_462 = arith.constant 0 : i32
        %dma_wait3A_463 = tpu.memref_slice %arg14[%dma_wait3A_460, %dma_wait3A_461, %dma_wait3A_462] : memref<2x8x128xi32, #tpu.memory_space<vmem>> -> memref<1x1x128xi32, #tpu.memory_space<vmem>>
        %dma_wait3A_464 = tpu.memref_squeeze %dma_wait3A_463 : memref<1x1x128xi32, #tpu.memory_space<vmem>> -> memref<128xi32, #tpu.memory_space<vmem>>
        %dma_wait3A_465 = arith.constant 0 : i32
        %dma_wait3A_466 = arith.constant 0 : i32
        %dma_wait3A_467 = tpu.memref_slice %arg28[%dma_wait3A_465, %dma_wait3A_466] : memref<10112x16xf32, #tpu.memory_space<vmem_shared>> -> memref<10112x16xf32, #tpu.memory_space<vmem_shared>>
        tpu.wait_indirect_dma semaphore(%arg30 : memref<!tpu.dma_semaphore, #tpu.memory_space<semaphore_mem>>) src(%arg29 : memref<128x16xf32, #tpu.memory_space<vmem>>) dst(%dma_wait3A_467 : memref<10112x16xf32, #tpu.memory_space<vmem_shared>>)
      }
      %scan3A_76 = arith.constant 20 : i32
      %dma_wait3A = arith.constant 0 : i32
      %dma_wait3A_77 = arith.constant 0 : i32
      %dma_wait3A_78 = arith.constant 0 : i32
      %dma_wait3A_79 = tpu.memref_slice %arg14[%dma_wait3A, %dma_wait3A_77, %dma_wait3A_78] : memref<2x8x128xi32, #tpu.memory_space<vmem>> -> memref<1x1x128xi32, #tpu.memory_space<vmem>>
      %dma_wait3A_80 = tpu.memref_squeeze %dma_wait3A_79 : memref<1x1x128xi32, #tpu.memory_space<vmem>> -> memref<128xi32, #tpu.memory_space<vmem>>
      %dma_wait3A_81 = arith.constant 0 : i32
      %dma_wait3A_82 = arith.constant 0 : i32
      %dma_wait3A_83 = tpu.memref_slice %arg12[%dma_wait3A_81, %dma_wait3A_82] : memref<10112x128xbf16, #tpu.memory_space<vmem_shared>> -> memref<10112x128xbf16, #tpu.memory_space<vmem_shared>>
      tpu.wait_indirect_dma semaphore(%arg25 : memref<!tpu.dma_semaphore, #tpu.memory_space<semaphore_mem>>) src(%arg17 : memref<128x128xbf16, #tpu.memory_space<vmem>>) dst(%dma_wait3A_83 : memref<10112x128xbf16, #tpu.memory_space<vmem_shared>>)
      %dma_wait3A_84 = arith.constant 0 : i32
      %dma_wait3A_85 = arith.constant 0 : i32
      %dma_wait3A_86 = arith.constant 0 : i32
      %dma_wait3A_87 = tpu.memref_slice %arg14[%dma_wait3A_84, %dma_wait3A_85, %dma_wait3A_86] : memref<2x8x128xi32, #tpu.memory_space<vmem>> -> memref<1x1x128xi32, #tpu.memory_space<vmem>>
      %dma_wait3A_88 = tpu.memref_squeeze %dma_wait3A_87 : memref<1x1x128xi32, #tpu.memory_space<vmem>> -> memref<128xi32, #tpu.memory_space<vmem>>
      %dma_wait3A_89 = arith.constant 0 : i32
      %dma_wait3A_90 = arith.constant 0 : i32
      %dma_wait3A_91 = tpu.memref_slice %arg12[%dma_wait3A_89, %dma_wait3A_90] : memref<10112x128xbf16, #tpu.memory_space<vmem_shared>> -> memref<10112x128xbf16, #tpu.memory_space<vmem_shared>>
      tpu.wait_indirect_dma semaphore(%arg26 : memref<!tpu.dma_semaphore, #tpu.memory_space<semaphore_mem>>) src(%arg18 : memref<128x128xbf16, #tpu.memory_space<vmem>>) dst(%dma_wait3A_91 : memref<10112x128xbf16, #tpu.memory_space<vmem_shared>>)
      %dma_wait3A_92 = arith.constant 0 : i32
      %dma_wait3A_93 = arith.constant 0 : i32
      %dma_wait3A_94 = arith.constant 0 : i32
      %dma_wait3A_95 = tpu.memref_slice %arg14[%dma_wait3A_92, %dma_wait3A_93, %dma_wait3A_94] : memref<2x8x128xi32, #tpu.memory_space<vmem>> -> memref<1x1x128xi32, #tpu.memory_space<vmem>>
      %dma_wait3A_96 = tpu.memref_squeeze %dma_wait3A_95 : memref<1x1x128xi32, #tpu.memory_space<vmem>> -> memref<128xi32, #tpu.memory_space<vmem>>
      %dma_wait3A_97 = arith.constant 0 : i32
      %dma_wait3A_98 = arith.constant 0 : i32
      %dma_wait3A_99 = tpu.memref_slice %arg28[%dma_wait3A_97, %dma_wait3A_98] : memref<10112x16xf32, #tpu.memory_space<vmem_shared>> -> memref<10112x16xf32, #tpu.memory_space<vmem_shared>>
      tpu.wait_indirect_dma semaphore(%arg30 : memref<!tpu.dma_semaphore, #tpu.memory_space<semaphore_mem>>) src(%arg29 : memref<128x16xf32, #tpu.memory_space<vmem>>) dst(%dma_wait3A_99 : memref<10112x16xf32, #tpu.memory_space<vmem_shared>>)
      %barrier3A_100 = arith.constant 0 : index
      tpu.barrier barrier_id(%barrier3A_100)
      "tpu.region"() ({
        %run_scoped3A_101 = tpu.sem_alloc : memref<!tpu.dma_semaphore, #tpu.memory_space<semaphore_mem>>
        %dma_start3A_102 = arith.constant 0 : i32
        %dma_start3A_103 = tpu.memref_slice %arg8[%mul3A_0, %dma_start3A_102] : memref<10112x128xbf16, #tpu.memory_space<hbm>> -> memref<632x128xbf16, #tpu.memory_space<hbm>>
        %dma_start3A_104 = arith.constant 0 : i32
        %dma_start3A_105 = tpu.memref_slice %arg12[%mul3A_0, %dma_start3A_104] : memref<10112x128xbf16, #tpu.memory_space<vmem_shared>> -> memref<632x128xbf16, #tpu.memory_space<vmem_shared>>
        tpu.enqueue_dma source(%dma_start3A_105 : memref<632x128xbf16, #tpu.memory_space<vmem_shared>>) target(%dma_start3A_103 : memref<632x128xbf16, #tpu.memory_space<hbm>>) target_semaphore(%run_scoped3A_101 : memref<!tpu.dma_semaphore, #tpu.memory_space<semaphore_mem>>)
        %dma_wait3A_106 = arith.constant 0 : i32
        %dma_wait3A_107 = tpu.memref_slice %arg8[%mul3A_0, %dma_wait3A_106] : memref<10112x128xbf16, #tpu.memory_space<hbm>> -> memref<632x128xbf16, #tpu.memory_space<hbm>>
        %dma_wait3A_108 = arith.constant 0 : i32
        %dma_wait3A_109 = tpu.memref_slice %arg12[%mul3A_0, %dma_wait3A_108] : memref<10112x128xbf16, #tpu.memory_space<vmem_shared>> -> memref<632x128xbf16, #tpu.memory_space<vmem_shared>>
        tpu.wait_dma2 semaphore(%run_scoped3A_101 : memref<!tpu.dma_semaphore, #tpu.memory_space<semaphore_mem>>) src(%dma_wait3A_109 : memref<632x128xbf16, #tpu.memory_space<vmem_shared>>) dst(%dma_wait3A_107 : memref<632x128xbf16, #tpu.memory_space<hbm>>)
        tpu.yield
      }) : () -> ()
      "tpu.region"() ({
        %run_scoped3A_101 = tpu.sem_alloc : memref<!tpu.dma_semaphore, #tpu.memory_space<semaphore_mem>>
        %dma_start3A_102 = arith.constant 0 : i32
        %dma_start3A_103 = tpu.memref_slice %arg10[%mul3A_0, %dma_start3A_102] : memref<10112x16xf32, #tpu.memory_space<hbm>> -> memref<632x16xf32, #tpu.memory_space<hbm>>
        %dma_start3A_104 = arith.constant 0 : i32
        %dma_start3A_105 = tpu.memref_slice %arg28[%mul3A_0, %dma_start3A_104] : memref<10112x16xf32, #tpu.memory_space<vmem_shared>> -> memref<632x16xf32, #tpu.memory_space<vmem_shared>>
        tpu.enqueue_dma source(%dma_start3A_105 : memref<632x16xf32, #tpu.memory_space<vmem_shared>>) target(%dma_start3A_103 : memref<632x16xf32, #tpu.memory_space<hbm>>) target_semaphore(%run_scoped3A_101 : memref<!tpu.dma_semaphore, #tpu.memory_space<semaphore_mem>>)
        %dma_wait3A_106 = arith.constant 0 : i32
        %dma_wait3A_107 = tpu.memref_slice %arg10[%mul3A_0, %dma_wait3A_106] : memref<10112x16xf32, #tpu.memory_space<hbm>> -> memref<632x16xf32, #tpu.memory_space<hbm>>
        %dma_wait3A_108 = arith.constant 0 : i32
        %dma_wait3A_109 = tpu.memref_slice %arg28[%mul3A_0, %dma_wait3A_108] : memref<10112x16xf32, #tpu.memory_space<vmem_shared>> -> memref<632x16xf32, #tpu.memory_space<vmem_shared>>
        tpu.wait_dma2 semaphore(%run_scoped3A_101 : memref<!tpu.dma_semaphore, #tpu.memory_space<semaphore_mem>>) src(%dma_wait3A_109 : memref<632x16xf32, #tpu.memory_space<vmem_shared>>) dst(%dma_wait3A_107 : memref<632x16xf32, #tpu.memory_space<hbm>>)
        tpu.yield
      }) : () -> ()
    } else {
    }
    %eq3A_5 = arith.constant 1 : i32
    %eq3A_6 = arith.cmpi eq, %arg0, %eq3A_5 : i32
    %convert_element_type3A_7 = arith.extui %eq3A_6 : i1 to i32
    %cond3A_8 = arith.constant 0 : i32
    %cond3A_9 = arith.cmpi ne, %convert_element_type3A_7, %cond3A_8 : i32
    scf.if %cond3A_9 {
      %broadcast_in_dim3A = arith.constant 0.000000e+00 : f32
      %broadcast_in_dim3A_10 = vector.broadcast %broadcast_in_dim3A : f32 to vector<16xf32>
      %broadcast_in_dim3A_11 = arith.constant 0.000000e+00 : bf16
      %broadcast_in_dim3A_12 = vector.broadcast %broadcast_in_dim3A_11 : bf16 to vector<32xbf16>
      %scan3A = arith.constant 0 : i32
      %scan3A_13 = arith.constant 0 : i32
      %scan3A_14 = arith.constant 128 : i32
      %scan3A_15 = arith.addi %scan3A_13, %scan3A_14 : i32
      %scan3A_16 = arith.constant 1 : i32
      scf.for %scan3A_101 = %scan3A_13 to %scan3A_15 step %scan3A_16  : i32 {
        %scan3A_102 = arith.constant 0 : i32
        %scan3A_103 = arith.constant 4 : i32
        %scan3A_104 = arith.addi %scan3A_102, %scan3A_103 : i32
        %scan3A_105 = arith.constant 1 : i32
        scf.for %scan3A_107 = %scan3A_102 to %scan3A_104 step %scan3A_105  : i32 {
          %mul3A_108 = arith.constant 32 : i32
          %mul3A_109 = arith.muli %scan3A_107, %mul3A_108 : i32
          %swap3A = arith.index_cast %scan3A_101 : i32 to index
          %swap3A_110 = arith.index_cast %mul3A_109 : i32 to index
          %swap3A_111 = tpu.vector_load %arg15[%swap3A, %swap3A_110] {strides = array<i32>} : memref<128x128xbf16, #tpu.memory_space<vmem>>, vector<1x32xbf16>,
          %swap3A_112 = vector.shape_cast %swap3A_111 : vector<1x32xbf16> to vector<32xbf16>
          %swap3A_113 = vector.shape_cast %broadcast_in_dim3A_12 : vector<32xbf16> to vector<1x32xbf16>
          tpu.vector_store %arg15[%swap3A, %swap3A_110], %swap3A_113 {strides = array<i32>} : memref<128x128xbf16, #tpu.memory_space<vmem>>, vector<1x32xbf16>,
        }
        %scan3A_106 = arith.constant 4 : i32
      }
      %scan3A_17 = arith.constant 128 : i32
      %add3A = arith.constant 0 : i32
      %add3A_18 = arith.addi %mul3A_0, %add3A : i32
      "tpu.region"() ({
        %run_scoped3A_101 = tpu.sem_alloc : memref<!tpu.dma_semaphore, #tpu.memory_space<semaphore_mem>>
        %dma_start3A_102 = arith.constant 0 : i32
        %dma_start3A_103 = tpu.memref_slice %arg12[%add3A_18, %dma_start3A_102] : memref<10112x128xbf16, #tpu.memory_space<vmem_shared>> -> memref<128x128xbf16, #tpu.memory_space<vmem_shared>>
        %dma_start3A_104 = arith.constant 0 : i32
        %dma_start3A_105 = tpu.memref_slice %arg12[%add3A_18, %dma_start3A_104] : memref<10112x128xbf16, #tpu.memory_space<vmem_shared>> -> memref<128x128xbf16, #tpu.memory_space<vmem_shared>>
        tpu.enqueue_dma source(%arg15 : memref<128x128xbf16, #tpu.memory_space<vmem>>) target(%dma_start3A_105 : memref<128x128xbf16, #tpu.memory_space<vmem_shared>>) target_semaphore(%run_scoped3A_101 : memref<!tpu.dma_semaphore, #tpu.memory_space<semaphore_mem>>)
        %dma_wait3A_106 = arith.constant 0 : i32
        %dma_wait3A_107 = tpu.memref_slice %arg12[%add3A_18, %dma_wait3A_106] : memref<10112x128xbf16, #tpu.memory_space<vmem_shared>> -> memref<128x128xbf16, #tpu.memory_space<vmem_shared>>
        %dma_wait3A_108 = arith.constant 0 : i32
        %dma_wait3A_109 = tpu.memref_slice %arg12[%add3A_18, %dma_wait3A_108] : memref<10112x128xbf16, #tpu.memory_space<vmem_shared>> -> memref<128x128xbf16, #tpu.memory_space<vmem_shared>>
        tpu.wait_dma2 semaphore(%run_scoped3A_101 : memref<!tpu.dma_semaphore, #tpu.memory_space<semaphore_mem>>) src(%arg15 : memref<128x128xbf16, #tpu.memory_space<vmem>>) dst(%dma_wait3A_109 : memref<128x128xbf16, #tpu.memory_space<vmem_shared>>)
        tpu.yield
      }) : () -> ()
      %add3A_19 = arith.constant 128 : i32
      %add3A_20 = arith.addi %mul3A_0, %add3A_19 : i32
      "tpu.region"() ({
        %run_scoped3A_101 = tpu.sem_alloc : memref<!tpu.dma_semaphore, #tpu.memory_space<semaphore_mem>>
        %dma_start3A_102 = arith.constant 0 : i32
        %dma_start3A_103 = tpu.memref_slice %arg12[%add3A_20, %dma_start3A_102] : memref<10112x128xbf16, #tpu.memory_space<vmem_shared>> -> memref<128x128xbf16, #tpu.memory_space<vmem_shared>>
        %dma_start3A_104 = arith.constant 0 : i32
        %dma_start3A_105 = tpu.memref_slice %arg12[%add3A_20, %dma_start3A_104] : memref<10112x128xbf16, #tpu.memory_space<vmem_shared>> -> memref<128x128xbf16, #tpu.memory_space<vmem_shared>>
        tpu.enqueue_dma source(%arg15 : memref<128x128xbf16, #tpu.memory_space<vmem>>) target(%dma_start3A_105 : memref<128x128xbf16, #tpu.memory_space<vmem_shared>>) target_semaphore(%run_scoped3A_101 : memref<!tpu.dma_semaphore, #tpu.memory_space<semaphore_mem>>)
        %dma_wait3A_106 = arith.constant 0 : i32
        %dma_wait3A_107 = tpu.memref_slice %arg12[%add3A_20, %dma_wait3A_106] : memref<10112x128xbf16, #tpu.memory_space<vmem_shared>> -> memref<128x128xbf16, #tpu.memory_space<vmem_shared>>
        %dma_wait3A_108 = arith.constant 0 : i32
        %dma_wait3A_109 = tpu.memref_slice %arg12[%add3A_20, %dma_wait3A_108] : memref<10112x128xbf16, #tpu.memory_space<vmem_shared>> -> memref<128x128xbf16, #tpu.memory_space<vmem_shared>>
        tpu.wait_dma2 semaphore(%run_scoped3A_101 : memref<!tpu.dma_semaphore, #tpu.memory_space<semaphore_mem>>) src(%arg15 : memref<128x128xbf16, #tpu.memory_space<vmem>>) dst(%dma_wait3A_109 : memref<128x128xbf16, #tpu.memory_space<vmem_shared>>)
        tpu.yield
      }) : () -> ()
      %add3A_21 = arith.constant 256 : i32
      %add3A_22 = arith.addi %mul3A_0, %add3A_21 : i32
      "tpu.region"() ({
        %run_scoped3A_101 = tpu.sem_alloc : memref<!tpu.dma_semaphore, #tpu.memory_space<semaphore_mem>>
        %dma_start3A_102 = arith.constant 0 : i32
        %dma_start3A_103 = tpu.memref_slice %arg12[%add3A_22, %dma_start3A_102] : memref<10112x128xbf16, #tpu.memory_space<vmem_shared>> -> memref<128x128xbf16, #tpu.memory_space<vmem_shared>>
        %dma_start3A_104 = arith.constant 0 : i32
        %dma_start3A_105 = tpu.memref_slice %arg12[%add3A_22, %dma_start3A_104] : memref<10112x128xbf16, #tpu.memory_space<vmem_shared>> -> memref<128x128xbf16, #tpu.memory_space<vmem_shared>>
        tpu.enqueue_dma source(%arg15 : memref<128x128xbf16, #tpu.memory_space<vmem>>) target(%dma_start3A_105 : memref<128x128xbf16, #tpu.memory_space<vmem_shared>>) target_semaphore(%run_scoped3A_101 : memref<!tpu.dma_semaphore, #tpu.memory_space<semaphore_mem>>)
        %dma_wait3A_106 = arith.constant 0 : i32
        %dma_wait3A_107 = tpu.memref_slice %arg12[%add3A_22, %dma_wait3A_106] : memref<10112x128xbf16, #tpu.memory_space<vmem_shared>> -> memref<128x128xbf16, #tpu.memory_space<vmem_shared>>
        %dma_wait3A_108 = arith.constant 0 : i32
        %dma_wait3A_109 = tpu.memref_slice %arg12[%add3A_22, %dma_wait3A_108] : memref<10112x128xbf16, #tpu.memory_space<vmem_shared>> -> memref<128x128xbf16, #tpu.memory_space<vmem_shared>>
        tpu.wait_dma2 semaphore(%run_scoped3A_101 : memref<!tpu.dma_semaphore, #tpu.memory_space<semaphore_mem>>) src(%arg15 : memref<128x128xbf16, #tpu.memory_space<vmem>>) dst(%dma_wait3A_109 : memref<128x128xbf16, #tpu.memory_space<vmem_shared>>)
        tpu.yield
      }) : () -> ()
      %add3A_23 = arith.constant 384 : i32
      %add3A_24 = arith.addi %mul3A_0, %add3A_23 : i32
      "tpu.region"() ({
        %run_scoped3A_101 = tpu.sem_alloc : memref<!tpu.dma_semaphore, #tpu.memory_space<semaphore_mem>>
        %dma_start3A_102 = arith.constant 0 : i32
        %dma_start3A_103 = tpu.memref_slice %arg12[%add3A_24, %dma_start3A_102] : memref<10112x128xbf16, #tpu.memory_space<vmem_shared>> -> memref<128x128xbf16, #tpu.memory_space<vmem_shared>>
        %dma_start3A_104 = arith.constant 0 : i32
        %dma_start3A_105 = tpu.memref_slice %arg12[%add3A_24, %dma_start3A_104] : memref<10112x128xbf16, #tpu.memory_space<vmem_shared>> -> memref<128x128xbf16, #tpu.memory_space<vmem_shared>>
        tpu.enqueue_dma source(%arg15 : memref<128x128xbf16, #tpu.memory_space<vmem>>) target(%dma_start3A_105 : memref<128x128xbf16, #tpu.memory_space<vmem_shared>>) target_semaphore(%run_scoped3A_101 : memref<!tpu.dma_semaphore, #tpu.memory_space<semaphore_mem>>)
        %dma_wait3A_106 = arith.constant 0 : i32
        %dma_wait3A_107 = tpu.memref_slice %arg12[%add3A_24, %dma_wait3A_106] : memref<10112x128xbf16, #tpu.memory_space<vmem_shared>> -> memref<128x128xbf16, #tpu.memory_space<vmem_shared>>
        %dma_wait3A_108 = arith.constant 0 : i32
        %dma_wait3A_109 = tpu.memref_slice %arg12[%add3A_24, %dma_wait3A_108] : memref<10112x128xbf16, #tpu.memory_space<vmem_shared>> -> memref<128x128xbf16, #tpu.memory_space<vmem_shared>>
        tpu.wait_dma2 semaphore(%run_scoped3A_101 : memref<!tpu.dma_semaphore, #tpu.memory_space<semaphore_mem>>) src(%arg15 : memref<128x128xbf16, #tpu.memory_space<vmem>>) dst(%dma_wait3A_109 : memref<128x128xbf16, #tpu.memory_space<vmem_shared>>)
        tpu.yield
      }) : () -> ()
      %add3A_25 = arith.constant 512 : i32
      %add3A_26 = arith.addi %mul3A_0, %add3A_25 : i32
      "tpu.region"() ({
        %run_scoped3A_101 = tpu.sem_alloc : memref<!tpu.dma_semaphore, #tpu.memory_space<semaphore_mem>>
        %dma_start3A_102 = arith.constant 0 : i32
        %dma_start3A_103 = arith.constant 0 : i32
        %dma_start3A_104 = tpu.memref_slice %arg15[%dma_start3A_102, %dma_start3A_103] : memref<128x128xbf16, #tpu.memory_space<vmem>> -> memref<120x128xbf16, #tpu.memory_space<vmem>>
        %dma_start3A_105 = arith.constant 0 : i32
        %dma_start3A_106 = tpu.memref_slice %arg12[%add3A_26, %dma_start3A_105] : memref<10112x128xbf16, #tpu.memory_space<vmem_shared>> -> memref<120x128xbf16, #tpu.memory_space<vmem_shared>>
        %dma_start3A_107 = arith.constant 0 : i32
        %dma_start3A_108 = tpu.memref_slice %arg12[%add3A_26, %dma_start3A_107] : memref<10112x128xbf16, #tpu.memory_space<vmem_shared>> -> memref<120x128xbf16, #tpu.memory_space<vmem_shared>>
        %dma_start3A_109 = arith.constant 0 : i32
        %dma_start3A_110 = arith.constant 0 : i32
        %dma_start3A_111 = tpu.memref_slice %arg15[%dma_start3A_109, %dma_start3A_110] : memref<128x128xbf16, #tpu.memory_space<vmem>> -> memref<120x128xbf16, #tpu.memory_space<vmem>>
        tpu.enqueue_dma source(%dma_start3A_111 : memref<120x128xbf16, #tpu.memory_space<vmem>>) target(%dma_start3A_108 : memref<120x128xbf16, #tpu.memory_space<vmem_shared>>) target_semaphore(%run_scoped3A_101 : memref<!tpu.dma_semaphore, #tpu.memory_space<semaphore_mem>>)
        %dma_wait3A_112 = arith.constant 0 : i32
        %dma_wait3A_113 = arith.constant 0 : i32
        %dma_wait3A_114 = tpu.memref_slice %arg15[%dma_wait3A_112, %dma_wait3A_113] : memref<128x128xbf16, #tpu.memory_space<vmem>> -> memref<120x128xbf16, #tpu.memory_space<vmem>>
        %dma_wait3A_115 = arith.constant 0 : i32
        %dma_wait3A_116 = tpu.memref_slice %arg12[%add3A_26, %dma_wait3A_115] : memref<10112x128xbf16, #tpu.memory_space<vmem_shared>> -> memref<120x128xbf16, #tpu.memory_space<vmem_shared>>
        %dma_wait3A_117 = arith.constant 0 : i32
        %dma_wait3A_118 = tpu.memref_slice %arg12[%add3A_26, %dma_wait3A_117] : memref<10112x128xbf16, #tpu.memory_space<vmem_shared>> -> memref<120x128xbf16, #tpu.memory_space<vmem_shared>>
        %dma_wait3A_119 = arith.constant 0 : i32
        %dma_wait3A_120 = arith.constant 0 : i32
        %dma_wait3A_121 = tpu.memref_slice %arg15[%dma_wait3A_119, %dma_wait3A_120] : memref<128x128xbf16, #tpu.memory_space<vmem>> -> memref<120x128xbf16, #tpu.memory_space<vmem>>
        tpu.wait_dma2 semaphore(%run_scoped3A_101 : memref<!tpu.dma_semaphore, #tpu.memory_space<semaphore_mem>>) src(%dma_wait3A_121 : memref<120x128xbf16, #tpu.memory_space<vmem>>) dst(%dma_wait3A_118 : memref<120x128xbf16, #tpu.memory_space<vmem_shared>>)
        tpu.yield
      }) : () -> ()
      %scan3A_27 = arith.constant 0 : i32
      %scan3A_28 = arith.constant 0 : i32
      %scan3A_29 = arith.constant 128 : i32
      %scan3A_30 = arith.addi %scan3A_28, %scan3A_29 : i32
      %scan3A_31 = arith.constant 1 : i32
      scf.for %scan3A_101 = %scan3A_28 to %scan3A_30 step %scan3A_31  : i32 {
        %swap3A = arith.index_cast %scan3A_101 : i32 to index
        %swap3A_102 = arith.constant 0 : index
        %swap3A_103 = tpu.vector_load %arg29[%swap3A, %swap3A_102] {strides = array<i32>} : memref<128x16xf32, #tpu.memory_space<vmem>>, vector<1x16xf32>,
        %swap3A_104 = vector.shape_cast %swap3A_103 : vector<1x16xf32> to vector<16xf32>
        %swap3A_105 = vector.shape_cast %broadcast_in_dim3A_10 : vector<16xf32> to vector<1x16xf32>
        tpu.vector_store %arg29[%swap3A, %swap3A_102], %swap3A_105 {strides = array<i32>} : memref<128x16xf32, #tpu.memory_space<vmem>>, vector<1x16xf32>,
      }
      %scan3A_32 = arith.constant 128 : i32
      %add3A_33 = arith.constant 0 : i32
      %add3A_34 = arith.addi %mul3A_0, %add3A_33 : i32
      "tpu.region"() ({
        %run_scoped3A_101 = tpu.sem_alloc : memref<!tpu.dma_semaphore, #tpu.memory_space<semaphore_mem>>
        %dma_start3A_102 = arith.constant 0 : i32
        %dma_start3A_103 = tpu.memref_slice %arg28[%add3A_34, %dma_start3A_102] : memref<10112x16xf32, #tpu.memory_space<vmem_shared>> -> memref<128x16xf32, #tpu.memory_space<vmem_shared>>
        %dma_start3A_104 = arith.constant 0 : i32
        %dma_start3A_105 = tpu.memref_slice %arg28[%add3A_34, %dma_start3A_104] : memref<10112x16xf32, #tpu.memory_space<vmem_shared>> -> memref<128x16xf32, #tpu.memory_space<vmem_shared>>
        tpu.enqueue_dma source(%arg29 : memref<128x16xf32, #tpu.memory_space<vmem>>) target(%dma_start3A_105 : memref<128x16xf32, #tpu.memory_space<vmem_shared>>) target_semaphore(%run_scoped3A_101 : memref<!tpu.dma_semaphore, #tpu.memory_space<semaphore_mem>>)
        %dma_wait3A_106 = arith.constant 0 : i32
        %dma_wait3A_107 = tpu.memref_slice %arg28[%add3A_34, %dma_wait3A_106] : memref<10112x16xf32, #tpu.memory_space<vmem_shared>> -> memref<128x16xf32, #tpu.memory_space<vmem_shared>>
        %dma_wait3A_108 = arith.constant 0 : i32
        %dma_wait3A_109 = tpu.memref_slice %arg28[%add3A_34, %dma_wait3A_108] : memref<10112x16xf32, #tpu.memory_space<vmem_shared>> -> memref<128x16xf32, #tpu.memory_space<vmem_shared>>
        tpu.wait_dma2 semaphore(%run_scoped3A_101 : memref<!tpu.dma_semaphore, #tpu.memory_space<semaphore_mem>>) src(%arg29 : memref<128x16xf32, #tpu.memory_space<vmem>>) dst(%dma_wait3A_109 : memref<128x16xf32, #tpu.memory_space<vmem_shared>>)
        tpu.yield
      }) : () -> ()
      %add3A_35 = arith.constant 128 : i32
      %add3A_36 = arith.addi %mul3A_0, %add3A_35 : i32
      "tpu.region"() ({
        %run_scoped3A_101 = tpu.sem_alloc : memref<!tpu.dma_semaphore, #tpu.memory_space<semaphore_mem>>
        %dma_start3A_102 = arith.constant 0 : i32
        %dma_start3A_103 = tpu.memref_slice %arg28[%add3A_36, %dma_start3A_102] : memref<10112x16xf32, #tpu.memory_space<vmem_shared>> -> memref<128x16xf32, #tpu.memory_space<vmem_shared>>
        %dma_start3A_104 = arith.constant 0 : i32
        %dma_start3A_105 = tpu.memref_slice %arg28[%add3A_36, %dma_start3A_104] : memref<10112x16xf32, #tpu.memory_space<vmem_shared>> -> memref<128x16xf32, #tpu.memory_space<vmem_shared>>
        tpu.enqueue_dma source(%arg29 : memref<128x16xf32, #tpu.memory_space<vmem>>) target(%dma_start3A_105 : memref<128x16xf32, #tpu.memory_space<vmem_shared>>) target_semaphore(%run_scoped3A_101 : memref<!tpu.dma_semaphore, #tpu.memory_space<semaphore_mem>>)
        %dma_wait3A_106 = arith.constant 0 : i32
        %dma_wait3A_107 = tpu.memref_slice %arg28[%add3A_36, %dma_wait3A_106] : memref<10112x16xf32, #tpu.memory_space<vmem_shared>> -> memref<128x16xf32, #tpu.memory_space<vmem_shared>>
        %dma_wait3A_108 = arith.constant 0 : i32
        %dma_wait3A_109 = tpu.memref_slice %arg28[%add3A_36, %dma_wait3A_108] : memref<10112x16xf32, #tpu.memory_space<vmem_shared>> -> memref<128x16xf32, #tpu.memory_space<vmem_shared>>
        tpu.wait_dma2 semaphore(%run_scoped3A_101 : memref<!tpu.dma_semaphore, #tpu.memory_space<semaphore_mem>>) src(%arg29 : memref<128x16xf32, #tpu.memory_space<vmem>>) dst(%dma_wait3A_109 : memref<128x16xf32, #tpu.memory_space<vmem_shared>>)
        tpu.yield
      }) : () -> ()
      %add3A_37 = arith.constant 256 : i32
      %add3A_38 = arith.addi %mul3A_0, %add3A_37 : i32
      "tpu.region"() ({
        %run_scoped3A_101 = tpu.sem_alloc : memref<!tpu.dma_semaphore, #tpu.memory_space<semaphore_mem>>
        %dma_start3A_102 = arith.constant 0 : i32
        %dma_start3A_103 = tpu.memref_slice %arg28[%add3A_38, %dma_start3A_102] : memref<10112x16xf32, #tpu.memory_space<vmem_shared>> -> memref<128x16xf32, #tpu.memory_space<vmem_shared>>
        %dma_start3A_104 = arith.constant 0 : i32
        %dma_start3A_105 = tpu.memref_slice %arg28[%add3A_38, %dma_start3A_104] : memref<10112x16xf32, #tpu.memory_space<vmem_shared>> -> memref<128x16xf32, #tpu.memory_space<vmem_shared>>
        tpu.enqueue_dma source(%arg29 : memref<128x16xf32, #tpu.memory_space<vmem>>) target(%dma_start3A_105 : memref<128x16xf32, #tpu.memory_space<vmem_shared>>) target_semaphore(%run_scoped3A_101 : memref<!tpu.dma_semaphore, #tpu.memory_space<semaphore_mem>>)
        %dma_wait3A_106 = arith.constant 0 : i32
        %dma_wait3A_107 = tpu.memref_slice %arg28[%add3A_38, %dma_wait3A_106] : memref<10112x16xf32, #tpu.memory_space<vmem_shared>> -> memref<128x16xf32, #tpu.memory_space<vmem_shared>>
        %dma_wait3A_108 = arith.constant 0 : i32
        %dma_wait3A_109 = tpu.memref_slice %arg28[%add3A_38, %dma_wait3A_108] : memref<10112x16xf32, #tpu.memory_space<vmem_shared>> -> memref<128x16xf32, #tpu.memory_space<vmem_shared>>
        tpu.wait_dma2 semaphore(%run_scoped3A_101 : memref<!tpu.dma_semaphore, #tpu.memory_space<semaphore_mem>>) src(%arg29 : memref<128x16xf32, #tpu.memory_space<vmem>>) dst(%dma_wait3A_109 : memref<128x16xf32, #tpu.memory_space<vmem_shared>>)
        tpu.yield
      }) : () -> ()
      %add3A_39 = arith.constant 384 : i32
      %add3A_40 = arith.addi %mul3A_0, %add3A_39 : i32
      "tpu.region"() ({
        %run_scoped3A_101 = tpu.sem_alloc : memref<!tpu.dma_semaphore, #tpu.memory_space<semaphore_mem>>
        %dma_start3A_102 = arith.constant 0 : i32
        %dma_start3A_103 = tpu.memref_slice %arg28[%add3A_40, %dma_start3A_102] : memref<10112x16xf32, #tpu.memory_space<vmem_shared>> -> memref<128x16xf32, #tpu.memory_space<vmem_shared>>
        %dma_start3A_104 = arith.constant 0 : i32
        %dma_start3A_105 = tpu.memref_slice %arg28[%add3A_40, %dma_start3A_104] : memref<10112x16xf32, #tpu.memory_space<vmem_shared>> -> memref<128x16xf32, #tpu.memory_space<vmem_shared>>
        tpu.enqueue_dma source(%arg29 : memref<128x16xf32, #tpu.memory_space<vmem>>) target(%dma_start3A_105 : memref<128x16xf32, #tpu.memory_space<vmem_shared>>) target_semaphore(%run_scoped3A_101 : memref<!tpu.dma_semaphore, #tpu.memory_space<semaphore_mem>>)
        %dma_wait3A_106 = arith.constant 0 : i32
        %dma_wait3A_107 = tpu.memref_slice %arg28[%add3A_40, %dma_wait3A_106] : memref<10112x16xf32, #tpu.memory_space<vmem_shared>> -> memref<128x16xf32, #tpu.memory_space<vmem_shared>>
        %dma_wait3A_108 = arith.constant 0 : i32
        %dma_wait3A_109 = tpu.memref_slice %arg28[%add3A_40, %dma_wait3A_108] : memref<10112x16xf32, #tpu.memory_space<vmem_shared>> -> memref<128x16xf32, #tpu.memory_space<vmem_shared>>
        tpu.wait_dma2 semaphore(%run_scoped3A_101 : memref<!tpu.dma_semaphore, #tpu.memory_space<semaphore_mem>>) src(%arg29 : memref<128x16xf32, #tpu.memory_space<vmem>>) dst(%dma_wait3A_109 : memref<128x16xf32, #tpu.memory_space<vmem_shared>>)
        tpu.yield
      }) : () -> ()
      %add3A_41 = arith.constant 512 : i32
      %add3A_42 = arith.addi %mul3A_0, %add3A_41 : i32
      "tpu.region"() ({
        %run_scoped3A_101 = tpu.sem_alloc : memref<!tpu.dma_semaphore, #tpu.memory_space<semaphore_mem>>
        %dma_start3A_102 = arith.constant 0 : i32
        %dma_start3A_103 = arith.constant 0 : i32
        %dma_start3A_104 = tpu.memref_slice %arg29[%dma_start3A_102, %dma_start3A_103] : memref<128x16xf32, #tpu.memory_space<vmem>> -> memref<120x16xf32, #tpu.memory_space<vmem>>
        %dma_start3A_105 = arith.constant 0 : i32
        %dma_start3A_106 = tpu.memref_slice %arg28[%add3A_42, %dma_start3A_105] : memref<10112x16xf32, #tpu.memory_space<vmem_shared>> -> memref<120x16xf32, #tpu.memory_space<vmem_shared>>
        %dma_start3A_107 = arith.constant 0 : i32
        %dma_start3A_108 = tpu.memref_slice %arg28[%add3A_42, %dma_start3A_107] : memref<10112x16xf32, #tpu.memory_space<vmem_shared>> -> memref<120x16xf32, #tpu.memory_space<vmem_shared>>
        %dma_start3A_109 = arith.constant 0 : i32
        %dma_start3A_110 = arith.constant 0 : i32
        %dma_start3A_111 = tpu.memref_slice %arg29[%dma_start3A_109, %dma_start3A_110] : memref<128x16xf32, #tpu.memory_space<vmem>> -> memref<120x16xf32, #tpu.memory_space<vmem>>
        tpu.enqueue_dma source(%dma_start3A_111 : memref<120x16xf32, #tpu.memory_space<vmem>>) target(%dma_start3A_108 : memref<120x16xf32, #tpu.memory_space<vmem_shared>>) target_semaphore(%run_scoped3A_101 : memref<!tpu.dma_semaphore, #tpu.memory_space<semaphore_mem>>)
        %dma_wait3A_112 = arith.constant 0 : i32
        %dma_wait3A_113 = arith.constant 0 : i32
        %dma_wait3A_114 = tpu.memref_slice %arg29[%dma_wait3A_112, %dma_wait3A_113] : memref<128x16xf32, #tpu.memory_space<vmem>> -> memref<120x16xf32, #tpu.memory_space<vmem>>
        %dma_wait3A_115 = arith.constant 0 : i32
        %dma_wait3A_116 = tpu.memref_slice %arg28[%add3A_42, %dma_wait3A_115] : memref<10112x16xf32, #tpu.memory_space<vmem_shared>> -> memref<120x16xf32, #tpu.memory_space<vmem_shared>>
        %dma_wait3A_117 = arith.constant 0 : i32
        %dma_wait3A_118 = tpu.memref_slice %arg28[%add3A_42, %dma_wait3A_117] : memref<10112x16xf32, #tpu.memory_space<vmem_shared>> -> memref<120x16xf32, #tpu.memory_space<vmem_shared>>
        %dma_wait3A_119 = arith.constant 0 : i32
        %dma_wait3A_120 = arith.constant 0 : i32
        %dma_wait3A_121 = tpu.memref_slice %arg29[%dma_wait3A_119, %dma_wait3A_120] : memref<128x16xf32, #tpu.memory_space<vmem>> -> memref<120x16xf32, #tpu.memory_space<vmem>>
        tpu.wait_dma2 semaphore(%run_scoped3A_101 : memref<!tpu.dma_semaphore, #tpu.memory_space<semaphore_mem>>) src(%dma_wait3A_121 : memref<120x16xf32, #tpu.memory_space<vmem>>) dst(%dma_wait3A_118 : memref<120x16xf32, #tpu.memory_space<vmem_shared>>)
        tpu.yield
      }) : () -> ()
      %iota3A = tpu.iota {dimensions = array<i32: 0>} : vector<16xi32>
      %eq3A_43 = arith.constant 0 : i32
      %eq3A_44 = vector.broadcast %eq3A_43 : i32 to vector<16xi32>
      %eq3A_45 = arith.cmpi eq, %iota3A, %eq3A_44 : vector<16xi32>
      %jit3A = arith.constant 1.000000e+00 : f32
      %jit3A_46 = arith.constant 0.000000e+00 : f32
      %broadcast_in_dim3A_47 = vector.broadcast %jit3A : f32 to vector<16xf32>
      %broadcast_in_dim3A_48 = vector.broadcast %jit3A_46 : f32 to vector<16xf32>
      %select_n3A = arith.select %eq3A_45, %broadcast_in_dim3A_47, %broadcast_in_dim3A_48 : vector<16xi1>, vector<16xf32>
      %scan3A_49 = arith.constant 0 : i32
      %scan3A_50 = arith.constant 0 : i32
      %scan3A_51 = arith.constant 128 : i32
      %scan3A_52 = arith.addi %scan3A_50, %scan3A_51 : i32
      %scan3A_53 = arith.constant 1 : i32
      scf.for %scan3A_101 = %scan3A_50 to %scan3A_52 step %scan3A_53  : i32 {
        %swap3A = arith.index_cast %scan3A_101 : i32 to index
        %swap3A_102 = arith.constant 0 : index
        %swap3A_103 = tpu.vector_load %arg29[%swap3A, %swap3A_102] {strides = array<i32>} : memref<128x16xf32, #tpu.memory_space<vmem>>, vector<1x16xf32>,
        %swap3A_104 = vector.shape_cast %swap3A_103 : vector<1x16xf32> to vector<16xf32>
        %swap3A_105 = vector.shape_cast %select_n3A : vector<16xf32> to vector<1x16xf32>
        tpu.vector_store %arg29[%swap3A, %swap3A_102], %swap3A_105 {strides = array<i32>} : memref<128x16xf32, #tpu.memory_space<vmem>>, vector<1x16xf32>,
      }
      %scan3A_54 = arith.constant 128 : i32
      %barrier3A = arith.constant 0 : index
      tpu.barrier barrier_id(%barrier3A)
      %run_scoped3A = arith.constant 0 : i32
      "tpu.region"() ({
        %run_scoped3A_101 = tpu.sem_alloc : memref<!tpu.dma_semaphore, #tpu.memory_space<semaphore_mem>>
        %dma_start3A_102 = arith.constant 0 : i32
        %dma_start3A_103 = arith.constant 0 : i32
        %dma_start3A_104 = tpu.memref_slice %arg13[%run_scoped3A, %dma_start3A_102, %dma_start3A_103] : memref<2x8x128xi32, #tpu.memory_space<vmem>> -> memref<1x8x128xi32, #tpu.memory_space<vmem>>
        %dma_start3A_105 = tpu.memref_squeeze %dma_start3A_104 : memref<1x8x128xi32, #tpu.memory_space<vmem>> -> memref<8x128xi32, #tpu.memory_space<vmem>>
        %dma_start3A_106 = arith.constant 0 : i32
        %dma_start3A_107 = tpu.memref_slice %arg6[%mul3A_2, %dma_start3A_106] : memref<2560x128xi32, #tpu.memory_space<hbm>> -> memref<8x128xi32, #tpu.memory_space<hbm>>
        %dma_start3A_108 = arith.constant 0 : i32
        %dma_start3A_109 = arith.constant 0 : i32
        %dma_start3A_110 = tpu.memref_slice %arg13[%run_scoped3A, %dma_start3A_108, %dma_start3A_109] : memref<2x8x128xi32, #tpu.memory_space<vmem>> -> memref<1x8x128xi32, #tpu.memory_space<vmem>>
        %dma_start3A_111 = tpu.memref_squeeze %dma_start3A_110 : memref<1x8x128xi32, #tpu.memory_space<vmem>> -> memref<8x128xi32, #tpu.memory_space<vmem>>
        %dma_start3A_112 = arith.constant 0 : i32
        %dma_start3A_113 = tpu.memref_slice %arg6[%mul3A_2, %dma_start3A_112] : memref<2560x128xi32, #tpu.memory_space<hbm>> -> memref<8x128xi32, #tpu.memory_space<hbm>>
        tpu.enqueue_dma source(%dma_start3A_113 : memref<8x128xi32, #tpu.memory_space<hbm>>) target(%dma_start3A_111 : memref<8x128xi32, #tpu.memory_space<vmem>>) target_semaphore(%run_scoped3A_101 : memref<!tpu.dma_semaphore, #tpu.memory_space<semaphore_mem>>)
        %dma_wait3A_114 = arith.constant 0 : i32
        %dma_wait3A_115 = arith.constant 0 : i32
        %dma_wait3A_116 = tpu.memref_slice %arg13[%run_scoped3A, %dma_wait3A_114, %dma_wait3A_115] : memref<2x8x128xi32, #tpu.memory_space<vmem>> -> memref<1x8x128xi32, #tpu.memory_space<vmem>>
        %dma_wait3A_117 = tpu.memref_squeeze %dma_wait3A_116 : memref<1x8x128xi32, #tpu.memory_space<vmem>> -> memref<8x128xi32, #tpu.memory_space<vmem>>
        %dma_wait3A_118 = arith.constant 0 : i32
        %dma_wait3A_119 = tpu.memref_slice %arg6[%mul3A_2, %dma_wait3A_118] : memref<2560x128xi32, #tpu.memory_space<hbm>> -> memref<8x128xi32, #tpu.memory_space<hbm>>
        %dma_wait3A_120 = arith.constant 0 : i32
        %dma_wait3A_121 = arith.constant 0 : i32
        %dma_wait3A_122 = tpu.memref_slice %arg13[%run_scoped3A, %dma_wait3A_120, %dma_wait3A_121] : memref<2x8x128xi32, #tpu.memory_space<vmem>> -> memref<1x8x128xi32, #tpu.memory_space<vmem>>
        %dma_wait3A_123 = tpu.memref_squeeze %dma_wait3A_122 : memref<1x8x128xi32, #tpu.memory_space<vmem>> -> memref<8x128xi32, #tpu.memory_space<vmem>>
        %dma_wait3A_124 = arith.constant 0 : i32
        %dma_wait3A_125 = tpu.memref_slice %arg6[%mul3A_2, %dma_wait3A_124] : memref<2560x128xi32, #tpu.memory_space<hbm>> -> memref<8x128xi32, #tpu.memory_space<hbm>>
        tpu.wait_dma2 semaphore(%run_scoped3A_101 : memref<!tpu.dma_semaphore, #tpu.memory_space<semaphore_mem>>) src(%dma_wait3A_125 : memref<8x128xi32, #tpu.memory_space<hbm>>) dst(%dma_wait3A_123 : memref<8x128xi32, #tpu.memory_space<vmem>>)
        tpu.yield
      }) : () -> ()
      %run_scoped3A_55 = arith.constant 0 : i32
      "tpu.region"() ({
        %run_scoped3A_101 = tpu.sem_alloc : memref<!tpu.dma_semaphore, #tpu.memory_space<semaphore_mem>>
        %dma_start3A_102 = arith.constant 0 : i32
        %dma_start3A_103 = arith.constant 0 : i32
        %dma_start3A_104 = tpu.memref_slice %arg14[%run_scoped3A_55, %dma_start3A_102, %dma_start3A_103] : memref<2x8x128xi32, #tpu.memory_space<vmem>> -> memref<1x8x128xi32, #tpu.memory_space<vmem>>
        %dma_start3A_105 = tpu.memref_squeeze %dma_start3A_104 : memref<1x8x128xi32, #tpu.memory_space<vmem>> -> memref<8x128xi32, #tpu.memory_space<vmem>>
        %dma_start3A_106 = arith.constant 0 : i32
        %dma_start3A_107 = tpu.memref_slice %arg7[%mul3A_2, %dma_start3A_106] : memref<2560x128xi32, #tpu.memory_space<hbm>> -> memref<8x128xi32, #tpu.memory_space<hbm>>
        %dma_start3A_108 = arith.constant 0 : i32
        %dma_start3A_109 = arith.constant 0 : i32
        %dma_start3A_110 = tpu.memref_slice %arg14[%run_scoped3A_55, %dma_start3A_108, %dma_start3A_109] : memref<2x8x128xi32, #tpu.memory_space<vmem>> -> memref<1x8x128xi32, #tpu.memory_space<vmem>>
        %dma_start3A_111 = tpu.memref_squeeze %dma_start3A_110 : memref<1x8x128xi32, #tpu.memory_space<vmem>> -> memref<8x128xi32, #tpu.memory_space<vmem>>
        %dma_start3A_112 = arith.constant 0 : i32
        %dma_start3A_113 = tpu.memref_slice %arg7[%mul3A_2, %dma_start3A_112] : memref<2560x128xi32, #tpu.memory_space<hbm>> -> memref<8x128xi32, #tpu.memory_space<hbm>>
        tpu.enqueue_dma source(%dma_start3A_113 : memref<8x128xi32, #tpu.memory_space<hbm>>) target(%dma_start3A_111 : memref<8x128xi32, #tpu.memory_space<vmem>>) target_semaphore(%run_scoped3A_101 : memref<!tpu.dma_semaphore, #tpu.memory_space<semaphore_mem>>)
        %dma_wait3A_114 = arith.constant 0 : i32
        %dma_wait3A_115 = arith.constant 0 : i32
        %dma_wait3A_116 = tpu.memref_slice %arg14[%run_scoped3A_55, %dma_wait3A_114, %dma_wait3A_115] : memref<2x8x128xi32, #tpu.memory_space<vmem>> -> memref<1x8x128xi32, #tpu.memory_space<vmem>>
        %dma_wait3A_117 = tpu.memref_squeeze %dma_wait3A_116 : memref<1x8x128xi32, #tpu.memory_space<vmem>> -> memref<8x128xi32, #tpu.memory_space<vmem>>
        %dma_wait3A_118 = arith.constant 0 : i32
        %dma_wait3A_119 = tpu.memref_slice %arg7[%mul3A_2, %dma_wait3A_118] : memref<2560x128xi32, #tpu.memory_space<hbm>> -> memref<8x128xi32, #tpu.memory_space<hbm>>
        %dma_wait3A_120 = arith.constant 0 : i32
        %dma_wait3A_121 = arith.constant 0 : i32
        %dma_wait3A_122 = tpu.memref_slice %arg14[%run_scoped3A_55, %dma_wait3A_120, %dma_wait3A_121] : memref<2x8x128xi32, #tpu.memory_space<vmem>> -> memref<1x8x128xi32, #tpu.memory_space<vmem>>
        %dma_wait3A_123 = tpu.memref_squeeze %dma_wait3A_122 : memref<1x8x128xi32, #tpu.memory_space<vmem>> -> memref<8x128xi32, #tpu.memory_space<vmem>>
        %dma_wait3A_124 = arith.constant 0 : i32
        %dma_wait3A_125 = tpu.memref_slice %arg7[%mul3A_2, %dma_wait3A_124] : memref<2560x128xi32, #tpu.memory_space<hbm>> -> memref<8x128xi32, #tpu.memory_space<hbm>>
        tpu.wait_dma2 semaphore(%run_scoped3A_101 : memref<!tpu.dma_semaphore, #tpu.memory_space<semaphore_mem>>) src(%dma_wait3A_125 : memref<8x128xi32, #tpu.memory_space<hbm>>) dst(%dma_wait3A_123 : memref<8x128xi32, #tpu.memory_space<vmem>>)
        tpu.yield
      }) : () -> ()
      %dma_start3A = arith.constant 0 : i32
      %dma_start3A_56 = arith.constant 0 : i32
      %dma_start3A_57 = arith.constant 0 : i32
      %dma_start3A_58 = tpu.memref_slice %arg13[%dma_start3A, %dma_start3A_56, %dma_start3A_57] : memref<2x8x128xi32, #tpu.memory_space<vmem>> -> memref<1x1x128xi32, #tpu.memory_space<vmem>>
      %dma_start3A_59 = tpu.memref_squeeze %dma_start3A_58 : memref<1x1x128xi32, #tpu.memory_space<vmem>> -> memref<128xi32, #tpu.memory_space<vmem>>
      %dma_start3A_60 = arith.constant 0 : i32
      %dma_start3A_61 = arith.constant 0 : i32
      %dma_start3A_62 = tpu.memref_slice %arg3[%dma_start3A_60, %dma_start3A_61] : memref<10000x128xbf16, #tpu.memory_space<hbm>> -> memref<10000x128xbf16, #tpu.memory_space<hbm>>
      tpu.enqueue_indirect_dma source(%dma_start3A_62 : memref<10000x128xbf16, #tpu.memory_space<hbm>>) target(%arg15 : memref<128x128xbf16, #tpu.memory_space<vmem>>) offsets(%dma_start3A_59 : memref<128xi32, #tpu.memory_space<vmem>>) semaphore(%arg19 : memref<!tpu.dma_semaphore, #tpu.memory_space<semaphore_mem>>)
      %dma_start3A_63 = arith.constant 0 : i32
      %dma_start3A_64 = arith.constant 1 : i32
      %dma_start3A_65 = arith.constant 0 : i32
      %dma_start3A_66 = tpu.memref_slice %arg13[%dma_start3A_63, %dma_start3A_64, %dma_start3A_65] : memref<2x8x128xi32, #tpu.memory_space<vmem>> -> memref<1x1x128xi32, #tpu.memory_space<vmem>>
      %dma_start3A_67 = tpu.memref_squeeze %dma_start3A_66 : memref<1x1x128xi32, #tpu.memory_space<vmem>> -> memref<128xi32, #tpu.memory_space<vmem>>
      %dma_start3A_68 = arith.constant 0 : i32
      %dma_start3A_69 = arith.constant 0 : i32
      %dma_start3A_70 = tpu.memref_slice %arg3[%dma_start3A_68, %dma_start3A_69] : memref<10000x128xbf16, #tpu.memory_space<hbm>> -> memref<10000x128xbf16, #tpu.memory_space<hbm>>
      tpu.enqueue_indirect_dma source(%dma_start3A_70 : memref<10000x128xbf16, #tpu.memory_space<hbm>>) target(%arg16 : memref<128x128xbf16, #tpu.memory_space<vmem>>) offsets(%dma_start3A_67 : memref<128xi32, #tpu.memory_space<vmem>>) semaphore(%arg20 : memref<!tpu.dma_semaphore, #tpu.memory_space<semaphore_mem>>)
      %scan3A_71 = arith.constant 0 : i32
      %scan3A_72 = arith.constant 0 : i32
      %scan3A_73 = arith.constant 20 : i32
      %scan3A_74 = arith.addi %scan3A_72, %scan3A_73 : i32
      %scan3A_75 = arith.constant 1 : i32
      scf.for %scan3A_101 = %scan3A_72 to %scan3A_74 step %scan3A_75  : i32 {
        %rem3A = arith.constant 2 : i32
        %rem3A_102 = arith.remsi %scan3A_101, %rem3A : i32
        %add3A_103 = arith.constant 1 : i32
        %add3A_104 = arith.addi %scan3A_101, %add3A_103 : i32
        %rem3A_105 = arith.constant 2 : i32
        %rem3A_106 = arith.remsi %add3A_104, %rem3A_105 : i32
        %add3A_107 = arith.constant 1 : i32
        %add3A_108 = arith.addi %scan3A_101, %add3A_107 : i32
        %mul3A_109 = arith.constant 8 : i32
        %mul3A_110 = arith.muli %add3A_108, %mul3A_109 : i32
        %add3A_111 = arith.addi %mul3A_2, %mul3A_110 : i32
        %add3A_112 = arith.constant 1 : i32
        %add3A_113 = arith.addi %scan3A_101, %add3A_112 : i32
        %lt3A = arith.constant 20 : i32
        %lt3A_114 = arith.cmpi slt, %add3A_113, %lt3A : i32
        %convert_element_type3A_115 = arith.extui %lt3A_114 : i1 to i32
        %cond3A_116 = arith.constant 0 : i32
        %cond3A_117 = arith.cmpi ne, %convert_element_type3A_115, %cond3A_116 : i32
        scf.if %cond3A_117 {
          %dma_start3A_468 = arith.constant 0 : i32
          %dma_start3A_469 = arith.constant 0 : i32
          %dma_start3A_470 = tpu.memref_slice %arg13[%rem3A_106, %dma_start3A_468, %dma_start3A_469] : memref<2x8x128xi32, #tpu.memory_space<vmem>> -> memref<1x8x128xi32, #tpu.memory_space<vmem>>
          %dma_start3A_471 = tpu.memref_squeeze %dma_start3A_470 : memref<1x8x128xi32, #tpu.memory_space<vmem>> -> memref<8x128xi32, #tpu.memory_space<vmem>>
          %dma_start3A_472 = arith.constant 0 : i32
          %dma_start3A_473 = tpu.memref_slice %arg6[%add3A_111, %dma_start3A_472] : memref<2560x128xi32, #tpu.memory_space<hbm>> -> memref<8x128xi32, #tpu.memory_space<hbm>>
          %dma_start3A_474 = arith.constant 0 : i32
          %dma_start3A_475 = arith.constant 0 : i32
          %dma_start3A_476 = tpu.memref_slice %arg13[%rem3A_106, %dma_start3A_474, %dma_start3A_475] : memref<2x8x128xi32, #tpu.memory_space<vmem>> -> memref<1x8x128xi32, #tpu.memory_space<vmem>>
          %dma_start3A_477 = tpu.memref_squeeze %dma_start3A_476 : memref<1x8x128xi32, #tpu.memory_space<vmem>> -> memref<8x128xi32, #tpu.memory_space<vmem>>
          %dma_start3A_478 = arith.constant 0 : i32
          %dma_start3A_479 = tpu.memref_slice %arg6[%add3A_111, %dma_start3A_478] : memref<2560x128xi32, #tpu.memory_space<hbm>> -> memref<8x128xi32, #tpu.memory_space<hbm>>
          tpu.enqueue_dma source(%dma_start3A_479 : memref<8x128xi32, #tpu.memory_space<hbm>>) target(%dma_start3A_477 : memref<8x128xi32, #tpu.memory_space<vmem>>) target_semaphore(%arg27 : memref<!tpu.dma_semaphore, #tpu.memory_space<semaphore_mem>>)
          %dma_start3A_480 = arith.constant 0 : i32
          %dma_start3A_481 = arith.constant 0 : i32
          %dma_start3A_482 = tpu.memref_slice %arg14[%rem3A_106, %dma_start3A_480, %dma_start3A_481] : memref<2x8x128xi32, #tpu.memory_space<vmem>> -> memref<1x8x128xi32, #tpu.memory_space<vmem>>
          %dma_start3A_483 = tpu.memref_squeeze %dma_start3A_482 : memref<1x8x128xi32, #tpu.memory_space<vmem>> -> memref<8x128xi32, #tpu.memory_space<vmem>>
          %dma_start3A_484 = arith.constant 0 : i32
          %dma_start3A_485 = tpu.memref_slice %arg7[%add3A_111, %dma_start3A_484] : memref<2560x128xi32, #tpu.memory_space<hbm>> -> memref<8x128xi32, #tpu.memory_space<hbm>>
          %dma_start3A_486 = arith.constant 0 : i32
          %dma_start3A_487 = arith.constant 0 : i32
          %dma_start3A_488 = tpu.memref_slice %arg14[%rem3A_106, %dma_start3A_486, %dma_start3A_487] : memref<2x8x128xi32, #tpu.memory_space<vmem>> -> memref<1x8x128xi32, #tpu.memory_space<vmem>>
          %dma_start3A_489 = tpu.memref_squeeze %dma_start3A_488 : memref<1x8x128xi32, #tpu.memory_space<vmem>> -> memref<8x128xi32, #tpu.memory_space<vmem>>
          %dma_start3A_490 = arith.constant 0 : i32
          %dma_start3A_491 = tpu.memref_slice %arg7[%add3A_111, %dma_start3A_490] : memref<2560x128xi32, #tpu.memory_space<hbm>> -> memref<8x128xi32, #tpu.memory_space<hbm>>
          tpu.enqueue_dma source(%dma_start3A_491 : memref<8x128xi32, #tpu.memory_space<hbm>>) target(%dma_start3A_489 : memref<8x128xi32, #tpu.memory_space<vmem>>) target_semaphore(%arg27 : memref<!tpu.dma_semaphore, #tpu.memory_space<semaphore_mem>>)
        } else {
        }
        %gt3A = arith.constant 0 : i32
        %gt3A_118 = arith.cmpi sgt, %scan3A_101, %gt3A : i32
        %convert_element_type3A_119 = arith.extui %gt3A_118 : i1 to i32
        %cond3A_120 = arith.constant 0 : i32
        %cond3A_121 = arith.cmpi ne, %convert_element_type3A_119, %cond3A_120 : i32
        scf.if %cond3A_121 {
          %dma_wait3A_468 = arith.constant 0 : i32
          %dma_wait3A_469 = arith.constant 0 : i32
          %dma_wait3A_470 = arith.constant 0 : i32
          %dma_wait3A_471 = tpu.memref_slice %arg14[%dma_wait3A_468, %dma_wait3A_469, %dma_wait3A_470] : memref<2x8x128xi32, #tpu.memory_space<vmem>> -> memref<1x1x128xi32, #tpu.memory_space<vmem>>
          %dma_wait3A_472 = tpu.memref_squeeze %dma_wait3A_471 : memref<1x1x128xi32, #tpu.memory_space<vmem>> -> memref<128xi32, #tpu.memory_space<vmem>>
          %dma_wait3A_473 = arith.constant 0 : i32
          %dma_wait3A_474 = arith.constant 0 : i32
          %dma_wait3A_475 = tpu.memref_slice %arg12[%dma_wait3A_473, %dma_wait3A_474] : memref<10112x128xbf16, #tpu.memory_space<vmem_shared>> -> memref<10112x128xbf16, #tpu.memory_space<vmem_shared>>
          tpu.wait_indirect_dma semaphore(%arg25 : memref<!tpu.dma_semaphore, #tpu.memory_space<semaphore_mem>>) src(%arg17 : memref<128x128xbf16, #tpu.memory_space<vmem>>) dst(%dma_wait3A_475 : memref<10112x128xbf16, #tpu.memory_space<vmem_shared>>)
        } else {
        }
        %dma_start3A_122 = arith.constant 2 : i32
        %dma_start3A_123 = arith.constant 0 : i32
        %dma_start3A_124 = tpu.memref_slice %arg13[%rem3A_102, %dma_start3A_122, %dma_start3A_123] : memref<2x8x128xi32, #tpu.memory_space<vmem>> -> memref<1x1x128xi32, #tpu.memory_space<vmem>>
        %dma_start3A_125 = tpu.memref_squeeze %dma_start3A_124 : memref<1x1x128xi32, #tpu.memory_space<vmem>> -> memref<128xi32, #tpu.memory_space<vmem>>
        %dma_start3A_126 = arith.constant 0 : i32
        %dma_start3A_127 = arith.constant 0 : i32
        %dma_start3A_128 = tpu.memref_slice %arg3[%dma_start3A_126, %dma_start3A_127] : memref<10000x128xbf16, #tpu.memory_space<hbm>> -> memref<10000x128xbf16, #tpu.memory_space<hbm>>
        tpu.enqueue_indirect_dma source(%dma_start3A_128 : memref<10000x128xbf16, #tpu.memory_space<hbm>>) target(%arg17 : memref<128x128xbf16, #tpu.memory_space<vmem>>) offsets(%dma_start3A_125 : memref<128xi32, #tpu.memory_space<vmem>>) semaphore(%arg21 : memref<!tpu.dma_semaphore, #tpu.memory_space<semaphore_mem>>)
        %dma_wait3A_129 = arith.constant 0 : i32
        %dma_wait3A_130 = arith.constant 0 : i32
        %dma_wait3A_131 = arith.constant 0 : i32
        %dma_wait3A_132 = tpu.memref_slice %arg13[%dma_wait3A_129, %dma_wait3A_130, %dma_wait3A_131] : memref<2x8x128xi32, #tpu.memory_space<vmem>> -> memref<1x1x128xi32, #tpu.memory_space<vmem>>
        %dma_wait3A_133 = tpu.memref_squeeze %dma_wait3A_132 : memref<1x1x128xi32, #tpu.memory_space<vmem>> -> memref<128xi32, #tpu.memory_space<vmem>>
        %dma_wait3A_134 = arith.constant 0 : i32
        %dma_wait3A_135 = arith.constant 0 : i32
        %dma_wait3A_136 = tpu.memref_slice %arg3[%dma_wait3A_134, %dma_wait3A_135] : memref<10000x128xbf16, #tpu.memory_space<hbm>> -> memref<10000x128xbf16, #tpu.memory_space<hbm>>
        tpu.wait_indirect_dma semaphore(%arg19 : memref<!tpu.dma_semaphore, #tpu.memory_space<semaphore_mem>>) src(%dma_wait3A_136 : memref<10000x128xbf16, #tpu.memory_space<hbm>>) dst(%arg15 : memref<128x128xbf16, #tpu.memory_space<vmem>>)
        %dma_start3A_137 = arith.constant 0 : i32
        %dma_start3A_138 = arith.constant 0 : i32
        %dma_start3A_139 = tpu.memref_slice %arg14[%rem3A_102, %dma_start3A_137, %dma_start3A_138] : memref<2x8x128xi32, #tpu.memory_space<vmem>> -> memref<1x1x128xi32, #tpu.memory_space<vmem>>
        %dma_start3A_140 = tpu.memref_squeeze %dma_start3A_139 : memref<1x1x128xi32, #tpu.memory_space<vmem>> -> memref<128xi32, #tpu.memory_space<vmem>>
        %dma_start3A_141 = arith.constant 0 : i32
        %dma_start3A_142 = arith.constant 0 : i32
        %dma_start3A_143 = tpu.memref_slice %arg12[%dma_start3A_141, %dma_start3A_142] : memref<10112x128xbf16, #tpu.memory_space<vmem_shared>> -> memref<10112x128xbf16, #tpu.memory_space<vmem_shared>>
        tpu.enqueue_indirect_dma source(%arg15 : memref<128x128xbf16, #tpu.memory_space<vmem>>) target(%dma_start3A_143 : memref<10112x128xbf16, #tpu.memory_space<vmem_shared>>) offsets(%dma_start3A_140 : memref<128xi32, #tpu.memory_space<vmem>>) semaphore(%arg23 : memref<!tpu.dma_semaphore, #tpu.memory_space<semaphore_mem>>) {add = true}
        %dma_start3A_144 = arith.constant 0 : i32
        %dma_start3A_145 = arith.constant 0 : i32
        %dma_start3A_146 = tpu.memref_slice %arg14[%rem3A_102, %dma_start3A_144, %dma_start3A_145] : memref<2x8x128xi32, #tpu.memory_space<vmem>> -> memref<1x1x128xi32, #tpu.memory_space<vmem>>
        %dma_start3A_147 = tpu.memref_squeeze %dma_start3A_146 : memref<1x1x128xi32, #tpu.memory_space<vmem>> -> memref<128xi32, #tpu.memory_space<vmem>>
        %dma_start3A_148 = arith.constant 0 : i32
        %dma_start3A_149 = arith.constant 0 : i32
        %dma_start3A_150 = tpu.memref_slice %arg28[%dma_start3A_148, %dma_start3A_149] : memref<10112x16xf32, #tpu.memory_space<vmem_shared>> -> memref<10112x16xf32, #tpu.memory_space<vmem_shared>>
        tpu.enqueue_indirect_dma source(%arg29 : memref<128x16xf32, #tpu.memory_space<vmem>>) target(%dma_start3A_150 : memref<10112x16xf32, #tpu.memory_space<vmem_shared>>) offsets(%dma_start3A_147 : memref<128xi32, #tpu.memory_space<vmem>>) semaphore(%arg30 : memref<!tpu.dma_semaphore, #tpu.memory_space<semaphore_mem>>) {add = true}
        %gt3A_151 = arith.constant 0 : i32
        %gt3A_152 = arith.cmpi sgt, %scan3A_101, %gt3A_151 : i32
        %convert_element_type3A_153 = arith.extui %gt3A_152 : i1 to i32
        %cond3A_154 = arith.constant 0 : i32
        %cond3A_155 = arith.cmpi ne, %convert_element_type3A_153, %cond3A_154 : i32
        scf.if %cond3A_155 {
          %dma_wait3A_468 = arith.constant 0 : i32
          %dma_wait3A_469 = arith.constant 0 : i32
          %dma_wait3A_470 = arith.constant 0 : i32
          %dma_wait3A_471 = tpu.memref_slice %arg14[%dma_wait3A_468, %dma_wait3A_469, %dma_wait3A_470] : memref<2x8x128xi32, #tpu.memory_space<vmem>> -> memref<1x1x128xi32, #tpu.memory_space<vmem>>
          %dma_wait3A_472 = tpu.memref_squeeze %dma_wait3A_471 : memref<1x1x128xi32, #tpu.memory_space<vmem>> -> memref<128xi32, #tpu.memory_space<vmem>>
          %dma_wait3A_473 = arith.constant 0 : i32
          %dma_wait3A_474 = arith.constant 0 : i32
          %dma_wait3A_475 = tpu.memref_slice %arg28[%dma_wait3A_473, %dma_wait3A_474] : memref<10112x16xf32, #tpu.memory_space<vmem_shared>> -> memref<10112x16xf32, #tpu.memory_space<vmem_shared>>
          tpu.wait_indirect_dma semaphore(%arg30 : memref<!tpu.dma_semaphore, #tpu.memory_space<semaphore_mem>>) src(%arg29 : memref<128x16xf32, #tpu.memory_space<vmem>>) dst(%dma_wait3A_475 : memref<10112x16xf32, #tpu.memory_space<vmem_shared>>)
        } else {
        }
        %gt3A_156 = arith.constant 0 : i32
        %gt3A_157 = arith.cmpi sgt, %scan3A_101, %gt3A_156 : i32
        %convert_element_type3A_158 = arith.extui %gt3A_157 : i1 to i32
        %cond3A_159 = arith.constant 0 : i32
        %cond3A_160 = arith.cmpi ne, %convert_element_type3A_158, %cond3A_159 : i32
        scf.if %cond3A_160 {
          %dma_wait3A_468 = arith.constant 0 : i32
          %dma_wait3A_469 = arith.constant 0 : i32
          %dma_wait3A_470 = arith.constant 0 : i32
          %dma_wait3A_471 = tpu.memref_slice %arg14[%dma_wait3A_468, %dma_wait3A_469, %dma_wait3A_470] : memref<2x8x128xi32, #tpu.memory_space<vmem>> -> memref<1x1x128xi32, #tpu.memory_space<vmem>>
          %dma_wait3A_472 = tpu.memref_squeeze %dma_wait3A_471 : memref<1x1x128xi32, #tpu.memory_space<vmem>> -> memref<128xi32, #tpu.memory_space<vmem>>
          %dma_wait3A_473 = arith.constant 0 : i32
          %dma_wait3A_474 = arith.constant 0 : i32
          %dma_wait3A_475 = tpu.memref_slice %arg12[%dma_wait3A_473, %dma_wait3A_474] : memref<10112x128xbf16, #tpu.memory_space<vmem_shared>> -> memref<10112x128xbf16, #tpu.memory_space<vmem_shared>>
          tpu.wait_indirect_dma semaphore(%arg26 : memref<!tpu.dma_semaphore, #tpu.memory_space<semaphore_mem>>) src(%arg18 : memref<128x128xbf16, #tpu.memory_space<vmem>>) dst(%dma_wait3A_475 : memref<10112x128xbf16, #tpu.memory_space<vmem_shared>>)
        } else {
        }
        %dma_start3A_161 = arith.constant 3 : i32
        %dma_start3A_162 = arith.constant 0 : i32
        %dma_start3A_163 = tpu.memref_slice %arg13[%rem3A_102, %dma_start3A_161, %dma_start3A_162] : memref<2x8x128xi32, #tpu.memory_space<vmem>> -> memref<1x1x128xi32, #tpu.memory_space<vmem>>
        %dma_start3A_164 = tpu.memref_squeeze %dma_start3A_163 : memref<1x1x128xi32, #tpu.memory_space<vmem>> -> memref<128xi32, #tpu.memory_space<vmem>>
        %dma_start3A_165 = arith.constant 0 : i32
        %dma_start3A_166 = arith.constant 0 : i32
        %dma_start3A_167 = tpu.memref_slice %arg3[%dma_start3A_165, %dma_start3A_166] : memref<10000x128xbf16, #tpu.memory_space<hbm>> -> memref<10000x128xbf16, #tpu.memory_space<hbm>>
        tpu.enqueue_indirect_dma source(%dma_start3A_167 : memref<10000x128xbf16, #tpu.memory_space<hbm>>) target(%arg18 : memref<128x128xbf16, #tpu.memory_space<vmem>>) offsets(%dma_start3A_164 : memref<128xi32, #tpu.memory_space<vmem>>) semaphore(%arg22 : memref<!tpu.dma_semaphore, #tpu.memory_space<semaphore_mem>>)
        %dma_wait3A_168 = arith.constant 0 : i32
        %dma_wait3A_169 = arith.constant 0 : i32
        %dma_wait3A_170 = arith.constant 0 : i32
        %dma_wait3A_171 = tpu.memref_slice %arg13[%dma_wait3A_168, %dma_wait3A_169, %dma_wait3A_170] : memref<2x8x128xi32, #tpu.memory_space<vmem>> -> memref<1x1x128xi32, #tpu.memory_space<vmem>>
        %dma_wait3A_172 = tpu.memref_squeeze %dma_wait3A_171 : memref<1x1x128xi32, #tpu.memory_space<vmem>> -> memref<128xi32, #tpu.memory_space<vmem>>
        %dma_wait3A_173 = arith.constant 0 : i32
        %dma_wait3A_174 = arith.constant 0 : i32
        %dma_wait3A_175 = tpu.memref_slice %arg3[%dma_wait3A_173, %dma_wait3A_174] : memref<10000x128xbf16, #tpu.memory_space<hbm>> -> memref<10000x128xbf16, #tpu.memory_space<hbm>>
        tpu.wait_indirect_dma semaphore(%arg20 : memref<!tpu.dma_semaphore, #tpu.memory_space<semaphore_mem>>) src(%dma_wait3A_175 : memref<10000x128xbf16, #tpu.memory_space<hbm>>) dst(%arg16 : memref<128x128xbf16, #tpu.memory_space<vmem>>)
        %dma_start3A_176 = arith.constant 1 : i32
        %dma_start3A_177 = arith.constant 0 : i32
        %dma_start3A_178 = tpu.memref_slice %arg14[%rem3A_102, %dma_start3A_176, %dma_start3A_177] : memref<2x8x128xi32, #tpu.memory_space<vmem>> -> memref<1x1x128xi32, #tpu.memory_space<vmem>>
        %dma_start3A_179 = tpu.memref_squeeze %dma_start3A_178 : memref<1x1x128xi32, #tpu.memory_space<vmem>> -> memref<128xi32, #tpu.memory_space<vmem>>
        %dma_start3A_180 = arith.constant 0 : i32
        %dma_start3A_181 = arith.constant 0 : i32
        %dma_start3A_182 = tpu.memref_slice %arg12[%dma_start3A_180, %dma_start3A_181] : memref<10112x128xbf16, #tpu.memory_space<vmem_shared>> -> memref<10112x128xbf16, #tpu.memory_space<vmem_shared>>
        tpu.enqueue_indirect_dma source(%arg16 : memref<128x128xbf16, #tpu.memory_space<vmem>>) target(%dma_start3A_182 : memref<10112x128xbf16, #tpu.memory_space<vmem_shared>>) offsets(%dma_start3A_179 : memref<128xi32, #tpu.memory_space<vmem>>) semaphore(%arg24 : memref<!tpu.dma_semaphore, #tpu.memory_space<semaphore_mem>>) {add = true}
        %dma_start3A_183 = arith.constant 1 : i32
        %dma_start3A_184 = arith.constant 0 : i32
        %dma_start3A_185 = tpu.memref_slice %arg14[%rem3A_102, %dma_start3A_183, %dma_start3A_184] : memref<2x8x128xi32, #tpu.memory_space<vmem>> -> memref<1x1x128xi32, #tpu.memory_space<vmem>>
        %dma_start3A_186 = tpu.memref_squeeze %dma_start3A_185 : memref<1x1x128xi32, #tpu.memory_space<vmem>> -> memref<128xi32, #tpu.memory_space<vmem>>
        %dma_start3A_187 = arith.constant 0 : i32
        %dma_start3A_188 = arith.constant 0 : i32
        %dma_start3A_189 = tpu.memref_slice %arg28[%dma_start3A_187, %dma_start3A_188] : memref<10112x16xf32, #tpu.memory_space<vmem_shared>> -> memref<10112x16xf32, #tpu.memory_space<vmem_shared>>
        tpu.enqueue_indirect_dma source(%arg29 : memref<128x16xf32, #tpu.memory_space<vmem>>) target(%dma_start3A_189 : memref<10112x16xf32, #tpu.memory_space<vmem_shared>>) offsets(%dma_start3A_186 : memref<128xi32, #tpu.memory_space<vmem>>) semaphore(%arg30 : memref<!tpu.dma_semaphore, #tpu.memory_space<semaphore_mem>>) {add = true}
        %dma_wait3A_190 = arith.constant 0 : i32
        %dma_wait3A_191 = arith.constant 0 : i32
        %dma_wait3A_192 = arith.constant 0 : i32
        %dma_wait3A_193 = tpu.memref_slice %arg14[%dma_wait3A_190, %dma_wait3A_191, %dma_wait3A_192] : memref<2x8x128xi32, #tpu.memory_space<vmem>> -> memref<1x1x128xi32, #tpu.memory_space<vmem>>
        %dma_wait3A_194 = tpu.memref_squeeze %dma_wait3A_193 : memref<1x1x128xi32, #tpu.memory_space<vmem>> -> memref<128xi32, #tpu.memory_space<vmem>>
        %dma_wait3A_195 = arith.constant 0 : i32
        %dma_wait3A_196 = arith.constant 0 : i32
        %dma_wait3A_197 = tpu.memref_slice %arg28[%dma_wait3A_195, %dma_wait3A_196] : memref<10112x16xf32, #tpu.memory_space<vmem_shared>> -> memref<10112x16xf32, #tpu.memory_space<vmem_shared>>
        tpu.wait_indirect_dma semaphore(%arg30 : memref<!tpu.dma_semaphore, #tpu.memory_space<semaphore_mem>>) src(%arg29 : memref<128x16xf32, #tpu.memory_space<vmem>>) dst(%dma_wait3A_197 : memref<10112x16xf32, #tpu.memory_space<vmem_shared>>)
        %dma_wait3A_198 = arith.constant 0 : i32
        %dma_wait3A_199 = arith.constant 0 : i32
        %dma_wait3A_200 = arith.constant 0 : i32
        %dma_wait3A_201 = tpu.memref_slice %arg14[%dma_wait3A_198, %dma_wait3A_199, %dma_wait3A_200] : memref<2x8x128xi32, #tpu.memory_space<vmem>> -> memref<1x1x128xi32, #tpu.memory_space<vmem>>
        %dma_wait3A_202 = tpu.memref_squeeze %dma_wait3A_201 : memref<1x1x128xi32, #tpu.memory_space<vmem>> -> memref<128xi32, #tpu.memory_space<vmem>>
        %dma_wait3A_203 = arith.constant 0 : i32
        %dma_wait3A_204 = arith.constant 0 : i32
        %dma_wait3A_205 = tpu.memref_slice %arg12[%dma_wait3A_203, %dma_wait3A_204] : memref<10112x128xbf16, #tpu.memory_space<vmem_shared>> -> memref<10112x128xbf16, #tpu.memory_space<vmem_shared>>
        tpu.wait_indirect_dma semaphore(%arg23 : memref<!tpu.dma_semaphore, #tpu.memory_space<semaphore_mem>>) src(%arg15 : memref<128x128xbf16, #tpu.memory_space<vmem>>) dst(%dma_wait3A_205 : memref<10112x128xbf16, #tpu.memory_space<vmem_shared>>)
        %dma_start3A_206 = arith.constant 4 : i32
        %dma_start3A_207 = arith.constant 0 : i32
        %dma_start3A_208 = tpu.memref_slice %arg13[%rem3A_102, %dma_start3A_206, %dma_start3A_207] : memref<2x8x128xi32, #tpu.memory_space<vmem>> -> memref<1x1x128xi32, #tpu.memory_space<vmem>>
        %dma_start3A_209 = tpu.memref_squeeze %dma_start3A_208 : memref<1x1x128xi32, #tpu.memory_space<vmem>> -> memref<128xi32, #tpu.memory_space<vmem>>
        %dma_start3A_210 = arith.constant 0 : i32
        %dma_start3A_211 = arith.constant 0 : i32
        %dma_start3A_212 = tpu.memref_slice %arg3[%dma_start3A_210, %dma_start3A_211] : memref<10000x128xbf16, #tpu.memory_space<hbm>> -> memref<10000x128xbf16, #tpu.memory_space<hbm>>
        tpu.enqueue_indirect_dma source(%dma_start3A_212 : memref<10000x128xbf16, #tpu.memory_space<hbm>>) target(%arg15 : memref<128x128xbf16, #tpu.memory_space<vmem>>) offsets(%dma_start3A_209 : memref<128xi32, #tpu.memory_space<vmem>>) semaphore(%arg19 : memref<!tpu.dma_semaphore, #tpu.memory_space<semaphore_mem>>)
        %dma_wait3A_213 = arith.constant 0 : i32
        %dma_wait3A_214 = arith.constant 0 : i32
        %dma_wait3A_215 = arith.constant 0 : i32
        %dma_wait3A_216 = tpu.memref_slice %arg13[%dma_wait3A_213, %dma_wait3A_214, %dma_wait3A_215] : memref<2x8x128xi32, #tpu.memory_space<vmem>> -> memref<1x1x128xi32, #tpu.memory_space<vmem>>
        %dma_wait3A_217 = tpu.memref_squeeze %dma_wait3A_216 : memref<1x1x128xi32, #tpu.memory_space<vmem>> -> memref<128xi32, #tpu.memory_space<vmem>>
        %dma_wait3A_218 = arith.constant 0 : i32
        %dma_wait3A_219 = arith.constant 0 : i32
        %dma_wait3A_220 = tpu.memref_slice %arg3[%dma_wait3A_218, %dma_wait3A_219] : memref<10000x128xbf16, #tpu.memory_space<hbm>> -> memref<10000x128xbf16, #tpu.memory_space<hbm>>
        tpu.wait_indirect_dma semaphore(%arg21 : memref<!tpu.dma_semaphore, #tpu.memory_space<semaphore_mem>>) src(%dma_wait3A_220 : memref<10000x128xbf16, #tpu.memory_space<hbm>>) dst(%arg17 : memref<128x128xbf16, #tpu.memory_space<vmem>>)
        %dma_start3A_221 = arith.constant 2 : i32
        %dma_start3A_222 = arith.constant 0 : i32
        %dma_start3A_223 = tpu.memref_slice %arg14[%rem3A_102, %dma_start3A_221, %dma_start3A_222] : memref<2x8x128xi32, #tpu.memory_space<vmem>> -> memref<1x1x128xi32, #tpu.memory_space<vmem>>
        %dma_start3A_224 = tpu.memref_squeeze %dma_start3A_223 : memref<1x1x128xi32, #tpu.memory_space<vmem>> -> memref<128xi32, #tpu.memory_space<vmem>>
        %dma_start3A_225 = arith.constant 0 : i32
        %dma_start3A_226 = arith.constant 0 : i32
        %dma_start3A_227 = tpu.memref_slice %arg12[%dma_start3A_225, %dma_start3A_226] : memref<10112x128xbf16, #tpu.memory_space<vmem_shared>> -> memref<10112x128xbf16, #tpu.memory_space<vmem_shared>>
        tpu.enqueue_indirect_dma source(%arg17 : memref<128x128xbf16, #tpu.memory_space<vmem>>) target(%dma_start3A_227 : memref<10112x128xbf16, #tpu.memory_space<vmem_shared>>) offsets(%dma_start3A_224 : memref<128xi32, #tpu.memory_space<vmem>>) semaphore(%arg25 : memref<!tpu.dma_semaphore, #tpu.memory_space<semaphore_mem>>) {add = true}
        %dma_start3A_228 = arith.constant 2 : i32
        %dma_start3A_229 = arith.constant 0 : i32
        %dma_start3A_230 = tpu.memref_slice %arg14[%rem3A_102, %dma_start3A_228, %dma_start3A_229] : memref<2x8x128xi32, #tpu.memory_space<vmem>> -> memref<1x1x128xi32, #tpu.memory_space<vmem>>
        %dma_start3A_231 = tpu.memref_squeeze %dma_start3A_230 : memref<1x1x128xi32, #tpu.memory_space<vmem>> -> memref<128xi32, #tpu.memory_space<vmem>>
        %dma_start3A_232 = arith.constant 0 : i32
        %dma_start3A_233 = arith.constant 0 : i32
        %dma_start3A_234 = tpu.memref_slice %arg28[%dma_start3A_232, %dma_start3A_233] : memref<10112x16xf32, #tpu.memory_space<vmem_shared>> -> memref<10112x16xf32, #tpu.memory_space<vmem_shared>>
        tpu.enqueue_indirect_dma source(%arg29 : memref<128x16xf32, #tpu.memory_space<vmem>>) target(%dma_start3A_234 : memref<10112x16xf32, #tpu.memory_space<vmem_shared>>) offsets(%dma_start3A_231 : memref<128xi32, #tpu.memory_space<vmem>>) semaphore(%arg30 : memref<!tpu.dma_semaphore, #tpu.memory_space<semaphore_mem>>) {add = true}
        %dma_wait3A_235 = arith.constant 0 : i32
        %dma_wait3A_236 = arith.constant 0 : i32
        %dma_wait3A_237 = arith.constant 0 : i32
        %dma_wait3A_238 = tpu.memref_slice %arg14[%dma_wait3A_235, %dma_wait3A_236, %dma_wait3A_237] : memref<2x8x128xi32, #tpu.memory_space<vmem>> -> memref<1x1x128xi32, #tpu.memory_space<vmem>>
        %dma_wait3A_239 = tpu.memref_squeeze %dma_wait3A_238 : memref<1x1x128xi32, #tpu.memory_space<vmem>> -> memref<128xi32, #tpu.memory_space<vmem>>
        %dma_wait3A_240 = arith.constant 0 : i32
        %dma_wait3A_241 = arith.constant 0 : i32
        %dma_wait3A_242 = tpu.memref_slice %arg28[%dma_wait3A_240, %dma_wait3A_241] : memref<10112x16xf32, #tpu.memory_space<vmem_shared>> -> memref<10112x16xf32, #tpu.memory_space<vmem_shared>>
        tpu.wait_indirect_dma semaphore(%arg30 : memref<!tpu.dma_semaphore, #tpu.memory_space<semaphore_mem>>) src(%arg29 : memref<128x16xf32, #tpu.memory_space<vmem>>) dst(%dma_wait3A_242 : memref<10112x16xf32, #tpu.memory_space<vmem_shared>>)
        %dma_wait3A_243 = arith.constant 0 : i32
        %dma_wait3A_244 = arith.constant 0 : i32
        %dma_wait3A_245 = arith.constant 0 : i32
        %dma_wait3A_246 = tpu.memref_slice %arg14[%dma_wait3A_243, %dma_wait3A_244, %dma_wait3A_245] : memref<2x8x128xi32, #tpu.memory_space<vmem>> -> memref<1x1x128xi32, #tpu.memory_space<vmem>>
        %dma_wait3A_247 = tpu.memref_squeeze %dma_wait3A_246 : memref<1x1x128xi32, #tpu.memory_space<vmem>> -> memref<128xi32, #tpu.memory_space<vmem>>
        %dma_wait3A_248 = arith.constant 0 : i32
        %dma_wait3A_249 = arith.constant 0 : i32
        %dma_wait3A_250 = tpu.memref_slice %arg12[%dma_wait3A_248, %dma_wait3A_249] : memref<10112x128xbf16, #tpu.memory_space<vmem_shared>> -> memref<10112x128xbf16, #tpu.memory_space<vmem_shared>>
        tpu.wait_indirect_dma semaphore(%arg24 : memref<!tpu.dma_semaphore, #tpu.memory_space<semaphore_mem>>) src(%arg16 : memref<128x128xbf16, #tpu.memory_space<vmem>>) dst(%dma_wait3A_250 : memref<10112x128xbf16, #tpu.memory_space<vmem_shared>>)
        %dma_start3A_251 = arith.constant 5 : i32
        %dma_start3A_252 = arith.constant 0 : i32
        %dma_start3A_253 = tpu.memref_slice %arg13[%rem3A_102, %dma_start3A_251, %dma_start3A_252] : memref<2x8x128xi32, #tpu.memory_space<vmem>> -> memref<1x1x128xi32, #tpu.memory_space<vmem>>
        %dma_start3A_254 = tpu.memref_squeeze %dma_start3A_253 : memref<1x1x128xi32, #tpu.memory_space<vmem>> -> memref<128xi32, #tpu.memory_space<vmem>>
        %dma_start3A_255 = arith.constant 0 : i32
        %dma_start3A_256 = arith.constant 0 : i32
        %dma_start3A_257 = tpu.memref_slice %arg3[%dma_start3A_255, %dma_start3A_256] : memref<10000x128xbf16, #tpu.memory_space<hbm>> -> memref<10000x128xbf16, #tpu.memory_space<hbm>>
        tpu.enqueue_indirect_dma source(%dma_start3A_257 : memref<10000x128xbf16, #tpu.memory_space<hbm>>) target(%arg16 : memref<128x128xbf16, #tpu.memory_space<vmem>>) offsets(%dma_start3A_254 : memref<128xi32, #tpu.memory_space<vmem>>) semaphore(%arg20 : memref<!tpu.dma_semaphore, #tpu.memory_space<semaphore_mem>>)
        %dma_wait3A_258 = arith.constant 0 : i32
        %dma_wait3A_259 = arith.constant 0 : i32
        %dma_wait3A_260 = arith.constant 0 : i32
        %dma_wait3A_261 = tpu.memref_slice %arg13[%dma_wait3A_258, %dma_wait3A_259, %dma_wait3A_260] : memref<2x8x128xi32, #tpu.memory_space<vmem>> -> memref<1x1x128xi32, #tpu.memory_space<vmem>>
        %dma_wait3A_262 = tpu.memref_squeeze %dma_wait3A_261 : memref<1x1x128xi32, #tpu.memory_space<vmem>> -> memref<128xi32, #tpu.memory_space<vmem>>
        %dma_wait3A_263 = arith.constant 0 : i32
        %dma_wait3A_264 = arith.constant 0 : i32
        %dma_wait3A_265 = tpu.memref_slice %arg3[%dma_wait3A_263, %dma_wait3A_264] : memref<10000x128xbf16, #tpu.memory_space<hbm>> -> memref<10000x128xbf16, #tpu.memory_space<hbm>>
        tpu.wait_indirect_dma semaphore(%arg22 : memref<!tpu.dma_semaphore, #tpu.memory_space<semaphore_mem>>) src(%dma_wait3A_265 : memref<10000x128xbf16, #tpu.memory_space<hbm>>) dst(%arg18 : memref<128x128xbf16, #tpu.memory_space<vmem>>)
        %dma_start3A_266 = arith.constant 3 : i32
        %dma_start3A_267 = arith.constant 0 : i32
        %dma_start3A_268 = tpu.memref_slice %arg14[%rem3A_102, %dma_start3A_266, %dma_start3A_267] : memref<2x8x128xi32, #tpu.memory_space<vmem>> -> memref<1x1x128xi32, #tpu.memory_space<vmem>>
        %dma_start3A_269 = tpu.memref_squeeze %dma_start3A_268 : memref<1x1x128xi32, #tpu.memory_space<vmem>> -> memref<128xi32, #tpu.memory_space<vmem>>
        %dma_start3A_270 = arith.constant 0 : i32
        %dma_start3A_271 = arith.constant 0 : i32
        %dma_start3A_272 = tpu.memref_slice %arg12[%dma_start3A_270, %dma_start3A_271] : memref<10112x128xbf16, #tpu.memory_space<vmem_shared>> -> memref<10112x128xbf16, #tpu.memory_space<vmem_shared>>
        tpu.enqueue_indirect_dma source(%arg18 : memref<128x128xbf16, #tpu.memory_space<vmem>>) target(%dma_start3A_272 : memref<10112x128xbf16, #tpu.memory_space<vmem_shared>>) offsets(%dma_start3A_269 : memref<128xi32, #tpu.memory_space<vmem>>) semaphore(%arg26 : memref<!tpu.dma_semaphore, #tpu.memory_space<semaphore_mem>>) {add = true}
        %dma_start3A_273 = arith.constant 3 : i32
        %dma_start3A_274 = arith.constant 0 : i32
        %dma_start3A_275 = tpu.memref_slice %arg14[%rem3A_102, %dma_start3A_273, %dma_start3A_274] : memref<2x8x128xi32, #tpu.memory_space<vmem>> -> memref<1x1x128xi32, #tpu.memory_space<vmem>>
        %dma_start3A_276 = tpu.memref_squeeze %dma_start3A_275 : memref<1x1x128xi32, #tpu.memory_space<vmem>> -> memref<128xi32, #tpu.memory_space<vmem>>
        %dma_start3A_277 = arith.constant 0 : i32
        %dma_start3A_278 = arith.constant 0 : i32
        %dma_start3A_279 = tpu.memref_slice %arg28[%dma_start3A_277, %dma_start3A_278] : memref<10112x16xf32, #tpu.memory_space<vmem_shared>> -> memref<10112x16xf32, #tpu.memory_space<vmem_shared>>
        tpu.enqueue_indirect_dma source(%arg29 : memref<128x16xf32, #tpu.memory_space<vmem>>) target(%dma_start3A_279 : memref<10112x16xf32, #tpu.memory_space<vmem_shared>>) offsets(%dma_start3A_276 : memref<128xi32, #tpu.memory_space<vmem>>) semaphore(%arg30 : memref<!tpu.dma_semaphore, #tpu.memory_space<semaphore_mem>>) {add = true}
        %dma_wait3A_280 = arith.constant 0 : i32
        %dma_wait3A_281 = arith.constant 0 : i32
        %dma_wait3A_282 = arith.constant 0 : i32
        %dma_wait3A_283 = tpu.memref_slice %arg14[%dma_wait3A_280, %dma_wait3A_281, %dma_wait3A_282] : memref<2x8x128xi32, #tpu.memory_space<vmem>> -> memref<1x1x128xi32, #tpu.memory_space<vmem>>
        %dma_wait3A_284 = tpu.memref_squeeze %dma_wait3A_283 : memref<1x1x128xi32, #tpu.memory_space<vmem>> -> memref<128xi32, #tpu.memory_space<vmem>>
        %dma_wait3A_285 = arith.constant 0 : i32
        %dma_wait3A_286 = arith.constant 0 : i32
        %dma_wait3A_287 = tpu.memref_slice %arg28[%dma_wait3A_285, %dma_wait3A_286] : memref<10112x16xf32, #tpu.memory_space<vmem_shared>> -> memref<10112x16xf32, #tpu.memory_space<vmem_shared>>
        tpu.wait_indirect_dma semaphore(%arg30 : memref<!tpu.dma_semaphore, #tpu.memory_space<semaphore_mem>>) src(%arg29 : memref<128x16xf32, #tpu.memory_space<vmem>>) dst(%dma_wait3A_287 : memref<10112x16xf32, #tpu.memory_space<vmem_shared>>)
        %dma_wait3A_288 = arith.constant 0 : i32
        %dma_wait3A_289 = arith.constant 0 : i32
        %dma_wait3A_290 = arith.constant 0 : i32
        %dma_wait3A_291 = tpu.memref_slice %arg14[%dma_wait3A_288, %dma_wait3A_289, %dma_wait3A_290] : memref<2x8x128xi32, #tpu.memory_space<vmem>> -> memref<1x1x128xi32, #tpu.memory_space<vmem>>
        %dma_wait3A_292 = tpu.memref_squeeze %dma_wait3A_291 : memref<1x1x128xi32, #tpu.memory_space<vmem>> -> memref<128xi32, #tpu.memory_space<vmem>>
        %dma_wait3A_293 = arith.constant 0 : i32
        %dma_wait3A_294 = arith.constant 0 : i32
        %dma_wait3A_295 = tpu.memref_slice %arg12[%dma_wait3A_293, %dma_wait3A_294] : memref<10112x128xbf16, #tpu.memory_space<vmem_shared>> -> memref<10112x128xbf16, #tpu.memory_space<vmem_shared>>
        tpu.wait_indirect_dma semaphore(%arg25 : memref<!tpu.dma_semaphore, #tpu.memory_space<semaphore_mem>>) src(%arg17 : memref<128x128xbf16, #tpu.memory_space<vmem>>) dst(%dma_wait3A_295 : memref<10112x128xbf16, #tpu.memory_space<vmem_shared>>)
        %dma_start3A_296 = arith.constant 6 : i32
        %dma_start3A_297 = arith.constant 0 : i32
        %dma_start3A_298 = tpu.memref_slice %arg13[%rem3A_102, %dma_start3A_296, %dma_start3A_297] : memref<2x8x128xi32, #tpu.memory_space<vmem>> -> memref<1x1x128xi32, #tpu.memory_space<vmem>>
        %dma_start3A_299 = tpu.memref_squeeze %dma_start3A_298 : memref<1x1x128xi32, #tpu.memory_space<vmem>> -> memref<128xi32, #tpu.memory_space<vmem>>
        %dma_start3A_300 = arith.constant 0 : i32
        %dma_start3A_301 = arith.constant 0 : i32
        %dma_start3A_302 = tpu.memref_slice %arg3[%dma_start3A_300, %dma_start3A_301] : memref<10000x128xbf16, #tpu.memory_space<hbm>> -> memref<10000x128xbf16, #tpu.memory_space<hbm>>
        tpu.enqueue_indirect_dma source(%dma_start3A_302 : memref<10000x128xbf16, #tpu.memory_space<hbm>>) target(%arg17 : memref<128x128xbf16, #tpu.memory_space<vmem>>) offsets(%dma_start3A_299 : memref<128xi32, #tpu.memory_space<vmem>>) semaphore(%arg21 : memref<!tpu.dma_semaphore, #tpu.memory_space<semaphore_mem>>)
        %dma_wait3A_303 = arith.constant 0 : i32
        %dma_wait3A_304 = arith.constant 0 : i32
        %dma_wait3A_305 = arith.constant 0 : i32
        %dma_wait3A_306 = tpu.memref_slice %arg13[%dma_wait3A_303, %dma_wait3A_304, %dma_wait3A_305] : memref<2x8x128xi32, #tpu.memory_space<vmem>> -> memref<1x1x128xi32, #tpu.memory_space<vmem>>
        %dma_wait3A_307 = tpu.memref_squeeze %dma_wait3A_306 : memref<1x1x128xi32, #tpu.memory_space<vmem>> -> memref<128xi32, #tpu.memory_space<vmem>>
        %dma_wait3A_308 = arith.constant 0 : i32
        %dma_wait3A_309 = arith.constant 0 : i32
        %dma_wait3A_310 = tpu.memref_slice %arg3[%dma_wait3A_308, %dma_wait3A_309] : memref<10000x128xbf16, #tpu.memory_space<hbm>> -> memref<10000x128xbf16, #tpu.memory_space<hbm>>
        tpu.wait_indirect_dma semaphore(%arg19 : memref<!tpu.dma_semaphore, #tpu.memory_space<semaphore_mem>>) src(%dma_wait3A_310 : memref<10000x128xbf16, #tpu.memory_space<hbm>>) dst(%arg15 : memref<128x128xbf16, #tpu.memory_space<vmem>>)
        %dma_start3A_311 = arith.constant 4 : i32
        %dma_start3A_312 = arith.constant 0 : i32
        %dma_start3A_313 = tpu.memref_slice %arg14[%rem3A_102, %dma_start3A_311, %dma_start3A_312] : memref<2x8x128xi32, #tpu.memory_space<vmem>> -> memref<1x1x128xi32, #tpu.memory_space<vmem>>
        %dma_start3A_314 = tpu.memref_squeeze %dma_start3A_313 : memref<1x1x128xi32, #tpu.memory_space<vmem>> -> memref<128xi32, #tpu.memory_space<vmem>>
        %dma_start3A_315 = arith.constant 0 : i32
        %dma_start3A_316 = arith.constant 0 : i32
        %dma_start3A_317 = tpu.memref_slice %arg12[%dma_start3A_315, %dma_start3A_316] : memref<10112x128xbf16, #tpu.memory_space<vmem_shared>> -> memref<10112x128xbf16, #tpu.memory_space<vmem_shared>>
        tpu.enqueue_indirect_dma source(%arg15 : memref<128x128xbf16, #tpu.memory_space<vmem>>) target(%dma_start3A_317 : memref<10112x128xbf16, #tpu.memory_space<vmem_shared>>) offsets(%dma_start3A_314 : memref<128xi32, #tpu.memory_space<vmem>>) semaphore(%arg23 : memref<!tpu.dma_semaphore, #tpu.memory_space<semaphore_mem>>) {add = true}
        %dma_start3A_318 = arith.constant 4 : i32
        %dma_start3A_319 = arith.constant 0 : i32
        %dma_start3A_320 = tpu.memref_slice %arg14[%rem3A_102, %dma_start3A_318, %dma_start3A_319] : memref<2x8x128xi32, #tpu.memory_space<vmem>> -> memref<1x1x128xi32, #tpu.memory_space<vmem>>
        %dma_start3A_321 = tpu.memref_squeeze %dma_start3A_320 : memref<1x1x128xi32, #tpu.memory_space<vmem>> -> memref<128xi32, #tpu.memory_space<vmem>>
        %dma_start3A_322 = arith.constant 0 : i32
        %dma_start3A_323 = arith.constant 0 : i32
        %dma_start3A_324 = tpu.memref_slice %arg28[%dma_start3A_322, %dma_start3A_323] : memref<10112x16xf32, #tpu.memory_space<vmem_shared>> -> memref<10112x16xf32, #tpu.memory_space<vmem_shared>>
        tpu.enqueue_indirect_dma source(%arg29 : memref<128x16xf32, #tpu.memory_space<vmem>>) target(%dma_start3A_324 : memref<10112x16xf32, #tpu.memory_space<vmem_shared>>) offsets(%dma_start3A_321 : memref<128xi32, #tpu.memory_space<vmem>>) semaphore(%arg30 : memref<!tpu.dma_semaphore, #tpu.memory_space<semaphore_mem>>) {add = true}
        %dma_wait3A_325 = arith.constant 0 : i32
        %dma_wait3A_326 = arith.constant 0 : i32
        %dma_wait3A_327 = arith.constant 0 : i32
        %dma_wait3A_328 = tpu.memref_slice %arg14[%dma_wait3A_325, %dma_wait3A_326, %dma_wait3A_327] : memref<2x8x128xi32, #tpu.memory_space<vmem>> -> memref<1x1x128xi32, #tpu.memory_space<vmem>>
        %dma_wait3A_329 = tpu.memref_squeeze %dma_wait3A_328 : memref<1x1x128xi32, #tpu.memory_space<vmem>> -> memref<128xi32, #tpu.memory_space<vmem>>
        %dma_wait3A_330 = arith.constant 0 : i32
        %dma_wait3A_331 = arith.constant 0 : i32
        %dma_wait3A_332 = tpu.memref_slice %arg28[%dma_wait3A_330, %dma_wait3A_331] : memref<10112x16xf32, #tpu.memory_space<vmem_shared>> -> memref<10112x16xf32, #tpu.memory_space<vmem_shared>>
        tpu.wait_indirect_dma semaphore(%arg30 : memref<!tpu.dma_semaphore, #tpu.memory_space<semaphore_mem>>) src(%arg29 : memref<128x16xf32, #tpu.memory_space<vmem>>) dst(%dma_wait3A_332 : memref<10112x16xf32, #tpu.memory_space<vmem_shared>>)
        %dma_wait3A_333 = arith.constant 0 : i32
        %dma_wait3A_334 = arith.constant 0 : i32
        %dma_wait3A_335 = arith.constant 0 : i32
        %dma_wait3A_336 = tpu.memref_slice %arg14[%dma_wait3A_333, %dma_wait3A_334, %dma_wait3A_335] : memref<2x8x128xi32, #tpu.memory_space<vmem>> -> memref<1x1x128xi32, #tpu.memory_space<vmem>>
        %dma_wait3A_337 = tpu.memref_squeeze %dma_wait3A_336 : memref<1x1x128xi32, #tpu.memory_space<vmem>> -> memref<128xi32, #tpu.memory_space<vmem>>
        %dma_wait3A_338 = arith.constant 0 : i32
        %dma_wait3A_339 = arith.constant 0 : i32
        %dma_wait3A_340 = tpu.memref_slice %arg12[%dma_wait3A_338, %dma_wait3A_339] : memref<10112x128xbf16, #tpu.memory_space<vmem_shared>> -> memref<10112x128xbf16, #tpu.memory_space<vmem_shared>>
        tpu.wait_indirect_dma semaphore(%arg26 : memref<!tpu.dma_semaphore, #tpu.memory_space<semaphore_mem>>) src(%arg18 : memref<128x128xbf16, #tpu.memory_space<vmem>>) dst(%dma_wait3A_340 : memref<10112x128xbf16, #tpu.memory_space<vmem_shared>>)
        %dma_start3A_341 = arith.constant 7 : i32
        %dma_start3A_342 = arith.constant 0 : i32
        %dma_start3A_343 = tpu.memref_slice %arg13[%rem3A_102, %dma_start3A_341, %dma_start3A_342] : memref<2x8x128xi32, #tpu.memory_space<vmem>> -> memref<1x1x128xi32, #tpu.memory_space<vmem>>
        %dma_start3A_344 = tpu.memref_squeeze %dma_start3A_343 : memref<1x1x128xi32, #tpu.memory_space<vmem>> -> memref<128xi32, #tpu.memory_space<vmem>>
        %dma_start3A_345 = arith.constant 0 : i32
        %dma_start3A_346 = arith.constant 0 : i32
        %dma_start3A_347 = tpu.memref_slice %arg3[%dma_start3A_345, %dma_start3A_346] : memref<10000x128xbf16, #tpu.memory_space<hbm>> -> memref<10000x128xbf16, #tpu.memory_space<hbm>>
        tpu.enqueue_indirect_dma source(%dma_start3A_347 : memref<10000x128xbf16, #tpu.memory_space<hbm>>) target(%arg18 : memref<128x128xbf16, #tpu.memory_space<vmem>>) offsets(%dma_start3A_344 : memref<128xi32, #tpu.memory_space<vmem>>) semaphore(%arg22 : memref<!tpu.dma_semaphore, #tpu.memory_space<semaphore_mem>>)
        %dma_wait3A_348 = arith.constant 0 : i32
        %dma_wait3A_349 = arith.constant 0 : i32
        %dma_wait3A_350 = arith.constant 0 : i32
        %dma_wait3A_351 = tpu.memref_slice %arg13[%dma_wait3A_348, %dma_wait3A_349, %dma_wait3A_350] : memref<2x8x128xi32, #tpu.memory_space<vmem>> -> memref<1x1x128xi32, #tpu.memory_space<vmem>>
        %dma_wait3A_352 = tpu.memref_squeeze %dma_wait3A_351 : memref<1x1x128xi32, #tpu.memory_space<vmem>> -> memref<128xi32, #tpu.memory_space<vmem>>
        %dma_wait3A_353 = arith.constant 0 : i32
        %dma_wait3A_354 = arith.constant 0 : i32
        %dma_wait3A_355 = tpu.memref_slice %arg3[%dma_wait3A_353, %dma_wait3A_354] : memref<10000x128xbf16, #tpu.memory_space<hbm>> -> memref<10000x128xbf16, #tpu.memory_space<hbm>>
        tpu.wait_indirect_dma semaphore(%arg20 : memref<!tpu.dma_semaphore, #tpu.memory_space<semaphore_mem>>) src(%dma_wait3A_355 : memref<10000x128xbf16, #tpu.memory_space<hbm>>) dst(%arg16 : memref<128x128xbf16, #tpu.memory_space<vmem>>)
        %dma_start3A_356 = arith.constant 5 : i32
        %dma_start3A_357 = arith.constant 0 : i32
        %dma_start3A_358 = tpu.memref_slice %arg14[%rem3A_102, %dma_start3A_356, %dma_start3A_357] : memref<2x8x128xi32, #tpu.memory_space<vmem>> -> memref<1x1x128xi32, #tpu.memory_space<vmem>>
        %dma_start3A_359 = tpu.memref_squeeze %dma_start3A_358 : memref<1x1x128xi32, #tpu.memory_space<vmem>> -> memref<128xi32, #tpu.memory_space<vmem>>
        %dma_start3A_360 = arith.constant 0 : i32
        %dma_start3A_361 = arith.constant 0 : i32
        %dma_start3A_362 = tpu.memref_slice %arg12[%dma_start3A_360, %dma_start3A_361] : memref<10112x128xbf16, #tpu.memory_space<vmem_shared>> -> memref<10112x128xbf16, #tpu.memory_space<vmem_shared>>
        tpu.enqueue_indirect_dma source(%arg16 : memref<128x128xbf16, #tpu.memory_space<vmem>>) target(%dma_start3A_362 : memref<10112x128xbf16, #tpu.memory_space<vmem_shared>>) offsets(%dma_start3A_359 : memref<128xi32, #tpu.memory_space<vmem>>) semaphore(%arg24 : memref<!tpu.dma_semaphore, #tpu.memory_space<semaphore_mem>>) {add = true}
        %dma_start3A_363 = arith.constant 5 : i32
        %dma_start3A_364 = arith.constant 0 : i32
        %dma_start3A_365 = tpu.memref_slice %arg14[%rem3A_102, %dma_start3A_363, %dma_start3A_364] : memref<2x8x128xi32, #tpu.memory_space<vmem>> -> memref<1x1x128xi32, #tpu.memory_space<vmem>>
        %dma_start3A_366 = tpu.memref_squeeze %dma_start3A_365 : memref<1x1x128xi32, #tpu.memory_space<vmem>> -> memref<128xi32, #tpu.memory_space<vmem>>
        %dma_start3A_367 = arith.constant 0 : i32
        %dma_start3A_368 = arith.constant 0 : i32
        %dma_start3A_369 = tpu.memref_slice %arg28[%dma_start3A_367, %dma_start3A_368] : memref<10112x16xf32, #tpu.memory_space<vmem_shared>> -> memref<10112x16xf32, #tpu.memory_space<vmem_shared>>
        tpu.enqueue_indirect_dma source(%arg29 : memref<128x16xf32, #tpu.memory_space<vmem>>) target(%dma_start3A_369 : memref<10112x16xf32, #tpu.memory_space<vmem_shared>>) offsets(%dma_start3A_366 : memref<128xi32, #tpu.memory_space<vmem>>) semaphore(%arg30 : memref<!tpu.dma_semaphore, #tpu.memory_space<semaphore_mem>>) {add = true}
        %dma_wait3A_370 = arith.constant 0 : i32
        %dma_wait3A_371 = arith.constant 0 : i32
        %dma_wait3A_372 = arith.constant 0 : i32
        %dma_wait3A_373 = tpu.memref_slice %arg14[%dma_wait3A_370, %dma_wait3A_371, %dma_wait3A_372] : memref<2x8x128xi32, #tpu.memory_space<vmem>> -> memref<1x1x128xi32, #tpu.memory_space<vmem>>
        %dma_wait3A_374 = tpu.memref_squeeze %dma_wait3A_373 : memref<1x1x128xi32, #tpu.memory_space<vmem>> -> memref<128xi32, #tpu.memory_space<vmem>>
        %dma_wait3A_375 = arith.constant 0 : i32
        %dma_wait3A_376 = arith.constant 0 : i32
        %dma_wait3A_377 = tpu.memref_slice %arg28[%dma_wait3A_375, %dma_wait3A_376] : memref<10112x16xf32, #tpu.memory_space<vmem_shared>> -> memref<10112x16xf32, #tpu.memory_space<vmem_shared>>
        tpu.wait_indirect_dma semaphore(%arg30 : memref<!tpu.dma_semaphore, #tpu.memory_space<semaphore_mem>>) src(%arg29 : memref<128x16xf32, #tpu.memory_space<vmem>>) dst(%dma_wait3A_377 : memref<10112x16xf32, #tpu.memory_space<vmem_shared>>)
        %dma_wait3A_378 = arith.constant 0 : i32
        %dma_wait3A_379 = arith.constant 0 : i32
        %dma_wait3A_380 = arith.constant 0 : i32
        %dma_wait3A_381 = tpu.memref_slice %arg14[%dma_wait3A_378, %dma_wait3A_379, %dma_wait3A_380] : memref<2x8x128xi32, #tpu.memory_space<vmem>> -> memref<1x1x128xi32, #tpu.memory_space<vmem>>
        %dma_wait3A_382 = tpu.memref_squeeze %dma_wait3A_381 : memref<1x1x128xi32, #tpu.memory_space<vmem>> -> memref<128xi32, #tpu.memory_space<vmem>>
        %dma_wait3A_383 = arith.constant 0 : i32
        %dma_wait3A_384 = arith.constant 0 : i32
        %dma_wait3A_385 = tpu.memref_slice %arg12[%dma_wait3A_383, %dma_wait3A_384] : memref<10112x128xbf16, #tpu.memory_space<vmem_shared>> -> memref<10112x128xbf16, #tpu.memory_space<vmem_shared>>
        tpu.wait_indirect_dma semaphore(%arg23 : memref<!tpu.dma_semaphore, #tpu.memory_space<semaphore_mem>>) src(%arg15 : memref<128x128xbf16, #tpu.memory_space<vmem>>) dst(%dma_wait3A_385 : memref<10112x128xbf16, #tpu.memory_space<vmem_shared>>)
        %add3A_386 = arith.constant 1 : i32
        %add3A_387 = arith.addi %scan3A_101, %add3A_386 : i32
        %lt3A_388 = arith.constant 20 : i32
        %lt3A_389 = arith.cmpi slt, %add3A_387, %lt3A_388 : i32
        %convert_element_type3A_390 = arith.extui %lt3A_389 : i1 to i32
        %cond3A_391 = arith.constant 0 : i32
        %cond3A_392 = arith.cmpi ne, %convert_element_type3A_390, %cond3A_391 : i32
        scf.if %cond3A_392 {
          %dma_wait3A_468 = arith.constant 0 : i32
          %dma_wait3A_469 = arith.constant 0 : i32
          %dma_wait3A_470 = arith.constant 0 : i32
          %dma_wait3A_471 = tpu.memref_slice %arg13[%dma_wait3A_468, %dma_wait3A_469, %dma_wait3A_470] : memref<2x8x128xi32, #tpu.memory_space<vmem>> -> memref<1x8x128xi32, #tpu.memory_space<vmem>>
          %dma_wait3A_472 = tpu.memref_squeeze %dma_wait3A_471 : memref<1x8x128xi32, #tpu.memory_space<vmem>> -> memref<8x128xi32, #tpu.memory_space<vmem>>
          %dma_wait3A_473 = arith.constant 0 : i32
          %dma_wait3A_474 = tpu.memref_slice %arg6[%mul3A_2, %dma_wait3A_473] : memref<2560x128xi32, #tpu.memory_space<hbm>> -> memref<8x128xi32, #tpu.memory_space<hbm>>
          %dma_wait3A_475 = arith.constant 0 : i32
          %dma_wait3A_476 = arith.constant 0 : i32
          %dma_wait3A_477 = tpu.memref_slice %arg13[%dma_wait3A_468, %dma_wait3A_475, %dma_wait3A_476] : memref<2x8x128xi32, #tpu.memory_space<vmem>> -> memref<1x8x128xi32, #tpu.memory_space<vmem>>
          %dma_wait3A_478 = tpu.memref_squeeze %dma_wait3A_477 : memref<1x8x128xi32, #tpu.memory_space<vmem>> -> memref<8x128xi32, #tpu.memory_space<vmem>>
          %dma_wait3A_479 = arith.constant 0 : i32
          %dma_wait3A_480 = tpu.memref_slice %arg6[%mul3A_2, %dma_wait3A_479] : memref<2560x128xi32, #tpu.memory_space<hbm>> -> memref<8x128xi32, #tpu.memory_space<hbm>>
          tpu.wait_dma2 semaphore(%arg27 : memref<!tpu.dma_semaphore, #tpu.memory_space<semaphore_mem>>) src(%dma_wait3A_480 : memref<8x128xi32, #tpu.memory_space<hbm>>) dst(%dma_wait3A_478 : memref<8x128xi32, #tpu.memory_space<vmem>>)
          %dma_wait3A_481 = arith.constant 0 : i32
          %dma_wait3A_482 = arith.constant 0 : i32
          %dma_wait3A_483 = arith.constant 0 : i32
          %dma_wait3A_484 = tpu.memref_slice %arg13[%dma_wait3A_481, %dma_wait3A_482, %dma_wait3A_483] : memref<2x8x128xi32, #tpu.memory_space<vmem>> -> memref<1x8x128xi32, #tpu.memory_space<vmem>>
          %dma_wait3A_485 = tpu.memref_squeeze %dma_wait3A_484 : memref<1x8x128xi32, #tpu.memory_space<vmem>> -> memref<8x128xi32, #tpu.memory_space<vmem>>
          %dma_wait3A_486 = arith.constant 0 : i32
          %dma_wait3A_487 = tpu.memref_slice %arg6[%mul3A_2, %dma_wait3A_486] : memref<2560x128xi32, #tpu.memory_space<hbm>> -> memref<8x128xi32, #tpu.memory_space<hbm>>
          %dma_wait3A_488 = arith.constant 0 : i32
          %dma_wait3A_489 = arith.constant 0 : i32
          %dma_wait3A_490 = tpu.memref_slice %arg13[%dma_wait3A_481, %dma_wait3A_488, %dma_wait3A_489] : memref<2x8x128xi32, #tpu.memory_space<vmem>> -> memref<1x8x128xi32, #tpu.memory_space<vmem>>
          %dma_wait3A_491 = tpu.memref_squeeze %dma_wait3A_490 : memref<1x8x128xi32, #tpu.memory_space<vmem>> -> memref<8x128xi32, #tpu.memory_space<vmem>>
          %dma_wait3A_492 = arith.constant 0 : i32
          %dma_wait3A_493 = tpu.memref_slice %arg6[%mul3A_2, %dma_wait3A_492] : memref<2560x128xi32, #tpu.memory_space<hbm>> -> memref<8x128xi32, #tpu.memory_space<hbm>>
          tpu.wait_dma2 semaphore(%arg27 : memref<!tpu.dma_semaphore, #tpu.memory_space<semaphore_mem>>) src(%dma_wait3A_493 : memref<8x128xi32, #tpu.memory_space<hbm>>) dst(%dma_wait3A_491 : memref<8x128xi32, #tpu.memory_space<vmem>>)
          %dma_start3A_494 = arith.constant 0 : i32
          %dma_start3A_495 = arith.constant 0 : i32
          %dma_start3A_496 = tpu.memref_slice %arg13[%rem3A_106, %dma_start3A_494, %dma_start3A_495] : memref<2x8x128xi32, #tpu.memory_space<vmem>> -> memref<1x1x128xi32, #tpu.memory_space<vmem>>
          %dma_start3A_497 = tpu.memref_squeeze %dma_start3A_496 : memref<1x1x128xi32, #tpu.memory_space<vmem>> -> memref<128xi32, #tpu.memory_space<vmem>>
          %dma_start3A_498 = arith.constant 0 : i32
          %dma_start3A_499 = arith.constant 0 : i32
          %dma_start3A_500 = tpu.memref_slice %arg3[%dma_start3A_498, %dma_start3A_499] : memref<10000x128xbf16, #tpu.memory_space<hbm>> -> memref<10000x128xbf16, #tpu.memory_space<hbm>>
          tpu.enqueue_indirect_dma source(%dma_start3A_500 : memref<10000x128xbf16, #tpu.memory_space<hbm>>) target(%arg15 : memref<128x128xbf16, #tpu.memory_space<vmem>>) offsets(%dma_start3A_497 : memref<128xi32, #tpu.memory_space<vmem>>) semaphore(%arg19 : memref<!tpu.dma_semaphore, #tpu.memory_space<semaphore_mem>>)
        } else {
        }
        %dma_wait3A_393 = arith.constant 0 : i32
        %dma_wait3A_394 = arith.constant 0 : i32
        %dma_wait3A_395 = arith.constant 0 : i32
        %dma_wait3A_396 = tpu.memref_slice %arg13[%dma_wait3A_393, %dma_wait3A_394, %dma_wait3A_395] : memref<2x8x128xi32, #tpu.memory_space<vmem>> -> memref<1x1x128xi32, #tpu.memory_space<vmem>>
        %dma_wait3A_397 = tpu.memref_squeeze %dma_wait3A_396 : memref<1x1x128xi32, #tpu.memory_space<vmem>> -> memref<128xi32, #tpu.memory_space<vmem>>
        %dma_wait3A_398 = arith.constant 0 : i32
        %dma_wait3A_399 = arith.constant 0 : i32
        %dma_wait3A_400 = tpu.memref_slice %arg3[%dma_wait3A_398, %dma_wait3A_399] : memref<10000x128xbf16, #tpu.memory_space<hbm>> -> memref<10000x128xbf16, #tpu.memory_space<hbm>>
        tpu.wait_indirect_dma semaphore(%arg21 : memref<!tpu.dma_semaphore, #tpu.memory_space<semaphore_mem>>) src(%dma_wait3A_400 : memref<10000x128xbf16, #tpu.memory_space<hbm>>) dst(%arg17 : memref<128x128xbf16, #tpu.memory_space<vmem>>)
        %dma_start3A_401 = arith.constant 6 : i32
        %dma_start3A_402 = arith.constant 0 : i32
        %dma_start3A_403 = tpu.memref_slice %arg14[%rem3A_102, %dma_start3A_401, %dma_start3A_402] : memref<2x8x128xi32, #tpu.memory_space<vmem>> -> memref<1x1x128xi32, #tpu.memory_space<vmem>>
        %dma_start3A_404 = tpu.memref_squeeze %dma_start3A_403 : memref<1x1x128xi32, #tpu.memory_space<vmem>> -> memref<128xi32, #tpu.memory_space<vmem>>
        %dma_start3A_405 = arith.constant 0 : i32
        %dma_start3A_406 = arith.constant 0 : i32
        %dma_start3A_407 = tpu.memref_slice %arg12[%dma_start3A_405, %dma_start3A_406] : memref<10112x128xbf16, #tpu.memory_space<vmem_shared>> -> memref<10112x128xbf16, #tpu.memory_space<vmem_shared>>
        tpu.enqueue_indirect_dma source(%arg17 : memref<128x128xbf16, #tpu.memory_space<vmem>>) target(%dma_start3A_407 : memref<10112x128xbf16, #tpu.memory_space<vmem_shared>>) offsets(%dma_start3A_404 : memref<128xi32, #tpu.memory_space<vmem>>) semaphore(%arg25 : memref<!tpu.dma_semaphore, #tpu.memory_space<semaphore_mem>>) {add = true}
        %dma_start3A_408 = arith.constant 6 : i32
        %dma_start3A_409 = arith.constant 0 : i32
        %dma_start3A_410 = tpu.memref_slice %arg14[%rem3A_102, %dma_start3A_408, %dma_start3A_409] : memref<2x8x128xi32, #tpu.memory_space<vmem>> -> memref<1x1x128xi32, #tpu.memory_space<vmem>>
        %dma_start3A_411 = tpu.memref_squeeze %dma_start3A_410 : memref<1x1x128xi32, #tpu.memory_space<vmem>> -> memref<128xi32, #tpu.memory_space<vmem>>
        %dma_start3A_412 = arith.constant 0 : i32
        %dma_start3A_413 = arith.constant 0 : i32
        %dma_start3A_414 = tpu.memref_slice %arg28[%dma_start3A_412, %dma_start3A_413] : memref<10112x16xf32, #tpu.memory_space<vmem_shared>> -> memref<10112x16xf32, #tpu.memory_space<vmem_shared>>
        tpu.enqueue_indirect_dma source(%arg29 : memref<128x16xf32, #tpu.memory_space<vmem>>) target(%dma_start3A_414 : memref<10112x16xf32, #tpu.memory_space<vmem_shared>>) offsets(%dma_start3A_411 : memref<128xi32, #tpu.memory_space<vmem>>) semaphore(%arg30 : memref<!tpu.dma_semaphore, #tpu.memory_space<semaphore_mem>>) {add = true}
        %dma_wait3A_415 = arith.constant 0 : i32
        %dma_wait3A_416 = arith.constant 0 : i32
        %dma_wait3A_417 = arith.constant 0 : i32
        %dma_wait3A_418 = tpu.memref_slice %arg14[%dma_wait3A_415, %dma_wait3A_416, %dma_wait3A_417] : memref<2x8x128xi32, #tpu.memory_space<vmem>> -> memref<1x1x128xi32, #tpu.memory_space<vmem>>
        %dma_wait3A_419 = tpu.memref_squeeze %dma_wait3A_418 : memref<1x1x128xi32, #tpu.memory_space<vmem>> -> memref<128xi32, #tpu.memory_space<vmem>>
        %dma_wait3A_420 = arith.constant 0 : i32
        %dma_wait3A_421 = arith.constant 0 : i32
        %dma_wait3A_422 = tpu.memref_slice %arg28[%dma_wait3A_420, %dma_wait3A_421] : memref<10112x16xf32, #tpu.memory_space<vmem_shared>> -> memref<10112x16xf32, #tpu.memory_space<vmem_shared>>
        tpu.wait_indirect_dma semaphore(%arg30 : memref<!tpu.dma_semaphore, #tpu.memory_space<semaphore_mem>>) src(%arg29 : memref<128x16xf32, #tpu.memory_space<vmem>>) dst(%dma_wait3A_422 : memref<10112x16xf32, #tpu.memory_space<vmem_shared>>)
        %dma_wait3A_423 = arith.constant 0 : i32
        %dma_wait3A_424 = arith.constant 0 : i32
        %dma_wait3A_425 = arith.constant 0 : i32
        %dma_wait3A_426 = tpu.memref_slice %arg14[%dma_wait3A_423, %dma_wait3A_424, %dma_wait3A_425] : memref<2x8x128xi32, #tpu.memory_space<vmem>> -> memref<1x1x128xi32, #tpu.memory_space<vmem>>
        %dma_wait3A_427 = tpu.memref_squeeze %dma_wait3A_426 : memref<1x1x128xi32, #tpu.memory_space<vmem>> -> memref<128xi32, #tpu.memory_space<vmem>>
        %dma_wait3A_428 = arith.constant 0 : i32
        %dma_wait3A_429 = arith.constant 0 : i32
        %dma_wait3A_430 = tpu.memref_slice %arg12[%dma_wait3A_428, %dma_wait3A_429] : memref<10112x128xbf16, #tpu.memory_space<vmem_shared>> -> memref<10112x128xbf16, #tpu.memory_space<vmem_shared>>
        tpu.wait_indirect_dma semaphore(%arg24 : memref<!tpu.dma_semaphore, #tpu.memory_space<semaphore_mem>>) src(%arg16 : memref<128x128xbf16, #tpu.memory_space<vmem>>) dst(%dma_wait3A_430 : memref<10112x128xbf16, #tpu.memory_space<vmem_shared>>)
        %add3A_431 = arith.constant 1 : i32
        %add3A_432 = arith.addi %scan3A_101, %add3A_431 : i32
        %lt3A_433 = arith.constant 20 : i32
        %lt3A_434 = arith.cmpi slt, %add3A_432, %lt3A_433 : i32
        %convert_element_type3A_435 = arith.extui %lt3A_434 : i1 to i32
        %cond3A_436 = arith.constant 0 : i32
        %cond3A_437 = arith.cmpi ne, %convert_element_type3A_435, %cond3A_436 : i32
        scf.if %cond3A_437 {
          %dma_start3A_468 = arith.constant 1 : i32
          %dma_start3A_469 = arith.constant 0 : i32
          %dma_start3A_470 = tpu.memref_slice %arg13[%rem3A_106, %dma_start3A_468, %dma_start3A_469] : memref<2x8x128xi32, #tpu.memory_space<vmem>> -> memref<1x1x128xi32, #tpu.memory_space<vmem>>
          %dma_start3A_471 = tpu.memref_squeeze %dma_start3A_470 : memref<1x1x128xi32, #tpu.memory_space<vmem>> -> memref<128xi32, #tpu.memory_space<vmem>>
          %dma_start3A_472 = arith.constant 0 : i32
          %dma_start3A_473 = arith.constant 0 : i32
          %dma_start3A_474 = tpu.memref_slice %arg3[%dma_start3A_472, %dma_start3A_473] : memref<10000x128xbf16, #tpu.memory_space<hbm>> -> memref<10000x128xbf16, #tpu.memory_space<hbm>>
          tpu.enqueue_indirect_dma source(%dma_start3A_474 : memref<10000x128xbf16, #tpu.memory_space<hbm>>) target(%arg16 : memref<128x128xbf16, #tpu.memory_space<vmem>>) offsets(%dma_start3A_471 : memref<128xi32, #tpu.memory_space<vmem>>) semaphore(%arg20 : memref<!tpu.dma_semaphore, #tpu.memory_space<semaphore_mem>>)
        } else {
        }
        %dma_wait3A_438 = arith.constant 0 : i32
        %dma_wait3A_439 = arith.constant 0 : i32
        %dma_wait3A_440 = arith.constant 0 : i32
        %dma_wait3A_441 = tpu.memref_slice %arg13[%dma_wait3A_438, %dma_wait3A_439, %dma_wait3A_440] : memref<2x8x128xi32, #tpu.memory_space<vmem>> -> memref<1x1x128xi32, #tpu.memory_space<vmem>>
        %dma_wait3A_442 = tpu.memref_squeeze %dma_wait3A_441 : memref<1x1x128xi32, #tpu.memory_space<vmem>> -> memref<128xi32, #tpu.memory_space<vmem>>
        %dma_wait3A_443 = arith.constant 0 : i32
        %dma_wait3A_444 = arith.constant 0 : i32
        %dma_wait3A_445 = tpu.memref_slice %arg3[%dma_wait3A_443, %dma_wait3A_444] : memref<10000x128xbf16, #tpu.memory_space<hbm>> -> memref<10000x128xbf16, #tpu.memory_space<hbm>>
        tpu.wait_indirect_dma semaphore(%arg22 : memref<!tpu.dma_semaphore, #tpu.memory_space<semaphore_mem>>) src(%dma_wait3A_445 : memref<10000x128xbf16, #tpu.memory_space<hbm>>) dst(%arg18 : memref<128x128xbf16, #tpu.memory_space<vmem>>)
        %dma_start3A_446 = arith.constant 7 : i32
        %dma_start3A_447 = arith.constant 0 : i32
        %dma_start3A_448 = tpu.memref_slice %arg14[%rem3A_102, %dma_start3A_446, %dma_start3A_447] : memref<2x8x128xi32, #tpu.memory_space<vmem>> -> memref<1x1x128xi32, #tpu.memory_space<vmem>>
        %dma_start3A_449 = tpu.memref_squeeze %dma_start3A_448 : memref<1x1x128xi32, #tpu.memory_space<vmem>> -> memref<128xi32, #tpu.memory_space<vmem>>
        %dma_start3A_450 = arith.constant 0 : i32
        %dma_start3A_451 = arith.constant 0 : i32
        %dma_start3A_452 = tpu.memref_slice %arg12[%dma_start3A_450, %dma_start3A_451] : memref<10112x128xbf16, #tpu.memory_space<vmem_shared>> -> memref<10112x128xbf16, #tpu.memory_space<vmem_shared>>
        tpu.enqueue_indirect_dma source(%arg18 : memref<128x128xbf16, #tpu.memory_space<vmem>>) target(%dma_start3A_452 : memref<10112x128xbf16, #tpu.memory_space<vmem_shared>>) offsets(%dma_start3A_449 : memref<128xi32, #tpu.memory_space<vmem>>) semaphore(%arg26 : memref<!tpu.dma_semaphore, #tpu.memory_space<semaphore_mem>>) {add = true}
        %dma_start3A_453 = arith.constant 7 : i32
        %dma_start3A_454 = arith.constant 0 : i32
        %dma_start3A_455 = tpu.memref_slice %arg14[%rem3A_102, %dma_start3A_453, %dma_start3A_454] : memref<2x8x128xi32, #tpu.memory_space<vmem>> -> memref<1x1x128xi32, #tpu.memory_space<vmem>>
        %dma_start3A_456 = tpu.memref_squeeze %dma_start3A_455 : memref<1x1x128xi32, #tpu.memory_space<vmem>> -> memref<128xi32, #tpu.memory_space<vmem>>
        %dma_start3A_457 = arith.constant 0 : i32
        %dma_start3A_458 = arith.constant 0 : i32
        %dma_start3A_459 = tpu.memref_slice %arg28[%dma_start3A_457, %dma_start3A_458] : memref<10112x16xf32, #tpu.memory_space<vmem_shared>> -> memref<10112x16xf32, #tpu.memory_space<vmem_shared>>
        tpu.enqueue_indirect_dma source(%arg29 : memref<128x16xf32, #tpu.memory_space<vmem>>) target(%dma_start3A_459 : memref<10112x16xf32, #tpu.memory_space<vmem_shared>>) offsets(%dma_start3A_456 : memref<128xi32, #tpu.memory_space<vmem>>) semaphore(%arg30 : memref<!tpu.dma_semaphore, #tpu.memory_space<semaphore_mem>>) {add = true}
        %dma_wait3A_460 = arith.constant 0 : i32
        %dma_wait3A_461 = arith.constant 0 : i32
        %dma_wait3A_462 = arith.constant 0 : i32
        %dma_wait3A_463 = tpu.memref_slice %arg14[%dma_wait3A_460, %dma_wait3A_461, %dma_wait3A_462] : memref<2x8x128xi32, #tpu.memory_space<vmem>> -> memref<1x1x128xi32, #tpu.memory_space<vmem>>
        %dma_wait3A_464 = tpu.memref_squeeze %dma_wait3A_463 : memref<1x1x128xi32, #tpu.memory_space<vmem>> -> memref<128xi32, #tpu.memory_space<vmem>>
        %dma_wait3A_465 = arith.constant 0 : i32
        %dma_wait3A_466 = arith.constant 0 : i32
        %dma_wait3A_467 = tpu.memref_slice %arg28[%dma_wait3A_465, %dma_wait3A_466] : memref<10112x16xf32, #tpu.memory_space<vmem_shared>> -> memref<10112x16xf32, #tpu.memory_space<vmem_shared>>
        tpu.wait_indirect_dma semaphore(%arg30 : memref<!tpu.dma_semaphore, #tpu.memory_space<semaphore_mem>>) src(%arg29 : memref<128x16xf32, #tpu.memory_space<vmem>>) dst(%dma_wait3A_467 : memref<10112x16xf32, #tpu.memory_space<vmem_shared>>)
      }
      %scan3A_76 = arith.constant 20 : i32
      %dma_wait3A = arith.constant 0 : i32
      %dma_wait3A_77 = arith.constant 0 : i32
      %dma_wait3A_78 = arith.constant 0 : i32
      %dma_wait3A_79 = tpu.memref_slice %arg14[%dma_wait3A, %dma_wait3A_77, %dma_wait3A_78] : memref<2x8x128xi32, #tpu.memory_space<vmem>> -> memref<1x1x128xi32, #tpu.memory_space<vmem>>
      %dma_wait3A_80 = tpu.memref_squeeze %dma_wait3A_79 : memref<1x1x128xi32, #tpu.memory_space<vmem>> -> memref<128xi32, #tpu.memory_space<vmem>>
      %dma_wait3A_81 = arith.constant 0 : i32
      %dma_wait3A_82 = arith.constant 0 : i32
      %dma_wait3A_83 = tpu.memref_slice %arg12[%dma_wait3A_81, %dma_wait3A_82] : memref<10112x128xbf16, #tpu.memory_space<vmem_shared>> -> memref<10112x128xbf16, #tpu.memory_space<vmem_shared>>
      tpu.wait_indirect_dma semaphore(%arg25 : memref<!tpu.dma_semaphore, #tpu.memory_space<semaphore_mem>>) src(%arg17 : memref<128x128xbf16, #tpu.memory_space<vmem>>) dst(%dma_wait3A_83 : memref<10112x128xbf16, #tpu.memory_space<vmem_shared>>)
      %dma_wait3A_84 = arith.constant 0 : i32
      %dma_wait3A_85 = arith.constant 0 : i32
      %dma_wait3A_86 = arith.constant 0 : i32
      %dma_wait3A_87 = tpu.memref_slice %arg14[%dma_wait3A_84, %dma_wait3A_85, %dma_wait3A_86] : memref<2x8x128xi32, #tpu.memory_space<vmem>> -> memref<1x1x128xi32, #tpu.memory_space<vmem>>
      %dma_wait3A_88 = tpu.memref_squeeze %dma_wait3A_87 : memref<1x1x128xi32, #tpu.memory_space<vmem>> -> memref<128xi32, #tpu.memory_space<vmem>>
      %dma_wait3A_89 = arith.constant 0 : i32
      %dma_wait3A_90 = arith.constant 0 : i32
      %dma_wait3A_91 = tpu.memref_slice %arg12[%dma_wait3A_89, %dma_wait3A_90] : memref<10112x128xbf16, #tpu.memory_space<vmem_shared>> -> memref<10112x128xbf16, #tpu.memory_space<vmem_shared>>
      tpu.wait_indirect_dma semaphore(%arg26 : memref<!tpu.dma_semaphore, #tpu.memory_space<semaphore_mem>>) src(%arg18 : memref<128x128xbf16, #tpu.memory_space<vmem>>) dst(%dma_wait3A_91 : memref<10112x128xbf16, #tpu.memory_space<vmem_shared>>)
      %dma_wait3A_92 = arith.constant 0 : i32
      %dma_wait3A_93 = arith.constant 0 : i32
      %dma_wait3A_94 = arith.constant 0 : i32
      %dma_wait3A_95 = tpu.memref_slice %arg14[%dma_wait3A_92, %dma_wait3A_93, %dma_wait3A_94] : memref<2x8x128xi32, #tpu.memory_space<vmem>> -> memref<1x1x128xi32, #tpu.memory_space<vmem>>
      %dma_wait3A_96 = tpu.memref_squeeze %dma_wait3A_95 : memref<1x1x128xi32, #tpu.memory_space<vmem>> -> memref<128xi32, #tpu.memory_space<vmem>>
      %dma_wait3A_97 = arith.constant 0 : i32
      %dma_wait3A_98 = arith.constant 0 : i32
      %dma_wait3A_99 = tpu.memref_slice %arg28[%dma_wait3A_97, %dma_wait3A_98] : memref<10112x16xf32, #tpu.memory_space<vmem_shared>> -> memref<10112x16xf32, #tpu.memory_space<vmem_shared>>
      tpu.wait_indirect_dma semaphore(%arg30 : memref<!tpu.dma_semaphore, #tpu.memory_space<semaphore_mem>>) src(%arg29 : memref<128x16xf32, #tpu.memory_space<vmem>>) dst(%dma_wait3A_99 : memref<10112x16xf32, #tpu.memory_space<vmem_shared>>)
      %barrier3A_100 = arith.constant 0 : index
      tpu.barrier barrier_id(%barrier3A_100)
      "tpu.region"() ({
        %run_scoped3A_101 = tpu.sem_alloc : memref<!tpu.dma_semaphore, #tpu.memory_space<semaphore_mem>>
        %dma_start3A_102 = arith.constant 0 : i32
        %dma_start3A_103 = tpu.memref_slice %arg9[%mul3A_0, %dma_start3A_102] : memref<10112x128xbf16, #tpu.memory_space<hbm>> -> memref<632x128xbf16, #tpu.memory_space<hbm>>
        %dma_start3A_104 = arith.constant 0 : i32
        %dma_start3A_105 = tpu.memref_slice %arg12[%mul3A_0, %dma_start3A_104] : memref<10112x128xbf16, #tpu.memory_space<vmem_shared>> -> memref<632x128xbf16, #tpu.memory_space<vmem_shared>>
        tpu.enqueue_dma source(%dma_start3A_105 : memref<632x128xbf16, #tpu.memory_space<vmem_shared>>) target(%dma_start3A_103 : memref<632x128xbf16, #tpu.memory_space<hbm>>) target_semaphore(%run_scoped3A_101 : memref<!tpu.dma_semaphore, #tpu.memory_space<semaphore_mem>>)
        %dma_wait3A_106 = arith.constant 0 : i32
        %dma_wait3A_107 = tpu.memref_slice %arg9[%mul3A_0, %dma_wait3A_106] : memref<10112x128xbf16, #tpu.memory_space<hbm>> -> memref<632x128xbf16, #tpu.memory_space<hbm>>
        %dma_wait3A_108 = arith.constant 0 : i32
        %dma_wait3A_109 = tpu.memref_slice %arg12[%mul3A_0, %dma_wait3A_108] : memref<10112x128xbf16, #tpu.memory_space<vmem_shared>> -> memref<632x128xbf16, #tpu.memory_space<vmem_shared>>
        tpu.wait_dma2 semaphore(%run_scoped3A_101 : memref<!tpu.dma_semaphore, #tpu.memory_space<semaphore_mem>>) src(%dma_wait3A_109 : memref<632x128xbf16, #tpu.memory_space<vmem_shared>>) dst(%dma_wait3A_107 : memref<632x128xbf16, #tpu.memory_space<hbm>>)
        tpu.yield
      }) : () -> ()
      "tpu.region"() ({
        %run_scoped3A_101 = tpu.sem_alloc : memref<!tpu.dma_semaphore, #tpu.memory_space<semaphore_mem>>
        %dma_start3A_102 = arith.constant 0 : i32
        %dma_start3A_103 = tpu.memref_slice %arg11[%mul3A_0, %dma_start3A_102] : memref<10112x16xf32, #tpu.memory_space<hbm>> -> memref<632x16xf32, #tpu.memory_space<hbm>>
        %dma_start3A_104 = arith.constant 0 : i32
        %dma_start3A_105 = tpu.memref_slice %arg28[%mul3A_0, %dma_start3A_104] : memref<10112x16xf32, #tpu.memory_space<vmem_shared>> -> memref<632x16xf32, #tpu.memory_space<vmem_shared>>
        tpu.enqueue_dma source(%dma_start3A_105 : memref<632x16xf32, #tpu.memory_space<vmem_shared>>) target(%dma_start3A_103 : memref<632x16xf32, #tpu.memory_space<hbm>>) target_semaphore(%run_scoped3A_101 : memref<!tpu.dma_semaphore, #tpu.memory_space<semaphore_mem>>)
        %dma_wait3A_106 = arith.constant 0 : i32
        %dma_wait3A_107 = tpu.memref_slice %arg11[%mul3A_0, %dma_wait3A_106] : memref<10112x16xf32, #tpu.memory_space<hbm>> -> memref<632x16xf32, #tpu.memory_space<hbm>>
        %dma_wait3A_108 = arith.constant 0 : i32
        %dma_wait3A_109 = tpu.memref_slice %arg28[%mul3A_0, %dma_wait3A_108] : memref<10112x16xf32, #tpu.memory_space<vmem_shared>> -> memref<632x16xf32, #tpu.memory_space<vmem_shared>>
        tpu.wait_dma2 semaphore(%run_scoped3A_101 : memref<!tpu.dma_semaphore, #tpu.memory_space<semaphore_mem>>) src(%dma_wait3A_109 : memref<632x16xf32, #tpu.memory_space<vmem_shared>>) dst(%dma_wait3A_107 : memref<632x16xf32, #tpu.memory_space<hbm>>)
        tpu.yield
      }) : () -> ()
    } else {
    }
    return
  }
}

#map = affine_map<(d0, d1) -> (0, 0)>
module attributes {stable_mosaic.version = 14 : i64} {
  func.func @segsum_l2(%arg0: i32, %arg1: i32, %arg2: memref<10000x128xbf16, #tpu.memory_space<hbm>>, %arg3: memref<10000x128xbf16, #tpu.memory_space<hbm>>, %arg4: memref<2560x128xi32, #tpu.memory_space<hbm>>, %arg5: memref<2560x128xi32, #tpu.memory_space<hbm>>, %arg6: memref<2560x128xi32, #tpu.memory_space<hbm>>, %arg7: memref<2560x128xi32, #tpu.memory_space<hbm>>, %arg8: memref<10112x128xbf16, #tpu.memory_space<hbm>>, %arg9: memref<10112x128xbf16, #tpu.memory_space<hbm>>, %arg10: memref<10112x128xbf16, #tpu.memory_space<vmem_shared>>, %arg11: memref<2x8x128xi32, #tpu.memory_space<vmem>>, %arg12: memref<2x8x128xi32, #tpu.memory_space<vmem>>, %arg13: memref<128x128xbf16, #tpu.memory_space<vmem>>, %arg14: memref<128x128xbf16, #tpu.memory_space<vmem>>, %arg15: memref<128x128xbf16, #tpu.memory_space<vmem>>, %arg16: memref<128x128xbf16, #tpu.memory_space<vmem>>, %arg17: memref<!tpu.dma_semaphore, #tpu.memory_space<semaphore_mem>>, %arg18: memref<!tpu.dma_semaphore, #tpu.memory_space<semaphore_mem>>, %arg19: memref<!tpu.dma_semaphore, #tpu.memory_space<semaphore_mem>>, %arg20: memref<!tpu.dma_semaphore, #tpu.memory_space<semaphore_mem>>, %arg21: memref<!tpu.dma_semaphore, #tpu.memory_space<semaphore_mem>>, %arg22: memref<!tpu.dma_semaphore, #tpu.memory_space<semaphore_mem>>, %arg23: memref<!tpu.dma_semaphore, #tpu.memory_space<semaphore_mem>>, %arg24: memref<!tpu.dma_semaphore, #tpu.memory_space<semaphore_mem>>, %arg25: memref<!tpu.dma_semaphore, #tpu.memory_space<semaphore_mem>>) attributes {dimension_semantics = [#tpu.dimension_semantics<core_parallel>, #tpu.dimension_semantics<subcore_parallel>], iteration_bounds = array<i64: 2, 16>, scalar_prefetch = 0 : i64, scratch_operands = 16 : i64, tpu.core_type = #tpu.core_type<sc_vector_subcore>, window_params = [{transform_indices = #map}, {transform_indices = #map}, {transform_indices = #map}, {transform_indices = #map}, {transform_indices = #map}, {transform_indices = #map}, {transform_indices = #map}, {transform_indices = #map}]} {
    %mul3A = arith.constant 632 : i32
    %mul3A_0 = arith.muli %arg1, %mul3A : i32
    %mul3A_1 = arith.constant 160 : i32
    %mul3A_2 = arith.muli %arg1, %mul3A_1 : i32
    %eq3A = arith.constant 0 : i32
    %eq3A_3 = arith.cmpi eq, %arg0, %eq3A : i32
    %convert_element_type3A = arith.extui %eq3A_3 : i1 to i32
    %cond3A = arith.constant 0 : i32
    %cond3A_4 = arith.cmpi ne, %convert_element_type3A, %cond3A : i32
    scf.if %cond3A_4 {
      %broadcast_in_dim3A = arith.constant 0.000000e+00 : f32
      %broadcast_in_dim3A_10 = vector.broadcast %broadcast_in_dim3A : f32 to vector<16xf32>
      %broadcast_in_dim3A_11 = arith.constant 0.000000e+00 : bf16
      %broadcast_in_dim3A_12 = vector.broadcast %broadcast_in_dim3A_11 : bf16 to vector<32xbf16>
      %scan3A = arith.constant 0 : i32
      %scan3A_13 = arith.constant 0 : i32
      %scan3A_14 = arith.constant 128 : i32
      %scan3A_15 = arith.addi %scan3A_13, %scan3A_14 : i32
      %scan3A_16 = arith.constant 1 : i32
      scf.for %scan3A_65 = %scan3A_13 to %scan3A_15 step %scan3A_16  : i32 {
        %scan3A_66 = arith.constant 0 : i32
        %scan3A_67 = arith.constant 4 : i32
        %scan3A_68 = arith.addi %scan3A_66, %scan3A_67 : i32
        %scan3A_69 = arith.constant 1 : i32
        scf.for %scan3A_71 = %scan3A_66 to %scan3A_68 step %scan3A_69  : i32 {
          %mul3A_72 = arith.constant 32 : i32
          %mul3A_73 = arith.muli %scan3A_71, %mul3A_72 : i32
          %swap3A = arith.index_cast %scan3A_65 : i32 to index
          %swap3A_74 = arith.index_cast %mul3A_73 : i32 to index
          %swap3A_75 = tpu.vector_load %arg13[%swap3A, %swap3A_74] {strides = array<i32>} : memref<128x128xbf16, #tpu.memory_space<vmem>>, vector<1x32xbf16>,
          %swap3A_76 = vector.shape_cast %swap3A_75 : vector<1x32xbf16> to vector<32xbf16>
          %swap3A_77 = vector.shape_cast %broadcast_in_dim3A_12 : vector<32xbf16> to vector<1x32xbf16>
          tpu.vector_store %arg13[%swap3A, %swap3A_74], %swap3A_77 {strides = array<i32>} : memref<128x128xbf16, #tpu.memory_space<vmem>>, vector<1x32xbf16>,
        }
        %scan3A_70 = arith.constant 4 : i32
      }
      %scan3A_17 = arith.constant 128 : i32
      %add3A = arith.constant 0 : i32
      %add3A_18 = arith.addi %mul3A_0, %add3A : i32
      "tpu.region"() ({
        %run_scoped3A_65 = tpu.sem_alloc : memref<!tpu.dma_semaphore, #tpu.memory_space<semaphore_mem>>
        %dma_start3A_66 = arith.constant 0 : i32
        %dma_start3A_67 = tpu.memref_slice %arg10[%add3A_18, %dma_start3A_66] : memref<10112x128xbf16, #tpu.memory_space<vmem_shared>> -> memref<128x128xbf16, #tpu.memory_space<vmem_shared>>
        %dma_start3A_68 = arith.constant 0 : i32
        %dma_start3A_69 = tpu.memref_slice %arg10[%add3A_18, %dma_start3A_68] : memref<10112x128xbf16, #tpu.memory_space<vmem_shared>> -> memref<128x128xbf16, #tpu.memory_space<vmem_shared>>
        tpu.enqueue_dma source(%arg13 : memref<128x128xbf16, #tpu.memory_space<vmem>>) target(%dma_start3A_69 : memref<128x128xbf16, #tpu.memory_space<vmem_shared>>) target_semaphore(%run_scoped3A_65 : memref<!tpu.dma_semaphore, #tpu.memory_space<semaphore_mem>>)
        %dma_wait3A_70 = arith.constant 0 : i32
        %dma_wait3A_71 = tpu.memref_slice %arg10[%add3A_18, %dma_wait3A_70] : memref<10112x128xbf16, #tpu.memory_space<vmem_shared>> -> memref<128x128xbf16, #tpu.memory_space<vmem_shared>>
        %dma_wait3A_72 = arith.constant 0 : i32
        %dma_wait3A_73 = tpu.memref_slice %arg10[%add3A_18, %dma_wait3A_72] : memref<10112x128xbf16, #tpu.memory_space<vmem_shared>> -> memref<128x128xbf16, #tpu.memory_space<vmem_shared>>
        tpu.wait_dma2 semaphore(%run_scoped3A_65 : memref<!tpu.dma_semaphore, #tpu.memory_space<semaphore_mem>>) src(%arg13 : memref<128x128xbf16, #tpu.memory_space<vmem>>) dst(%dma_wait3A_73 : memref<128x128xbf16, #tpu.memory_space<vmem_shared>>)
        tpu.yield
      }) : () -> ()
      %add3A_19 = arith.constant 128 : i32
      %add3A_20 = arith.addi %mul3A_0, %add3A_19 : i32
      "tpu.region"() ({
        %run_scoped3A_65 = tpu.sem_alloc : memref<!tpu.dma_semaphore, #tpu.memory_space<semaphore_mem>>
        %dma_start3A_66 = arith.constant 0 : i32
        %dma_start3A_67 = tpu.memref_slice %arg10[%add3A_20, %dma_start3A_66] : memref<10112x128xbf16, #tpu.memory_space<vmem_shared>> -> memref<128x128xbf16, #tpu.memory_space<vmem_shared>>
        %dma_start3A_68 = arith.constant 0 : i32
        %dma_start3A_69 = tpu.memref_slice %arg10[%add3A_20, %dma_start3A_68] : memref<10112x128xbf16, #tpu.memory_space<vmem_shared>> -> memref<128x128xbf16, #tpu.memory_space<vmem_shared>>
        tpu.enqueue_dma source(%arg13 : memref<128x128xbf16, #tpu.memory_space<vmem>>) target(%dma_start3A_69 : memref<128x128xbf16, #tpu.memory_space<vmem_shared>>) target_semaphore(%run_scoped3A_65 : memref<!tpu.dma_semaphore, #tpu.memory_space<semaphore_mem>>)
        %dma_wait3A_70 = arith.constant 0 : i32
        %dma_wait3A_71 = tpu.memref_slice %arg10[%add3A_20, %dma_wait3A_70] : memref<10112x128xbf16, #tpu.memory_space<vmem_shared>> -> memref<128x128xbf16, #tpu.memory_space<vmem_shared>>
        %dma_wait3A_72 = arith.constant 0 : i32
        %dma_wait3A_73 = tpu.memref_slice %arg10[%add3A_20, %dma_wait3A_72] : memref<10112x128xbf16, #tpu.memory_space<vmem_shared>> -> memref<128x128xbf16, #tpu.memory_space<vmem_shared>>
        tpu.wait_dma2 semaphore(%run_scoped3A_65 : memref<!tpu.dma_semaphore, #tpu.memory_space<semaphore_mem>>) src(%arg13 : memref<128x128xbf16, #tpu.memory_space<vmem>>) dst(%dma_wait3A_73 : memref<128x128xbf16, #tpu.memory_space<vmem_shared>>)
        tpu.yield
      }) : () -> ()
      %add3A_21 = arith.constant 256 : i32
      %add3A_22 = arith.addi %mul3A_0, %add3A_21 : i32
      "tpu.region"() ({
        %run_scoped3A_65 = tpu.sem_alloc : memref<!tpu.dma_semaphore, #tpu.memory_space<semaphore_mem>>
        %dma_start3A_66 = arith.constant 0 : i32
        %dma_start3A_67 = tpu.memref_slice %arg10[%add3A_22, %dma_start3A_66] : memref<10112x128xbf16, #tpu.memory_space<vmem_shared>> -> memref<128x128xbf16, #tpu.memory_space<vmem_shared>>
        %dma_start3A_68 = arith.constant 0 : i32
        %dma_start3A_69 = tpu.memref_slice %arg10[%add3A_22, %dma_start3A_68] : memref<10112x128xbf16, #tpu.memory_space<vmem_shared>> -> memref<128x128xbf16, #tpu.memory_space<vmem_shared>>
        tpu.enqueue_dma source(%arg13 : memref<128x128xbf16, #tpu.memory_space<vmem>>) target(%dma_start3A_69 : memref<128x128xbf16, #tpu.memory_space<vmem_shared>>) target_semaphore(%run_scoped3A_65 : memref<!tpu.dma_semaphore, #tpu.memory_space<semaphore_mem>>)
        %dma_wait3A_70 = arith.constant 0 : i32
        %dma_wait3A_71 = tpu.memref_slice %arg10[%add3A_22, %dma_wait3A_70] : memref<10112x128xbf16, #tpu.memory_space<vmem_shared>> -> memref<128x128xbf16, #tpu.memory_space<vmem_shared>>
        %dma_wait3A_72 = arith.constant 0 : i32
        %dma_wait3A_73 = tpu.memref_slice %arg10[%add3A_22, %dma_wait3A_72] : memref<10112x128xbf16, #tpu.memory_space<vmem_shared>> -> memref<128x128xbf16, #tpu.memory_space<vmem_shared>>
        tpu.wait_dma2 semaphore(%run_scoped3A_65 : memref<!tpu.dma_semaphore, #tpu.memory_space<semaphore_mem>>) src(%arg13 : memref<128x128xbf16, #tpu.memory_space<vmem>>) dst(%dma_wait3A_73 : memref<128x128xbf16, #tpu.memory_space<vmem_shared>>)
        tpu.yield
      }) : () -> ()
      %add3A_23 = arith.constant 384 : i32
      %add3A_24 = arith.addi %mul3A_0, %add3A_23 : i32
      "tpu.region"() ({
        %run_scoped3A_65 = tpu.sem_alloc : memref<!tpu.dma_semaphore, #tpu.memory_space<semaphore_mem>>
        %dma_start3A_66 = arith.constant 0 : i32
        %dma_start3A_67 = tpu.memref_slice %arg10[%add3A_24, %dma_start3A_66] : memref<10112x128xbf16, #tpu.memory_space<vmem_shared>> -> memref<128x128xbf16, #tpu.memory_space<vmem_shared>>
        %dma_start3A_68 = arith.constant 0 : i32
        %dma_start3A_69 = tpu.memref_slice %arg10[%add3A_24, %dma_start3A_68] : memref<10112x128xbf16, #tpu.memory_space<vmem_shared>> -> memref<128x128xbf16, #tpu.memory_space<vmem_shared>>
        tpu.enqueue_dma source(%arg13 : memref<128x128xbf16, #tpu.memory_space<vmem>>) target(%dma_start3A_69 : memref<128x128xbf16, #tpu.memory_space<vmem_shared>>) target_semaphore(%run_scoped3A_65 : memref<!tpu.dma_semaphore, #tpu.memory_space<semaphore_mem>>)
        %dma_wait3A_70 = arith.constant 0 : i32
        %dma_wait3A_71 = tpu.memref_slice %arg10[%add3A_24, %dma_wait3A_70] : memref<10112x128xbf16, #tpu.memory_space<vmem_shared>> -> memref<128x128xbf16, #tpu.memory_space<vmem_shared>>
        %dma_wait3A_72 = arith.constant 0 : i32
        %dma_wait3A_73 = tpu.memref_slice %arg10[%add3A_24, %dma_wait3A_72] : memref<10112x128xbf16, #tpu.memory_space<vmem_shared>> -> memref<128x128xbf16, #tpu.memory_space<vmem_shared>>
        tpu.wait_dma2 semaphore(%run_scoped3A_65 : memref<!tpu.dma_semaphore, #tpu.memory_space<semaphore_mem>>) src(%arg13 : memref<128x128xbf16, #tpu.memory_space<vmem>>) dst(%dma_wait3A_73 : memref<128x128xbf16, #tpu.memory_space<vmem_shared>>)
        tpu.yield
      }) : () -> ()
      %add3A_25 = arith.constant 512 : i32
      %add3A_26 = arith.addi %mul3A_0, %add3A_25 : i32
      "tpu.region"() ({
        %run_scoped3A_65 = tpu.sem_alloc : memref<!tpu.dma_semaphore, #tpu.memory_space<semaphore_mem>>
        %dma_start3A_66 = arith.constant 0 : i32
        %dma_start3A_67 = arith.constant 0 : i32
        %dma_start3A_68 = tpu.memref_slice %arg13[%dma_start3A_66, %dma_start3A_67] : memref<128x128xbf16, #tpu.memory_space<vmem>> -> memref<120x128xbf16, #tpu.memory_space<vmem>>
        %dma_start3A_69 = arith.constant 0 : i32
        %dma_start3A_70 = tpu.memref_slice %arg10[%add3A_26, %dma_start3A_69] : memref<10112x128xbf16, #tpu.memory_space<vmem_shared>> -> memref<120x128xbf16, #tpu.memory_space<vmem_shared>>
        %dma_start3A_71 = arith.constant 0 : i32
        %dma_start3A_72 = tpu.memref_slice %arg10[%add3A_26, %dma_start3A_71] : memref<10112x128xbf16, #tpu.memory_space<vmem_shared>> -> memref<120x128xbf16, #tpu.memory_space<vmem_shared>>
        %dma_start3A_73 = arith.constant 0 : i32
        %dma_start3A_74 = arith.constant 0 : i32
        %dma_start3A_75 = tpu.memref_slice %arg13[%dma_start3A_73, %dma_start3A_74] : memref<128x128xbf16, #tpu.memory_space<vmem>> -> memref<120x128xbf16, #tpu.memory_space<vmem>>
        tpu.enqueue_dma source(%dma_start3A_75 : memref<120x128xbf16, #tpu.memory_space<vmem>>) target(%dma_start3A_72 : memref<120x128xbf16, #tpu.memory_space<vmem_shared>>) target_semaphore(%run_scoped3A_65 : memref<!tpu.dma_semaphore, #tpu.memory_space<semaphore_mem>>)
        %dma_wait3A_76 = arith.constant 0 : i32
        %dma_wait3A_77 = arith.constant 0 : i32
        %dma_wait3A_78 = tpu.memref_slice %arg13[%dma_wait3A_76, %dma_wait3A_77] : memref<128x128xbf16, #tpu.memory_space<vmem>> -> memref<120x128xbf16, #tpu.memory_space<vmem>>
        %dma_wait3A_79 = arith.constant 0 : i32
        %dma_wait3A_80 = tpu.memref_slice %arg10[%add3A_26, %dma_wait3A_79] : memref<10112x128xbf16, #tpu.memory_space<vmem_shared>> -> memref<120x128xbf16, #tpu.memory_space<vmem_shared>>
        %dma_wait3A_81 = arith.constant 0 : i32
        %dma_wait3A_82 = tpu.memref_slice %arg10[%add3A_26, %dma_wait3A_81] : memref<10112x128xbf16, #tpu.memory_space<vmem_shared>> -> memref<120x128xbf16, #tpu.memory_space<vmem_shared>>
        %dma_wait3A_83 = arith.constant 0 : i32
        %dma_wait3A_84 = arith.constant 0 : i32
        %dma_wait3A_85 = tpu.memref_slice %arg13[%dma_wait3A_83, %dma_wait3A_84] : memref<128x128xbf16, #tpu.memory_space<vmem>> -> memref<120x128xbf16, #tpu.memory_space<vmem>>
        tpu.wait_dma2 semaphore(%run_scoped3A_65 : memref<!tpu.dma_semaphore, #tpu.memory_space<semaphore_mem>>) src(%dma_wait3A_85 : memref<120x128xbf16, #tpu.memory_space<vmem>>) dst(%dma_wait3A_82 : memref<120x128xbf16, #tpu.memory_space<vmem_shared>>)
        tpu.yield
      }) : () -> ()
      %barrier3A = arith.constant 0 : index
      tpu.barrier barrier_id(%barrier3A)
      %run_scoped3A = arith.constant 0 : i32
      "tpu.region"() ({
        %run_scoped3A_65 = tpu.sem_alloc : memref<!tpu.dma_semaphore, #tpu.memory_space<semaphore_mem>>
        %dma_start3A_66 = arith.constant 0 : i32
        %dma_start3A_67 = arith.constant 0 : i32
        %dma_start3A_68 = tpu.memref_slice %arg11[%run_scoped3A, %dma_start3A_66, %dma_start3A_67] : memref<2x8x128xi32, #tpu.memory_space<vmem>> -> memref<1x8x128xi32, #tpu.memory_space<vmem>>
        %dma_start3A_69 = tpu.memref_squeeze %dma_start3A_68 : memref<1x8x128xi32, #tpu.memory_space<vmem>> -> memref<8x128xi32, #tpu.memory_space<vmem>>
        %dma_start3A_70 = arith.constant 0 : i32
        %dma_start3A_71 = tpu.memref_slice %arg4[%mul3A_2, %dma_start3A_70] : memref<2560x128xi32, #tpu.memory_space<hbm>> -> memref<8x128xi32, #tpu.memory_space<hbm>>
        %dma_start3A_72 = arith.constant 0 : i32
        %dma_start3A_73 = arith.constant 0 : i32
        %dma_start3A_74 = tpu.memref_slice %arg11[%run_scoped3A, %dma_start3A_72, %dma_start3A_73] : memref<2x8x128xi32, #tpu.memory_space<vmem>> -> memref<1x8x128xi32, #tpu.memory_space<vmem>>
        %dma_start3A_75 = tpu.memref_squeeze %dma_start3A_74 : memref<1x8x128xi32, #tpu.memory_space<vmem>> -> memref<8x128xi32, #tpu.memory_space<vmem>>
        %dma_start3A_76 = arith.constant 0 : i32
        %dma_start3A_77 = tpu.memref_slice %arg4[%mul3A_2, %dma_start3A_76] : memref<2560x128xi32, #tpu.memory_space<hbm>> -> memref<8x128xi32, #tpu.memory_space<hbm>>
        tpu.enqueue_dma source(%dma_start3A_77 : memref<8x128xi32, #tpu.memory_space<hbm>>) target(%dma_start3A_75 : memref<8x128xi32, #tpu.memory_space<vmem>>) target_semaphore(%run_scoped3A_65 : memref<!tpu.dma_semaphore, #tpu.memory_space<semaphore_mem>>)
        %dma_wait3A_78 = arith.constant 0 : i32
        %dma_wait3A_79 = arith.constant 0 : i32
        %dma_wait3A_80 = tpu.memref_slice %arg11[%run_scoped3A, %dma_wait3A_78, %dma_wait3A_79] : memref<2x8x128xi32, #tpu.memory_space<vmem>> -> memref<1x8x128xi32, #tpu.memory_space<vmem>>
        %dma_wait3A_81 = tpu.memref_squeeze %dma_wait3A_80 : memref<1x8x128xi32, #tpu.memory_space<vmem>> -> memref<8x128xi32, #tpu.memory_space<vmem>>
        %dma_wait3A_82 = arith.constant 0 : i32
        %dma_wait3A_83 = tpu.memref_slice %arg4[%mul3A_2, %dma_wait3A_82] : memref<2560x128xi32, #tpu.memory_space<hbm>> -> memref<8x128xi32, #tpu.memory_space<hbm>>
        %dma_wait3A_84 = arith.constant 0 : i32
        %dma_wait3A_85 = arith.constant 0 : i32
        %dma_wait3A_86 = tpu.memref_slice %arg11[%run_scoped3A, %dma_wait3A_84, %dma_wait3A_85] : memref<2x8x128xi32, #tpu.memory_space<vmem>> -> memref<1x8x128xi32, #tpu.memory_space<vmem>>
        %dma_wait3A_87 = tpu.memref_squeeze %dma_wait3A_86 : memref<1x8x128xi32, #tpu.memory_space<vmem>> -> memref<8x128xi32, #tpu.memory_space<vmem>>
        %dma_wait3A_88 = arith.constant 0 : i32
        %dma_wait3A_89 = tpu.memref_slice %arg4[%mul3A_2, %dma_wait3A_88] : memref<2560x128xi32, #tpu.memory_space<hbm>> -> memref<8x128xi32, #tpu.memory_space<hbm>>
        tpu.wait_dma2 semaphore(%run_scoped3A_65 : memref<!tpu.dma_semaphore, #tpu.memory_space<semaphore_mem>>) src(%dma_wait3A_89 : memref<8x128xi32, #tpu.memory_space<hbm>>) dst(%dma_wait3A_87 : memref<8x128xi32, #tpu.memory_space<vmem>>)
        tpu.yield
      }) : () -> ()
      %run_scoped3A_27 = arith.constant 0 : i32
      "tpu.region"() ({
        %run_scoped3A_65 = tpu.sem_alloc : memref<!tpu.dma_semaphore, #tpu.memory_space<semaphore_mem>>
        %dma_start3A_66 = arith.constant 0 : i32
        %dma_start3A_67 = arith.constant 0 : i32
        %dma_start3A_68 = tpu.memref_slice %arg12[%run_scoped3A_27, %dma_start3A_66, %dma_start3A_67] : memref<2x8x128xi32, #tpu.memory_space<vmem>> -> memref<1x8x128xi32, #tpu.memory_space<vmem>>
        %dma_start3A_69 = tpu.memref_squeeze %dma_start3A_68 : memref<1x8x128xi32, #tpu.memory_space<vmem>> -> memref<8x128xi32, #tpu.memory_space<vmem>>
        %dma_start3A_70 = arith.constant 0 : i32
        %dma_start3A_71 = tpu.memref_slice %arg5[%mul3A_2, %dma_start3A_70] : memref<2560x128xi32, #tpu.memory_space<hbm>> -> memref<8x128xi32, #tpu.memory_space<hbm>>
        %dma_start3A_72 = arith.constant 0 : i32
        %dma_start3A_73 = arith.constant 0 : i32
        %dma_start3A_74 = tpu.memref_slice %arg12[%run_scoped3A_27, %dma_start3A_72, %dma_start3A_73] : memref<2x8x128xi32, #tpu.memory_space<vmem>> -> memref<1x8x128xi32, #tpu.memory_space<vmem>>
        %dma_start3A_75 = tpu.memref_squeeze %dma_start3A_74 : memref<1x8x128xi32, #tpu.memory_space<vmem>> -> memref<8x128xi32, #tpu.memory_space<vmem>>
        %dma_start3A_76 = arith.constant 0 : i32
        %dma_start3A_77 = tpu.memref_slice %arg5[%mul3A_2, %dma_start3A_76] : memref<2560x128xi32, #tpu.memory_space<hbm>> -> memref<8x128xi32, #tpu.memory_space<hbm>>
        tpu.enqueue_dma source(%dma_start3A_77 : memref<8x128xi32, #tpu.memory_space<hbm>>) target(%dma_start3A_75 : memref<8x128xi32, #tpu.memory_space<vmem>>) target_semaphore(%run_scoped3A_65 : memref<!tpu.dma_semaphore, #tpu.memory_space<semaphore_mem>>)
        %dma_wait3A_78 = arith.constant 0 : i32
        %dma_wait3A_79 = arith.constant 0 : i32
        %dma_wait3A_80 = tpu.memref_slice %arg12[%run_scoped3A_27, %dma_wait3A_78, %dma_wait3A_79] : memref<2x8x128xi32, #tpu.memory_space<vmem>> -> memref<1x8x128xi32, #tpu.memory_space<vmem>>
        %dma_wait3A_81 = tpu.memref_squeeze %dma_wait3A_80 : memref<1x8x128xi32, #tpu.memory_space<vmem>> -> memref<8x128xi32, #tpu.memory_space<vmem>>
        %dma_wait3A_82 = arith.constant 0 : i32
        %dma_wait3A_83 = tpu.memref_slice %arg5[%mul3A_2, %dma_wait3A_82] : memref<2560x128xi32, #tpu.memory_space<hbm>> -> memref<8x128xi32, #tpu.memory_space<hbm>>
        %dma_wait3A_84 = arith.constant 0 : i32
        %dma_wait3A_85 = arith.constant 0 : i32
        %dma_wait3A_86 = tpu.memref_slice %arg12[%run_scoped3A_27, %dma_wait3A_84, %dma_wait3A_85] : memref<2x8x128xi32, #tpu.memory_space<vmem>> -> memref<1x8x128xi32, #tpu.memory_space<vmem>>
        %dma_wait3A_87 = tpu.memref_squeeze %dma_wait3A_86 : memref<1x8x128xi32, #tpu.memory_space<vmem>> -> memref<8x128xi32, #tpu.memory_space<vmem>>
        %dma_wait3A_88 = arith.constant 0 : i32
        %dma_wait3A_89 = tpu.memref_slice %arg5[%mul3A_2, %dma_wait3A_88] : memref<2560x128xi32, #tpu.memory_space<hbm>> -> memref<8x128xi32, #tpu.memory_space<hbm>>
        tpu.wait_dma2 semaphore(%run_scoped3A_65 : memref<!tpu.dma_semaphore, #tpu.memory_space<semaphore_mem>>) src(%dma_wait3A_89 : memref<8x128xi32, #tpu.memory_space<hbm>>) dst(%dma_wait3A_87 : memref<8x128xi32, #tpu.memory_space<vmem>>)
        tpu.yield
      }) : () -> ()
      %dma_start3A = arith.constant 0 : i32
      %dma_start3A_28 = arith.constant 0 : i32
      %dma_start3A_29 = arith.constant 0 : i32
      %dma_start3A_30 = tpu.memref_slice %arg11[%dma_start3A, %dma_start3A_28, %dma_start3A_29] : memref<2x8x128xi32, #tpu.memory_space<vmem>> -> memref<1x1x128xi32, #tpu.memory_space<vmem>>
      %dma_start3A_31 = tpu.memref_squeeze %dma_start3A_30 : memref<1x1x128xi32, #tpu.memory_space<vmem>> -> memref<128xi32, #tpu.memory_space<vmem>>
      %dma_start3A_32 = arith.constant 0 : i32
      %dma_start3A_33 = arith.constant 0 : i32
      %dma_start3A_34 = tpu.memref_slice %arg2[%dma_start3A_32, %dma_start3A_33] : memref<10000x128xbf16, #tpu.memory_space<hbm>> -> memref<10000x128xbf16, #tpu.memory_space<hbm>>
      tpu.enqueue_indirect_dma source(%dma_start3A_34 : memref<10000x128xbf16, #tpu.memory_space<hbm>>) target(%arg13 : memref<128x128xbf16, #tpu.memory_space<vmem>>) offsets(%dma_start3A_31 : memref<128xi32, #tpu.memory_space<vmem>>) semaphore(%arg17 : memref<!tpu.dma_semaphore, #tpu.memory_space<semaphore_mem>>)
      %dma_start3A_35 = arith.constant 0 : i32
      %dma_start3A_36 = arith.constant 1 : i32
      %dma_start3A_37 = arith.constant 0 : i32
      %dma_start3A_38 = tpu.memref_slice %arg11[%dma_start3A_35, %dma_start3A_36, %dma_start3A_37] : memref<2x8x128xi32, #tpu.memory_space<vmem>> -> memref<1x1x128xi32, #tpu.memory_space<vmem>>
      %dma_start3A_39 = tpu.memref_squeeze %dma_start3A_38 : memref<1x1x128xi32, #tpu.memory_space<vmem>> -> memref<128xi32, #tpu.memory_space<vmem>>
      %dma_start3A_40 = arith.constant 0 : i32
      %dma_start3A_41 = arith.constant 0 : i32
      %dma_start3A_42 = tpu.memref_slice %arg2[%dma_start3A_40, %dma_start3A_41] : memref<10000x128xbf16, #tpu.memory_space<hbm>> -> memref<10000x128xbf16, #tpu.memory_space<hbm>>
      tpu.enqueue_indirect_dma source(%dma_start3A_42 : memref<10000x128xbf16, #tpu.memory_space<hbm>>) target(%arg14 : memref<128x128xbf16, #tpu.memory_space<vmem>>) offsets(%dma_start3A_39 : memref<128xi32, #tpu.memory_space<vmem>>) semaphore(%arg18 : memref<!tpu.dma_semaphore, #tpu.memory_space<semaphore_mem>>)
      %scan3A_43 = arith.constant 0 : i32
      %scan3A_44 = arith.constant 0 : i32
      %scan3A_45 = arith.constant 20 : i32
      %scan3A_46 = arith.addi %scan3A_44, %scan3A_45 : i32
      %scan3A_47 = arith.constant 1 : i32
      scf.for %scan3A_65 = %scan3A_44 to %scan3A_46 step %scan3A_47  : i32 {
        %rem3A = arith.constant 2 : i32
        %rem3A_66 = arith.remsi %scan3A_65, %rem3A : i32
        %add3A_67 = arith.constant 1 : i32
        %add3A_68 = arith.addi %scan3A_65, %add3A_67 : i32
        %rem3A_69 = arith.constant 2 : i32
        %rem3A_70 = arith.remsi %add3A_68, %rem3A_69 : i32
        %add3A_71 = arith.constant 1 : i32
        %add3A_72 = arith.addi %scan3A_65, %add3A_71 : i32
        %mul3A_73 = arith.constant 8 : i32
        %mul3A_74 = arith.muli %add3A_72, %mul3A_73 : i32
        %add3A_75 = arith.addi %mul3A_2, %mul3A_74 : i32
        %add3A_76 = arith.constant 1 : i32
        %add3A_77 = arith.addi %scan3A_65, %add3A_76 : i32
        %lt3A = arith.constant 20 : i32
        %lt3A_78 = arith.cmpi slt, %add3A_77, %lt3A : i32
        %convert_element_type3A_79 = arith.extui %lt3A_78 : i1 to i32
        %cond3A_80 = arith.constant 0 : i32
        %cond3A_81 = arith.cmpi ne, %convert_element_type3A_79, %cond3A_80 : i32
        scf.if %cond3A_81 {
          %dma_start3A_315 = arith.constant 0 : i32
          %dma_start3A_316 = arith.constant 0 : i32
          %dma_start3A_317 = tpu.memref_slice %arg11[%rem3A_70, %dma_start3A_315, %dma_start3A_316] : memref<2x8x128xi32, #tpu.memory_space<vmem>> -> memref<1x8x128xi32, #tpu.memory_space<vmem>>
          %dma_start3A_318 = tpu.memref_squeeze %dma_start3A_317 : memref<1x8x128xi32, #tpu.memory_space<vmem>> -> memref<8x128xi32, #tpu.memory_space<vmem>>
          %dma_start3A_319 = arith.constant 0 : i32
          %dma_start3A_320 = tpu.memref_slice %arg4[%add3A_75, %dma_start3A_319] : memref<2560x128xi32, #tpu.memory_space<hbm>> -> memref<8x128xi32, #tpu.memory_space<hbm>>
          %dma_start3A_321 = arith.constant 0 : i32
          %dma_start3A_322 = arith.constant 0 : i32
          %dma_start3A_323 = tpu.memref_slice %arg11[%rem3A_70, %dma_start3A_321, %dma_start3A_322] : memref<2x8x128xi32, #tpu.memory_space<vmem>> -> memref<1x8x128xi32, #tpu.memory_space<vmem>>
          %dma_start3A_324 = tpu.memref_squeeze %dma_start3A_323 : memref<1x8x128xi32, #tpu.memory_space<vmem>> -> memref<8x128xi32, #tpu.memory_space<vmem>>
          %dma_start3A_325 = arith.constant 0 : i32
          %dma_start3A_326 = tpu.memref_slice %arg4[%add3A_75, %dma_start3A_325] : memref<2560x128xi32, #tpu.memory_space<hbm>> -> memref<8x128xi32, #tpu.memory_space<hbm>>
          tpu.enqueue_dma source(%dma_start3A_326 : memref<8x128xi32, #tpu.memory_space<hbm>>) target(%dma_start3A_324 : memref<8x128xi32, #tpu.memory_space<vmem>>) target_semaphore(%arg25 : memref<!tpu.dma_semaphore, #tpu.memory_space<semaphore_mem>>)
          %dma_start3A_327 = arith.constant 0 : i32
          %dma_start3A_328 = arith.constant 0 : i32
          %dma_start3A_329 = tpu.memref_slice %arg12[%rem3A_70, %dma_start3A_327, %dma_start3A_328] : memref<2x8x128xi32, #tpu.memory_space<vmem>> -> memref<1x8x128xi32, #tpu.memory_space<vmem>>
          %dma_start3A_330 = tpu.memref_squeeze %dma_start3A_329 : memref<1x8x128xi32, #tpu.memory_space<vmem>> -> memref<8x128xi32, #tpu.memory_space<vmem>>
          %dma_start3A_331 = arith.constant 0 : i32
          %dma_start3A_332 = tpu.memref_slice %arg5[%add3A_75, %dma_start3A_331] : memref<2560x128xi32, #tpu.memory_space<hbm>> -> memref<8x128xi32, #tpu.memory_space<hbm>>
          %dma_start3A_333 = arith.constant 0 : i32
          %dma_start3A_334 = arith.constant 0 : i32
          %dma_start3A_335 = tpu.memref_slice %arg12[%rem3A_70, %dma_start3A_333, %dma_start3A_334] : memref<2x8x128xi32, #tpu.memory_space<vmem>> -> memref<1x8x128xi32, #tpu.memory_space<vmem>>
          %dma_start3A_336 = tpu.memref_squeeze %dma_start3A_335 : memref<1x8x128xi32, #tpu.memory_space<vmem>> -> memref<8x128xi32, #tpu.memory_space<vmem>>
          %dma_start3A_337 = arith.constant 0 : i32
          %dma_start3A_338 = tpu.memref_slice %arg5[%add3A_75, %dma_start3A_337] : memref<2560x128xi32, #tpu.memory_space<hbm>> -> memref<8x128xi32, #tpu.memory_space<hbm>>
          tpu.enqueue_dma source(%dma_start3A_338 : memref<8x128xi32, #tpu.memory_space<hbm>>) target(%dma_start3A_336 : memref<8x128xi32, #tpu.memory_space<vmem>>) target_semaphore(%arg25 : memref<!tpu.dma_semaphore, #tpu.memory_space<semaphore_mem>>)
        } else {
        }
        %gt3A = arith.constant 0 : i32
        %gt3A_82 = arith.cmpi sgt, %scan3A_65, %gt3A : i32
        %convert_element_type3A_83 = arith.extui %gt3A_82 : i1 to i32
        %cond3A_84 = arith.constant 0 : i32
        %cond3A_85 = arith.cmpi ne, %convert_element_type3A_83, %cond3A_84 : i32
        scf.if %cond3A_85 {
          %dma_wait3A_315 = arith.constant 0 : i32
          %dma_wait3A_316 = arith.constant 0 : i32
          %dma_wait3A_317 = arith.constant 0 : i32
          %dma_wait3A_318 = tpu.memref_slice %arg12[%dma_wait3A_315, %dma_wait3A_316, %dma_wait3A_317] : memref<2x8x128xi32, #tpu.memory_space<vmem>> -> memref<1x1x128xi32, #tpu.memory_space<vmem>>
          %dma_wait3A_319 = tpu.memref_squeeze %dma_wait3A_318 : memref<1x1x128xi32, #tpu.memory_space<vmem>> -> memref<128xi32, #tpu.memory_space<vmem>>
          %dma_wait3A_320 = arith.constant 0 : i32
          %dma_wait3A_321 = arith.constant 0 : i32
          %dma_wait3A_322 = tpu.memref_slice %arg10[%dma_wait3A_320, %dma_wait3A_321] : memref<10112x128xbf16, #tpu.memory_space<vmem_shared>> -> memref<10112x128xbf16, #tpu.memory_space<vmem_shared>>
          tpu.wait_indirect_dma semaphore(%arg23 : memref<!tpu.dma_semaphore, #tpu.memory_space<semaphore_mem>>) src(%arg15 : memref<128x128xbf16, #tpu.memory_space<vmem>>) dst(%dma_wait3A_322 : memref<10112x128xbf16, #tpu.memory_space<vmem_shared>>)
        } else {
        }
        %dma_start3A_86 = arith.constant 2 : i32
        %dma_start3A_87 = arith.constant 0 : i32
        %dma_start3A_88 = tpu.memref_slice %arg11[%rem3A_66, %dma_start3A_86, %dma_start3A_87] : memref<2x8x128xi32, #tpu.memory_space<vmem>> -> memref<1x1x128xi32, #tpu.memory_space<vmem>>
        %dma_start3A_89 = tpu.memref_squeeze %dma_start3A_88 : memref<1x1x128xi32, #tpu.memory_space<vmem>> -> memref<128xi32, #tpu.memory_space<vmem>>
        %dma_start3A_90 = arith.constant 0 : i32
        %dma_start3A_91 = arith.constant 0 : i32
        %dma_start3A_92 = tpu.memref_slice %arg2[%dma_start3A_90, %dma_start3A_91] : memref<10000x128xbf16, #tpu.memory_space<hbm>> -> memref<10000x128xbf16, #tpu.memory_space<hbm>>
        tpu.enqueue_indirect_dma source(%dma_start3A_92 : memref<10000x128xbf16, #tpu.memory_space<hbm>>) target(%arg15 : memref<128x128xbf16, #tpu.memory_space<vmem>>) offsets(%dma_start3A_89 : memref<128xi32, #tpu.memory_space<vmem>>) semaphore(%arg19 : memref<!tpu.dma_semaphore, #tpu.memory_space<semaphore_mem>>)
        %dma_wait3A_93 = arith.constant 0 : i32
        %dma_wait3A_94 = arith.constant 0 : i32
        %dma_wait3A_95 = arith.constant 0 : i32
        %dma_wait3A_96 = tpu.memref_slice %arg11[%dma_wait3A_93, %dma_wait3A_94, %dma_wait3A_95] : memref<2x8x128xi32, #tpu.memory_space<vmem>> -> memref<1x1x128xi32, #tpu.memory_space<vmem>>
        %dma_wait3A_97 = tpu.memref_squeeze %dma_wait3A_96 : memref<1x1x128xi32, #tpu.memory_space<vmem>> -> memref<128xi32, #tpu.memory_space<vmem>>
        %dma_wait3A_98 = arith.constant 0 : i32
        %dma_wait3A_99 = arith.constant 0 : i32
        %dma_wait3A_100 = tpu.memref_slice %arg2[%dma_wait3A_98, %dma_wait3A_99] : memref<10000x128xbf16, #tpu.memory_space<hbm>> -> memref<10000x128xbf16, #tpu.memory_space<hbm>>
        tpu.wait_indirect_dma semaphore(%arg17 : memref<!tpu.dma_semaphore, #tpu.memory_space<semaphore_mem>>) src(%dma_wait3A_100 : memref<10000x128xbf16, #tpu.memory_space<hbm>>) dst(%arg13 : memref<128x128xbf16, #tpu.memory_space<vmem>>)
        %dma_start3A_101 = arith.constant 0 : i32
        %dma_start3A_102 = arith.constant 0 : i32
        %dma_start3A_103 = tpu.memref_slice %arg12[%rem3A_66, %dma_start3A_101, %dma_start3A_102] : memref<2x8x128xi32, #tpu.memory_space<vmem>> -> memref<1x1x128xi32, #tpu.memory_space<vmem>>
        %dma_start3A_104 = tpu.memref_squeeze %dma_start3A_103 : memref<1x1x128xi32, #tpu.memory_space<vmem>> -> memref<128xi32, #tpu.memory_space<vmem>>
        %dma_start3A_105 = arith.constant 0 : i32
        %dma_start3A_106 = arith.constant 0 : i32
        %dma_start3A_107 = tpu.memref_slice %arg10[%dma_start3A_105, %dma_start3A_106] : memref<10112x128xbf16, #tpu.memory_space<vmem_shared>> -> memref<10112x128xbf16, #tpu.memory_space<vmem_shared>>
        tpu.enqueue_indirect_dma source(%arg13 : memref<128x128xbf16, #tpu.memory_space<vmem>>) target(%dma_start3A_107 : memref<10112x128xbf16, #tpu.memory_space<vmem_shared>>) offsets(%dma_start3A_104 : memref<128xi32, #tpu.memory_space<vmem>>) semaphore(%arg21 : memref<!tpu.dma_semaphore, #tpu.memory_space<semaphore_mem>>) {add = true}
        %gt3A_108 = arith.constant 0 : i32
        %gt3A_109 = arith.cmpi sgt, %scan3A_65, %gt3A_108 : i32
        %convert_element_type3A_110 = arith.extui %gt3A_109 : i1 to i32
        %cond3A_111 = arith.constant 0 : i32
        %cond3A_112 = arith.cmpi ne, %convert_element_type3A_110, %cond3A_111 : i32
        scf.if %cond3A_112 {
          %dma_wait3A_315 = arith.constant 0 : i32
          %dma_wait3A_316 = arith.constant 0 : i32
          %dma_wait3A_317 = arith.constant 0 : i32
          %dma_wait3A_318 = tpu.memref_slice %arg12[%dma_wait3A_315, %dma_wait3A_316, %dma_wait3A_317] : memref<2x8x128xi32, #tpu.memory_space<vmem>> -> memref<1x1x128xi32, #tpu.memory_space<vmem>>
          %dma_wait3A_319 = tpu.memref_squeeze %dma_wait3A_318 : memref<1x1x128xi32, #tpu.memory_space<vmem>> -> memref<128xi32, #tpu.memory_space<vmem>>
          %dma_wait3A_320 = arith.constant 0 : i32
          %dma_wait3A_321 = arith.constant 0 : i32
          %dma_wait3A_322 = tpu.memref_slice %arg10[%dma_wait3A_320, %dma_wait3A_321] : memref<10112x128xbf16, #tpu.memory_space<vmem_shared>> -> memref<10112x128xbf16, #tpu.memory_space<vmem_shared>>
          tpu.wait_indirect_dma semaphore(%arg24 : memref<!tpu.dma_semaphore, #tpu.memory_space<semaphore_mem>>) src(%arg16 : memref<128x128xbf16, #tpu.memory_space<vmem>>) dst(%dma_wait3A_322 : memref<10112x128xbf16, #tpu.memory_space<vmem_shared>>)
        } else {
        }
        %dma_start3A_113 = arith.constant 3 : i32
        %dma_start3A_114 = arith.constant 0 : i32
        %dma_start3A_115 = tpu.memref_slice %arg11[%rem3A_66, %dma_start3A_113, %dma_start3A_114] : memref<2x8x128xi32, #tpu.memory_space<vmem>> -> memref<1x1x128xi32, #tpu.memory_space<vmem>>
        %dma_start3A_116 = tpu.memref_squeeze %dma_start3A_115 : memref<1x1x128xi32, #tpu.memory_space<vmem>> -> memref<128xi32, #tpu.memory_space<vmem>>
        %dma_start3A_117 = arith.constant 0 : i32
        %dma_start3A_118 = arith.constant 0 : i32
        %dma_start3A_119 = tpu.memref_slice %arg2[%dma_start3A_117, %dma_start3A_118] : memref<10000x128xbf16, #tpu.memory_space<hbm>> -> memref<10000x128xbf16, #tpu.memory_space<hbm>>
        tpu.enqueue_indirect_dma source(%dma_start3A_119 : memref<10000x128xbf16, #tpu.memory_space<hbm>>) target(%arg16 : memref<128x128xbf16, #tpu.memory_space<vmem>>) offsets(%dma_start3A_116 : memref<128xi32, #tpu.memory_space<vmem>>) semaphore(%arg20 : memref<!tpu.dma_semaphore, #tpu.memory_space<semaphore_mem>>)
        %dma_wait3A_120 = arith.constant 0 : i32
        %dma_wait3A_121 = arith.constant 0 : i32
        %dma_wait3A_122 = arith.constant 0 : i32
        %dma_wait3A_123 = tpu.memref_slice %arg11[%dma_wait3A_120, %dma_wait3A_121, %dma_wait3A_122] : memref<2x8x128xi32, #tpu.memory_space<vmem>> -> memref<1x1x128xi32, #tpu.memory_space<vmem>>
        %dma_wait3A_124 = tpu.memref_squeeze %dma_wait3A_123 : memref<1x1x128xi32, #tpu.memory_space<vmem>> -> memref<128xi32, #tpu.memory_space<vmem>>
        %dma_wait3A_125 = arith.constant 0 : i32
        %dma_wait3A_126 = arith.constant 0 : i32
        %dma_wait3A_127 = tpu.memref_slice %arg2[%dma_wait3A_125, %dma_wait3A_126] : memref<10000x128xbf16, #tpu.memory_space<hbm>> -> memref<10000x128xbf16, #tpu.memory_space<hbm>>
        tpu.wait_indirect_dma semaphore(%arg18 : memref<!tpu.dma_semaphore, #tpu.memory_space<semaphore_mem>>) src(%dma_wait3A_127 : memref<10000x128xbf16, #tpu.memory_space<hbm>>) dst(%arg14 : memref<128x128xbf16, #tpu.memory_space<vmem>>)
        %dma_start3A_128 = arith.constant 1 : i32
        %dma_start3A_129 = arith.constant 0 : i32
        %dma_start3A_130 = tpu.memref_slice %arg12[%rem3A_66, %dma_start3A_128, %dma_start3A_129] : memref<2x8x128xi32, #tpu.memory_space<vmem>> -> memref<1x1x128xi32, #tpu.memory_space<vmem>>
        %dma_start3A_131 = tpu.memref_squeeze %dma_start3A_130 : memref<1x1x128xi32, #tpu.memory_space<vmem>> -> memref<128xi32, #tpu.memory_space<vmem>>
        %dma_start3A_132 = arith.constant 0 : i32
        %dma_start3A_133 = arith.constant 0 : i32
        %dma_start3A_134 = tpu.memref_slice %arg10[%dma_start3A_132, %dma_start3A_133] : memref<10112x128xbf16, #tpu.memory_space<vmem_shared>> -> memref<10112x128xbf16, #tpu.memory_space<vmem_shared>>
        tpu.enqueue_indirect_dma source(%arg14 : memref<128x128xbf16, #tpu.memory_space<vmem>>) target(%dma_start3A_134 : memref<10112x128xbf16, #tpu.memory_space<vmem_shared>>) offsets(%dma_start3A_131 : memref<128xi32, #tpu.memory_space<vmem>>) semaphore(%arg22 : memref<!tpu.dma_semaphore, #tpu.memory_space<semaphore_mem>>) {add = true}
        %dma_wait3A_135 = arith.constant 0 : i32
        %dma_wait3A_136 = arith.constant 0 : i32
        %dma_wait3A_137 = arith.constant 0 : i32
        %dma_wait3A_138 = tpu.memref_slice %arg12[%dma_wait3A_135, %dma_wait3A_136, %dma_wait3A_137] : memref<2x8x128xi32, #tpu.memory_space<vmem>> -> memref<1x1x128xi32, #tpu.memory_space<vmem>>
        %dma_wait3A_139 = tpu.memref_squeeze %dma_wait3A_138 : memref<1x1x128xi32, #tpu.memory_space<vmem>> -> memref<128xi32, #tpu.memory_space<vmem>>
        %dma_wait3A_140 = arith.constant 0 : i32
        %dma_wait3A_141 = arith.constant 0 : i32
        %dma_wait3A_142 = tpu.memref_slice %arg10[%dma_wait3A_140, %dma_wait3A_141] : memref<10112x128xbf16, #tpu.memory_space<vmem_shared>> -> memref<10112x128xbf16, #tpu.memory_space<vmem_shared>>
        tpu.wait_indirect_dma semaphore(%arg21 : memref<!tpu.dma_semaphore, #tpu.memory_space<semaphore_mem>>) src(%arg13 : memref<128x128xbf16, #tpu.memory_space<vmem>>) dst(%dma_wait3A_142 : memref<10112x128xbf16, #tpu.memory_space<vmem_shared>>)
        %dma_start3A_143 = arith.constant 4 : i32
        %dma_start3A_144 = arith.constant 0 : i32
        %dma_start3A_145 = tpu.memref_slice %arg11[%rem3A_66, %dma_start3A_143, %dma_start3A_144] : memref<2x8x128xi32, #tpu.memory_space<vmem>> -> memref<1x1x128xi32, #tpu.memory_space<vmem>>
        %dma_start3A_146 = tpu.memref_squeeze %dma_start3A_145 : memref<1x1x128xi32, #tpu.memory_space<vmem>> -> memref<128xi32, #tpu.memory_space<vmem>>
        %dma_start3A_147 = arith.constant 0 : i32
        %dma_start3A_148 = arith.constant 0 : i32
        %dma_start3A_149 = tpu.memref_slice %arg2[%dma_start3A_147, %dma_start3A_148] : memref<10000x128xbf16, #tpu.memory_space<hbm>> -> memref<10000x128xbf16, #tpu.memory_space<hbm>>
        tpu.enqueue_indirect_dma source(%dma_start3A_149 : memref<10000x128xbf16, #tpu.memory_space<hbm>>) target(%arg13 : memref<128x128xbf16, #tpu.memory_space<vmem>>) offsets(%dma_start3A_146 : memref<128xi32, #tpu.memory_space<vmem>>) semaphore(%arg17 : memref<!tpu.dma_semaphore, #tpu.memory_space<semaphore_mem>>)
        %dma_wait3A_150 = arith.constant 0 : i32
        %dma_wait3A_151 = arith.constant 0 : i32
        %dma_wait3A_152 = arith.constant 0 : i32
        %dma_wait3A_153 = tpu.memref_slice %arg11[%dma_wait3A_150, %dma_wait3A_151, %dma_wait3A_152] : memref<2x8x128xi32, #tpu.memory_space<vmem>> -> memref<1x1x128xi32, #tpu.memory_space<vmem>>
        %dma_wait3A_154 = tpu.memref_squeeze %dma_wait3A_153 : memref<1x1x128xi32, #tpu.memory_space<vmem>> -> memref<128xi32, #tpu.memory_space<vmem>>
        %dma_wait3A_155 = arith.constant 0 : i32
        %dma_wait3A_156 = arith.constant 0 : i32
        %dma_wait3A_157 = tpu.memref_slice %arg2[%dma_wait3A_155, %dma_wait3A_156] : memref<10000x128xbf16, #tpu.memory_space<hbm>> -> memref<10000x128xbf16, #tpu.memory_space<hbm>>
        tpu.wait_indirect_dma semaphore(%arg19 : memref<!tpu.dma_semaphore, #tpu.memory_space<semaphore_mem>>) src(%dma_wait3A_157 : memref<10000x128xbf16, #tpu.memory_space<hbm>>) dst(%arg15 : memref<128x128xbf16, #tpu.memory_space<vmem>>)
        %dma_start3A_158 = arith.constant 2 : i32
        %dma_start3A_159 = arith.constant 0 : i32
        %dma_start3A_160 = tpu.memref_slice %arg12[%rem3A_66, %dma_start3A_158, %dma_start3A_159] : memref<2x8x128xi32, #tpu.memory_space<vmem>> -> memref<1x1x128xi32, #tpu.memory_space<vmem>>
        %dma_start3A_161 = tpu.memref_squeeze %dma_start3A_160 : memref<1x1x128xi32, #tpu.memory_space<vmem>> -> memref<128xi32, #tpu.memory_space<vmem>>
        %dma_start3A_162 = arith.constant 0 : i32
        %dma_start3A_163 = arith.constant 0 : i32
        %dma_start3A_164 = tpu.memref_slice %arg10[%dma_start3A_162, %dma_start3A_163] : memref<10112x128xbf16, #tpu.memory_space<vmem_shared>> -> memref<10112x128xbf16, #tpu.memory_space<vmem_shared>>
        tpu.enqueue_indirect_dma source(%arg15 : memref<128x128xbf16, #tpu.memory_space<vmem>>) target(%dma_start3A_164 : memref<10112x128xbf16, #tpu.memory_space<vmem_shared>>) offsets(%dma_start3A_161 : memref<128xi32, #tpu.memory_space<vmem>>) semaphore(%arg23 : memref<!tpu.dma_semaphore, #tpu.memory_space<semaphore_mem>>) {add = true}
        %dma_wait3A_165 = arith.constant 0 : i32
        %dma_wait3A_166 = arith.constant 0 : i32
        %dma_wait3A_167 = arith.constant 0 : i32
        %dma_wait3A_168 = tpu.memref_slice %arg12[%dma_wait3A_165, %dma_wait3A_166, %dma_wait3A_167] : memref<2x8x128xi32, #tpu.memory_space<vmem>> -> memref<1x1x128xi32, #tpu.memory_space<vmem>>
        %dma_wait3A_169 = tpu.memref_squeeze %dma_wait3A_168 : memref<1x1x128xi32, #tpu.memory_space<vmem>> -> memref<128xi32, #tpu.memory_space<vmem>>
        %dma_wait3A_170 = arith.constant 0 : i32
        %dma_wait3A_171 = arith.constant 0 : i32
        %dma_wait3A_172 = tpu.memref_slice %arg10[%dma_wait3A_170, %dma_wait3A_171] : memref<10112x128xbf16, #tpu.memory_space<vmem_shared>> -> memref<10112x128xbf16, #tpu.memory_space<vmem_shared>>
        tpu.wait_indirect_dma semaphore(%arg22 : memref<!tpu.dma_semaphore, #tpu.memory_space<semaphore_mem>>) src(%arg14 : memref<128x128xbf16, #tpu.memory_space<vmem>>) dst(%dma_wait3A_172 : memref<10112x128xbf16, #tpu.memory_space<vmem_shared>>)
        %dma_start3A_173 = arith.constant 5 : i32
        %dma_start3A_174 = arith.constant 0 : i32
        %dma_start3A_175 = tpu.memref_slice %arg11[%rem3A_66, %dma_start3A_173, %dma_start3A_174] : memref<2x8x128xi32, #tpu.memory_space<vmem>> -> memref<1x1x128xi32, #tpu.memory_space<vmem>>
        %dma_start3A_176 = tpu.memref_squeeze %dma_start3A_175 : memref<1x1x128xi32, #tpu.memory_space<vmem>> -> memref<128xi32, #tpu.memory_space<vmem>>
        %dma_start3A_177 = arith.constant 0 : i32
        %dma_start3A_178 = arith.constant 0 : i32
        %dma_start3A_179 = tpu.memref_slice %arg2[%dma_start3A_177, %dma_start3A_178] : memref<10000x128xbf16, #tpu.memory_space<hbm>> -> memref<10000x128xbf16, #tpu.memory_space<hbm>>
        tpu.enqueue_indirect_dma source(%dma_start3A_179 : memref<10000x128xbf16, #tpu.memory_space<hbm>>) target(%arg14 : memref<128x128xbf16, #tpu.memory_space<vmem>>) offsets(%dma_start3A_176 : memref<128xi32, #tpu.memory_space<vmem>>) semaphore(%arg18 : memref<!tpu.dma_semaphore, #tpu.memory_space<semaphore_mem>>)
        %dma_wait3A_180 = arith.constant 0 : i32
        %dma_wait3A_181 = arith.constant 0 : i32
        %dma_wait3A_182 = arith.constant 0 : i32
        %dma_wait3A_183 = tpu.memref_slice %arg11[%dma_wait3A_180, %dma_wait3A_181, %dma_wait3A_182] : memref<2x8x128xi32, #tpu.memory_space<vmem>> -> memref<1x1x128xi32, #tpu.memory_space<vmem>>
        %dma_wait3A_184 = tpu.memref_squeeze %dma_wait3A_183 : memref<1x1x128xi32, #tpu.memory_space<vmem>> -> memref<128xi32, #tpu.memory_space<vmem>>
        %dma_wait3A_185 = arith.constant 0 : i32
        %dma_wait3A_186 = arith.constant 0 : i32
        %dma_wait3A_187 = tpu.memref_slice %arg2[%dma_wait3A_185, %dma_wait3A_186] : memref<10000x128xbf16, #tpu.memory_space<hbm>> -> memref<10000x128xbf16, #tpu.memory_space<hbm>>
        tpu.wait_indirect_dma semaphore(%arg20 : memref<!tpu.dma_semaphore, #tpu.memory_space<semaphore_mem>>) src(%dma_wait3A_187 : memref<10000x128xbf16, #tpu.memory_space<hbm>>) dst(%arg16 : memref<128x128xbf16, #tpu.memory_space<vmem>>)
        %dma_start3A_188 = arith.constant 3 : i32
        %dma_start3A_189 = arith.constant 0 : i32
        %dma_start3A_190 = tpu.memref_slice %arg12[%rem3A_66, %dma_start3A_188, %dma_start3A_189] : memref<2x8x128xi32, #tpu.memory_space<vmem>> -> memref<1x1x128xi32, #tpu.memory_space<vmem>>
        %dma_start3A_191 = tpu.memref_squeeze %dma_start3A_190 : memref<1x1x128xi32, #tpu.memory_space<vmem>> -> memref<128xi32, #tpu.memory_space<vmem>>
        %dma_start3A_192 = arith.constant 0 : i32
        %dma_start3A_193 = arith.constant 0 : i32
        %dma_start3A_194 = tpu.memref_slice %arg10[%dma_start3A_192, %dma_start3A_193] : memref<10112x128xbf16, #tpu.memory_space<vmem_shared>> -> memref<10112x128xbf16, #tpu.memory_space<vmem_shared>>
        tpu.enqueue_indirect_dma source(%arg16 : memref<128x128xbf16, #tpu.memory_space<vmem>>) target(%dma_start3A_194 : memref<10112x128xbf16, #tpu.memory_space<vmem_shared>>) offsets(%dma_start3A_191 : memref<128xi32, #tpu.memory_space<vmem>>) semaphore(%arg24 : memref<!tpu.dma_semaphore, #tpu.memory_space<semaphore_mem>>) {add = true}
        %dma_wait3A_195 = arith.constant 0 : i32
        %dma_wait3A_196 = arith.constant 0 : i32
        %dma_wait3A_197 = arith.constant 0 : i32
        %dma_wait3A_198 = tpu.memref_slice %arg12[%dma_wait3A_195, %dma_wait3A_196, %dma_wait3A_197] : memref<2x8x128xi32, #tpu.memory_space<vmem>> -> memref<1x1x128xi32, #tpu.memory_space<vmem>>
        %dma_wait3A_199 = tpu.memref_squeeze %dma_wait3A_198 : memref<1x1x128xi32, #tpu.memory_space<vmem>> -> memref<128xi32, #tpu.memory_space<vmem>>
        %dma_wait3A_200 = arith.constant 0 : i32
        %dma_wait3A_201 = arith.constant 0 : i32
        %dma_wait3A_202 = tpu.memref_slice %arg10[%dma_wait3A_200, %dma_wait3A_201] : memref<10112x128xbf16, #tpu.memory_space<vmem_shared>> -> memref<10112x128xbf16, #tpu.memory_space<vmem_shared>>
        tpu.wait_indirect_dma semaphore(%arg23 : memref<!tpu.dma_semaphore, #tpu.memory_space<semaphore_mem>>) src(%arg15 : memref<128x128xbf16, #tpu.memory_space<vmem>>) dst(%dma_wait3A_202 : memref<10112x128xbf16, #tpu.memory_space<vmem_shared>>)
        %dma_start3A_203 = arith.constant 6 : i32
        %dma_start3A_204 = arith.constant 0 : i32
        %dma_start3A_205 = tpu.memref_slice %arg11[%rem3A_66, %dma_start3A_203, %dma_start3A_204] : memref<2x8x128xi32, #tpu.memory_space<vmem>> -> memref<1x1x128xi32, #tpu.memory_space<vmem>>
        %dma_start3A_206 = tpu.memref_squeeze %dma_start3A_205 : memref<1x1x128xi32, #tpu.memory_space<vmem>> -> memref<128xi32, #tpu.memory_space<vmem>>
        %dma_start3A_207 = arith.constant 0 : i32
        %dma_start3A_208 = arith.constant 0 : i32
        %dma_start3A_209 = tpu.memref_slice %arg2[%dma_start3A_207, %dma_start3A_208] : memref<10000x128xbf16, #tpu.memory_space<hbm>> -> memref<10000x128xbf16, #tpu.memory_space<hbm>>
        tpu.enqueue_indirect_dma source(%dma_start3A_209 : memref<10000x128xbf16, #tpu.memory_space<hbm>>) target(%arg15 : memref<128x128xbf16, #tpu.memory_space<vmem>>) offsets(%dma_start3A_206 : memref<128xi32, #tpu.memory_space<vmem>>) semaphore(%arg19 : memref<!tpu.dma_semaphore, #tpu.memory_space<semaphore_mem>>)
        %dma_wait3A_210 = arith.constant 0 : i32
        %dma_wait3A_211 = arith.constant 0 : i32
        %dma_wait3A_212 = arith.constant 0 : i32
        %dma_wait3A_213 = tpu.memref_slice %arg11[%dma_wait3A_210, %dma_wait3A_211, %dma_wait3A_212] : memref<2x8x128xi32, #tpu.memory_space<vmem>> -> memref<1x1x128xi32, #tpu.memory_space<vmem>>
        %dma_wait3A_214 = tpu.memref_squeeze %dma_wait3A_213 : memref<1x1x128xi32, #tpu.memory_space<vmem>> -> memref<128xi32, #tpu.memory_space<vmem>>
        %dma_wait3A_215 = arith.constant 0 : i32
        %dma_wait3A_216 = arith.constant 0 : i32
        %dma_wait3A_217 = tpu.memref_slice %arg2[%dma_wait3A_215, %dma_wait3A_216] : memref<10000x128xbf16, #tpu.memory_space<hbm>> -> memref<10000x128xbf16, #tpu.memory_space<hbm>>
        tpu.wait_indirect_dma semaphore(%arg17 : memref<!tpu.dma_semaphore, #tpu.memory_space<semaphore_mem>>) src(%dma_wait3A_217 : memref<10000x128xbf16, #tpu.memory_space<hbm>>) dst(%arg13 : memref<128x128xbf16, #tpu.memory_space<vmem>>)
        %dma_start3A_218 = arith.constant 4 : i32
        %dma_start3A_219 = arith.constant 0 : i32
        %dma_start3A_220 = tpu.memref_slice %arg12[%rem3A_66, %dma_start3A_218, %dma_start3A_219] : memref<2x8x128xi32, #tpu.memory_space<vmem>> -> memref<1x1x128xi32, #tpu.memory_space<vmem>>
        %dma_start3A_221 = tpu.memref_squeeze %dma_start3A_220 : memref<1x1x128xi32, #tpu.memory_space<vmem>> -> memref<128xi32, #tpu.memory_space<vmem>>
        %dma_start3A_222 = arith.constant 0 : i32
        %dma_start3A_223 = arith.constant 0 : i32
        %dma_start3A_224 = tpu.memref_slice %arg10[%dma_start3A_222, %dma_start3A_223] : memref<10112x128xbf16, #tpu.memory_space<vmem_shared>> -> memref<10112x128xbf16, #tpu.memory_space<vmem_shared>>
        tpu.enqueue_indirect_dma source(%arg13 : memref<128x128xbf16, #tpu.memory_space<vmem>>) target(%dma_start3A_224 : memref<10112x128xbf16, #tpu.memory_space<vmem_shared>>) offsets(%dma_start3A_221 : memref<128xi32, #tpu.memory_space<vmem>>) semaphore(%arg21 : memref<!tpu.dma_semaphore, #tpu.memory_space<semaphore_mem>>) {add = true}
        %dma_wait3A_225 = arith.constant 0 : i32
        %dma_wait3A_226 = arith.constant 0 : i32
        %dma_wait3A_227 = arith.constant 0 : i32
        %dma_wait3A_228 = tpu.memref_slice %arg12[%dma_wait3A_225, %dma_wait3A_226, %dma_wait3A_227] : memref<2x8x128xi32, #tpu.memory_space<vmem>> -> memref<1x1x128xi32, #tpu.memory_space<vmem>>
        %dma_wait3A_229 = tpu.memref_squeeze %dma_wait3A_228 : memref<1x1x128xi32, #tpu.memory_space<vmem>> -> memref<128xi32, #tpu.memory_space<vmem>>
        %dma_wait3A_230 = arith.constant 0 : i32
        %dma_wait3A_231 = arith.constant 0 : i32
        %dma_wait3A_232 = tpu.memref_slice %arg10[%dma_wait3A_230, %dma_wait3A_231] : memref<10112x128xbf16, #tpu.memory_space<vmem_shared>> -> memref<10112x128xbf16, #tpu.memory_space<vmem_shared>>
        tpu.wait_indirect_dma semaphore(%arg24 : memref<!tpu.dma_semaphore, #tpu.memory_space<semaphore_mem>>) src(%arg16 : memref<128x128xbf16, #tpu.memory_space<vmem>>) dst(%dma_wait3A_232 : memref<10112x128xbf16, #tpu.memory_space<vmem_shared>>)
        %dma_start3A_233 = arith.constant 7 : i32
        %dma_start3A_234 = arith.constant 0 : i32
        %dma_start3A_235 = tpu.memref_slice %arg11[%rem3A_66, %dma_start3A_233, %dma_start3A_234] : memref<2x8x128xi32, #tpu.memory_space<vmem>> -> memref<1x1x128xi32, #tpu.memory_space<vmem>>
        %dma_start3A_236 = tpu.memref_squeeze %dma_start3A_235 : memref<1x1x128xi32, #tpu.memory_space<vmem>> -> memref<128xi32, #tpu.memory_space<vmem>>
        %dma_start3A_237 = arith.constant 0 : i32
        %dma_start3A_238 = arith.constant 0 : i32
        %dma_start3A_239 = tpu.memref_slice %arg2[%dma_start3A_237, %dma_start3A_238] : memref<10000x128xbf16, #tpu.memory_space<hbm>> -> memref<10000x128xbf16, #tpu.memory_space<hbm>>
        tpu.enqueue_indirect_dma source(%dma_start3A_239 : memref<10000x128xbf16, #tpu.memory_space<hbm>>) target(%arg16 : memref<128x128xbf16, #tpu.memory_space<vmem>>) offsets(%dma_start3A_236 : memref<128xi32, #tpu.memory_space<vmem>>) semaphore(%arg20 : memref<!tpu.dma_semaphore, #tpu.memory_space<semaphore_mem>>)
        %dma_wait3A_240 = arith.constant 0 : i32
        %dma_wait3A_241 = arith.constant 0 : i32
        %dma_wait3A_242 = arith.constant 0 : i32
        %dma_wait3A_243 = tpu.memref_slice %arg11[%dma_wait3A_240, %dma_wait3A_241, %dma_wait3A_242] : memref<2x8x128xi32, #tpu.memory_space<vmem>> -> memref<1x1x128xi32, #tpu.memory_space<vmem>>
        %dma_wait3A_244 = tpu.memref_squeeze %dma_wait3A_243 : memref<1x1x128xi32, #tpu.memory_space<vmem>> -> memref<128xi32, #tpu.memory_space<vmem>>
        %dma_wait3A_245 = arith.constant 0 : i32
        %dma_wait3A_246 = arith.constant 0 : i32
        %dma_wait3A_247 = tpu.memref_slice %arg2[%dma_wait3A_245, %dma_wait3A_246] : memref<10000x128xbf16, #tpu.memory_space<hbm>> -> memref<10000x128xbf16, #tpu.memory_space<hbm>>
        tpu.wait_indirect_dma semaphore(%arg18 : memref<!tpu.dma_semaphore, #tpu.memory_space<semaphore_mem>>) src(%dma_wait3A_247 : memref<10000x128xbf16, #tpu.memory_space<hbm>>) dst(%arg14 : memref<128x128xbf16, #tpu.memory_space<vmem>>)
        %dma_start3A_248 = arith.constant 5 : i32
        %dma_start3A_249 = arith.constant 0 : i32
        %dma_start3A_250 = tpu.memref_slice %arg12[%rem3A_66, %dma_start3A_248, %dma_start3A_249] : memref<2x8x128xi32, #tpu.memory_space<vmem>> -> memref<1x1x128xi32, #tpu.memory_space<vmem>>
        %dma_start3A_251 = tpu.memref_squeeze %dma_start3A_250 : memref<1x1x128xi32, #tpu.memory_space<vmem>> -> memref<128xi32, #tpu.memory_space<vmem>>
        %dma_start3A_252 = arith.constant 0 : i32
        %dma_start3A_253 = arith.constant 0 : i32
        %dma_start3A_254 = tpu.memref_slice %arg10[%dma_start3A_252, %dma_start3A_253] : memref<10112x128xbf16, #tpu.memory_space<vmem_shared>> -> memref<10112x128xbf16, #tpu.memory_space<vmem_shared>>
        tpu.enqueue_indirect_dma source(%arg14 : memref<128x128xbf16, #tpu.memory_space<vmem>>) target(%dma_start3A_254 : memref<10112x128xbf16, #tpu.memory_space<vmem_shared>>) offsets(%dma_start3A_251 : memref<128xi32, #tpu.memory_space<vmem>>) semaphore(%arg22 : memref<!tpu.dma_semaphore, #tpu.memory_space<semaphore_mem>>) {add = true}
        %dma_wait3A_255 = arith.constant 0 : i32
        %dma_wait3A_256 = arith.constant 0 : i32
        %dma_wait3A_257 = arith.constant 0 : i32
        %dma_wait3A_258 = tpu.memref_slice %arg12[%dma_wait3A_255, %dma_wait3A_256, %dma_wait3A_257] : memref<2x8x128xi32, #tpu.memory_space<vmem>> -> memref<1x1x128xi32, #tpu.memory_space<vmem>>
        %dma_wait3A_259 = tpu.memref_squeeze %dma_wait3A_258 : memref<1x1x128xi32, #tpu.memory_space<vmem>> -> memref<128xi32, #tpu.memory_space<vmem>>
        %dma_wait3A_260 = arith.constant 0 : i32
        %dma_wait3A_261 = arith.constant 0 : i32
        %dma_wait3A_262 = tpu.memref_slice %arg10[%dma_wait3A_260, %dma_wait3A_261] : memref<10112x128xbf16, #tpu.memory_space<vmem_shared>> -> memref<10112x128xbf16, #tpu.memory_space<vmem_shared>>
        tpu.wait_indirect_dma semaphore(%arg21 : memref<!tpu.dma_semaphore, #tpu.memory_space<semaphore_mem>>) src(%arg13 : memref<128x128xbf16, #tpu.memory_space<vmem>>) dst(%dma_wait3A_262 : memref<10112x128xbf16, #tpu.memory_space<vmem_shared>>)
        %add3A_263 = arith.constant 1 : i32
        %add3A_264 = arith.addi %scan3A_65, %add3A_263 : i32
        %lt3A_265 = arith.constant 20 : i32
        %lt3A_266 = arith.cmpi slt, %add3A_264, %lt3A_265 : i32
        %convert_element_type3A_267 = arith.extui %lt3A_266 : i1 to i32
        %cond3A_268 = arith.constant 0 : i32
        %cond3A_269 = arith.cmpi ne, %convert_element_type3A_267, %cond3A_268 : i32
        scf.if %cond3A_269 {
          %dma_wait3A_315 = arith.constant 0 : i32
          %dma_wait3A_316 = arith.constant 0 : i32
          %dma_wait3A_317 = arith.constant 0 : i32
          %dma_wait3A_318 = tpu.memref_slice %arg11[%dma_wait3A_315, %dma_wait3A_316, %dma_wait3A_317] : memref<2x8x128xi32, #tpu.memory_space<vmem>> -> memref<1x8x128xi32, #tpu.memory_space<vmem>>
          %dma_wait3A_319 = tpu.memref_squeeze %dma_wait3A_318 : memref<1x8x128xi32, #tpu.memory_space<vmem>> -> memref<8x128xi32, #tpu.memory_space<vmem>>
          %dma_wait3A_320 = arith.constant 0 : i32
          %dma_wait3A_321 = tpu.memref_slice %arg4[%mul3A_2, %dma_wait3A_320] : memref<2560x128xi32, #tpu.memory_space<hbm>> -> memref<8x128xi32, #tpu.memory_space<hbm>>
          %dma_wait3A_322 = arith.constant 0 : i32
          %dma_wait3A_323 = arith.constant 0 : i32
          %dma_wait3A_324 = tpu.memref_slice %arg11[%dma_wait3A_315, %dma_wait3A_322, %dma_wait3A_323] : memref<2x8x128xi32, #tpu.memory_space<vmem>> -> memref<1x8x128xi32, #tpu.memory_space<vmem>>
          %dma_wait3A_325 = tpu.memref_squeeze %dma_wait3A_324 : memref<1x8x128xi32, #tpu.memory_space<vmem>> -> memref<8x128xi32, #tpu.memory_space<vmem>>
          %dma_wait3A_326 = arith.constant 0 : i32
          %dma_wait3A_327 = tpu.memref_slice %arg4[%mul3A_2, %dma_wait3A_326] : memref<2560x128xi32, #tpu.memory_space<hbm>> -> memref<8x128xi32, #tpu.memory_space<hbm>>
          tpu.wait_dma2 semaphore(%arg25 : memref<!tpu.dma_semaphore, #tpu.memory_space<semaphore_mem>>) src(%dma_wait3A_327 : memref<8x128xi32, #tpu.memory_space<hbm>>) dst(%dma_wait3A_325 : memref<8x128xi32, #tpu.memory_space<vmem>>)
          %dma_wait3A_328 = arith.constant 0 : i32
          %dma_wait3A_329 = arith.constant 0 : i32
          %dma_wait3A_330 = arith.constant 0 : i32
          %dma_wait3A_331 = tpu.memref_slice %arg11[%dma_wait3A_328, %dma_wait3A_329, %dma_wait3A_330] : memref<2x8x128xi32, #tpu.memory_space<vmem>> -> memref<1x8x128xi32, #tpu.memory_space<vmem>>
          %dma_wait3A_332 = tpu.memref_squeeze %dma_wait3A_331 : memref<1x8x128xi32, #tpu.memory_space<vmem>> -> memref<8x128xi32, #tpu.memory_space<vmem>>
          %dma_wait3A_333 = arith.constant 0 : i32
          %dma_wait3A_334 = tpu.memref_slice %arg4[%mul3A_2, %dma_wait3A_333] : memref<2560x128xi32, #tpu.memory_space<hbm>> -> memref<8x128xi32, #tpu.memory_space<hbm>>
          %dma_wait3A_335 = arith.constant 0 : i32
          %dma_wait3A_336 = arith.constant 0 : i32
          %dma_wait3A_337 = tpu.memref_slice %arg11[%dma_wait3A_328, %dma_wait3A_335, %dma_wait3A_336] : memref<2x8x128xi32, #tpu.memory_space<vmem>> -> memref<1x8x128xi32, #tpu.memory_space<vmem>>
          %dma_wait3A_338 = tpu.memref_squeeze %dma_wait3A_337 : memref<1x8x128xi32, #tpu.memory_space<vmem>> -> memref<8x128xi32, #tpu.memory_space<vmem>>
          %dma_wait3A_339 = arith.constant 0 : i32
          %dma_wait3A_340 = tpu.memref_slice %arg4[%mul3A_2, %dma_wait3A_339] : memref<2560x128xi32, #tpu.memory_space<hbm>> -> memref<8x128xi32, #tpu.memory_space<hbm>>
          tpu.wait_dma2 semaphore(%arg25 : memref<!tpu.dma_semaphore, #tpu.memory_space<semaphore_mem>>) src(%dma_wait3A_340 : memref<8x128xi32, #tpu.memory_space<hbm>>) dst(%dma_wait3A_338 : memref<8x128xi32, #tpu.memory_space<vmem>>)
          %dma_start3A_341 = arith.constant 0 : i32
          %dma_start3A_342 = arith.constant 0 : i32
          %dma_start3A_343 = tpu.memref_slice %arg11[%rem3A_70, %dma_start3A_341, %dma_start3A_342] : memref<2x8x128xi32, #tpu.memory_space<vmem>> -> memref<1x1x128xi32, #tpu.memory_space<vmem>>
          %dma_start3A_344 = tpu.memref_squeeze %dma_start3A_343 : memref<1x1x128xi32, #tpu.memory_space<vmem>> -> memref<128xi32, #tpu.memory_space<vmem>>
          %dma_start3A_345 = arith.constant 0 : i32
          %dma_start3A_346 = arith.constant 0 : i32
          %dma_start3A_347 = tpu.memref_slice %arg2[%dma_start3A_345, %dma_start3A_346] : memref<10000x128xbf16, #tpu.memory_space<hbm>> -> memref<10000x128xbf16, #tpu.memory_space<hbm>>
          tpu.enqueue_indirect_dma source(%dma_start3A_347 : memref<10000x128xbf16, #tpu.memory_space<hbm>>) target(%arg13 : memref<128x128xbf16, #tpu.memory_space<vmem>>) offsets(%dma_start3A_344 : memref<128xi32, #tpu.memory_space<vmem>>) semaphore(%arg17 : memref<!tpu.dma_semaphore, #tpu.memory_space<semaphore_mem>>)
        } else {
        }
        %dma_wait3A_270 = arith.constant 0 : i32
        %dma_wait3A_271 = arith.constant 0 : i32
        %dma_wait3A_272 = arith.constant 0 : i32
        %dma_wait3A_273 = tpu.memref_slice %arg11[%dma_wait3A_270, %dma_wait3A_271, %dma_wait3A_272] : memref<2x8x128xi32, #tpu.memory_space<vmem>> -> memref<1x1x128xi32, #tpu.memory_space<vmem>>
        %dma_wait3A_274 = tpu.memref_squeeze %dma_wait3A_273 : memref<1x1x128xi32, #tpu.memory_space<vmem>> -> memref<128xi32, #tpu.memory_space<vmem>>
        %dma_wait3A_275 = arith.constant 0 : i32
        %dma_wait3A_276 = arith.constant 0 : i32
        %dma_wait3A_277 = tpu.memref_slice %arg2[%dma_wait3A_275, %dma_wait3A_276] : memref<10000x128xbf16, #tpu.memory_space<hbm>> -> memref<10000x128xbf16, #tpu.memory_space<hbm>>
        tpu.wait_indirect_dma semaphore(%arg19 : memref<!tpu.dma_semaphore, #tpu.memory_space<semaphore_mem>>) src(%dma_wait3A_277 : memref<10000x128xbf16, #tpu.memory_space<hbm>>) dst(%arg15 : memref<128x128xbf16, #tpu.memory_space<vmem>>)
        %dma_start3A_278 = arith.constant 6 : i32
        %dma_start3A_279 = arith.constant 0 : i32
        %dma_start3A_280 = tpu.memref_slice %arg12[%rem3A_66, %dma_start3A_278, %dma_start3A_279] : memref<2x8x128xi32, #tpu.memory_space<vmem>> -> memref<1x1x128xi32, #tpu.memory_space<vmem>>
        %dma_start3A_281 = tpu.memref_squeeze %dma_start3A_280 : memref<1x1x128xi32, #tpu.memory_space<vmem>> -> memref<128xi32, #tpu.memory_space<vmem>>
        %dma_start3A_282 = arith.constant 0 : i32
        %dma_start3A_283 = arith.constant 0 : i32
        %dma_start3A_284 = tpu.memref_slice %arg10[%dma_start3A_282, %dma_start3A_283] : memref<10112x128xbf16, #tpu.memory_space<vmem_shared>> -> memref<10112x128xbf16, #tpu.memory_space<vmem_shared>>
        tpu.enqueue_indirect_dma source(%arg15 : memref<128x128xbf16, #tpu.memory_space<vmem>>) target(%dma_start3A_284 : memref<10112x128xbf16, #tpu.memory_space<vmem_shared>>) offsets(%dma_start3A_281 : memref<128xi32, #tpu.memory_space<vmem>>) semaphore(%arg23 : memref<!tpu.dma_semaphore, #tpu.memory_space<semaphore_mem>>) {add = true}
        %dma_wait3A_285 = arith.constant 0 : i32
        %dma_wait3A_286 = arith.constant 0 : i32
        %dma_wait3A_287 = arith.constant 0 : i32
        %dma_wait3A_288 = tpu.memref_slice %arg12[%dma_wait3A_285, %dma_wait3A_286, %dma_wait3A_287] : memref<2x8x128xi32, #tpu.memory_space<vmem>> -> memref<1x1x128xi32, #tpu.memory_space<vmem>>
        %dma_wait3A_289 = tpu.memref_squeeze %dma_wait3A_288 : memref<1x1x128xi32, #tpu.memory_space<vmem>> -> memref<128xi32, #tpu.memory_space<vmem>>
        %dma_wait3A_290 = arith.constant 0 : i32
        %dma_wait3A_291 = arith.constant 0 : i32
        %dma_wait3A_292 = tpu.memref_slice %arg10[%dma_wait3A_290, %dma_wait3A_291] : memref<10112x128xbf16, #tpu.memory_space<vmem_shared>> -> memref<10112x128xbf16, #tpu.memory_space<vmem_shared>>
        tpu.wait_indirect_dma semaphore(%arg22 : memref<!tpu.dma_semaphore, #tpu.memory_space<semaphore_mem>>) src(%arg14 : memref<128x128xbf16, #tpu.memory_space<vmem>>) dst(%dma_wait3A_292 : memref<10112x128xbf16, #tpu.memory_space<vmem_shared>>)
        %add3A_293 = arith.constant 1 : i32
        %add3A_294 = arith.addi %scan3A_65, %add3A_293 : i32
        %lt3A_295 = arith.constant 20 : i32
        %lt3A_296 = arith.cmpi slt, %add3A_294, %lt3A_295 : i32
        %convert_element_type3A_297 = arith.extui %lt3A_296 : i1 to i32
        %cond3A_298 = arith.constant 0 : i32
        %cond3A_299 = arith.cmpi ne, %convert_element_type3A_297, %cond3A_298 : i32
        scf.if %cond3A_299 {
          %dma_start3A_315 = arith.constant 1 : i32
          %dma_start3A_316 = arith.constant 0 : i32
          %dma_start3A_317 = tpu.memref_slice %arg11[%rem3A_70, %dma_start3A_315, %dma_start3A_316] : memref<2x8x128xi32, #tpu.memory_space<vmem>> -> memref<1x1x128xi32, #tpu.memory_space<vmem>>
          %dma_start3A_318 = tpu.memref_squeeze %dma_start3A_317 : memref<1x1x128xi32, #tpu.memory_space<vmem>> -> memref<128xi32, #tpu.memory_space<vmem>>
          %dma_start3A_319 = arith.constant 0 : i32
          %dma_start3A_320 = arith.constant 0 : i32
          %dma_start3A_321 = tpu.memref_slice %arg2[%dma_start3A_319, %dma_start3A_320] : memref<10000x128xbf16, #tpu.memory_space<hbm>> -> memref<10000x128xbf16, #tpu.memory_space<hbm>>
          tpu.enqueue_indirect_dma source(%dma_start3A_321 : memref<10000x128xbf16, #tpu.memory_space<hbm>>) target(%arg14 : memref<128x128xbf16, #tpu.memory_space<vmem>>) offsets(%dma_start3A_318 : memref<128xi32, #tpu.memory_space<vmem>>) semaphore(%arg18 : memref<!tpu.dma_semaphore, #tpu.memory_space<semaphore_mem>>)
        } else {
        }
        %dma_wait3A_300 = arith.constant 0 : i32
        %dma_wait3A_301 = arith.constant 0 : i32
        %dma_wait3A_302 = arith.constant 0 : i32
        %dma_wait3A_303 = tpu.memref_slice %arg11[%dma_wait3A_300, %dma_wait3A_301, %dma_wait3A_302] : memref<2x8x128xi32, #tpu.memory_space<vmem>> -> memref<1x1x128xi32, #tpu.memory_space<vmem>>
        %dma_wait3A_304 = tpu.memref_squeeze %dma_wait3A_303 : memref<1x1x128xi32, #tpu.memory_space<vmem>> -> memref<128xi32, #tpu.memory_space<vmem>>
        %dma_wait3A_305 = arith.constant 0 : i32
        %dma_wait3A_306 = arith.constant 0 : i32
        %dma_wait3A_307 = tpu.memref_slice %arg2[%dma_wait3A_305, %dma_wait3A_306] : memref<10000x128xbf16, #tpu.memory_space<hbm>> -> memref<10000x128xbf16, #tpu.memory_space<hbm>>
        tpu.wait_indirect_dma semaphore(%arg20 : memref<!tpu.dma_semaphore, #tpu.memory_space<semaphore_mem>>) src(%dma_wait3A_307 : memref<10000x128xbf16, #tpu.memory_space<hbm>>) dst(%arg16 : memref<128x128xbf16, #tpu.memory_space<vmem>>)
        %dma_start3A_308 = arith.constant 7 : i32
        %dma_start3A_309 = arith.constant 0 : i32
        %dma_start3A_310 = tpu.memref_slice %arg12[%rem3A_66, %dma_start3A_308, %dma_start3A_309] : memref<2x8x128xi32, #tpu.memory_space<vmem>> -> memref<1x1x128xi32, #tpu.memory_space<vmem>>
        %dma_start3A_311 = tpu.memref_squeeze %dma_start3A_310 : memref<1x1x128xi32, #tpu.memory_space<vmem>> -> memref<128xi32, #tpu.memory_space<vmem>>
        %dma_start3A_312 = arith.constant 0 : i32
        %dma_start3A_313 = arith.constant 0 : i32
        %dma_start3A_314 = tpu.memref_slice %arg10[%dma_start3A_312, %dma_start3A_313] : memref<10112x128xbf16, #tpu.memory_space<vmem_shared>> -> memref<10112x128xbf16, #tpu.memory_space<vmem_shared>>
        tpu.enqueue_indirect_dma source(%arg16 : memref<128x128xbf16, #tpu.memory_space<vmem>>) target(%dma_start3A_314 : memref<10112x128xbf16, #tpu.memory_space<vmem_shared>>) offsets(%dma_start3A_311 : memref<128xi32, #tpu.memory_space<vmem>>) semaphore(%arg24 : memref<!tpu.dma_semaphore, #tpu.memory_space<semaphore_mem>>) {add = true}
      }
      %scan3A_48 = arith.constant 20 : i32
      %dma_wait3A = arith.constant 0 : i32
      %dma_wait3A_49 = arith.constant 0 : i32
      %dma_wait3A_50 = arith.constant 0 : i32
      %dma_wait3A_51 = tpu.memref_slice %arg12[%dma_wait3A, %dma_wait3A_49, %dma_wait3A_50] : memref<2x8x128xi32, #tpu.memory_space<vmem>> -> memref<1x1x128xi32, #tpu.memory_space<vmem>>
      %dma_wait3A_52 = tpu.memref_squeeze %dma_wait3A_51 : memref<1x1x128xi32, #tpu.memory_space<vmem>> -> memref<128xi32, #tpu.memory_space<vmem>>
      %dma_wait3A_53 = arith.constant 0 : i32
      %dma_wait3A_54 = arith.constant 0 : i32
      %dma_wait3A_55 = tpu.memref_slice %arg10[%dma_wait3A_53, %dma_wait3A_54] : memref<10112x128xbf16, #tpu.memory_space<vmem_shared>> -> memref<10112x128xbf16, #tpu.memory_space<vmem_shared>>
      tpu.wait_indirect_dma semaphore(%arg23 : memref<!tpu.dma_semaphore, #tpu.memory_space<semaphore_mem>>) src(%arg15 : memref<128x128xbf16, #tpu.memory_space<vmem>>) dst(%dma_wait3A_55 : memref<10112x128xbf16, #tpu.memory_space<vmem_shared>>)
      %dma_wait3A_56 = arith.constant 0 : i32
      %dma_wait3A_57 = arith.constant 0 : i32
      %dma_wait3A_58 = arith.constant 0 : i32
      %dma_wait3A_59 = tpu.memref_slice %arg12[%dma_wait3A_56, %dma_wait3A_57, %dma_wait3A_58] : memref<2x8x128xi32, #tpu.memory_space<vmem>> -> memref<1x1x128xi32, #tpu.memory_space<vmem>>
      %dma_wait3A_60 = tpu.memref_squeeze %dma_wait3A_59 : memref<1x1x128xi32, #tpu.memory_space<vmem>> -> memref<128xi32, #tpu.memory_space<vmem>>
      %dma_wait3A_61 = arith.constant 0 : i32
      %dma_wait3A_62 = arith.constant 0 : i32
      %dma_wait3A_63 = tpu.memref_slice %arg10[%dma_wait3A_61, %dma_wait3A_62] : memref<10112x128xbf16, #tpu.memory_space<vmem_shared>> -> memref<10112x128xbf16, #tpu.memory_space<vmem_shared>>
      tpu.wait_indirect_dma semaphore(%arg24 : memref<!tpu.dma_semaphore, #tpu.memory_space<semaphore_mem>>) src(%arg16 : memref<128x128xbf16, #tpu.memory_space<vmem>>) dst(%dma_wait3A_63 : memref<10112x128xbf16, #tpu.memory_space<vmem_shared>>)
      %barrier3A_64 = arith.constant 0 : index
      tpu.barrier barrier_id(%barrier3A_64)
      "tpu.region"() ({
        %run_scoped3A_65 = tpu.sem_alloc : memref<!tpu.dma_semaphore, #tpu.memory_space<semaphore_mem>>
        %dma_start3A_66 = arith.constant 0 : i32
        %dma_start3A_67 = tpu.memref_slice %arg8[%mul3A_0, %dma_start3A_66] : memref<10112x128xbf16, #tpu.memory_space<hbm>> -> memref<632x128xbf16, #tpu.memory_space<hbm>>
        %dma_start3A_68 = arith.constant 0 : i32
        %dma_start3A_69 = tpu.memref_slice %arg10[%mul3A_0, %dma_start3A_68] : memref<10112x128xbf16, #tpu.memory_space<vmem_shared>> -> memref<632x128xbf16, #tpu.memory_space<vmem_shared>>
        tpu.enqueue_dma source(%dma_start3A_69 : memref<632x128xbf16, #tpu.memory_space<vmem_shared>>) target(%dma_start3A_67 : memref<632x128xbf16, #tpu.memory_space<hbm>>) target_semaphore(%run_scoped3A_65 : memref<!tpu.dma_semaphore, #tpu.memory_space<semaphore_mem>>)
        %dma_wait3A_70 = arith.constant 0 : i32
        %dma_wait3A_71 = tpu.memref_slice %arg8[%mul3A_0, %dma_wait3A_70] : memref<10112x128xbf16, #tpu.memory_space<hbm>> -> memref<632x128xbf16, #tpu.memory_space<hbm>>
        %dma_wait3A_72 = arith.constant 0 : i32
        %dma_wait3A_73 = tpu.memref_slice %arg10[%mul3A_0, %dma_wait3A_72] : memref<10112x128xbf16, #tpu.memory_space<vmem_shared>> -> memref<632x128xbf16, #tpu.memory_space<vmem_shared>>
        tpu.wait_dma2 semaphore(%run_scoped3A_65 : memref<!tpu.dma_semaphore, #tpu.memory_space<semaphore_mem>>) src(%dma_wait3A_73 : memref<632x128xbf16, #tpu.memory_space<vmem_shared>>) dst(%dma_wait3A_71 : memref<632x128xbf16, #tpu.memory_space<hbm>>)
        tpu.yield
      }) : () -> ()
    } else {
    }
    %eq3A_5 = arith.constant 1 : i32
    %eq3A_6 = arith.cmpi eq, %arg0, %eq3A_5 : i32
    %convert_element_type3A_7 = arith.extui %eq3A_6 : i1 to i32
    %cond3A_8 = arith.constant 0 : i32
    %cond3A_9 = arith.cmpi ne, %convert_element_type3A_7, %cond3A_8 : i32
    scf.if %cond3A_9 {
      %broadcast_in_dim3A = arith.constant 0.000000e+00 : f32
      %broadcast_in_dim3A_10 = vector.broadcast %broadcast_in_dim3A : f32 to vector<16xf32>
      %broadcast_in_dim3A_11 = arith.constant 0.000000e+00 : bf16
      %broadcast_in_dim3A_12 = vector.broadcast %broadcast_in_dim3A_11 : bf16 to vector<32xbf16>
      %scan3A = arith.constant 0 : i32
      %scan3A_13 = arith.constant 0 : i32
      %scan3A_14 = arith.constant 128 : i32
      %scan3A_15 = arith.addi %scan3A_13, %scan3A_14 : i32
      %scan3A_16 = arith.constant 1 : i32
      scf.for %scan3A_65 = %scan3A_13 to %scan3A_15 step %scan3A_16  : i32 {
        %scan3A_66 = arith.constant 0 : i32
        %scan3A_67 = arith.constant 4 : i32
        %scan3A_68 = arith.addi %scan3A_66, %scan3A_67 : i32
        %scan3A_69 = arith.constant 1 : i32
        scf.for %scan3A_71 = %scan3A_66 to %scan3A_68 step %scan3A_69  : i32 {
          %mul3A_72 = arith.constant 32 : i32
          %mul3A_73 = arith.muli %scan3A_71, %mul3A_72 : i32
          %swap3A = arith.index_cast %scan3A_65 : i32 to index
          %swap3A_74 = arith.index_cast %mul3A_73 : i32 to index
          %swap3A_75 = tpu.vector_load %arg13[%swap3A, %swap3A_74] {strides = array<i32>} : memref<128x128xbf16, #tpu.memory_space<vmem>>, vector<1x32xbf16>,
          %swap3A_76 = vector.shape_cast %swap3A_75 : vector<1x32xbf16> to vector<32xbf16>
          %swap3A_77 = vector.shape_cast %broadcast_in_dim3A_12 : vector<32xbf16> to vector<1x32xbf16>
          tpu.vector_store %arg13[%swap3A, %swap3A_74], %swap3A_77 {strides = array<i32>} : memref<128x128xbf16, #tpu.memory_space<vmem>>, vector<1x32xbf16>,
        }
        %scan3A_70 = arith.constant 4 : i32
      }
      %scan3A_17 = arith.constant 128 : i32
      %add3A = arith.constant 0 : i32
      %add3A_18 = arith.addi %mul3A_0, %add3A : i32
      "tpu.region"() ({
        %run_scoped3A_65 = tpu.sem_alloc : memref<!tpu.dma_semaphore, #tpu.memory_space<semaphore_mem>>
        %dma_start3A_66 = arith.constant 0 : i32
        %dma_start3A_67 = tpu.memref_slice %arg10[%add3A_18, %dma_start3A_66] : memref<10112x128xbf16, #tpu.memory_space<vmem_shared>> -> memref<128x128xbf16, #tpu.memory_space<vmem_shared>>
        %dma_start3A_68 = arith.constant 0 : i32
        %dma_start3A_69 = tpu.memref_slice %arg10[%add3A_18, %dma_start3A_68] : memref<10112x128xbf16, #tpu.memory_space<vmem_shared>> -> memref<128x128xbf16, #tpu.memory_space<vmem_shared>>
        tpu.enqueue_dma source(%arg13 : memref<128x128xbf16, #tpu.memory_space<vmem>>) target(%dma_start3A_69 : memref<128x128xbf16, #tpu.memory_space<vmem_shared>>) target_semaphore(%run_scoped3A_65 : memref<!tpu.dma_semaphore, #tpu.memory_space<semaphore_mem>>)
        %dma_wait3A_70 = arith.constant 0 : i32
        %dma_wait3A_71 = tpu.memref_slice %arg10[%add3A_18, %dma_wait3A_70] : memref<10112x128xbf16, #tpu.memory_space<vmem_shared>> -> memref<128x128xbf16, #tpu.memory_space<vmem_shared>>
        %dma_wait3A_72 = arith.constant 0 : i32
        %dma_wait3A_73 = tpu.memref_slice %arg10[%add3A_18, %dma_wait3A_72] : memref<10112x128xbf16, #tpu.memory_space<vmem_shared>> -> memref<128x128xbf16, #tpu.memory_space<vmem_shared>>
        tpu.wait_dma2 semaphore(%run_scoped3A_65 : memref<!tpu.dma_semaphore, #tpu.memory_space<semaphore_mem>>) src(%arg13 : memref<128x128xbf16, #tpu.memory_space<vmem>>) dst(%dma_wait3A_73 : memref<128x128xbf16, #tpu.memory_space<vmem_shared>>)
        tpu.yield
      }) : () -> ()
      %add3A_19 = arith.constant 128 : i32
      %add3A_20 = arith.addi %mul3A_0, %add3A_19 : i32
      "tpu.region"() ({
        %run_scoped3A_65 = tpu.sem_alloc : memref<!tpu.dma_semaphore, #tpu.memory_space<semaphore_mem>>
        %dma_start3A_66 = arith.constant 0 : i32
        %dma_start3A_67 = tpu.memref_slice %arg10[%add3A_20, %dma_start3A_66] : memref<10112x128xbf16, #tpu.memory_space<vmem_shared>> -> memref<128x128xbf16, #tpu.memory_space<vmem_shared>>
        %dma_start3A_68 = arith.constant 0 : i32
        %dma_start3A_69 = tpu.memref_slice %arg10[%add3A_20, %dma_start3A_68] : memref<10112x128xbf16, #tpu.memory_space<vmem_shared>> -> memref<128x128xbf16, #tpu.memory_space<vmem_shared>>
        tpu.enqueue_dma source(%arg13 : memref<128x128xbf16, #tpu.memory_space<vmem>>) target(%dma_start3A_69 : memref<128x128xbf16, #tpu.memory_space<vmem_shared>>) target_semaphore(%run_scoped3A_65 : memref<!tpu.dma_semaphore, #tpu.memory_space<semaphore_mem>>)
        %dma_wait3A_70 = arith.constant 0 : i32
        %dma_wait3A_71 = tpu.memref_slice %arg10[%add3A_20, %dma_wait3A_70] : memref<10112x128xbf16, #tpu.memory_space<vmem_shared>> -> memref<128x128xbf16, #tpu.memory_space<vmem_shared>>
        %dma_wait3A_72 = arith.constant 0 : i32
        %dma_wait3A_73 = tpu.memref_slice %arg10[%add3A_20, %dma_wait3A_72] : memref<10112x128xbf16, #tpu.memory_space<vmem_shared>> -> memref<128x128xbf16, #tpu.memory_space<vmem_shared>>
        tpu.wait_dma2 semaphore(%run_scoped3A_65 : memref<!tpu.dma_semaphore, #tpu.memory_space<semaphore_mem>>) src(%arg13 : memref<128x128xbf16, #tpu.memory_space<vmem>>) dst(%dma_wait3A_73 : memref<128x128xbf16, #tpu.memory_space<vmem_shared>>)
        tpu.yield
      }) : () -> ()
      %add3A_21 = arith.constant 256 : i32
      %add3A_22 = arith.addi %mul3A_0, %add3A_21 : i32
      "tpu.region"() ({
        %run_scoped3A_65 = tpu.sem_alloc : memref<!tpu.dma_semaphore, #tpu.memory_space<semaphore_mem>>
        %dma_start3A_66 = arith.constant 0 : i32
        %dma_start3A_67 = tpu.memref_slice %arg10[%add3A_22, %dma_start3A_66] : memref<10112x128xbf16, #tpu.memory_space<vmem_shared>> -> memref<128x128xbf16, #tpu.memory_space<vmem_shared>>
        %dma_start3A_68 = arith.constant 0 : i32
        %dma_start3A_69 = tpu.memref_slice %arg10[%add3A_22, %dma_start3A_68] : memref<10112x128xbf16, #tpu.memory_space<vmem_shared>> -> memref<128x128xbf16, #tpu.memory_space<vmem_shared>>
        tpu.enqueue_dma source(%arg13 : memref<128x128xbf16, #tpu.memory_space<vmem>>) target(%dma_start3A_69 : memref<128x128xbf16, #tpu.memory_space<vmem_shared>>) target_semaphore(%run_scoped3A_65 : memref<!tpu.dma_semaphore, #tpu.memory_space<semaphore_mem>>)
        %dma_wait3A_70 = arith.constant 0 : i32
        %dma_wait3A_71 = tpu.memref_slice %arg10[%add3A_22, %dma_wait3A_70] : memref<10112x128xbf16, #tpu.memory_space<vmem_shared>> -> memref<128x128xbf16, #tpu.memory_space<vmem_shared>>
        %dma_wait3A_72 = arith.constant 0 : i32
        %dma_wait3A_73 = tpu.memref_slice %arg10[%add3A_22, %dma_wait3A_72] : memref<10112x128xbf16, #tpu.memory_space<vmem_shared>> -> memref<128x128xbf16, #tpu.memory_space<vmem_shared>>
        tpu.wait_dma2 semaphore(%run_scoped3A_65 : memref<!tpu.dma_semaphore, #tpu.memory_space<semaphore_mem>>) src(%arg13 : memref<128x128xbf16, #tpu.memory_space<vmem>>) dst(%dma_wait3A_73 : memref<128x128xbf16, #tpu.memory_space<vmem_shared>>)
        tpu.yield
      }) : () -> ()
      %add3A_23 = arith.constant 384 : i32
      %add3A_24 = arith.addi %mul3A_0, %add3A_23 : i32
      "tpu.region"() ({
        %run_scoped3A_65 = tpu.sem_alloc : memref<!tpu.dma_semaphore, #tpu.memory_space<semaphore_mem>>
        %dma_start3A_66 = arith.constant 0 : i32
        %dma_start3A_67 = tpu.memref_slice %arg10[%add3A_24, %dma_start3A_66] : memref<10112x128xbf16, #tpu.memory_space<vmem_shared>> -> memref<128x128xbf16, #tpu.memory_space<vmem_shared>>
        %dma_start3A_68 = arith.constant 0 : i32
        %dma_start3A_69 = tpu.memref_slice %arg10[%add3A_24, %dma_start3A_68] : memref<10112x128xbf16, #tpu.memory_space<vmem_shared>> -> memref<128x128xbf16, #tpu.memory_space<vmem_shared>>
        tpu.enqueue_dma source(%arg13 : memref<128x128xbf16, #tpu.memory_space<vmem>>) target(%dma_start3A_69 : memref<128x128xbf16, #tpu.memory_space<vmem_shared>>) target_semaphore(%run_scoped3A_65 : memref<!tpu.dma_semaphore, #tpu.memory_space<semaphore_mem>>)
        %dma_wait3A_70 = arith.constant 0 : i32
        %dma_wait3A_71 = tpu.memref_slice %arg10[%add3A_24, %dma_wait3A_70] : memref<10112x128xbf16, #tpu.memory_space<vmem_shared>> -> memref<128x128xbf16, #tpu.memory_space<vmem_shared>>
        %dma_wait3A_72 = arith.constant 0 : i32
        %dma_wait3A_73 = tpu.memref_slice %arg10[%add3A_24, %dma_wait3A_72] : memref<10112x128xbf16, #tpu.memory_space<vmem_shared>> -> memref<128x128xbf16, #tpu.memory_space<vmem_shared>>
        tpu.wait_dma2 semaphore(%run_scoped3A_65 : memref<!tpu.dma_semaphore, #tpu.memory_space<semaphore_mem>>) src(%arg13 : memref<128x128xbf16, #tpu.memory_space<vmem>>) dst(%dma_wait3A_73 : memref<128x128xbf16, #tpu.memory_space<vmem_shared>>)
        tpu.yield
      }) : () -> ()
      %add3A_25 = arith.constant 512 : i32
      %add3A_26 = arith.addi %mul3A_0, %add3A_25 : i32
      "tpu.region"() ({
        %run_scoped3A_65 = tpu.sem_alloc : memref<!tpu.dma_semaphore, #tpu.memory_space<semaphore_mem>>
        %dma_start3A_66 = arith.constant 0 : i32
        %dma_start3A_67 = arith.constant 0 : i32
        %dma_start3A_68 = tpu.memref_slice %arg13[%dma_start3A_66, %dma_start3A_67] : memref<128x128xbf16, #tpu.memory_space<vmem>> -> memref<120x128xbf16, #tpu.memory_space<vmem>>
        %dma_start3A_69 = arith.constant 0 : i32
        %dma_start3A_70 = tpu.memref_slice %arg10[%add3A_26, %dma_start3A_69] : memref<10112x128xbf16, #tpu.memory_space<vmem_shared>> -> memref<120x128xbf16, #tpu.memory_space<vmem_shared>>
        %dma_start3A_71 = arith.constant 0 : i32
        %dma_start3A_72 = tpu.memref_slice %arg10[%add3A_26, %dma_start3A_71] : memref<10112x128xbf16, #tpu.memory_space<vmem_shared>> -> memref<120x128xbf16, #tpu.memory_space<vmem_shared>>
        %dma_start3A_73 = arith.constant 0 : i32
        %dma_start3A_74 = arith.constant 0 : i32
        %dma_start3A_75 = tpu.memref_slice %arg13[%dma_start3A_73, %dma_start3A_74] : memref<128x128xbf16, #tpu.memory_space<vmem>> -> memref<120x128xbf16, #tpu.memory_space<vmem>>
        tpu.enqueue_dma source(%dma_start3A_75 : memref<120x128xbf16, #tpu.memory_space<vmem>>) target(%dma_start3A_72 : memref<120x128xbf16, #tpu.memory_space<vmem_shared>>) target_semaphore(%run_scoped3A_65 : memref<!tpu.dma_semaphore, #tpu.memory_space<semaphore_mem>>)
        %dma_wait3A_76 = arith.constant 0 : i32
        %dma_wait3A_77 = arith.constant 0 : i32
        %dma_wait3A_78 = tpu.memref_slice %arg13[%dma_wait3A_76, %dma_wait3A_77] : memref<128x128xbf16, #tpu.memory_space<vmem>> -> memref<120x128xbf16, #tpu.memory_space<vmem>>
        %dma_wait3A_79 = arith.constant 0 : i32
        %dma_wait3A_80 = tpu.memref_slice %arg10[%add3A_26, %dma_wait3A_79] : memref<10112x128xbf16, #tpu.memory_space<vmem_shared>> -> memref<120x128xbf16, #tpu.memory_space<vmem_shared>>
        %dma_wait3A_81 = arith.constant 0 : i32
        %dma_wait3A_82 = tpu.memref_slice %arg10[%add3A_26, %dma_wait3A_81] : memref<10112x128xbf16, #tpu.memory_space<vmem_shared>> -> memref<120x128xbf16, #tpu.memory_space<vmem_shared>>
        %dma_wait3A_83 = arith.constant 0 : i32
        %dma_wait3A_84 = arith.constant 0 : i32
        %dma_wait3A_85 = tpu.memref_slice %arg13[%dma_wait3A_83, %dma_wait3A_84] : memref<128x128xbf16, #tpu.memory_space<vmem>> -> memref<120x128xbf16, #tpu.memory_space<vmem>>
        tpu.wait_dma2 semaphore(%run_scoped3A_65 : memref<!tpu.dma_semaphore, #tpu.memory_space<semaphore_mem>>) src(%dma_wait3A_85 : memref<120x128xbf16, #tpu.memory_space<vmem>>) dst(%dma_wait3A_82 : memref<120x128xbf16, #tpu.memory_space<vmem_shared>>)
        tpu.yield
      }) : () -> ()
      %barrier3A = arith.constant 0 : index
      tpu.barrier barrier_id(%barrier3A)
      %run_scoped3A = arith.constant 0 : i32
      "tpu.region"() ({
        %run_scoped3A_65 = tpu.sem_alloc : memref<!tpu.dma_semaphore, #tpu.memory_space<semaphore_mem>>
        %dma_start3A_66 = arith.constant 0 : i32
        %dma_start3A_67 = arith.constant 0 : i32
        %dma_start3A_68 = tpu.memref_slice %arg11[%run_scoped3A, %dma_start3A_66, %dma_start3A_67] : memref<2x8x128xi32, #tpu.memory_space<vmem>> -> memref<1x8x128xi32, #tpu.memory_space<vmem>>
        %dma_start3A_69 = tpu.memref_squeeze %dma_start3A_68 : memref<1x8x128xi32, #tpu.memory_space<vmem>> -> memref<8x128xi32, #tpu.memory_space<vmem>>
        %dma_start3A_70 = arith.constant 0 : i32
        %dma_start3A_71 = tpu.memref_slice %arg6[%mul3A_2, %dma_start3A_70] : memref<2560x128xi32, #tpu.memory_space<hbm>> -> memref<8x128xi32, #tpu.memory_space<hbm>>
        %dma_start3A_72 = arith.constant 0 : i32
        %dma_start3A_73 = arith.constant 0 : i32
        %dma_start3A_74 = tpu.memref_slice %arg11[%run_scoped3A, %dma_start3A_72, %dma_start3A_73] : memref<2x8x128xi32, #tpu.memory_space<vmem>> -> memref<1x8x128xi32, #tpu.memory_space<vmem>>
        %dma_start3A_75 = tpu.memref_squeeze %dma_start3A_74 : memref<1x8x128xi32, #tpu.memory_space<vmem>> -> memref<8x128xi32, #tpu.memory_space<vmem>>
        %dma_start3A_76 = arith.constant 0 : i32
        %dma_start3A_77 = tpu.memref_slice %arg6[%mul3A_2, %dma_start3A_76] : memref<2560x128xi32, #tpu.memory_space<hbm>> -> memref<8x128xi32, #tpu.memory_space<hbm>>
        tpu.enqueue_dma source(%dma_start3A_77 : memref<8x128xi32, #tpu.memory_space<hbm>>) target(%dma_start3A_75 : memref<8x128xi32, #tpu.memory_space<vmem>>) target_semaphore(%run_scoped3A_65 : memref<!tpu.dma_semaphore, #tpu.memory_space<semaphore_mem>>)
        %dma_wait3A_78 = arith.constant 0 : i32
        %dma_wait3A_79 = arith.constant 0 : i32
        %dma_wait3A_80 = tpu.memref_slice %arg11[%run_scoped3A, %dma_wait3A_78, %dma_wait3A_79] : memref<2x8x128xi32, #tpu.memory_space<vmem>> -> memref<1x8x128xi32, #tpu.memory_space<vmem>>
        %dma_wait3A_81 = tpu.memref_squeeze %dma_wait3A_80 : memref<1x8x128xi32, #tpu.memory_space<vmem>> -> memref<8x128xi32, #tpu.memory_space<vmem>>
        %dma_wait3A_82 = arith.constant 0 : i32
        %dma_wait3A_83 = tpu.memref_slice %arg6[%mul3A_2, %dma_wait3A_82] : memref<2560x128xi32, #tpu.memory_space<hbm>> -> memref<8x128xi32, #tpu.memory_space<hbm>>
        %dma_wait3A_84 = arith.constant 0 : i32
        %dma_wait3A_85 = arith.constant 0 : i32
        %dma_wait3A_86 = tpu.memref_slice %arg11[%run_scoped3A, %dma_wait3A_84, %dma_wait3A_85] : memref<2x8x128xi32, #tpu.memory_space<vmem>> -> memref<1x8x128xi32, #tpu.memory_space<vmem>>
        %dma_wait3A_87 = tpu.memref_squeeze %dma_wait3A_86 : memref<1x8x128xi32, #tpu.memory_space<vmem>> -> memref<8x128xi32, #tpu.memory_space<vmem>>
        %dma_wait3A_88 = arith.constant 0 : i32
        %dma_wait3A_89 = tpu.memref_slice %arg6[%mul3A_2, %dma_wait3A_88] : memref<2560x128xi32, #tpu.memory_space<hbm>> -> memref<8x128xi32, #tpu.memory_space<hbm>>
        tpu.wait_dma2 semaphore(%run_scoped3A_65 : memref<!tpu.dma_semaphore, #tpu.memory_space<semaphore_mem>>) src(%dma_wait3A_89 : memref<8x128xi32, #tpu.memory_space<hbm>>) dst(%dma_wait3A_87 : memref<8x128xi32, #tpu.memory_space<vmem>>)
        tpu.yield
      }) : () -> ()
      %run_scoped3A_27 = arith.constant 0 : i32
      "tpu.region"() ({
        %run_scoped3A_65 = tpu.sem_alloc : memref<!tpu.dma_semaphore, #tpu.memory_space<semaphore_mem>>
        %dma_start3A_66 = arith.constant 0 : i32
        %dma_start3A_67 = arith.constant 0 : i32
        %dma_start3A_68 = tpu.memref_slice %arg12[%run_scoped3A_27, %dma_start3A_66, %dma_start3A_67] : memref<2x8x128xi32, #tpu.memory_space<vmem>> -> memref<1x8x128xi32, #tpu.memory_space<vmem>>
        %dma_start3A_69 = tpu.memref_squeeze %dma_start3A_68 : memref<1x8x128xi32, #tpu.memory_space<vmem>> -> memref<8x128xi32, #tpu.memory_space<vmem>>
        %dma_start3A_70 = arith.constant 0 : i32
        %dma_start3A_71 = tpu.memref_slice %arg7[%mul3A_2, %dma_start3A_70] : memref<2560x128xi32, #tpu.memory_space<hbm>> -> memref<8x128xi32, #tpu.memory_space<hbm>>
        %dma_start3A_72 = arith.constant 0 : i32
        %dma_start3A_73 = arith.constant 0 : i32
        %dma_start3A_74 = tpu.memref_slice %arg12[%run_scoped3A_27, %dma_start3A_72, %dma_start3A_73] : memref<2x8x128xi32, #tpu.memory_space<vmem>> -> memref<1x8x128xi32, #tpu.memory_space<vmem>>
        %dma_start3A_75 = tpu.memref_squeeze %dma_start3A_74 : memref<1x8x128xi32, #tpu.memory_space<vmem>> -> memref<8x128xi32, #tpu.memory_space<vmem>>
        %dma_start3A_76 = arith.constant 0 : i32
        %dma_start3A_77 = tpu.memref_slice %arg7[%mul3A_2, %dma_start3A_76] : memref<2560x128xi32, #tpu.memory_space<hbm>> -> memref<8x128xi32, #tpu.memory_space<hbm>>
        tpu.enqueue_dma source(%dma_start3A_77 : memref<8x128xi32, #tpu.memory_space<hbm>>) target(%dma_start3A_75 : memref<8x128xi32, #tpu.memory_space<vmem>>) target_semaphore(%run_scoped3A_65 : memref<!tpu.dma_semaphore, #tpu.memory_space<semaphore_mem>>)
        %dma_wait3A_78 = arith.constant 0 : i32
        %dma_wait3A_79 = arith.constant 0 : i32
        %dma_wait3A_80 = tpu.memref_slice %arg12[%run_scoped3A_27, %dma_wait3A_78, %dma_wait3A_79] : memref<2x8x128xi32, #tpu.memory_space<vmem>> -> memref<1x8x128xi32, #tpu.memory_space<vmem>>
        %dma_wait3A_81 = tpu.memref_squeeze %dma_wait3A_80 : memref<1x8x128xi32, #tpu.memory_space<vmem>> -> memref<8x128xi32, #tpu.memory_space<vmem>>
        %dma_wait3A_82 = arith.constant 0 : i32
        %dma_wait3A_83 = tpu.memref_slice %arg7[%mul3A_2, %dma_wait3A_82] : memref<2560x128xi32, #tpu.memory_space<hbm>> -> memref<8x128xi32, #tpu.memory_space<hbm>>
        %dma_wait3A_84 = arith.constant 0 : i32
        %dma_wait3A_85 = arith.constant 0 : i32
        %dma_wait3A_86 = tpu.memref_slice %arg12[%run_scoped3A_27, %dma_wait3A_84, %dma_wait3A_85] : memref<2x8x128xi32, #tpu.memory_space<vmem>> -> memref<1x8x128xi32, #tpu.memory_space<vmem>>
        %dma_wait3A_87 = tpu.memref_squeeze %dma_wait3A_86 : memref<1x8x128xi32, #tpu.memory_space<vmem>> -> memref<8x128xi32, #tpu.memory_space<vmem>>
        %dma_wait3A_88 = arith.constant 0 : i32
        %dma_wait3A_89 = tpu.memref_slice %arg7[%mul3A_2, %dma_wait3A_88] : memref<2560x128xi32, #tpu.memory_space<hbm>> -> memref<8x128xi32, #tpu.memory_space<hbm>>
        tpu.wait_dma2 semaphore(%run_scoped3A_65 : memref<!tpu.dma_semaphore, #tpu.memory_space<semaphore_mem>>) src(%dma_wait3A_89 : memref<8x128xi32, #tpu.memory_space<hbm>>) dst(%dma_wait3A_87 : memref<8x128xi32, #tpu.memory_space<vmem>>)
        tpu.yield
      }) : () -> ()
      %dma_start3A = arith.constant 0 : i32
      %dma_start3A_28 = arith.constant 0 : i32
      %dma_start3A_29 = arith.constant 0 : i32
      %dma_start3A_30 = tpu.memref_slice %arg11[%dma_start3A, %dma_start3A_28, %dma_start3A_29] : memref<2x8x128xi32, #tpu.memory_space<vmem>> -> memref<1x1x128xi32, #tpu.memory_space<vmem>>
      %dma_start3A_31 = tpu.memref_squeeze %dma_start3A_30 : memref<1x1x128xi32, #tpu.memory_space<vmem>> -> memref<128xi32, #tpu.memory_space<vmem>>
      %dma_start3A_32 = arith.constant 0 : i32
      %dma_start3A_33 = arith.constant 0 : i32
      %dma_start3A_34 = tpu.memref_slice %arg3[%dma_start3A_32, %dma_start3A_33] : memref<10000x128xbf16, #tpu.memory_space<hbm>> -> memref<10000x128xbf16, #tpu.memory_space<hbm>>
      tpu.enqueue_indirect_dma source(%dma_start3A_34 : memref<10000x128xbf16, #tpu.memory_space<hbm>>) target(%arg13 : memref<128x128xbf16, #tpu.memory_space<vmem>>) offsets(%dma_start3A_31 : memref<128xi32, #tpu.memory_space<vmem>>) semaphore(%arg17 : memref<!tpu.dma_semaphore, #tpu.memory_space<semaphore_mem>>)
      %dma_start3A_35 = arith.constant 0 : i32
      %dma_start3A_36 = arith.constant 1 : i32
      %dma_start3A_37 = arith.constant 0 : i32
      %dma_start3A_38 = tpu.memref_slice %arg11[%dma_start3A_35, %dma_start3A_36, %dma_start3A_37] : memref<2x8x128xi32, #tpu.memory_space<vmem>> -> memref<1x1x128xi32, #tpu.memory_space<vmem>>
      %dma_start3A_39 = tpu.memref_squeeze %dma_start3A_38 : memref<1x1x128xi32, #tpu.memory_space<vmem>> -> memref<128xi32, #tpu.memory_space<vmem>>
      %dma_start3A_40 = arith.constant 0 : i32
      %dma_start3A_41 = arith.constant 0 : i32
      %dma_start3A_42 = tpu.memref_slice %arg3[%dma_start3A_40, %dma_start3A_41] : memref<10000x128xbf16, #tpu.memory_space<hbm>> -> memref<10000x128xbf16, #tpu.memory_space<hbm>>
      tpu.enqueue_indirect_dma source(%dma_start3A_42 : memref<10000x128xbf16, #tpu.memory_space<hbm>>) target(%arg14 : memref<128x128xbf16, #tpu.memory_space<vmem>>) offsets(%dma_start3A_39 : memref<128xi32, #tpu.memory_space<vmem>>) semaphore(%arg18 : memref<!tpu.dma_semaphore, #tpu.memory_space<semaphore_mem>>)
      %scan3A_43 = arith.constant 0 : i32
      %scan3A_44 = arith.constant 0 : i32
      %scan3A_45 = arith.constant 20 : i32
      %scan3A_46 = arith.addi %scan3A_44, %scan3A_45 : i32
      %scan3A_47 = arith.constant 1 : i32
      scf.for %scan3A_65 = %scan3A_44 to %scan3A_46 step %scan3A_47  : i32 {
        %rem3A = arith.constant 2 : i32
        %rem3A_66 = arith.remsi %scan3A_65, %rem3A : i32
        %add3A_67 = arith.constant 1 : i32
        %add3A_68 = arith.addi %scan3A_65, %add3A_67 : i32
        %rem3A_69 = arith.constant 2 : i32
        %rem3A_70 = arith.remsi %add3A_68, %rem3A_69 : i32
        %add3A_71 = arith.constant 1 : i32
        %add3A_72 = arith.addi %scan3A_65, %add3A_71 : i32
        %mul3A_73 = arith.constant 8 : i32
        %mul3A_74 = arith.muli %add3A_72, %mul3A_73 : i32
        %add3A_75 = arith.addi %mul3A_2, %mul3A_74 : i32
        %add3A_76 = arith.constant 1 : i32
        %add3A_77 = arith.addi %scan3A_65, %add3A_76 : i32
        %lt3A = arith.constant 20 : i32
        %lt3A_78 = arith.cmpi slt, %add3A_77, %lt3A : i32
        %convert_element_type3A_79 = arith.extui %lt3A_78 : i1 to i32
        %cond3A_80 = arith.constant 0 : i32
        %cond3A_81 = arith.cmpi ne, %convert_element_type3A_79, %cond3A_80 : i32
        scf.if %cond3A_81 {
          %dma_start3A_315 = arith.constant 0 : i32
          %dma_start3A_316 = arith.constant 0 : i32
          %dma_start3A_317 = tpu.memref_slice %arg11[%rem3A_70, %dma_start3A_315, %dma_start3A_316] : memref<2x8x128xi32, #tpu.memory_space<vmem>> -> memref<1x8x128xi32, #tpu.memory_space<vmem>>
          %dma_start3A_318 = tpu.memref_squeeze %dma_start3A_317 : memref<1x8x128xi32, #tpu.memory_space<vmem>> -> memref<8x128xi32, #tpu.memory_space<vmem>>
          %dma_start3A_319 = arith.constant 0 : i32
          %dma_start3A_320 = tpu.memref_slice %arg6[%add3A_75, %dma_start3A_319] : memref<2560x128xi32, #tpu.memory_space<hbm>> -> memref<8x128xi32, #tpu.memory_space<hbm>>
          %dma_start3A_321 = arith.constant 0 : i32
          %dma_start3A_322 = arith.constant 0 : i32
          %dma_start3A_323 = tpu.memref_slice %arg11[%rem3A_70, %dma_start3A_321, %dma_start3A_322] : memref<2x8x128xi32, #tpu.memory_space<vmem>> -> memref<1x8x128xi32, #tpu.memory_space<vmem>>
          %dma_start3A_324 = tpu.memref_squeeze %dma_start3A_323 : memref<1x8x128xi32, #tpu.memory_space<vmem>> -> memref<8x128xi32, #tpu.memory_space<vmem>>
          %dma_start3A_325 = arith.constant 0 : i32
          %dma_start3A_326 = tpu.memref_slice %arg6[%add3A_75, %dma_start3A_325] : memref<2560x128xi32, #tpu.memory_space<hbm>> -> memref<8x128xi32, #tpu.memory_space<hbm>>
          tpu.enqueue_dma source(%dma_start3A_326 : memref<8x128xi32, #tpu.memory_space<hbm>>) target(%dma_start3A_324 : memref<8x128xi32, #tpu.memory_space<vmem>>) target_semaphore(%arg25 : memref<!tpu.dma_semaphore, #tpu.memory_space<semaphore_mem>>)
          %dma_start3A_327 = arith.constant 0 : i32
          %dma_start3A_328 = arith.constant 0 : i32
          %dma_start3A_329 = tpu.memref_slice %arg12[%rem3A_70, %dma_start3A_327, %dma_start3A_328] : memref<2x8x128xi32, #tpu.memory_space<vmem>> -> memref<1x8x128xi32, #tpu.memory_space<vmem>>
          %dma_start3A_330 = tpu.memref_squeeze %dma_start3A_329 : memref<1x8x128xi32, #tpu.memory_space<vmem>> -> memref<8x128xi32, #tpu.memory_space<vmem>>
          %dma_start3A_331 = arith.constant 0 : i32
          %dma_start3A_332 = tpu.memref_slice %arg7[%add3A_75, %dma_start3A_331] : memref<2560x128xi32, #tpu.memory_space<hbm>> -> memref<8x128xi32, #tpu.memory_space<hbm>>
          %dma_start3A_333 = arith.constant 0 : i32
          %dma_start3A_334 = arith.constant 0 : i32
          %dma_start3A_335 = tpu.memref_slice %arg12[%rem3A_70, %dma_start3A_333, %dma_start3A_334] : memref<2x8x128xi32, #tpu.memory_space<vmem>> -> memref<1x8x128xi32, #tpu.memory_space<vmem>>
          %dma_start3A_336 = tpu.memref_squeeze %dma_start3A_335 : memref<1x8x128xi32, #tpu.memory_space<vmem>> -> memref<8x128xi32, #tpu.memory_space<vmem>>
          %dma_start3A_337 = arith.constant 0 : i32
          %dma_start3A_338 = tpu.memref_slice %arg7[%add3A_75, %dma_start3A_337] : memref<2560x128xi32, #tpu.memory_space<hbm>> -> memref<8x128xi32, #tpu.memory_space<hbm>>
          tpu.enqueue_dma source(%dma_start3A_338 : memref<8x128xi32, #tpu.memory_space<hbm>>) target(%dma_start3A_336 : memref<8x128xi32, #tpu.memory_space<vmem>>) target_semaphore(%arg25 : memref<!tpu.dma_semaphore, #tpu.memory_space<semaphore_mem>>)
        } else {
        }
        %gt3A = arith.constant 0 : i32
        %gt3A_82 = arith.cmpi sgt, %scan3A_65, %gt3A : i32
        %convert_element_type3A_83 = arith.extui %gt3A_82 : i1 to i32
        %cond3A_84 = arith.constant 0 : i32
        %cond3A_85 = arith.cmpi ne, %convert_element_type3A_83, %cond3A_84 : i32
        scf.if %cond3A_85 {
          %dma_wait3A_315 = arith.constant 0 : i32
          %dma_wait3A_316 = arith.constant 0 : i32
          %dma_wait3A_317 = arith.constant 0 : i32
          %dma_wait3A_318 = tpu.memref_slice %arg12[%dma_wait3A_315, %dma_wait3A_316, %dma_wait3A_317] : memref<2x8x128xi32, #tpu.memory_space<vmem>> -> memref<1x1x128xi32, #tpu.memory_space<vmem>>
          %dma_wait3A_319 = tpu.memref_squeeze %dma_wait3A_318 : memref<1x1x128xi32, #tpu.memory_space<vmem>> -> memref<128xi32, #tpu.memory_space<vmem>>
          %dma_wait3A_320 = arith.constant 0 : i32
          %dma_wait3A_321 = arith.constant 0 : i32
          %dma_wait3A_322 = tpu.memref_slice %arg10[%dma_wait3A_320, %dma_wait3A_321] : memref<10112x128xbf16, #tpu.memory_space<vmem_shared>> -> memref<10112x128xbf16, #tpu.memory_space<vmem_shared>>
          tpu.wait_indirect_dma semaphore(%arg23 : memref<!tpu.dma_semaphore, #tpu.memory_space<semaphore_mem>>) src(%arg15 : memref<128x128xbf16, #tpu.memory_space<vmem>>) dst(%dma_wait3A_322 : memref<10112x128xbf16, #tpu.memory_space<vmem_shared>>)
        } else {
        }
        %dma_start3A_86 = arith.constant 2 : i32
        %dma_start3A_87 = arith.constant 0 : i32
        %dma_start3A_88 = tpu.memref_slice %arg11[%rem3A_66, %dma_start3A_86, %dma_start3A_87] : memref<2x8x128xi32, #tpu.memory_space<vmem>> -> memref<1x1x128xi32, #tpu.memory_space<vmem>>
        %dma_start3A_89 = tpu.memref_squeeze %dma_start3A_88 : memref<1x1x128xi32, #tpu.memory_space<vmem>> -> memref<128xi32, #tpu.memory_space<vmem>>
        %dma_start3A_90 = arith.constant 0 : i32
        %dma_start3A_91 = arith.constant 0 : i32
        %dma_start3A_92 = tpu.memref_slice %arg3[%dma_start3A_90, %dma_start3A_91] : memref<10000x128xbf16, #tpu.memory_space<hbm>> -> memref<10000x128xbf16, #tpu.memory_space<hbm>>
        tpu.enqueue_indirect_dma source(%dma_start3A_92 : memref<10000x128xbf16, #tpu.memory_space<hbm>>) target(%arg15 : memref<128x128xbf16, #tpu.memory_space<vmem>>) offsets(%dma_start3A_89 : memref<128xi32, #tpu.memory_space<vmem>>) semaphore(%arg19 : memref<!tpu.dma_semaphore, #tpu.memory_space<semaphore_mem>>)
        %dma_wait3A_93 = arith.constant 0 : i32
        %dma_wait3A_94 = arith.constant 0 : i32
        %dma_wait3A_95 = arith.constant 0 : i32
        %dma_wait3A_96 = tpu.memref_slice %arg11[%dma_wait3A_93, %dma_wait3A_94, %dma_wait3A_95] : memref<2x8x128xi32, #tpu.memory_space<vmem>> -> memref<1x1x128xi32, #tpu.memory_space<vmem>>
        %dma_wait3A_97 = tpu.memref_squeeze %dma_wait3A_96 : memref<1x1x128xi32, #tpu.memory_space<vmem>> -> memref<128xi32, #tpu.memory_space<vmem>>
        %dma_wait3A_98 = arith.constant 0 : i32
        %dma_wait3A_99 = arith.constant 0 : i32
        %dma_wait3A_100 = tpu.memref_slice %arg3[%dma_wait3A_98, %dma_wait3A_99] : memref<10000x128xbf16, #tpu.memory_space<hbm>> -> memref<10000x128xbf16, #tpu.memory_space<hbm>>
        tpu.wait_indirect_dma semaphore(%arg17 : memref<!tpu.dma_semaphore, #tpu.memory_space<semaphore_mem>>) src(%dma_wait3A_100 : memref<10000x128xbf16, #tpu.memory_space<hbm>>) dst(%arg13 : memref<128x128xbf16, #tpu.memory_space<vmem>>)
        %dma_start3A_101 = arith.constant 0 : i32
        %dma_start3A_102 = arith.constant 0 : i32
        %dma_start3A_103 = tpu.memref_slice %arg12[%rem3A_66, %dma_start3A_101, %dma_start3A_102] : memref<2x8x128xi32, #tpu.memory_space<vmem>> -> memref<1x1x128xi32, #tpu.memory_space<vmem>>
        %dma_start3A_104 = tpu.memref_squeeze %dma_start3A_103 : memref<1x1x128xi32, #tpu.memory_space<vmem>> -> memref<128xi32, #tpu.memory_space<vmem>>
        %dma_start3A_105 = arith.constant 0 : i32
        %dma_start3A_106 = arith.constant 0 : i32
        %dma_start3A_107 = tpu.memref_slice %arg10[%dma_start3A_105, %dma_start3A_106] : memref<10112x128xbf16, #tpu.memory_space<vmem_shared>> -> memref<10112x128xbf16, #tpu.memory_space<vmem_shared>>
        tpu.enqueue_indirect_dma source(%arg13 : memref<128x128xbf16, #tpu.memory_space<vmem>>) target(%dma_start3A_107 : memref<10112x128xbf16, #tpu.memory_space<vmem_shared>>) offsets(%dma_start3A_104 : memref<128xi32, #tpu.memory_space<vmem>>) semaphore(%arg21 : memref<!tpu.dma_semaphore, #tpu.memory_space<semaphore_mem>>) {add = true}
        %gt3A_108 = arith.constant 0 : i32
        %gt3A_109 = arith.cmpi sgt, %scan3A_65, %gt3A_108 : i32
        %convert_element_type3A_110 = arith.extui %gt3A_109 : i1 to i32
        %cond3A_111 = arith.constant 0 : i32
        %cond3A_112 = arith.cmpi ne, %convert_element_type3A_110, %cond3A_111 : i32
        scf.if %cond3A_112 {
          %dma_wait3A_315 = arith.constant 0 : i32
          %dma_wait3A_316 = arith.constant 0 : i32
          %dma_wait3A_317 = arith.constant 0 : i32
          %dma_wait3A_318 = tpu.memref_slice %arg12[%dma_wait3A_315, %dma_wait3A_316, %dma_wait3A_317] : memref<2x8x128xi32, #tpu.memory_space<vmem>> -> memref<1x1x128xi32, #tpu.memory_space<vmem>>
          %dma_wait3A_319 = tpu.memref_squeeze %dma_wait3A_318 : memref<1x1x128xi32, #tpu.memory_space<vmem>> -> memref<128xi32, #tpu.memory_space<vmem>>
          %dma_wait3A_320 = arith.constant 0 : i32
          %dma_wait3A_321 = arith.constant 0 : i32
          %dma_wait3A_322 = tpu.memref_slice %arg10[%dma_wait3A_320, %dma_wait3A_321] : memref<10112x128xbf16, #tpu.memory_space<vmem_shared>> -> memref<10112x128xbf16, #tpu.memory_space<vmem_shared>>
          tpu.wait_indirect_dma semaphore(%arg24 : memref<!tpu.dma_semaphore, #tpu.memory_space<semaphore_mem>>) src(%arg16 : memref<128x128xbf16, #tpu.memory_space<vmem>>) dst(%dma_wait3A_322 : memref<10112x128xbf16, #tpu.memory_space<vmem_shared>>)
        } else {
        }
        %dma_start3A_113 = arith.constant 3 : i32
        %dma_start3A_114 = arith.constant 0 : i32
        %dma_start3A_115 = tpu.memref_slice %arg11[%rem3A_66, %dma_start3A_113, %dma_start3A_114] : memref<2x8x128xi32, #tpu.memory_space<vmem>> -> memref<1x1x128xi32, #tpu.memory_space<vmem>>
        %dma_start3A_116 = tpu.memref_squeeze %dma_start3A_115 : memref<1x1x128xi32, #tpu.memory_space<vmem>> -> memref<128xi32, #tpu.memory_space<vmem>>
        %dma_start3A_117 = arith.constant 0 : i32
        %dma_start3A_118 = arith.constant 0 : i32
        %dma_start3A_119 = tpu.memref_slice %arg3[%dma_start3A_117, %dma_start3A_118] : memref<10000x128xbf16, #tpu.memory_space<hbm>> -> memref<10000x128xbf16, #tpu.memory_space<hbm>>
        tpu.enqueue_indirect_dma source(%dma_start3A_119 : memref<10000x128xbf16, #tpu.memory_space<hbm>>) target(%arg16 : memref<128x128xbf16, #tpu.memory_space<vmem>>) offsets(%dma_start3A_116 : memref<128xi32, #tpu.memory_space<vmem>>) semaphore(%arg20 : memref<!tpu.dma_semaphore, #tpu.memory_space<semaphore_mem>>)
        %dma_wait3A_120 = arith.constant 0 : i32
        %dma_wait3A_121 = arith.constant 0 : i32
        %dma_wait3A_122 = arith.constant 0 : i32
        %dma_wait3A_123 = tpu.memref_slice %arg11[%dma_wait3A_120, %dma_wait3A_121, %dma_wait3A_122] : memref<2x8x128xi32, #tpu.memory_space<vmem>> -> memref<1x1x128xi32, #tpu.memory_space<vmem>>
        %dma_wait3A_124 = tpu.memref_squeeze %dma_wait3A_123 : memref<1x1x128xi32, #tpu.memory_space<vmem>> -> memref<128xi32, #tpu.memory_space<vmem>>
        %dma_wait3A_125 = arith.constant 0 : i32
        %dma_wait3A_126 = arith.constant 0 : i32
        %dma_wait3A_127 = tpu.memref_slice %arg3[%dma_wait3A_125, %dma_wait3A_126] : memref<10000x128xbf16, #tpu.memory_space<hbm>> -> memref<10000x128xbf16, #tpu.memory_space<hbm>>
        tpu.wait_indirect_dma semaphore(%arg18 : memref<!tpu.dma_semaphore, #tpu.memory_space<semaphore_mem>>) src(%dma_wait3A_127 : memref<10000x128xbf16, #tpu.memory_space<hbm>>) dst(%arg14 : memref<128x128xbf16, #tpu.memory_space<vmem>>)
        %dma_start3A_128 = arith.constant 1 : i32
        %dma_start3A_129 = arith.constant 0 : i32
        %dma_start3A_130 = tpu.memref_slice %arg12[%rem3A_66, %dma_start3A_128, %dma_start3A_129] : memref<2x8x128xi32, #tpu.memory_space<vmem>> -> memref<1x1x128xi32, #tpu.memory_space<vmem>>
        %dma_start3A_131 = tpu.memref_squeeze %dma_start3A_130 : memref<1x1x128xi32, #tpu.memory_space<vmem>> -> memref<128xi32, #tpu.memory_space<vmem>>
        %dma_start3A_132 = arith.constant 0 : i32
        %dma_start3A_133 = arith.constant 0 : i32
        %dma_start3A_134 = tpu.memref_slice %arg10[%dma_start3A_132, %dma_start3A_133] : memref<10112x128xbf16, #tpu.memory_space<vmem_shared>> -> memref<10112x128xbf16, #tpu.memory_space<vmem_shared>>
        tpu.enqueue_indirect_dma source(%arg14 : memref<128x128xbf16, #tpu.memory_space<vmem>>) target(%dma_start3A_134 : memref<10112x128xbf16, #tpu.memory_space<vmem_shared>>) offsets(%dma_start3A_131 : memref<128xi32, #tpu.memory_space<vmem>>) semaphore(%arg22 : memref<!tpu.dma_semaphore, #tpu.memory_space<semaphore_mem>>) {add = true}
        %dma_wait3A_135 = arith.constant 0 : i32
        %dma_wait3A_136 = arith.constant 0 : i32
        %dma_wait3A_137 = arith.constant 0 : i32
        %dma_wait3A_138 = tpu.memref_slice %arg12[%dma_wait3A_135, %dma_wait3A_136, %dma_wait3A_137] : memref<2x8x128xi32, #tpu.memory_space<vmem>> -> memref<1x1x128xi32, #tpu.memory_space<vmem>>
        %dma_wait3A_139 = tpu.memref_squeeze %dma_wait3A_138 : memref<1x1x128xi32, #tpu.memory_space<vmem>> -> memref<128xi32, #tpu.memory_space<vmem>>
        %dma_wait3A_140 = arith.constant 0 : i32
        %dma_wait3A_141 = arith.constant 0 : i32
        %dma_wait3A_142 = tpu.memref_slice %arg10[%dma_wait3A_140, %dma_wait3A_141] : memref<10112x128xbf16, #tpu.memory_space<vmem_shared>> -> memref<10112x128xbf16, #tpu.memory_space<vmem_shared>>
        tpu.wait_indirect_dma semaphore(%arg21 : memref<!tpu.dma_semaphore, #tpu.memory_space<semaphore_mem>>) src(%arg13 : memref<128x128xbf16, #tpu.memory_space<vmem>>) dst(%dma_wait3A_142 : memref<10112x128xbf16, #tpu.memory_space<vmem_shared>>)
        %dma_start3A_143 = arith.constant 4 : i32
        %dma_start3A_144 = arith.constant 0 : i32
        %dma_start3A_145 = tpu.memref_slice %arg11[%rem3A_66, %dma_start3A_143, %dma_start3A_144] : memref<2x8x128xi32, #tpu.memory_space<vmem>> -> memref<1x1x128xi32, #tpu.memory_space<vmem>>
        %dma_start3A_146 = tpu.memref_squeeze %dma_start3A_145 : memref<1x1x128xi32, #tpu.memory_space<vmem>> -> memref<128xi32, #tpu.memory_space<vmem>>
        %dma_start3A_147 = arith.constant 0 : i32
        %dma_start3A_148 = arith.constant 0 : i32
        %dma_start3A_149 = tpu.memref_slice %arg3[%dma_start3A_147, %dma_start3A_148] : memref<10000x128xbf16, #tpu.memory_space<hbm>> -> memref<10000x128xbf16, #tpu.memory_space<hbm>>
        tpu.enqueue_indirect_dma source(%dma_start3A_149 : memref<10000x128xbf16, #tpu.memory_space<hbm>>) target(%arg13 : memref<128x128xbf16, #tpu.memory_space<vmem>>) offsets(%dma_start3A_146 : memref<128xi32, #tpu.memory_space<vmem>>) semaphore(%arg17 : memref<!tpu.dma_semaphore, #tpu.memory_space<semaphore_mem>>)
        %dma_wait3A_150 = arith.constant 0 : i32
        %dma_wait3A_151 = arith.constant 0 : i32
        %dma_wait3A_152 = arith.constant 0 : i32
        %dma_wait3A_153 = tpu.memref_slice %arg11[%dma_wait3A_150, %dma_wait3A_151, %dma_wait3A_152] : memref<2x8x128xi32, #tpu.memory_space<vmem>> -> memref<1x1x128xi32, #tpu.memory_space<vmem>>
        %dma_wait3A_154 = tpu.memref_squeeze %dma_wait3A_153 : memref<1x1x128xi32, #tpu.memory_space<vmem>> -> memref<128xi32, #tpu.memory_space<vmem>>
        %dma_wait3A_155 = arith.constant 0 : i32
        %dma_wait3A_156 = arith.constant 0 : i32
        %dma_wait3A_157 = tpu.memref_slice %arg3[%dma_wait3A_155, %dma_wait3A_156] : memref<10000x128xbf16, #tpu.memory_space<hbm>> -> memref<10000x128xbf16, #tpu.memory_space<hbm>>
        tpu.wait_indirect_dma semaphore(%arg19 : memref<!tpu.dma_semaphore, #tpu.memory_space<semaphore_mem>>) src(%dma_wait3A_157 : memref<10000x128xbf16, #tpu.memory_space<hbm>>) dst(%arg15 : memref<128x128xbf16, #tpu.memory_space<vmem>>)
        %dma_start3A_158 = arith.constant 2 : i32
        %dma_start3A_159 = arith.constant 0 : i32
        %dma_start3A_160 = tpu.memref_slice %arg12[%rem3A_66, %dma_start3A_158, %dma_start3A_159] : memref<2x8x128xi32, #tpu.memory_space<vmem>> -> memref<1x1x128xi32, #tpu.memory_space<vmem>>
        %dma_start3A_161 = tpu.memref_squeeze %dma_start3A_160 : memref<1x1x128xi32, #tpu.memory_space<vmem>> -> memref<128xi32, #tpu.memory_space<vmem>>
        %dma_start3A_162 = arith.constant 0 : i32
        %dma_start3A_163 = arith.constant 0 : i32
        %dma_start3A_164 = tpu.memref_slice %arg10[%dma_start3A_162, %dma_start3A_163] : memref<10112x128xbf16, #tpu.memory_space<vmem_shared>> -> memref<10112x128xbf16, #tpu.memory_space<vmem_shared>>
        tpu.enqueue_indirect_dma source(%arg15 : memref<128x128xbf16, #tpu.memory_space<vmem>>) target(%dma_start3A_164 : memref<10112x128xbf16, #tpu.memory_space<vmem_shared>>) offsets(%dma_start3A_161 : memref<128xi32, #tpu.memory_space<vmem>>) semaphore(%arg23 : memref<!tpu.dma_semaphore, #tpu.memory_space<semaphore_mem>>) {add = true}
        %dma_wait3A_165 = arith.constant 0 : i32
        %dma_wait3A_166 = arith.constant 0 : i32
        %dma_wait3A_167 = arith.constant 0 : i32
        %dma_wait3A_168 = tpu.memref_slice %arg12[%dma_wait3A_165, %dma_wait3A_166, %dma_wait3A_167] : memref<2x8x128xi32, #tpu.memory_space<vmem>> -> memref<1x1x128xi32, #tpu.memory_space<vmem>>
        %dma_wait3A_169 = tpu.memref_squeeze %dma_wait3A_168 : memref<1x1x128xi32, #tpu.memory_space<vmem>> -> memref<128xi32, #tpu.memory_space<vmem>>
        %dma_wait3A_170 = arith.constant 0 : i32
        %dma_wait3A_171 = arith.constant 0 : i32
        %dma_wait3A_172 = tpu.memref_slice %arg10[%dma_wait3A_170, %dma_wait3A_171] : memref<10112x128xbf16, #tpu.memory_space<vmem_shared>> -> memref<10112x128xbf16, #tpu.memory_space<vmem_shared>>
        tpu.wait_indirect_dma semaphore(%arg22 : memref<!tpu.dma_semaphore, #tpu.memory_space<semaphore_mem>>) src(%arg14 : memref<128x128xbf16, #tpu.memory_space<vmem>>) dst(%dma_wait3A_172 : memref<10112x128xbf16, #tpu.memory_space<vmem_shared>>)
        %dma_start3A_173 = arith.constant 5 : i32
        %dma_start3A_174 = arith.constant 0 : i32
        %dma_start3A_175 = tpu.memref_slice %arg11[%rem3A_66, %dma_start3A_173, %dma_start3A_174] : memref<2x8x128xi32, #tpu.memory_space<vmem>> -> memref<1x1x128xi32, #tpu.memory_space<vmem>>
        %dma_start3A_176 = tpu.memref_squeeze %dma_start3A_175 : memref<1x1x128xi32, #tpu.memory_space<vmem>> -> memref<128xi32, #tpu.memory_space<vmem>>
        %dma_start3A_177 = arith.constant 0 : i32
        %dma_start3A_178 = arith.constant 0 : i32
        %dma_start3A_179 = tpu.memref_slice %arg3[%dma_start3A_177, %dma_start3A_178] : memref<10000x128xbf16, #tpu.memory_space<hbm>> -> memref<10000x128xbf16, #tpu.memory_space<hbm>>
        tpu.enqueue_indirect_dma source(%dma_start3A_179 : memref<10000x128xbf16, #tpu.memory_space<hbm>>) target(%arg14 : memref<128x128xbf16, #tpu.memory_space<vmem>>) offsets(%dma_start3A_176 : memref<128xi32, #tpu.memory_space<vmem>>) semaphore(%arg18 : memref<!tpu.dma_semaphore, #tpu.memory_space<semaphore_mem>>)
        %dma_wait3A_180 = arith.constant 0 : i32
        %dma_wait3A_181 = arith.constant 0 : i32
        %dma_wait3A_182 = arith.constant 0 : i32
        %dma_wait3A_183 = tpu.memref_slice %arg11[%dma_wait3A_180, %dma_wait3A_181, %dma_wait3A_182] : memref<2x8x128xi32, #tpu.memory_space<vmem>> -> memref<1x1x128xi32, #tpu.memory_space<vmem>>
        %dma_wait3A_184 = tpu.memref_squeeze %dma_wait3A_183 : memref<1x1x128xi32, #tpu.memory_space<vmem>> -> memref<128xi32, #tpu.memory_space<vmem>>
        %dma_wait3A_185 = arith.constant 0 : i32
        %dma_wait3A_186 = arith.constant 0 : i32
        %dma_wait3A_187 = tpu.memref_slice %arg3[%dma_wait3A_185, %dma_wait3A_186] : memref<10000x128xbf16, #tpu.memory_space<hbm>> -> memref<10000x128xbf16, #tpu.memory_space<hbm>>
        tpu.wait_indirect_dma semaphore(%arg20 : memref<!tpu.dma_semaphore, #tpu.memory_space<semaphore_mem>>) src(%dma_wait3A_187 : memref<10000x128xbf16, #tpu.memory_space<hbm>>) dst(%arg16 : memref<128x128xbf16, #tpu.memory_space<vmem>>)
        %dma_start3A_188 = arith.constant 3 : i32
        %dma_start3A_189 = arith.constant 0 : i32
        %dma_start3A_190 = tpu.memref_slice %arg12[%rem3A_66, %dma_start3A_188, %dma_start3A_189] : memref<2x8x128xi32, #tpu.memory_space<vmem>> -> memref<1x1x128xi32, #tpu.memory_space<vmem>>
        %dma_start3A_191 = tpu.memref_squeeze %dma_start3A_190 : memref<1x1x128xi32, #tpu.memory_space<vmem>> -> memref<128xi32, #tpu.memory_space<vmem>>
        %dma_start3A_192 = arith.constant 0 : i32
        %dma_start3A_193 = arith.constant 0 : i32
        %dma_start3A_194 = tpu.memref_slice %arg10[%dma_start3A_192, %dma_start3A_193] : memref<10112x128xbf16, #tpu.memory_space<vmem_shared>> -> memref<10112x128xbf16, #tpu.memory_space<vmem_shared>>
        tpu.enqueue_indirect_dma source(%arg16 : memref<128x128xbf16, #tpu.memory_space<vmem>>) target(%dma_start3A_194 : memref<10112x128xbf16, #tpu.memory_space<vmem_shared>>) offsets(%dma_start3A_191 : memref<128xi32, #tpu.memory_space<vmem>>) semaphore(%arg24 : memref<!tpu.dma_semaphore, #tpu.memory_space<semaphore_mem>>) {add = true}
        %dma_wait3A_195 = arith.constant 0 : i32
        %dma_wait3A_196 = arith.constant 0 : i32
        %dma_wait3A_197 = arith.constant 0 : i32
        %dma_wait3A_198 = tpu.memref_slice %arg12[%dma_wait3A_195, %dma_wait3A_196, %dma_wait3A_197] : memref<2x8x128xi32, #tpu.memory_space<vmem>> -> memref<1x1x128xi32, #tpu.memory_space<vmem>>
        %dma_wait3A_199 = tpu.memref_squeeze %dma_wait3A_198 : memref<1x1x128xi32, #tpu.memory_space<vmem>> -> memref<128xi32, #tpu.memory_space<vmem>>
        %dma_wait3A_200 = arith.constant 0 : i32
        %dma_wait3A_201 = arith.constant 0 : i32
        %dma_wait3A_202 = tpu.memref_slice %arg10[%dma_wait3A_200, %dma_wait3A_201] : memref<10112x128xbf16, #tpu.memory_space<vmem_shared>> -> memref<10112x128xbf16, #tpu.memory_space<vmem_shared>>
        tpu.wait_indirect_dma semaphore(%arg23 : memref<!tpu.dma_semaphore, #tpu.memory_space<semaphore_mem>>) src(%arg15 : memref<128x128xbf16, #tpu.memory_space<vmem>>) dst(%dma_wait3A_202 : memref<10112x128xbf16, #tpu.memory_space<vmem_shared>>)
        %dma_start3A_203 = arith.constant 6 : i32
        %dma_start3A_204 = arith.constant 0 : i32
        %dma_start3A_205 = tpu.memref_slice %arg11[%rem3A_66, %dma_start3A_203, %dma_start3A_204] : memref<2x8x128xi32, #tpu.memory_space<vmem>> -> memref<1x1x128xi32, #tpu.memory_space<vmem>>
        %dma_start3A_206 = tpu.memref_squeeze %dma_start3A_205 : memref<1x1x128xi32, #tpu.memory_space<vmem>> -> memref<128xi32, #tpu.memory_space<vmem>>
        %dma_start3A_207 = arith.constant 0 : i32
        %dma_start3A_208 = arith.constant 0 : i32
        %dma_start3A_209 = tpu.memref_slice %arg3[%dma_start3A_207, %dma_start3A_208] : memref<10000x128xbf16, #tpu.memory_space<hbm>> -> memref<10000x128xbf16, #tpu.memory_space<hbm>>
        tpu.enqueue_indirect_dma source(%dma_start3A_209 : memref<10000x128xbf16, #tpu.memory_space<hbm>>) target(%arg15 : memref<128x128xbf16, #tpu.memory_space<vmem>>) offsets(%dma_start3A_206 : memref<128xi32, #tpu.memory_space<vmem>>) semaphore(%arg19 : memref<!tpu.dma_semaphore, #tpu.memory_space<semaphore_mem>>)
        %dma_wait3A_210 = arith.constant 0 : i32
        %dma_wait3A_211 = arith.constant 0 : i32
        %dma_wait3A_212 = arith.constant 0 : i32
        %dma_wait3A_213 = tpu.memref_slice %arg11[%dma_wait3A_210, %dma_wait3A_211, %dma_wait3A_212] : memref<2x8x128xi32, #tpu.memory_space<vmem>> -> memref<1x1x128xi32, #tpu.memory_space<vmem>>
        %dma_wait3A_214 = tpu.memref_squeeze %dma_wait3A_213 : memref<1x1x128xi32, #tpu.memory_space<vmem>> -> memref<128xi32, #tpu.memory_space<vmem>>
        %dma_wait3A_215 = arith.constant 0 : i32
        %dma_wait3A_216 = arith.constant 0 : i32
        %dma_wait3A_217 = tpu.memref_slice %arg3[%dma_wait3A_215, %dma_wait3A_216] : memref<10000x128xbf16, #tpu.memory_space<hbm>> -> memref<10000x128xbf16, #tpu.memory_space<hbm>>
        tpu.wait_indirect_dma semaphore(%arg17 : memref<!tpu.dma_semaphore, #tpu.memory_space<semaphore_mem>>) src(%dma_wait3A_217 : memref<10000x128xbf16, #tpu.memory_space<hbm>>) dst(%arg13 : memref<128x128xbf16, #tpu.memory_space<vmem>>)
        %dma_start3A_218 = arith.constant 4 : i32
        %dma_start3A_219 = arith.constant 0 : i32
        %dma_start3A_220 = tpu.memref_slice %arg12[%rem3A_66, %dma_start3A_218, %dma_start3A_219] : memref<2x8x128xi32, #tpu.memory_space<vmem>> -> memref<1x1x128xi32, #tpu.memory_space<vmem>>
        %dma_start3A_221 = tpu.memref_squeeze %dma_start3A_220 : memref<1x1x128xi32, #tpu.memory_space<vmem>> -> memref<128xi32, #tpu.memory_space<vmem>>
        %dma_start3A_222 = arith.constant 0 : i32
        %dma_start3A_223 = arith.constant 0 : i32
        %dma_start3A_224 = tpu.memref_slice %arg10[%dma_start3A_222, %dma_start3A_223] : memref<10112x128xbf16, #tpu.memory_space<vmem_shared>> -> memref<10112x128xbf16, #tpu.memory_space<vmem_shared>>
        tpu.enqueue_indirect_dma source(%arg13 : memref<128x128xbf16, #tpu.memory_space<vmem>>) target(%dma_start3A_224 : memref<10112x128xbf16, #tpu.memory_space<vmem_shared>>) offsets(%dma_start3A_221 : memref<128xi32, #tpu.memory_space<vmem>>) semaphore(%arg21 : memref<!tpu.dma_semaphore, #tpu.memory_space<semaphore_mem>>) {add = true}
        %dma_wait3A_225 = arith.constant 0 : i32
        %dma_wait3A_226 = arith.constant 0 : i32
        %dma_wait3A_227 = arith.constant 0 : i32
        %dma_wait3A_228 = tpu.memref_slice %arg12[%dma_wait3A_225, %dma_wait3A_226, %dma_wait3A_227] : memref<2x8x128xi32, #tpu.memory_space<vmem>> -> memref<1x1x128xi32, #tpu.memory_space<vmem>>
        %dma_wait3A_229 = tpu.memref_squeeze %dma_wait3A_228 : memref<1x1x128xi32, #tpu.memory_space<vmem>> -> memref<128xi32, #tpu.memory_space<vmem>>
        %dma_wait3A_230 = arith.constant 0 : i32
        %dma_wait3A_231 = arith.constant 0 : i32
        %dma_wait3A_232 = tpu.memref_slice %arg10[%dma_wait3A_230, %dma_wait3A_231] : memref<10112x128xbf16, #tpu.memory_space<vmem_shared>> -> memref<10112x128xbf16, #tpu.memory_space<vmem_shared>>
        tpu.wait_indirect_dma semaphore(%arg24 : memref<!tpu.dma_semaphore, #tpu.memory_space<semaphore_mem>>) src(%arg16 : memref<128x128xbf16, #tpu.memory_space<vmem>>) dst(%dma_wait3A_232 : memref<10112x128xbf16, #tpu.memory_space<vmem_shared>>)
        %dma_start3A_233 = arith.constant 7 : i32
        %dma_start3A_234 = arith.constant 0 : i32
        %dma_start3A_235 = tpu.memref_slice %arg11[%rem3A_66, %dma_start3A_233, %dma_start3A_234] : memref<2x8x128xi32, #tpu.memory_space<vmem>> -> memref<1x1x128xi32, #tpu.memory_space<vmem>>
        %dma_start3A_236 = tpu.memref_squeeze %dma_start3A_235 : memref<1x1x128xi32, #tpu.memory_space<vmem>> -> memref<128xi32, #tpu.memory_space<vmem>>
        %dma_start3A_237 = arith.constant 0 : i32
        %dma_start3A_238 = arith.constant 0 : i32
        %dma_start3A_239 = tpu.memref_slice %arg3[%dma_start3A_237, %dma_start3A_238] : memref<10000x128xbf16, #tpu.memory_space<hbm>> -> memref<10000x128xbf16, #tpu.memory_space<hbm>>
        tpu.enqueue_indirect_dma source(%dma_start3A_239 : memref<10000x128xbf16, #tpu.memory_space<hbm>>) target(%arg16 : memref<128x128xbf16, #tpu.memory_space<vmem>>) offsets(%dma_start3A_236 : memref<128xi32, #tpu.memory_space<vmem>>) semaphore(%arg20 : memref<!tpu.dma_semaphore, #tpu.memory_space<semaphore_mem>>)
        %dma_wait3A_240 = arith.constant 0 : i32
        %dma_wait3A_241 = arith.constant 0 : i32
        %dma_wait3A_242 = arith.constant 0 : i32
        %dma_wait3A_243 = tpu.memref_slice %arg11[%dma_wait3A_240, %dma_wait3A_241, %dma_wait3A_242] : memref<2x8x128xi32, #tpu.memory_space<vmem>> -> memref<1x1x128xi32, #tpu.memory_space<vmem>>
        %dma_wait3A_244 = tpu.memref_squeeze %dma_wait3A_243 : memref<1x1x128xi32, #tpu.memory_space<vmem>> -> memref<128xi32, #tpu.memory_space<vmem>>
        %dma_wait3A_245 = arith.constant 0 : i32
        %dma_wait3A_246 = arith.constant 0 : i32
        %dma_wait3A_247 = tpu.memref_slice %arg3[%dma_wait3A_245, %dma_wait3A_246] : memref<10000x128xbf16, #tpu.memory_space<hbm>> -> memref<10000x128xbf16, #tpu.memory_space<hbm>>
        tpu.wait_indirect_dma semaphore(%arg18 : memref<!tpu.dma_semaphore, #tpu.memory_space<semaphore_mem>>) src(%dma_wait3A_247 : memref<10000x128xbf16, #tpu.memory_space<hbm>>) dst(%arg14 : memref<128x128xbf16, #tpu.memory_space<vmem>>)
        %dma_start3A_248 = arith.constant 5 : i32
        %dma_start3A_249 = arith.constant 0 : i32
        %dma_start3A_250 = tpu.memref_slice %arg12[%rem3A_66, %dma_start3A_248, %dma_start3A_249] : memref<2x8x128xi32, #tpu.memory_space<vmem>> -> memref<1x1x128xi32, #tpu.memory_space<vmem>>
        %dma_start3A_251 = tpu.memref_squeeze %dma_start3A_250 : memref<1x1x128xi32, #tpu.memory_space<vmem>> -> memref<128xi32, #tpu.memory_space<vmem>>
        %dma_start3A_252 = arith.constant 0 : i32
        %dma_start3A_253 = arith.constant 0 : i32
        %dma_start3A_254 = tpu.memref_slice %arg10[%dma_start3A_252, %dma_start3A_253] : memref<10112x128xbf16, #tpu.memory_space<vmem_shared>> -> memref<10112x128xbf16, #tpu.memory_space<vmem_shared>>
        tpu.enqueue_indirect_dma source(%arg14 : memref<128x128xbf16, #tpu.memory_space<vmem>>) target(%dma_start3A_254 : memref<10112x128xbf16, #tpu.memory_space<vmem_shared>>) offsets(%dma_start3A_251 : memref<128xi32, #tpu.memory_space<vmem>>) semaphore(%arg22 : memref<!tpu.dma_semaphore, #tpu.memory_space<semaphore_mem>>) {add = true}
        %dma_wait3A_255 = arith.constant 0 : i32
        %dma_wait3A_256 = arith.constant 0 : i32
        %dma_wait3A_257 = arith.constant 0 : i32
        %dma_wait3A_258 = tpu.memref_slice %arg12[%dma_wait3A_255, %dma_wait3A_256, %dma_wait3A_257] : memref<2x8x128xi32, #tpu.memory_space<vmem>> -> memref<1x1x128xi32, #tpu.memory_space<vmem>>
        %dma_wait3A_259 = tpu.memref_squeeze %dma_wait3A_258 : memref<1x1x128xi32, #tpu.memory_space<vmem>> -> memref<128xi32, #tpu.memory_space<vmem>>
        %dma_wait3A_260 = arith.constant 0 : i32
        %dma_wait3A_261 = arith.constant 0 : i32
        %dma_wait3A_262 = tpu.memref_slice %arg10[%dma_wait3A_260, %dma_wait3A_261] : memref<10112x128xbf16, #tpu.memory_space<vmem_shared>> -> memref<10112x128xbf16, #tpu.memory_space<vmem_shared>>
        tpu.wait_indirect_dma semaphore(%arg21 : memref<!tpu.dma_semaphore, #tpu.memory_space<semaphore_mem>>) src(%arg13 : memref<128x128xbf16, #tpu.memory_space<vmem>>) dst(%dma_wait3A_262 : memref<10112x128xbf16, #tpu.memory_space<vmem_shared>>)
        %add3A_263 = arith.constant 1 : i32
        %add3A_264 = arith.addi %scan3A_65, %add3A_263 : i32
        %lt3A_265 = arith.constant 20 : i32
        %lt3A_266 = arith.cmpi slt, %add3A_264, %lt3A_265 : i32
        %convert_element_type3A_267 = arith.extui %lt3A_266 : i1 to i32
        %cond3A_268 = arith.constant 0 : i32
        %cond3A_269 = arith.cmpi ne, %convert_element_type3A_267, %cond3A_268 : i32
        scf.if %cond3A_269 {
          %dma_wait3A_315 = arith.constant 0 : i32
          %dma_wait3A_316 = arith.constant 0 : i32
          %dma_wait3A_317 = arith.constant 0 : i32
          %dma_wait3A_318 = tpu.memref_slice %arg11[%dma_wait3A_315, %dma_wait3A_316, %dma_wait3A_317] : memref<2x8x128xi32, #tpu.memory_space<vmem>> -> memref<1x8x128xi32, #tpu.memory_space<vmem>>
          %dma_wait3A_319 = tpu.memref_squeeze %dma_wait3A_318 : memref<1x8x128xi32, #tpu.memory_space<vmem>> -> memref<8x128xi32, #tpu.memory_space<vmem>>
          %dma_wait3A_320 = arith.constant 0 : i32
          %dma_wait3A_321 = tpu.memref_slice %arg6[%mul3A_2, %dma_wait3A_320] : memref<2560x128xi32, #tpu.memory_space<hbm>> -> memref<8x128xi32, #tpu.memory_space<hbm>>
          %dma_wait3A_322 = arith.constant 0 : i32
          %dma_wait3A_323 = arith.constant 0 : i32
          %dma_wait3A_324 = tpu.memref_slice %arg11[%dma_wait3A_315, %dma_wait3A_322, %dma_wait3A_323] : memref<2x8x128xi32, #tpu.memory_space<vmem>> -> memref<1x8x128xi32, #tpu.memory_space<vmem>>
          %dma_wait3A_325 = tpu.memref_squeeze %dma_wait3A_324 : memref<1x8x128xi32, #tpu.memory_space<vmem>> -> memref<8x128xi32, #tpu.memory_space<vmem>>
          %dma_wait3A_326 = arith.constant 0 : i32
          %dma_wait3A_327 = tpu.memref_slice %arg6[%mul3A_2, %dma_wait3A_326] : memref<2560x128xi32, #tpu.memory_space<hbm>> -> memref<8x128xi32, #tpu.memory_space<hbm>>
          tpu.wait_dma2 semaphore(%arg25 : memref<!tpu.dma_semaphore, #tpu.memory_space<semaphore_mem>>) src(%dma_wait3A_327 : memref<8x128xi32, #tpu.memory_space<hbm>>) dst(%dma_wait3A_325 : memref<8x128xi32, #tpu.memory_space<vmem>>)
          %dma_wait3A_328 = arith.constant 0 : i32
          %dma_wait3A_329 = arith.constant 0 : i32
          %dma_wait3A_330 = arith.constant 0 : i32
          %dma_wait3A_331 = tpu.memref_slice %arg11[%dma_wait3A_328, %dma_wait3A_329, %dma_wait3A_330] : memref<2x8x128xi32, #tpu.memory_space<vmem>> -> memref<1x8x128xi32, #tpu.memory_space<vmem>>
          %dma_wait3A_332 = tpu.memref_squeeze %dma_wait3A_331 : memref<1x8x128xi32, #tpu.memory_space<vmem>> -> memref<8x128xi32, #tpu.memory_space<vmem>>
          %dma_wait3A_333 = arith.constant 0 : i32
          %dma_wait3A_334 = tpu.memref_slice %arg6[%mul3A_2, %dma_wait3A_333] : memref<2560x128xi32, #tpu.memory_space<hbm>> -> memref<8x128xi32, #tpu.memory_space<hbm>>
          %dma_wait3A_335 = arith.constant 0 : i32
          %dma_wait3A_336 = arith.constant 0 : i32
          %dma_wait3A_337 = tpu.memref_slice %arg11[%dma_wait3A_328, %dma_wait3A_335, %dma_wait3A_336] : memref<2x8x128xi32, #tpu.memory_space<vmem>> -> memref<1x8x128xi32, #tpu.memory_space<vmem>>
          %dma_wait3A_338 = tpu.memref_squeeze %dma_wait3A_337 : memref<1x8x128xi32, #tpu.memory_space<vmem>> -> memref<8x128xi32, #tpu.memory_space<vmem>>
          %dma_wait3A_339 = arith.constant 0 : i32
          %dma_wait3A_340 = tpu.memref_slice %arg6[%mul3A_2, %dma_wait3A_339] : memref<2560x128xi32, #tpu.memory_space<hbm>> -> memref<8x128xi32, #tpu.memory_space<hbm>>
          tpu.wait_dma2 semaphore(%arg25 : memref<!tpu.dma_semaphore, #tpu.memory_space<semaphore_mem>>) src(%dma_wait3A_340 : memref<8x128xi32, #tpu.memory_space<hbm>>) dst(%dma_wait3A_338 : memref<8x128xi32, #tpu.memory_space<vmem>>)
          %dma_start3A_341 = arith.constant 0 : i32
          %dma_start3A_342 = arith.constant 0 : i32
          %dma_start3A_343 = tpu.memref_slice %arg11[%rem3A_70, %dma_start3A_341, %dma_start3A_342] : memref<2x8x128xi32, #tpu.memory_space<vmem>> -> memref<1x1x128xi32, #tpu.memory_space<vmem>>
          %dma_start3A_344 = tpu.memref_squeeze %dma_start3A_343 : memref<1x1x128xi32, #tpu.memory_space<vmem>> -> memref<128xi32, #tpu.memory_space<vmem>>
          %dma_start3A_345 = arith.constant 0 : i32
          %dma_start3A_346 = arith.constant 0 : i32
          %dma_start3A_347 = tpu.memref_slice %arg3[%dma_start3A_345, %dma_start3A_346] : memref<10000x128xbf16, #tpu.memory_space<hbm>> -> memref<10000x128xbf16, #tpu.memory_space<hbm>>
          tpu.enqueue_indirect_dma source(%dma_start3A_347 : memref<10000x128xbf16, #tpu.memory_space<hbm>>) target(%arg13 : memref<128x128xbf16, #tpu.memory_space<vmem>>) offsets(%dma_start3A_344 : memref<128xi32, #tpu.memory_space<vmem>>) semaphore(%arg17 : memref<!tpu.dma_semaphore, #tpu.memory_space<semaphore_mem>>)
        } else {
        }
        %dma_wait3A_270 = arith.constant 0 : i32
        %dma_wait3A_271 = arith.constant 0 : i32
        %dma_wait3A_272 = arith.constant 0 : i32
        %dma_wait3A_273 = tpu.memref_slice %arg11[%dma_wait3A_270, %dma_wait3A_271, %dma_wait3A_272] : memref<2x8x128xi32, #tpu.memory_space<vmem>> -> memref<1x1x128xi32, #tpu.memory_space<vmem>>
        %dma_wait3A_274 = tpu.memref_squeeze %dma_wait3A_273 : memref<1x1x128xi32, #tpu.memory_space<vmem>> -> memref<128xi32, #tpu.memory_space<vmem>>
        %dma_wait3A_275 = arith.constant 0 : i32
        %dma_wait3A_276 = arith.constant 0 : i32
        %dma_wait3A_277 = tpu.memref_slice %arg3[%dma_wait3A_275, %dma_wait3A_276] : memref<10000x128xbf16, #tpu.memory_space<hbm>> -> memref<10000x128xbf16, #tpu.memory_space<hbm>>
        tpu.wait_indirect_dma semaphore(%arg19 : memref<!tpu.dma_semaphore, #tpu.memory_space<semaphore_mem>>) src(%dma_wait3A_277 : memref<10000x128xbf16, #tpu.memory_space<hbm>>) dst(%arg15 : memref<128x128xbf16, #tpu.memory_space<vmem>>)
        %dma_start3A_278 = arith.constant 6 : i32
        %dma_start3A_279 = arith.constant 0 : i32
        %dma_start3A_280 = tpu.memref_slice %arg12[%rem3A_66, %dma_start3A_278, %dma_start3A_279] : memref<2x8x128xi32, #tpu.memory_space<vmem>> -> memref<1x1x128xi32, #tpu.memory_space<vmem>>
        %dma_start3A_281 = tpu.memref_squeeze %dma_start3A_280 : memref<1x1x128xi32, #tpu.memory_space<vmem>> -> memref<128xi32, #tpu.memory_space<vmem>>
        %dma_start3A_282 = arith.constant 0 : i32
        %dma_start3A_283 = arith.constant 0 : i32
        %dma_start3A_284 = tpu.memref_slice %arg10[%dma_start3A_282, %dma_start3A_283] : memref<10112x128xbf16, #tpu.memory_space<vmem_shared>> -> memref<10112x128xbf16, #tpu.memory_space<vmem_shared>>
        tpu.enqueue_indirect_dma source(%arg15 : memref<128x128xbf16, #tpu.memory_space<vmem>>) target(%dma_start3A_284 : memref<10112x128xbf16, #tpu.memory_space<vmem_shared>>) offsets(%dma_start3A_281 : memref<128xi32, #tpu.memory_space<vmem>>) semaphore(%arg23 : memref<!tpu.dma_semaphore, #tpu.memory_space<semaphore_mem>>) {add = true}
        %dma_wait3A_285 = arith.constant 0 : i32
        %dma_wait3A_286 = arith.constant 0 : i32
        %dma_wait3A_287 = arith.constant 0 : i32
        %dma_wait3A_288 = tpu.memref_slice %arg12[%dma_wait3A_285, %dma_wait3A_286, %dma_wait3A_287] : memref<2x8x128xi32, #tpu.memory_space<vmem>> -> memref<1x1x128xi32, #tpu.memory_space<vmem>>
        %dma_wait3A_289 = tpu.memref_squeeze %dma_wait3A_288 : memref<1x1x128xi32, #tpu.memory_space<vmem>> -> memref<128xi32, #tpu.memory_space<vmem>>
        %dma_wait3A_290 = arith.constant 0 : i32
        %dma_wait3A_291 = arith.constant 0 : i32
        %dma_wait3A_292 = tpu.memref_slice %arg10[%dma_wait3A_290, %dma_wait3A_291] : memref<10112x128xbf16, #tpu.memory_space<vmem_shared>> -> memref<10112x128xbf16, #tpu.memory_space<vmem_shared>>
        tpu.wait_indirect_dma semaphore(%arg22 : memref<!tpu.dma_semaphore, #tpu.memory_space<semaphore_mem>>) src(%arg14 : memref<128x128xbf16, #tpu.memory_space<vmem>>) dst(%dma_wait3A_292 : memref<10112x128xbf16, #tpu.memory_space<vmem_shared>>)
        %add3A_293 = arith.constant 1 : i32
        %add3A_294 = arith.addi %scan3A_65, %add3A_293 : i32
        %lt3A_295 = arith.constant 20 : i32
        %lt3A_296 = arith.cmpi slt, %add3A_294, %lt3A_295 : i32
        %convert_element_type3A_297 = arith.extui %lt3A_296 : i1 to i32
        %cond3A_298 = arith.constant 0 : i32
        %cond3A_299 = arith.cmpi ne, %convert_element_type3A_297, %cond3A_298 : i32
        scf.if %cond3A_299 {
          %dma_start3A_315 = arith.constant 1 : i32
          %dma_start3A_316 = arith.constant 0 : i32
          %dma_start3A_317 = tpu.memref_slice %arg11[%rem3A_70, %dma_start3A_315, %dma_start3A_316] : memref<2x8x128xi32, #tpu.memory_space<vmem>> -> memref<1x1x128xi32, #tpu.memory_space<vmem>>
          %dma_start3A_318 = tpu.memref_squeeze %dma_start3A_317 : memref<1x1x128xi32, #tpu.memory_space<vmem>> -> memref<128xi32, #tpu.memory_space<vmem>>
          %dma_start3A_319 = arith.constant 0 : i32
          %dma_start3A_320 = arith.constant 0 : i32
          %dma_start3A_321 = tpu.memref_slice %arg3[%dma_start3A_319, %dma_start3A_320] : memref<10000x128xbf16, #tpu.memory_space<hbm>> -> memref<10000x128xbf16, #tpu.memory_space<hbm>>
          tpu.enqueue_indirect_dma source(%dma_start3A_321 : memref<10000x128xbf16, #tpu.memory_space<hbm>>) target(%arg14 : memref<128x128xbf16, #tpu.memory_space<vmem>>) offsets(%dma_start3A_318 : memref<128xi32, #tpu.memory_space<vmem>>) semaphore(%arg18 : memref<!tpu.dma_semaphore, #tpu.memory_space<semaphore_mem>>)
        } else {
        }
        %dma_wait3A_300 = arith.constant 0 : i32
        %dma_wait3A_301 = arith.constant 0 : i32
        %dma_wait3A_302 = arith.constant 0 : i32
        %dma_wait3A_303 = tpu.memref_slice %arg11[%dma_wait3A_300, %dma_wait3A_301, %dma_wait3A_302] : memref<2x8x128xi32, #tpu.memory_space<vmem>> -> memref<1x1x128xi32, #tpu.memory_space<vmem>>
        %dma_wait3A_304 = tpu.memref_squeeze %dma_wait3A_303 : memref<1x1x128xi32, #tpu.memory_space<vmem>> -> memref<128xi32, #tpu.memory_space<vmem>>
        %dma_wait3A_305 = arith.constant 0 : i32
        %dma_wait3A_306 = arith.constant 0 : i32
        %dma_wait3A_307 = tpu.memref_slice %arg3[%dma_wait3A_305, %dma_wait3A_306] : memref<10000x128xbf16, #tpu.memory_space<hbm>> -> memref<10000x128xbf16, #tpu.memory_space<hbm>>
        tpu.wait_indirect_dma semaphore(%arg20 : memref<!tpu.dma_semaphore, #tpu.memory_space<semaphore_mem>>) src(%dma_wait3A_307 : memref<10000x128xbf16, #tpu.memory_space<hbm>>) dst(%arg16 : memref<128x128xbf16, #tpu.memory_space<vmem>>)
        %dma_start3A_308 = arith.constant 7 : i32
        %dma_start3A_309 = arith.constant 0 : i32
        %dma_start3A_310 = tpu.memref_slice %arg12[%rem3A_66, %dma_start3A_308, %dma_start3A_309] : memref<2x8x128xi32, #tpu.memory_space<vmem>> -> memref<1x1x128xi32, #tpu.memory_space<vmem>>
        %dma_start3A_311 = tpu.memref_squeeze %dma_start3A_310 : memref<1x1x128xi32, #tpu.memory_space<vmem>> -> memref<128xi32, #tpu.memory_space<vmem>>
        %dma_start3A_312 = arith.constant 0 : i32
        %dma_start3A_313 = arith.constant 0 : i32
        %dma_start3A_314 = tpu.memref_slice %arg10[%dma_start3A_312, %dma_start3A_313] : memref<10112x128xbf16, #tpu.memory_space<vmem_shared>> -> memref<10112x128xbf16, #tpu.memory_space<vmem_shared>>
        tpu.enqueue_indirect_dma source(%arg16 : memref<128x128xbf16, #tpu.memory_space<vmem>>) target(%dma_start3A_314 : memref<10112x128xbf16, #tpu.memory_space<vmem_shared>>) offsets(%dma_start3A_311 : memref<128xi32, #tpu.memory_space<vmem>>) semaphore(%arg24 : memref<!tpu.dma_semaphore, #tpu.memory_space<semaphore_mem>>) {add = true}
      }
      %scan3A_48 = arith.constant 20 : i32
      %dma_wait3A = arith.constant 0 : i32
      %dma_wait3A_49 = arith.constant 0 : i32
      %dma_wait3A_50 = arith.constant 0 : i32
      %dma_wait3A_51 = tpu.memref_slice %arg12[%dma_wait3A, %dma_wait3A_49, %dma_wait3A_50] : memref<2x8x128xi32, #tpu.memory_space<vmem>> -> memref<1x1x128xi32, #tpu.memory_space<vmem>>
      %dma_wait3A_52 = tpu.memref_squeeze %dma_wait3A_51 : memref<1x1x128xi32, #tpu.memory_space<vmem>> -> memref<128xi32, #tpu.memory_space<vmem>>
      %dma_wait3A_53 = arith.constant 0 : i32
      %dma_wait3A_54 = arith.constant 0 : i32
      %dma_wait3A_55 = tpu.memref_slice %arg10[%dma_wait3A_53, %dma_wait3A_54] : memref<10112x128xbf16, #tpu.memory_space<vmem_shared>> -> memref<10112x128xbf16, #tpu.memory_space<vmem_shared>>
      tpu.wait_indirect_dma semaphore(%arg23 : memref<!tpu.dma_semaphore, #tpu.memory_space<semaphore_mem>>) src(%arg15 : memref<128x128xbf16, #tpu.memory_space<vmem>>) dst(%dma_wait3A_55 : memref<10112x128xbf16, #tpu.memory_space<vmem_shared>>)
      %dma_wait3A_56 = arith.constant 0 : i32
      %dma_wait3A_57 = arith.constant 0 : i32
      %dma_wait3A_58 = arith.constant 0 : i32
      %dma_wait3A_59 = tpu.memref_slice %arg12[%dma_wait3A_56, %dma_wait3A_57, %dma_wait3A_58] : memref<2x8x128xi32, #tpu.memory_space<vmem>> -> memref<1x1x128xi32, #tpu.memory_space<vmem>>
      %dma_wait3A_60 = tpu.memref_squeeze %dma_wait3A_59 : memref<1x1x128xi32, #tpu.memory_space<vmem>> -> memref<128xi32, #tpu.memory_space<vmem>>
      %dma_wait3A_61 = arith.constant 0 : i32
      %dma_wait3A_62 = arith.constant 0 : i32
      %dma_wait3A_63 = tpu.memref_slice %arg10[%dma_wait3A_61, %dma_wait3A_62] : memref<10112x128xbf16, #tpu.memory_space<vmem_shared>> -> memref<10112x128xbf16, #tpu.memory_space<vmem_shared>>
      tpu.wait_indirect_dma semaphore(%arg24 : memref<!tpu.dma_semaphore, #tpu.memory_space<semaphore_mem>>) src(%arg16 : memref<128x128xbf16, #tpu.memory_space<vmem>>) dst(%dma_wait3A_63 : memref<10112x128xbf16, #tpu.memory_space<vmem_shared>>)
      %barrier3A_64 = arith.constant 0 : index
      tpu.barrier barrier_id(%barrier3A_64)
      "tpu.region"() ({
        %run_scoped3A_65 = tpu.sem_alloc : memref<!tpu.dma_semaphore, #tpu.memory_space<semaphore_mem>>
        %dma_start3A_66 = arith.constant 0 : i32
        %dma_start3A_67 = tpu.memref_slice %arg9[%mul3A_0, %dma_start3A_66] : memref<10112x128xbf16, #tpu.memory_space<hbm>> -> memref<632x128xbf16, #tpu.memory_space<hbm>>
        %dma_start3A_68 = arith.constant 0 : i32
        %dma_start3A_69 = tpu.memref_slice %arg10[%mul3A_0, %dma_start3A_68] : memref<10112x128xbf16, #tpu.memory_space<vmem_shared>> -> memref<632x128xbf16, #tpu.memory_space<vmem_shared>>
        tpu.enqueue_dma source(%dma_start3A_69 : memref<632x128xbf16, #tpu.memory_space<vmem_shared>>) target(%dma_start3A_67 : memref<632x128xbf16, #tpu.memory_space<hbm>>) target_semaphore(%run_scoped3A_65 : memref<!tpu.dma_semaphore, #tpu.memory_space<semaphore_mem>>)
        %dma_wait3A_70 = arith.constant 0 : i32
        %dma_wait3A_71 = tpu.memref_slice %arg9[%mul3A_0, %dma_wait3A_70] : memref<10112x128xbf16, #tpu.memory_space<hbm>> -> memref<632x128xbf16, #tpu.memory_space<hbm>>
        %dma_wait3A_72 = arith.constant 0 : i32
        %dma_wait3A_73 = tpu.memref_slice %arg10[%mul3A_0, %dma_wait3A_72] : memref<10112x128xbf16, #tpu.memory_space<vmem_shared>> -> memref<632x128xbf16, #tpu.memory_space<vmem_shared>>
        tpu.wait_dma2 semaphore(%run_scoped3A_65 : memref<!tpu.dma_semaphore, #tpu.memory_space<semaphore_mem>>) src(%dma_wait3A_73 : memref<632x128xbf16, #tpu.memory_space<vmem_shared>>) dst(%dma_wait3A_71 : memref<632x128xbf16, #tpu.memory_space<hbm>>)
        tpu.yield
      }) : () -> ()
    } else {
    }
    return
  }
}

module attributes {stable_mosaic.version = 14 : i64} {
  func.func @_dense_body(%arg0: memref<10000x128xf32, #tpu.memory_space<vmem>>, %arg1: memref<10112x128xbf16, #tpu.memory_space<vmem>>, %arg2: memref<10112x16xf32, #tpu.memory_space<vmem>>, %arg3: memref<128x128xf32, #tpu.memory_space<vmem>>, %arg4: memref<128x128xf32, #tpu.memory_space<vmem>>, %arg5: memref<256x128xf32, #tpu.memory_space<vmem>>, %arg6: memref<1x128xf32, #tpu.memory_space<vmem>>, %arg7: memref<1x128xf32, #tpu.memory_space<vmem>>, %arg8: memref<1x128xf32, #tpu.memory_space<vmem>>, %arg9: memref<1x128xf32, #tpu.memory_space<vmem>>, %arg10: memref<1x128xf32, #tpu.memory_space<vmem>>, %arg11: memref<10000x128xf32, #tpu.memory_space<vmem>>) attributes {dimension_semantics = [], scalar_prefetch = 0 : i64, scratch_operands = 0 : i64, tpu.core_type = #tpu.core_type<tc>} {
    %get3A = arith.constant 0 : index
    %get3A_0 = arith.constant 0 : index
    %get3A_1 = vector.load %arg5[%get3A, %get3A_0] : memref<256x128xf32, #tpu.memory_space<vmem>>, vector<128x128xf32>
    %get3A_2 = arith.constant 128 : index
    %get3A_3 = arith.constant 0 : index
    %get3A_4 = vector.load %arg5[%get3A_2, %get3A_3] : memref<256x128xf32, #tpu.memory_space<vmem>>, vector<128x128xf32>
    %get3A_5 = arith.constant 0 : index
    %get3A_6 = arith.constant 0 : index
    %get3A_7 = vector.load %arg4[%get3A_5, %get3A_6] : memref<128x128xf32, #tpu.memory_space<vmem>>, vector<128x128xf32>
    %dot_general3A = arith.constant dense<0.000000e+00> : vector<128x128xf32>
    %dot_general3A_8 = tpu.matmul %get3A_7, %get3A_1, %dot_general3A {dimension_numbers = #tpu.dot_dimension_numbers<[1], [0], [0], [1], [0, 0, 1, 1], [], []>, transpose_lhs_hint = false} : vector<128x128xf32>, vector<128x128xf32>, vector<128x128xf32> -> vector<128x128xf32>
    %get3A_9 = arith.constant 0 : index
    %get3A_10 = arith.constant 0 : index
    %get3A_11 = vector.load %arg3[%get3A_9, %get3A_10] : memref<128x128xf32, #tpu.memory_space<vmem>>, vector<128x128xf32>
    %dot_general3A_12 = arith.constant dense<0.000000e+00> : vector<128x128xf32>
    %dot_general3A_13 = tpu.matmul %get3A_11, %get3A_4, %dot_general3A_12 {dimension_numbers = #tpu.dot_dimension_numbers<[1], [0], [0], [1], [0, 0, 1, 1], [], []>, transpose_lhs_hint = false} : vector<128x128xf32>, vector<128x128xf32>, vector<128x128xf32> -> vector<128x128xf32>
    %get3A_14 = arith.constant 0 : index
    %get3A_15 = arith.constant 0 : index
    %get3A_16 = vector.load %arg7[%get3A_14, %get3A_15] : memref<1x128xf32, #tpu.memory_space<vmem>>, vector<1x128xf32>
    %dot_general3A_17 = arith.constant dense<0.000000e+00> : vector<1x128xf32>
    %dot_general3A_18 = tpu.matmul %get3A_16, %get3A_1, %dot_general3A_17 {dimension_numbers = #tpu.dot_dimension_numbers<[1], [0], [0], [1], [0, 0, 1, 1], [], []>, transpose_lhs_hint = false} : vector<1x128xf32>, vector<128x128xf32>, vector<1x128xf32> -> vector<1x128xf32>
    %get3A_19 = arith.constant 0 : index
    %get3A_20 = arith.constant 0 : index
    %get3A_21 = vector.load %arg6[%get3A_19, %get3A_20] : memref<1x128xf32, #tpu.memory_space<vmem>>, vector<1x128xf32>
    %dot_general3A_22 = arith.constant dense<0.000000e+00> : vector<1x128xf32>
    %dot_general3A_23 = tpu.matmul %get3A_21, %get3A_4, %dot_general3A_22 {dimension_numbers = #tpu.dot_dimension_numbers<[1], [0], [0], [1], [0, 0, 1, 1], [], []>, transpose_lhs_hint = false} : vector<1x128xf32>, vector<128x128xf32>, vector<1x128xf32> -> vector<1x128xf32>
    %add3A = arith.addf %dot_general3A_18, %dot_general3A_23 : vector<1x128xf32>
    %get3A_24 = arith.constant 0 : index
    %get3A_25 = arith.constant 0 : index
    %get3A_26 = vector.load %arg8[%get3A_24, %get3A_25] : memref<1x128xf32, #tpu.memory_space<vmem>>, vector<1x128xf32>
    %add3A_27 = arith.addf %add3A, %get3A_26 : vector<1x128xf32>
    %get3A_28 = arith.constant 0 : index
    %get3A_29 = arith.constant 0 : index
    %get3A_30 = vector.load %arg2[%get3A_28, %get3A_29] : memref<10112x16xf32, #tpu.memory_space<vmem>>, vector<10000x1xf32>
    %max3A = arith.constant 1.000000e+00 : f32
    %max3A_31 = vector.broadcast %max3A : f32 to vector<10000x1xf32>
    %max3A_32 = arith.maximumf %get3A_30, %max3A_31 : vector<10000x1xf32>
    %get3A_33 = arith.constant 0 : index
    %get3A_34 = arith.constant 0 : index
    %get3A_35 = vector.load %arg1[%get3A_33, %get3A_34] : memref<10112x128xbf16, #tpu.memory_space<vmem>>, vector<10000x128xbf16>
    %convert_element_type3A = arith.extf %get3A_35 : vector<10000x128xbf16> to vector<10000x128xf32>
    %div3A = vector.broadcast %max3A_32 : vector<10000x1xf32> to vector<10000x128xf32>
    %div3A_36 = arith.divf %convert_element_type3A, %div3A : vector<10000x128xf32>
    %get3A_37 = arith.constant 0 : index
    %get3A_38 = arith.constant 0 : index
    %get3A_39 = vector.load %arg0[%get3A_37, %get3A_38] : memref<10000x128xf32, #tpu.memory_space<vmem>>, vector<10000x128xf32>
    %dot_general3A_40 = arith.constant dense<0.000000e+00> : vector<10000x128xf32>
    %dot_general3A_41 = tpu.matmul %get3A_39, %dot_general3A_8, %dot_general3A_40 {dimension_numbers = #tpu.dot_dimension_numbers<[1], [0], [0], [1], [0, 0, 1, 1], [], []>, transpose_lhs_hint = false} : vector<10000x128xf32>, vector<128x128xf32>, vector<10000x128xf32> -> vector<10000x128xf32>
    %dot_general3A_42 = arith.constant dense<0.000000e+00> : vector<10000x128xf32>
    %dot_general3A_43 = tpu.matmul %div3A_36, %dot_general3A_13, %dot_general3A_42 {dimension_numbers = #tpu.dot_dimension_numbers<[1], [0], [0], [1], [0, 0, 1, 1], [], []>, transpose_lhs_hint = false} : vector<10000x128xf32>, vector<128x128xf32>, vector<10000x128xf32> -> vector<10000x128xf32>
    %add3A_44 = arith.addf %dot_general3A_41, %dot_general3A_43 : vector<10000x128xf32>
    %add3A_45 = vector.broadcast %add3A_27 : vector<1x128xf32> to vector<10000x128xf32>
    %add3A_46 = arith.addf %add3A_44, %add3A_45 : vector<10000x128xf32>
    %reduce_sum3A = arith.constant dense<0.000000e+00> : vector<128xf32>
    %reduce_sum3A_47 = vector.multi_reduction <add>, %add3A_46, %reduce_sum3A [0] : vector<10000x128xf32> to vector<128xf32>
    %broadcast_in_dim3A = vector.shape_cast %reduce_sum3A_47 : vector<128xf32> to vector<1x128xf32>
    %div3A_48 = arith.constant 1.000000e+04 : f32
    %div3A_49 = vector.broadcast %div3A_48 : f32 to vector<1x128xf32>
    %div3A_50 = arith.divf %broadcast_in_dim3A, %div3A_49 : vector<1x128xf32>
    %sub3A = vector.broadcast %div3A_50 : vector<1x128xf32> to vector<10000x128xf32>
    %sub3A_51 = arith.subf %add3A_46, %sub3A : vector<10000x128xf32>
    %mul3A = arith.mulf %sub3A_51, %sub3A_51 : vector<10000x128xf32>
    %reduce_sum3A_52 = arith.constant dense<0.000000e+00> : vector<128xf32>
    %reduce_sum3A_53 = vector.multi_reduction <add>, %mul3A, %reduce_sum3A_52 [0] : vector<10000x128xf32> to vector<128xf32>
    %broadcast_in_dim3A_54 = vector.shape_cast %reduce_sum3A_53 : vector<128xf32> to vector<1x128xf32>
    %div3A_55 = arith.constant 1.000000e+04 : f32
    %div3A_56 = vector.broadcast %div3A_55 : f32 to vector<1x128xf32>
    %div3A_57 = arith.divf %broadcast_in_dim3A_54, %div3A_56 : vector<1x128xf32>
    %add3A_58 = arith.constant 1.000000e+00 : f32
    %add3A_59 = vector.broadcast %add3A_58 : f32 to vector<1x128xf32>
    %add3A_60 = arith.addf %div3A_57, %add3A_59 : vector<1x128xf32>
    %rsqrt3A = math.rsqrt %add3A_60 : vector<1x128xf32>
    %mul3A_61 = vector.broadcast %rsqrt3A : vector<1x128xf32> to vector<10000x128xf32>
    %mul3A_62 = arith.mulf %sub3A_51, %mul3A_61 : vector<10000x128xf32>
    %get3A_63 = arith.constant 0 : index
    %get3A_64 = arith.constant 0 : index
    %get3A_65 = vector.load %arg9[%get3A_63, %get3A_64] : memref<1x128xf32, #tpu.memory_space<vmem>>, vector<1x128xf32>
    %mul3A_66 = vector.broadcast %get3A_65 : vector<1x128xf32> to vector<10000x128xf32>
    %mul3A_67 = arith.mulf %mul3A_62, %mul3A_66 : vector<10000x128xf32>
    %get3A_68 = arith.constant 0 : index
    %get3A_69 = arith.constant 0 : index
    %get3A_70 = vector.load %arg10[%get3A_68, %get3A_69] : memref<1x128xf32, #tpu.memory_space<vmem>>, vector<1x128xf32>
    %add3A_71 = vector.broadcast %get3A_70 : vector<1x128xf32> to vector<10000x128xf32>
    %add3A_72 = arith.addf %mul3A_67, %add3A_71 : vector<10000x128xf32>
    %ge3A = arith.constant 0.000000e+00 : f32
    %ge3A_73 = vector.broadcast %ge3A : f32 to vector<10000x128xf32>
    %ge3A_74 = arith.cmpf oge, %add3A_72, %ge3A_73 : vector<10000x128xf32>
    %mul3A_75 = arith.constant 0.00999999977 : f32
    %mul3A_76 = vector.broadcast %mul3A_75 : f32 to vector<10000x128xf32>
    %mul3A_77 = arith.mulf %mul3A_76, %add3A_72 : vector<10000x128xf32>
    %select_n3A = arith.select %ge3A_74, %add3A_72, %mul3A_77 : vector<10000x128xi1>, vector<10000x128xf32>
    %swap3A = arith.constant 0 : index
    %swap3A_78 = arith.constant 0 : index
    %swap3A_79 = vector.load %arg11[%swap3A, %swap3A_78] : memref<10000x128xf32, #tpu.memory_space<vmem>>, vector<10000x128xf32>
    tpu.vector_store %arg11[%swap3A, %swap3A_78], %select_n3A {strides = array<i32>} : memref<10000x128xf32, #tpu.memory_space<vmem>>, vector<10000x128xf32>,
    return
  }
}

module attributes {stable_mosaic.version = 14 : i64} {
  func.func @_dense_body(%arg0: memref<10000x128xf32, #tpu.memory_space<vmem>>, %arg1: memref<10112x128xbf16, #tpu.memory_space<vmem>>, %arg2: memref<10112x16xf32, #tpu.memory_space<vmem>>, %arg3: memref<128x128xf32, #tpu.memory_space<vmem>>, %arg4: memref<128x128xf32, #tpu.memory_space<vmem>>, %arg5: memref<256x128xf32, #tpu.memory_space<vmem>>, %arg6: memref<1x128xf32, #tpu.memory_space<vmem>>, %arg7: memref<1x128xf32, #tpu.memory_space<vmem>>, %arg8: memref<1x128xf32, #tpu.memory_space<vmem>>, %arg9: memref<1x128xf32, #tpu.memory_space<vmem>>, %arg10: memref<1x128xf32, #tpu.memory_space<vmem>>, %arg11: memref<128x8xf32, #tpu.memory_space<vmem>>, %arg12: memref<1x8xf32, #tpu.memory_space<vmem>>, %arg13: memref<10000x8xf32, #tpu.memory_space<vmem>>) attributes {dimension_semantics = [], scalar_prefetch = 0 : i64, scratch_operands = 0 : i64, tpu.core_type = #tpu.core_type<tc>} {
    %get3A = arith.constant 0 : index
    %get3A_0 = arith.constant 0 : index
    %get3A_1 = vector.load %arg5[%get3A, %get3A_0] : memref<256x128xf32, #tpu.memory_space<vmem>>, vector<128x128xf32>
    %get3A_2 = arith.constant 128 : index
    %get3A_3 = arith.constant 0 : index
    %get3A_4 = vector.load %arg5[%get3A_2, %get3A_3] : memref<256x128xf32, #tpu.memory_space<vmem>>, vector<128x128xf32>
    %get3A_5 = arith.constant 0 : index
    %get3A_6 = arith.constant 0 : index
    %get3A_7 = vector.load %arg4[%get3A_5, %get3A_6] : memref<128x128xf32, #tpu.memory_space<vmem>>, vector<128x128xf32>
    %dot_general3A = arith.constant dense<0.000000e+00> : vector<128x128xf32>
    %dot_general3A_8 = tpu.matmul %get3A_7, %get3A_1, %dot_general3A {dimension_numbers = #tpu.dot_dimension_numbers<[1], [0], [0], [1], [0, 0, 1, 1], [], []>, transpose_lhs_hint = false} : vector<128x128xf32>, vector<128x128xf32>, vector<128x128xf32> -> vector<128x128xf32>
    %get3A_9 = arith.constant 0 : index
    %get3A_10 = arith.constant 0 : index
    %get3A_11 = vector.load %arg3[%get3A_9, %get3A_10] : memref<128x128xf32, #tpu.memory_space<vmem>>, vector<128x128xf32>
    %dot_general3A_12 = arith.constant dense<0.000000e+00> : vector<128x128xf32>
    %dot_general3A_13 = tpu.matmul %get3A_11, %get3A_4, %dot_general3A_12 {dimension_numbers = #tpu.dot_dimension_numbers<[1], [0], [0], [1], [0, 0, 1, 1], [], []>, transpose_lhs_hint = false} : vector<128x128xf32>, vector<128x128xf32>, vector<128x128xf32> -> vector<128x128xf32>
    %get3A_14 = arith.constant 0 : index
    %get3A_15 = arith.constant 0 : index
    %get3A_16 = vector.load %arg7[%get3A_14, %get3A_15] : memref<1x128xf32, #tpu.memory_space<vmem>>, vector<1x128xf32>
    %dot_general3A_17 = arith.constant dense<0.000000e+00> : vector<1x128xf32>
    %dot_general3A_18 = tpu.matmul %get3A_16, %get3A_1, %dot_general3A_17 {dimension_numbers = #tpu.dot_dimension_numbers<[1], [0], [0], [1], [0, 0, 1, 1], [], []>, transpose_lhs_hint = false} : vector<1x128xf32>, vector<128x128xf32>, vector<1x128xf32> -> vector<1x128xf32>
    %get3A_19 = arith.constant 0 : index
    %get3A_20 = arith.constant 0 : index
    %get3A_21 = vector.load %arg6[%get3A_19, %get3A_20] : memref<1x128xf32, #tpu.memory_space<vmem>>, vector<1x128xf32>
    %dot_general3A_22 = arith.constant dense<0.000000e+00> : vector<1x128xf32>
    %dot_general3A_23 = tpu.matmul %get3A_21, %get3A_4, %dot_general3A_22 {dimension_numbers = #tpu.dot_dimension_numbers<[1], [0], [0], [1], [0, 0, 1, 1], [], []>, transpose_lhs_hint = false} : vector<1x128xf32>, vector<128x128xf32>, vector<1x128xf32> -> vector<1x128xf32>
    %add3A = arith.addf %dot_general3A_18, %dot_general3A_23 : vector<1x128xf32>
    %get3A_24 = arith.constant 0 : index
    %get3A_25 = arith.constant 0 : index
    %get3A_26 = vector.load %arg8[%get3A_24, %get3A_25] : memref<1x128xf32, #tpu.memory_space<vmem>>, vector<1x128xf32>
    %add3A_27 = arith.addf %add3A, %get3A_26 : vector<1x128xf32>
    %get3A_28 = arith.constant 0 : index
    %get3A_29 = arith.constant 0 : index
    %get3A_30 = vector.load %arg2[%get3A_28, %get3A_29] : memref<10112x16xf32, #tpu.memory_space<vmem>>, vector<10000x1xf32>
    %max3A = arith.constant 1.000000e+00 : f32
    %max3A_31 = vector.broadcast %max3A : f32 to vector<10000x1xf32>
    %max3A_32 = arith.maximumf %get3A_30, %max3A_31 : vector<10000x1xf32>
    %get3A_33 = arith.constant 0 : index
    %get3A_34 = arith.constant 0 : index
    %get3A_35 = vector.load %arg1[%get3A_33, %get3A_34] : memref<10112x128xbf16, #tpu.memory_space<vmem>>, vector<10000x128xbf16>
    %convert_element_type3A = arith.extf %get3A_35 : vector<10000x128xbf16> to vector<10000x128xf32>
    %div3A = vector.broadcast %max3A_32 : vector<10000x1xf32> to vector<10000x128xf32>
    %div3A_36 = arith.divf %convert_element_type3A, %div3A : vector<10000x128xf32>
    %get3A_37 = arith.constant 0 : index
    %get3A_38 = arith.constant 0 : index
    %get3A_39 = vector.load %arg0[%get3A_37, %get3A_38] : memref<10000x128xf32, #tpu.memory_space<vmem>>, vector<10000x128xf32>
    %dot_general3A_40 = arith.constant dense<0.000000e+00> : vector<10000x128xf32>
    %dot_general3A_41 = tpu.matmul %get3A_39, %dot_general3A_8, %dot_general3A_40 {dimension_numbers = #tpu.dot_dimension_numbers<[1], [0], [0], [1], [0, 0, 1, 1], [], []>, transpose_lhs_hint = false} : vector<10000x128xf32>, vector<128x128xf32>, vector<10000x128xf32> -> vector<10000x128xf32>
    %dot_general3A_42 = arith.constant dense<0.000000e+00> : vector<10000x128xf32>
    %dot_general3A_43 = tpu.matmul %div3A_36, %dot_general3A_13, %dot_general3A_42 {dimension_numbers = #tpu.dot_dimension_numbers<[1], [0], [0], [1], [0, 0, 1, 1], [], []>, transpose_lhs_hint = false} : vector<10000x128xf32>, vector<128x128xf32>, vector<10000x128xf32> -> vector<10000x128xf32>
    %add3A_44 = arith.addf %dot_general3A_41, %dot_general3A_43 : vector<10000x128xf32>
    %add3A_45 = vector.broadcast %add3A_27 : vector<1x128xf32> to vector<10000x128xf32>
    %add3A_46 = arith.addf %add3A_44, %add3A_45 : vector<10000x128xf32>
    %reduce_sum3A = arith.constant dense<0.000000e+00> : vector<128xf32>
    %reduce_sum3A_47 = vector.multi_reduction <add>, %add3A_46, %reduce_sum3A [0] : vector<10000x128xf32> to vector<128xf32>
    %broadcast_in_dim3A = vector.shape_cast %reduce_sum3A_47 : vector<128xf32> to vector<1x128xf32>
    %div3A_48 = arith.constant 1.000000e+04 : f32
    %div3A_49 = vector.broadcast %div3A_48 : f32 to vector<1x128xf32>
    %div3A_50 = arith.divf %broadcast_in_dim3A, %div3A_49 : vector<1x128xf32>
    %sub3A = vector.broadcast %div3A_50 : vector<1x128xf32> to vector<10000x128xf32>
    %sub3A_51 = arith.subf %add3A_46, %sub3A : vector<10000x128xf32>
    %mul3A = arith.mulf %sub3A_51, %sub3A_51 : vector<10000x128xf32>
    %reduce_sum3A_52 = arith.constant dense<0.000000e+00> : vector<128xf32>
    %reduce_sum3A_53 = vector.multi_reduction <add>, %mul3A, %reduce_sum3A_52 [0] : vector<10000x128xf32> to vector<128xf32>
    %broadcast_in_dim3A_54 = vector.shape_cast %reduce_sum3A_53 : vector<128xf32> to vector<1x128xf32>
    %div3A_55 = arith.constant 1.000000e+04 : f32
    %div3A_56 = vector.broadcast %div3A_55 : f32 to vector<1x128xf32>
    %div3A_57 = arith.divf %broadcast_in_dim3A_54, %div3A_56 : vector<1x128xf32>
    %add3A_58 = arith.constant 1.000000e+00 : f32
    %add3A_59 = vector.broadcast %add3A_58 : f32 to vector<1x128xf32>
    %add3A_60 = arith.addf %div3A_57, %add3A_59 : vector<1x128xf32>
    %rsqrt3A = math.rsqrt %add3A_60 : vector<1x128xf32>
    %mul3A_61 = vector.broadcast %rsqrt3A : vector<1x128xf32> to vector<10000x128xf32>
    %mul3A_62 = arith.mulf %sub3A_51, %mul3A_61 : vector<10000x128xf32>
    %get3A_63 = arith.constant 0 : index
    %get3A_64 = arith.constant 0 : index
    %get3A_65 = vector.load %arg9[%get3A_63, %get3A_64] : memref<1x128xf32, #tpu.memory_space<vmem>>, vector<1x128xf32>
    %mul3A_66 = vector.broadcast %get3A_65 : vector<1x128xf32> to vector<10000x128xf32>
    %mul3A_67 = arith.mulf %mul3A_62, %mul3A_66 : vector<10000x128xf32>
    %get3A_68 = arith.constant 0 : index
    %get3A_69 = arith.constant 0 : index
    %get3A_70 = vector.load %arg10[%get3A_68, %get3A_69] : memref<1x128xf32, #tpu.memory_space<vmem>>, vector<1x128xf32>
    %add3A_71 = vector.broadcast %get3A_70 : vector<1x128xf32> to vector<10000x128xf32>
    %add3A_72 = arith.addf %mul3A_67, %add3A_71 : vector<10000x128xf32>
    %ge3A = arith.constant 0.000000e+00 : f32
    %ge3A_73 = vector.broadcast %ge3A : f32 to vector<10000x128xf32>
    %ge3A_74 = arith.cmpf oge, %add3A_72, %ge3A_73 : vector<10000x128xf32>
    %mul3A_75 = arith.constant 0.00999999977 : f32
    %mul3A_76 = vector.broadcast %mul3A_75 : f32 to vector<10000x128xf32>
    %mul3A_77 = arith.mulf %mul3A_76, %add3A_72 : vector<10000x128xf32>
    %select_n3A = arith.select %ge3A_74, %add3A_72, %mul3A_77 : vector<10000x128xi1>, vector<10000x128xf32>
    %get3A_78 = arith.constant 0 : index
    %get3A_79 = arith.constant 0 : index
    %get3A_80 = vector.load %arg11[%get3A_78, %get3A_79] : memref<128x8xf32, #tpu.memory_space<vmem>>, vector<128x8xf32>
    %dot_general3A_81 = arith.constant dense<0.000000e+00> : vector<10000x8xf32>
    %dot_general3A_82 = tpu.matmul %select_n3A, %get3A_80, %dot_general3A_81 {dimension_numbers = #tpu.dot_dimension_numbers<[1], [0], [0], [1], [0, 0, 1, 1], [], []>, transpose_lhs_hint = false} : vector<10000x128xf32>, vector<128x8xf32>, vector<10000x8xf32> -> vector<10000x8xf32>
    %get3A_83 = arith.constant 0 : index
    %get3A_84 = arith.constant 0 : index
    %get3A_85 = vector.load %arg12[%get3A_83, %get3A_84] : memref<1x8xf32, #tpu.memory_space<vmem>>, vector<1x8xf32>
    %add3A_86 = vector.broadcast %get3A_85 : vector<1x8xf32> to vector<10000x8xf32>
    %add3A_87 = arith.addf %dot_general3A_82, %add3A_86 : vector<10000x8xf32>
    %swap3A = arith.constant 0 : index
    %swap3A_88 = arith.constant 0 : index
    %swap3A_89 = vector.load %arg13[%swap3A, %swap3A_88] : memref<10000x8xf32, #tpu.memory_space<vmem>>, vector<10000x8xf32>
    tpu.vector_store %arg13[%swap3A, %swap3A_88], %add3A_87 {strides = array<i32>} : memref<10000x8xf32, #tpu.memory_space<vmem>>, vector<10000x8xf32>,
    return
  }
}

</mosaic_0001>

<sc_bundles>
// kernel: segsum_l1.3.cloned.1.call-start
scs
__scs_entry_jumppad:
0x0: {  	(pc) =	sbr.rel $0x88, $3  }
0x1: {  	(tag) =	ssettag $0x0;
	lr =	simm.s32 $0x1  }
0x2: {  	[smem:$0x3F79] =	sst lr;
	_ =	strace $0xD0000000  }
0x3: {  	_ = 	snop  }
0x4: {  	_ = 	snop  }
0x5: {  	_ = 	snop  }
0x6: {  	_ = 	snop  }
0x7: {  	_ = 	snop  }
__scs_overlays_trampoline_lowered:
0x8: {  	[smem:$0x3F88] =	sst s0  }
0x9: {  	[smem:$0x3F89] =	sst s1  }
0xa: {  	[smem:$0x3F8A] =	sst s2  }
0xb: {  	[smem:$0x3F8B] =	sst s3  }
0xc: {  	[smem:$0x3F8C] =	sst s4  }
0xd: {  	[smem:$0x3F8D] =	sst s5  }
0xe: {  	[smem:$0x3F8E] =	sst s6  }
0xf: {  	[smem:$0x3F8F] =	sst s7  }
0x10: {  	[smem:$0x3F90] =	sst s8  }
0x11: {  	[smem:$0x3F91] =	sst s9;
	s0 =	simm.s32 @!p0 $0x0  }
0x12: {  	s1 =	sld [smem:$0x3F77];
	s0 =	simm.s32 @p0 $0x1  }
0x13: {  	[smem:$0x3F92] =	sst s0;
	s0 =	simm.s32 @!p1 $0x0  }
0x14: {  	s2 =	sld [smem:$0x3F76];
	s0 =	simm.s32 @p1 $0x1  }
0x15: {  	[smem:$0x3F93] =	sst s0;
	s0 =	simm.s32 @!p2 $0x0  }
0x16: {  	s3 =	sld [smem:$0x3FDB];
	s0 =	simm.s32 @p2 $0x1  }
0x17: {  	s4 =	simm.s32 $0x1BF5;
	[smem:$0x3F95] =	sst s0  }
0x18: {  	s0 =	sld [smem:$0x3F78];
	_ =	swait.ge [sflag:s4], $0x0  }
0x19: {  	s7 =	sld [smem:$0x3F79]  }
0x1a: {  	s8 =	sadd.s32 $0xFFFFE003, lr  }
0x1b: {  	s9 =	sadd.s32 $0xFFFFFEF7, lr;
	s5 =	simm.s32 $0xFFFFFFFF;
	p2 =	slt.u32 s8, $0xFFFFF086  }
0x1c: {  	p1 =	slt.u32 s9, $0xF7A;
	s5 =	simm.s32 @!p2 $0x0  }
0x1d: {  	s5 =	simm.s32 @p1 $0x1;
	p0 =	seq.s32 s7, s2  }
0x1e: {  	s7 =	smul.u32 @!p0 $0xF7A, s2;
	p2 =	seq.s32 @!p0 s5, $0x0  }
0x1f: {  	s9 =	smul.u32 $0xF7A, s1;
	s8 =	simm.s32 @!p0 $0x1BF5;
	p2 =	por !p2, p0  }
0x20: {  	[sflag:s8] =	ssyncset.s32 @!p0 $0xFFFFF086;
	s6 =	sadd.s32 @!p0 s3, s7;
	s7 =	simm.s32 @!p0 $0x108  }
0x21: {  	s3 =	sadd.s32 s3, s9;
	s6 =	sadd.s32 @!p0 $0x88, s6;
	s7 =	simm.s32 @p2 $0x1082  }
0x22: {  	[simem:s7], [sflag:s8] =	dma.local @!p0 [hbm:s6], $0xF7A  }
0x23: {  	s9 =	sor.u32 $0xD0000000, s2;
	s6 =	simm.s32 $0x108;
	_ =	swait.ge @!p0 [sflag:s8], $0x0  }
0x24: {  	s3 =	sadd.s32 $0x88, s3;
	s6 =	simm.s32 @!p1 $0x1082;
	[sflag:s4] =	ssyncset.s32 $0xFFFFF086  }
0x25: {  	[simem:s6], [sflag:s4] =	dma.local [hbm:s3], $0xF7A  }
0x26: {  	[smem:$0x3F79] =	sst s1;
	(tag) =	ssettag s2;
	_ =	strace s9  }
0x27: {  	s1 =	sld [smem:$0x3F89]  }
0x28: {  	s2 =	sld [smem:$0x3F8A]  }
0x29: {  	s4 =	sld [smem:$0x3F8C]  }
0x2a: {  	p0 =	seq.s32 s5, $0x0;
	s5 =	sld [smem:$0x3F8D]  }
0x2b: {  	s6 =	sld [smem:$0x3F8E]  }
0x2c: {  	s7 =	sld [smem:$0x3F8F]  }
0x2d: {  	s3 =	simm.s32 $0x108;
	s8 =	sld [smem:$0x3F90]  }
0x2e: {  	s3 =	simm.s32 @!p0 $0x1082;
	s9 =	sld [smem:$0x3F91]  }
0x2f: {  	lr =	sadd.s32 s0, s3;
	s0 =	sld [smem:$0x3F88]  }
0x30: {  	s3 =	sld [smem:$0x3F8B]  }
0x31: {  	[smem:$0x3F94] =	sst s10  }
0x32: {  	s10 =	sld [smem:$0x3F92];
	_ =	sdelay $0x3  }
0x33: {  	p0 =	seq.s32 s10, $0x1;
	s10 =	sld [smem:$0x3F94];
	_ =	sdelay $0x3  }
0x34: {  	[smem:$0x3F94] =	sst s10  }
0x35: {  	s10 =	sld [smem:$0x3F93];
	_ =	sdelay $0x3  }
0x36: {  	p1 =	seq.s32 s10, $0x1;
	s10 =	sld [smem:$0x3F94];
	_ =	sdelay $0x3  }
0x37: {  	[smem:$0x3F94] =	sst s10  }
0x38: {  	s10 =	sld [smem:$0x3F95]  }
0x39: {  	_ = 	snop;
	(pc) =	sbr.ind lr, $3  }
0x3a: {  	_ = 	snop  }
0x3b: {  	_ = 	snop  }
0x3c: {  	p2 =	seq.s32 s10, $0x1;
	s10 =	sld [smem:$0x3F94]  }
0x3d: {  	_ =	shalt  }
0x3e: {  	_ =	shalt  }
0x3f: {  	_ =	shalt  }
0x40: {  	_ =	shalt  }
0x41: {  	_ =	shalt  }
0x42: {  	_ =	shalt  }
0x43: {  	_ =	shalt  }
0x44: {  	_ =	shalt  }
0x45: {  	_ =	shalt  }
0x46: {  	_ =	shalt  }
0x47: {  	_ =	shalt  }
0x48: {  	_ =	shalt  }
0x49: {  	_ =	shalt  }
0x4a: {  	_ =	shalt  }
0x4b: {  	_ =	shalt  }
0x4c: {  	_ =	shalt  }
0x4d: {  	_ =	shalt  }
0x4e: {  	_ =	shalt  }
0x4f: {  	_ =	shalt  }
0x50: {  	_ =	shalt  }
0x51: {  	_ =	shalt  }
0x52: {  	_ =	shalt  }
0x53: {  	_ =	shalt  }
0x54: {  	_ =	shalt  }
0x55: {  	_ =	shalt  }
0x56: {  	_ =	shalt  }
0x57: {  	_ =	shalt  }
0x58: {  	_ =	shalt  }
0x59: {  	_ =	shalt  }
0x5a: {  	_ =	shalt  }
0x5b: {  	_ =	shalt  }
0x5c: {  	_ =	shalt  }
0x5d: {  	_ =	shalt  }
0x5e: {  	_ =	shalt  }
0x5f: {  	_ =	shalt  }
0x60: {  	_ =	shalt  }
0x61: {  	_ =	shalt  }
0x62: {  	_ =	shalt  }
0x63: {  	_ =	shalt  }
0x64: {  	_ =	shalt  }
0x65: {  	_ =	shalt  }
0x66: {  	_ =	shalt  }
0x67: {  	_ =	shalt  }
0x68: {  	_ =	shalt  }
0x69: {  	_ =	shalt  }
0x6a: {  	_ =	shalt  }
0x6b: {  	_ =	shalt  }
0x6c: {  	_ =	shalt  }
0x6d: {  	_ =	shalt  }
0x6e: {  	_ =	shalt  }
0x6f: {  	_ =	shalt  }
0x70: {  	_ =	shalt  }
0x71: {  	_ =	shalt  }
0x72: {  	_ =	shalt  }
0x73: {  	_ =	shalt  }
0x74: {  	_ =	shalt  }
0x75: {  	_ =	shalt  }
0x76: {  	_ =	shalt  }
0x77: {  	_ =	shalt  }
0x78: {  	_ =	shalt  }
0x79: {  	_ =	shalt  }
0x7a: {  	_ =	shalt  }
0x7b: {  	_ =	shalt  }
0x7c: {  	_ =	shalt  }
0x7d: {  	_ =	shalt  }
0x7e: {  	_ =	shalt  }
0x7f: {  	_ =	shalt  }
0x80: {  	_ =	shalt  }
0x81: {  	_ =	shalt  }
0x82: {  	_ =	shalt  }
0x83: {  	_ =	shalt  }
0x84: {  	_ =	shalt  }
0x85: {  	_ =	shalt  }
0x86: {  	_ =	shalt  }
0x87: {  	_ =	shalt  }
.Lfunc_end0:
.L_simem_size_0:
called_computation_lowered:
.L_overlay_start_0:
0x88: {  	s2 =	sld [smem:$0x3FD9]  }
0x89: {  	s3 =	sld [smem:$0x3FFE];
	_ =	sdelay $0x1  }
0x8a: {  	s1 =	srdreg.scid  }
0x8b: {  	s0 =	sand.u32 $0x1, s1  }
0x8c: {  	s16 =	sshll.u32 s0, $0xA;
	s2 =	sadd.s32 s3, s2  }
0x8d: {  	s2 =	sadd.s32 s2, s16  }
0x8e: {  	[smem:$0x3FA0] =	sst s2  }
0x8f: {  	_ = 	snop  }
0x90: {  	(tm) =	ssettm $0x1  }
0x91: {  	s17 =	sld [smem:$0x3FFB];
	_ =	sdelay $0x3  }
0x92: {  	_ =	strace s17  }
0x93: {  	s2 =	sld [smem:$0x3FFC];
	_ =	sdelay $0x3  }
0x94: {  	_ =	strace s2  }
0x95: {  	s2 =	sld [smem:$0x3FFD];
	_ =	sdelay $0x3  }
0x96: {  	_ =	strace s2  }
0x97: {  	_ =	strace $0x8FFFFFFF  }
0x98: {  	s18 =	sld [smem:$0x3FDB];
	_ =	sdelay $0x1  }
0x99: {  	s19 =	simm.s32 $_scs_section_size  }
0x9a: {  	s4 =	simm.s32 $_size__tile_overlayer_lowered;
	s5 =	simm.s32 $_tile_overlayer_lowered  }
0x9b: {  	s22 =	simm.s32 $0x1BFF;
	s21 =	sshll.u32 s5, $0x1;
	s2 =	sadd.s32 s19, s18  }
0x9c: {  	s6 =	simm.s32 $0x0;
	s20 =	sshll.u32 s4, $0x1;
	s4 =	sadd.s32 s21, s2  }
0x9d: {  	[timem:s6], [sflag:s22] =	dma.local [hbm:s4], s20  }
0x9e: {  	_ =	swait.ge [sflag:s22], s20  }
0x9f: {  	s3 =	ssub.s32 $0x0, s20;
	[sflag:s22] =	ssyncset.done $0x0  }
0xa0: {  	[sflag:s22] =	ssyncadd.s32 s3;
	_ =	sdelay $0x1  }
0xa1: {  	s23 =	simm.s32 $0x1B8B  }
0xa2: {  	_ =	swait.ge [sflag:s23], $0x1  }
0xa3: {  	[sflag:s23] =	ssyncset.done $0x0  }
0xa4: {  	s25 =	simm.s32 $0x1B8E;
	s24 =	sld [smem:$0x3FFE];
	[sflag:s23] =	ssyncadd.s32 $0xFFFFFFFF  }
0xa5: {  	s26 =	simm.s32 $execute0_lowered;
	[smem:$0x3FD2] =	sst s25  }
0xa6: {  	s4 =	sshll.u32 s26, $0x1;
	_ =	strace $0x80000046;
	[dreg:$0x1] =	wrdreg $0xFFFFFFFF  }
0xa7: {  	s28 =	simm.s32 $_size_execute0_lowered;
	s2 =	sadd.s32 s2, s4;
	[dreg:$0x0] =	wrdreg $0x0  }
0xa8: {  	s4 =	sshll.u32 s28, $0x1;
	[dreg:$0x2] =	wrdreg s2  }
0xa9: {  	[dreg:$0x3] =	wrdreg s4  }
0xaa: {  	[dreg:$0x4] =	wrdreg $0xC0  }
0xab: {  	_ =	task [dreg:s6], $0x5FFFF  }
0xac: {  	[dreg:$0x1] =	wrdreg $0xFFFFFFFF  }
0xad: {  	[dreg:$0x0] =	wrdreg $0x60  }
0xae: {  	[dreg:$0x2] =	wrdreg s24  }
0xaf: {  	[dreg:$0x3] =	wrdreg $0x0  }
0xb0: {  	[dreg:$0x4] =	wrdreg $0x12E000  }
0xb1: {  	[dreg:$0x5] =	wrdreg $0x9  }
0xb2: {  	_ =	task.clear_ibuf [dreg:s6], $0x6FFFF;
	_ =	strace $0x90000046  }
0xb3: {  	s29 =	simm.s32 $0x9;
	_ =	strace $0x80000048  }
0xb4: {  	_ =	swait.ge [sflag:s29], $0x1  }
0xb5: {  	[sflag:s29] =	ssyncadd.s32 $0xFFFFFFFF  }
0xb6: {  	_ =	strace $0x90000048  }
0xb7: {  	_ =	sfence  }
0xb8: {  	s30 =	sld [smem:$0x0];
	_ =	sdelay $0x2  }
0xb9: {  	s31 =	sshll.u32 s1, $0xD;
	s1 =	sshrl.u32 s1, $0x2  }
0xba: {  	s3 =	sand.u32 $0x4000, s31;
	s1 =	sadd.s32 s1, s30  }
0xbb: {  	s0 =	sor.u32 s3, s0;
	s1 =	sshll.u32 s1, $0x11  }
0xbc: {  	s0 =	sor.u32 s1, s0  }
0xbd: {  	s0 =	sadd.s32 $0x8F2B, s0  }
0xbe: {  	[sflag:s0] =	ssyncadd.remote.s32 $0x1  }
0xbf: {  	_ =	sfence.sel $0xFFFF  }
0xc0: {  	[dreg:$0x0] =	wrdreg $0xFFFFFFFF;
	(pc) =	sbr.abs _section_cstart, $3  }
0xc1: {  	[dreg:$0x1] =	wrdreg $0xFFFFFFFF  }
0xc2: {  	_ =	task.clear_ibuf [dreg:s6], $0x2FFFF;
	_ =	strace $0x9FFFFFFF  }
0xc3: {  	(tm) =	ssettm $0x7FFFFFFF  }
tec
execute0_lowered:
.L_overlay_start_1:
0x0: {  	(tag) =	ssettag $0x1  }
0x1: {  	s0 =	rddreg [dreg:$0x0]  }
0x2: {  	s1 =	rddreg [dreg:$0x1]  }
0x3: {  	s3 =	rddreg [dreg:$0x2];
	s16 =	simm.s32 $0x0  }
0x4: {  	s4 =	stileid.u32;
	s7 =	srdreg.scid;
	s28 =	simm.s32 $0x1  }
0x5: {  	[smem:$0x7FF] =	sst s16;
	s2 =	smul.u32 $0xA00, s4;
	s5 =	sadd.s32 $0x1B200, s0  }
0x6: {  	s6 =	sadd.s32 $0x7800, s0;
	s8 =	sadd.s32 $0x5BC00, s0;
	s7 =	sand.u32 $0x1, s7  }
0x7: {  	s13 =	sadd.s32 $0x74800, s0;
	_ =	strace $0x80000047;
	[dreg:$0x5] =	wrdreg s8  }
0x8: {  	s9 =	smul.u32 $0x278, s4;
	s10 =	sadd.s32 $0x56C00, s0;
	[dreg:$0x6] =	wrdreg s13  }
0x9: {  	s11 =	smul.u32 $0x13C00, s4;
	s14 =	ssub.s32 $0x2, s7;
	[dreg:$0x7] =	wrdreg s10  }
0xa: {  	p0 =	seq.s32 s7, $0x1;
	s13 =	smul.u32 $0x2780, s4;
	s2 =	sadd.s32 s2, s0  }
0xb: {  	s15 =	sshrl.u32 s14, $0x1;
	s0 =	sadd.s32 $0x6F800, s0;
	s17 =	sshrl.u32 s11, $0x1  }
0xc: {  	s18 =	sadd.s32 $0x80, s9;
	s19 =	sadd.s32 $0x100, s9;
	s22 =	sadd.s32 $0x180, s9  }
0xd: {  	s9 =	sadd.s32 $0x200, s9;
	[dreg:$0x8] =	wrdreg s0;
	s0 =	ssub.s32 s14, s15  }
0xe: {  	s23 =	sadd.s32 s17, s1;
	s20 =	sshll.u32 s18, $0x6;
	s12 =	sshll.u32 s19, $0x6  }
0xf: {  	s24 =	sshll.u32 s22, $0x6;
	s14 =	sshll.u32 s19, $0x4;
	s19 =	sadd.s32 $0x4CC00, s2  }
0x10: {  	s26 =	sshll.u32 s9, $0x6;
	s8 =	sshll.u32 s18, $0x4;
	[dreg:$0x13] =	wrdreg s19  }
0x11: {  	s9 =	sshll.u32 s9, $0x4;
	s7 =	sadd.s32 s20, s1;
	[dreg:$0x9] =	wrdreg s23  }
0x12: {  	s30 =	sadd.s32 $0x4CC80, s2;
	s21 =	sadd.s32 s12, s1;
	[dreg:$0xa] =	wrdreg s7  }
0x13: {  	s31 =	sadd.s32 $0x2EC80, s2;
	s25 =	sadd.s32 s24, s1;
	[dreg:$0xb] =	wrdreg s21  }
0x14: {  	s29 =	sadd.s32 s26, s1;
	s24 =	sadd.s32 s13, s3;
	[dreg:$0xc] =	wrdreg s25  }
0x15: {  	s12 =	sadd.s32 s8, s3;
	s15 =	sadd.s32 s14, s3;
	[dreg:$0xd] =	wrdreg s29  }
0x16: {  	s18 =	sadd.s32 s9, s3;
	s20 =	sshrl.u32 s11, $0x4;
	[dreg:$0xf] =	wrdreg s12  }
0x17: {  	s0 =	smax.u32 s0, $0x1;
	s26 =	sadd.s32 $0x2EC00, s2;
	[dreg:$0x10] =	wrdreg s15  }
0x18: {  	s8 =	simm.s32 $0xB;
	s9 =	simm.s32 $0x15580;
	[dreg:$0x12] =	wrdreg s18  }
0x19: {  	s14 =	simm.s32 $0x5;
	s19 =	simm.s32 $0x7;
	[dreg:$0x14] =	wrdreg s20  }
0x1a: {  	s7 =	sshll.u32 s22, $0x4;
	s21 =	sshrl.u32 s13, $0x3;
	[dreg:$0x16] =	wrdreg s0  }
0x1b: {  	s22 =	sadd.s32 $0x38C00, s2;
	s25 =	sadd.s32 $0x42C00, s2;
	[dreg:$0x19] =	wrdreg s26  }
0x1c: {  	s29 =	sadd.s32 $0x38C80, s2;
	s0 =	sadd.s32 $0x42C80, s2;
	s26 =	simm.s32 $0xEE00  }
0x1d: {  	s2 =	simm.s32 $0x10E00;
	s12 =	simm.s32 $0x2;
	[dreg:$0xe] =	wrdreg s24  }
.Ltmp0:
0x1e: {  	s13 =	simm.s32 $0xA;
	[dreg:$0x15] =	wrdreg s21;
	(pc) =	sbr.rel .LBB2_1-.Ltmp0, $4  }
0x1f: {  	s15 =	simm.s32 $0x3;
	s18 =	simm.s32 $0x4;
	[dreg:$0x17] =	wrdreg s22  }
0x20: {  	s20 =	simm.s32 $0x8;
	s17 =	sadd.s32 s7, s3;
	[dreg:$0x18] =	wrdreg s25  }
0x21: {  	v0 =	vimm.f32 $0.0e+00;
	vm0 =	vcmask $0x300;
	[dreg:$0x1a] =	wrdreg s29;
	s7 =	simm.s32 $0xAE00;
	s21 =	simm.s32 $0x80  }
0x22: {  	v1 =	vimm.bf16 $0.0e+00;
	v2 =	vsel vm0, $0x3F800000, v0;
	s25 =	simm.s32 $0xCE00;
	[dreg:$0x11] =	wrdreg s17;
	s17 =	simm.s32 $0x6  }
.LBB2_23:
0x23: {  	s11 =	rddreg [dreg:$0x6]  }
0x24: {  	s10 =	rddreg [dreg:$0x8]  }
0x25: {  	s22 =	rddreg [dreg:$0x4]  }
.LBB2_24:
0x26: {  	_ =	swait.ge [sflag:s19], $0x2000  }
0x27: {  	[sflag:s19] =	ssyncset.done $0x0  }
0x28: {  	[sflag:s19] =	ssyncadd.s32 $0xFFFFE000  }
0x29: {  	_ =	swait.ge [sflag:s20], $0x2000  }
0x2a: {  	[sflag:s20] =	ssyncset.done $0x0  }
0x2b: {  	[sflag:s20] =	ssyncadd.s32 $0xFFFFE000  }
0x2c: {  	_ =	swait.ge [sflag:s13], $0x800  }
0x2d: {  	[sflag:s13] =	ssyncset.done $0x0  }
0x2e: {  	[sflag:s13] =	ssyncadd.s32 $0xFFFFF800  }
0x2f: {  	s24 =	stileid.u32;
	s4 =	rddreg [dreg:$0x14];
	[bflag:$0x0] =	sbarrier.arrive $0xFFFF  }
0x30: {  	s4 =	sadd.s32 s11, s4;
	s11 =	sshll.u32 s24, $0x6;
	s23 =	rddreg [dreg:$0x9]  }
0x31: {  	s11 =	sor.u32 $0x1C0B, s11;
	s16 =	sshrl.u32 s23, $0x3  }
0x32: {  	[hbm:s4], [sflag:s11] =	dma.local [spmem:s16], $0x13C0  }
0x33: {  	_ =	swait.ge [sflag:s8], $0x13C0  }
0x34: {  	s29 =	rddreg [dreg:$0x15]  }
0x35: {  	[sflag:s8] =	ssyncset.done $0x0;
	s24 =	rddreg [dreg:$0xe]  }
0x36: {  	s4 =	sadd.s32 s10, s29;
	[sflag:s8] =	ssyncadd.s32 $0xFFFFEC40;
	s16 =	sshrl.u32 s24, $0x3  }
0x37: {  	[hbm:s4], [sflag:s11] =	dma.local [spmem:s16], $0x4F0  }
0x38: {  	_ =	swait.ge [sflag:s8], $0x4F0  }
0x39: {  	s16 =	sadd.s32 $0x1, s22;
	s29 =	rddreg [dreg:$0x16]  }
0x3a: {  	p1 =	sne.s32 s16, s29  }
.Ltmp1:
0x3b: {  	_ = 	snop;
	(pc) =	sbr.rel @!p1 .LBB2_25-.Ltmp1, $3  }
0x3c: {  	_ =	sdelay $0x1  }
0x3d: {  	[sflag:s8] =	ssyncset.done $0x0  }
0x3e: {  	[sflag:s8] =	ssyncadd.s32 $0xFFFFFB10  }
.LBB2_1:
.Ltmp2:
0x3f: {  	(pc) =	sbr.rel @!p0 .LBB2_2-.Ltmp2, $2  }
0x40: {  	_ =	sdelay $0x2  }
0x41: {  	[dreg:$0x4] =	wrdreg s16;
	s11 =	simm.s32 $0x100;
	s10 =	simm.s32 $0x0  }
.LBB2_13:
0x42: {  	p1 =	sne.s32 s11, $0x7F00;
	[tilespmem:s10+$0xAE30] =	vst v1;
	s4 =	smov.u32 s11;
	s11 =	sadd.s32 $0x100, s11  }
.Ltmp3:
0x43: {  	[tilespmem:s10+$0xAE20] =	vst v1;
	(pc) =	sbr.rel @p1 .LBB2_13-.Ltmp3, $3  }
0x44: {  	[tilespmem:s10+$0xAE00] =	vst v1  }
0x45: {  	[tilespmem:s10+$0xAE10] =	vst v1;
	_ =	sdelay $0x1  }
0x46: {  	s10 =	sshra.s32 s4, $0x2  }
0x47: {  	[tilespmem:s10+$0xAE30] =	vst v1  }
0x48: {  	[tilespmem:s10+$0xAE20] =	vst v1  }
0x49: {  	[tilespmem:s10+$0xAE00] =	vst v1  }
0x4a: {  	[tilespmem:s10+$0xAE10] =	vst v1  }
0x4b: {  	[spmem:s23] =	stream.linear.scatter [tilespmem:s7], [sflag:$0xB], $0x2000, $0x38;
	[tilespmem:$0x15D80] =	vst v63  }
0x4c: {  	_ =	swait.ge [sflag:s8], $0x2000  }
0x4d: {  	[sflag:s8] =	ssyncset.done $0x0  }
0x4e: {  	s4 =	rddreg [dreg:$0xa];
	[sflag:s8] =	ssyncadd.s32 $0xFFFFE000  }
0x4f: {  	[spmem:s4] =	stream.linear.scatter [tilespmem:s7], [sflag:$0xB], $0x2000, $0x38;
	[tilespmem:$0x15D80] =	vst v63  }
0x50: {  	_ =	swait.ge [sflag:s8], $0x2000  }
0x51: {  	[sflag:s8] =	ssyncset.done $0x0  }
0x52: {  	s22 =	rddreg [dreg:$0xb];
	[sflag:s8] =	ssyncadd.s32 $0xFFFFE000  }
0x53: {  	[spmem:s22] =	stream.linear.scatter [tilespmem:s7], [sflag:$0xB], $0x2000, $0x38;
	[tilespmem:$0x15D80] =	vst v63  }
0x54: {  	_ =	swait.ge [sflag:s8], $0x2000  }
0x55: {  	[sflag:s8] =	ssyncset.done $0x0  }
0x56: {  	s23 =	rddreg [dreg:$0xc];
	[sflag:s8] =	ssyncadd.s32 $0xFFFFE000  }
0x57: {  	[spmem:s23] =	stream.linear.scatter [tilespmem:s7], [sflag:$0xB], $0x2000, $0x38;
	[tilespmem:$0x15D80] =	vst v63  }
0x58: {  	_ =	swait.ge [sflag:s8], $0x2000  }
0x59: {  	[sflag:s8] =	ssyncset.done $0x0  }
0x5a: {  	s29 =	rddreg [dreg:$0xd];
	[sflag:s8] =	ssyncadd.s32 $0xFFFFE000  }
0x5b: {  	[spmem:s29] =	stream.linear.scatter [tilespmem:s7], [sflag:$0xB], $0x1E00, $0x38;
	[tilespmem:$0x15D80] =	vst v63  }
0x5c: {  	_ =	swait.ge [sflag:s8], $0x1E00  }
0x5d: {  	[sflag:s8] =	ssyncset.done $0x0  }
0x5e: {  	s10 =	simm.s32 $0x40;
	s11 =	simm.s32 $0x0;
	[sflag:s8] =	ssyncadd.s32 $0xFFFFE200  }
.LBB2_15:
0x5f: {  	p1 =	sne.s32 s10, $0x1FC0;
	[tilespmem:s11+$0x15580] =	vst v0;
	s4 =	smov.u32 s10;
	s10 =	sadd.s32 $0x40, s10  }
.Ltmp4:
0x60: {  	(pc) =	sbr.rel @p1 .LBB2_15-.Ltmp4, $2  }
0x61: {  	_ =	sdelay $0x2  }
0x62: {  	s11 =	sshra.s32 s4, $0x2  }
0x63: {  	[tilespmem:s11+$0x15580] =	vst v0  }
0x64: {  	[spmem:s24] =	stream.linear.scatter [tilespmem:s9], [sflag:$0xB], $0x800, $0x38;
	[tilespmem:$0x15D80] =	vst v63  }
0x65: {  	_ =	swait.ge [sflag:s8], $0x800  }
0x66: {  	[sflag:s8] =	ssyncset.done $0x0  }
0x67: {  	s4 =	rddreg [dreg:$0xf];
	[sflag:s8] =	ssyncadd.s32 $0xFFFFF800  }
0x68: {  	[spmem:s4] =	stream.linear.scatter [tilespmem:s9], [sflag:$0xB], $0x800, $0x38;
	[tilespmem:$0x15D80] =	vst v63  }
0x69: {  	_ =	swait.ge [sflag:s8], $0x800  }
0x6a: {  	[sflag:s8] =	ssyncset.done $0x0  }
0x6b: {  	s23 =	rddreg [dreg:$0x10];
	[sflag:s8] =	ssyncadd.s32 $0xFFFFF800  }
0x6c: {  	[spmem:s23] =	stream.linear.scatter [tilespmem:s9], [sflag:$0xB], $0x800, $0x38;
	[tilespmem:$0x15D80] =	vst v63  }
0x6d: {  	_ =	swait.ge [sflag:s8], $0x800  }
0x6e: {  	[sflag:s8] =	ssyncset.done $0x0  }
0x6f: {  	s24 =	rddreg [dreg:$0x11];
	[sflag:s8] =	ssyncadd.s32 $0xFFFFF800  }
0x70: {  	[spmem:s24] =	stream.linear.scatter [tilespmem:s9], [sflag:$0xB], $0x800, $0x38;
	[tilespmem:$0x15D80] =	vst v63  }
0x71: {  	_ =	swait.ge [sflag:s8], $0x800  }
0x72: {  	[sflag:s8] =	ssyncset.done $0x0  }
0x73: {  	s29 =	rddreg [dreg:$0x12];
	[sflag:s8] =	ssyncadd.s32 $0xFFFFF800  }
0x74: {  	[spmem:s29] =	stream.linear.scatter [tilespmem:s9], [sflag:$0xB], $0x780, $0x38;
	[tilespmem:$0x15D80] =	vst v63  }
0x75: {  	_ =	swait.ge [sflag:s8], $0x780  }
0x76: {  	[sflag:s8] =	ssyncset.done $0x0  }
0x77: {  	s10 =	simm.s32 $0x40;
	s11 =	simm.s32 $0x0;
	[sflag:s8] =	ssyncadd.s32 $0xFFFFF880  }
.LBB2_17:
0x78: {  	p1 =	sne.s32 s10, $0x1FC0;
	[tilespmem:s11+$0x15580] =	vst v2;
	s4 =	smov.u32 s10;
	s10 =	sadd.s32 $0x40, s10  }
.Ltmp5:
0x79: {  	(pc) =	sbr.rel @p1 .LBB2_17-.Ltmp5, $2  }
0x7a: {  	_ =	sdelay $0x2  }
0x7b: {  	s11 =	sshra.s32 s4, $0x2  }
0x7c: {  	[tilespmem:s11+$0x15580] =	vst v2  }
0x7d: {  	[bflag:$0x0] =	sbarrier.arrive $0xFFFF  }
0x7e: {  	s22 =	simm.s32 $0x0;
	s10 =	simm.s32 $0x9E00;
	s4 =	rddreg [dreg:$0x18]  }
0x7f: {  	[tilespmem:s10], [sflag:$0xB] =	stream.linear.gather [hbm4b:s4+s22], $0x400, $0x38;
	[tilespmem:$0x15D80] =	vst v63  }
0x80: {  	_ =	swait.ge [sflag:s8], $0x400  }
0x81: {  	[sflag:s8] =	ssyncset.done $0x0  }
0x82: {  	s24 =	simm.s32 $0xA600;
	s23 =	rddreg [dreg:$0x19];
	[sflag:s8] =	ssyncadd.s32 $0xFFFFFC00  }
0x83: {  	[tilespmem:s24], [sflag:$0xB] =	stream.linear.gather [hbm4b:s23+s22], $0x400, $0x38;
	[tilespmem:$0x15D80] =	vst v63  }
0x84: {  	_ =	swait.ge [sflag:s8], $0x400  }
.Ltmp6:
0x85: {  	[sflag:s8] =	ssyncset.done $0x0;
	(pc) =	sbr.rel .LBB2_19-.Ltmp6, $4  }
0x86: {  	[sflag:s8] =	ssyncadd.s32 $0xFFFFFC00  }
0x87: {  	[tilespmem:s7], [sflag:$0x1] =	stream.indirect.gather [hbm4b:s6+s21], $0x40, s10, s21, $0xb8;
	[tilespmem:$0x15D80] =	vst v63  }
0x88: {  	s29 =	simm.s32 $0x9E80;
	s23 =	simm.s32 $0x1;
	s24 =	simm.s32 $0x0  }
0x89: {  	[tilespmem:s25], [sflag:$0x2] =	stream.indirect.gather [hbm4b:s6+s21], $0x40, s29, s21, $0xb8;
	[tilespmem:$0x15D80] =	vst v63  }
.LBB2_2:
0x8a: {  	p1 =	sne.s32 s11, $0x7F00;
	[tilespmem:s10+$0xAE30] =	vst v1;
	s16 =	smov.u32 s11;
	s11 =	sadd.s32 $0x100, s11  }
.Ltmp7:
0x8b: {  	[tilespmem:s10+$0xAE20] =	vst v1;
	(pc) =	sbr.rel @p1 .LBB2_2-.Ltmp7, $3  }
0x8c: {  	[tilespmem:s10+$0xAE00] =	vst v1  }
0x8d: {  	[tilespmem:s10+$0xAE10] =	vst v1;
	_ =	sdelay $0x1  }
0x8e: {  	s10 =	sshra.s32 s16, $0x2  }
0x8f: {  	[tilespmem:s10+$0xAE30] =	vst v1  }
0x90: {  	[tilespmem:s10+$0xAE20] =	vst v1  }
0x91: {  	[tilespmem:s10+$0xAE00] =	vst v1  }
0x92: {  	[tilespmem:s10+$0xAE10] =	vst v1  }
0x93: {  	[spmem:s23] =	stream.linear.scatter [tilespmem:s7], [sflag:$0xB], $0x2000, $0x38;
	[tilespmem:$0x15D80] =	vst v63  }
0x94: {  	_ =	swait.ge [sflag:s8], $0x2000  }
0x95: {  	[sflag:s8] =	ssyncset.done $0x0  }
0x96: {  	s4 =	rddreg [dreg:$0xa];
	[sflag:s8] =	ssyncadd.s32 $0xFFFFE000  }
0x97: {  	[spmem:s4] =	stream.linear.scatter [tilespmem:s7], [sflag:$0xB], $0x2000, $0x38;
	[tilespmem:$0x15D80] =	vst v63  }
0x98: {  	_ =	swait.ge [sflag:s8], $0x2000  }
0x99: {  	[sflag:s8] =	ssyncset.done $0x0  }
0x9a: {  	s22 =	rddreg [dreg:$0xb];
	[sflag:s8] =	ssyncadd.s32 $0xFFFFE000  }
0x9b: {  	[spmem:s22] =	stream.linear.scatter [tilespmem:s7], [sflag:$0xB], $0x2000, $0x38;
	[tilespmem:$0x15D80] =	vst v63  }
0x9c: {  	_ =	swait.ge [sflag:s8], $0x2000  }
0x9d: {  	[sflag:s8] =	ssyncset.done $0x0  }
0x9e: {  	s23 =	rddreg [dreg:$0xc];
	[sflag:s8] =	ssyncadd.s32 $0xFFFFE000  }
0x9f: {  	[spmem:s23] =	stream.linear.scatter [tilespmem:s7], [sflag:$0xB], $0x2000, $0x38;
	[tilespmem:$0x15D80] =	vst v63  }
0xa0: {  	_ =	swait.ge [sflag:s8], $0x2000  }
0xa1: {  	[sflag:s8] =	ssyncset.done $0x0  }
0xa2: {  	s29 =	rddreg [dreg:$0xd];
	[sflag:s8] =	ssyncadd.s32 $0xFFFFE000  }
0xa3: {  	[spmem:s29] =	stream.linear.scatter [tilespmem:s7], [sflag:$0xB], $0x1E00, $0x38;
	[tilespmem:$0x15D80] =	vst v63  }
0xa4: {  	_ =	swait.ge [sflag:s8], $0x1E00  }
0xa5: {  	[sflag:s8] =	ssyncset.done $0x0  }
0xa6: {  	s10 =	simm.s32 $0x40;
	s11 =	simm.s32 $0x0;
	[sflag:s8] =	ssyncadd.s32 $0xFFFFE200  }
.LBB2_4:
0xa7: {  	p1 =	sne.s32 s10, $0x1FC0;
	[tilespmem:s11+$0x15580] =	vst v0;
	s11 =	smov.u32 s10;
	s10 =	sadd.s32 $0x40, s10  }
.Ltmp8:
0xa8: {  	(pc) =	sbr.rel @p1 .LBB2_4-.Ltmp8, $2  }
0xa9: {  	_ =	sdelay $0x2  }
0xaa: {  	s11 =	sshra.s32 s11, $0x2  }
0xab: {  	[tilespmem:s11+$0x15580] =	vst v0  }
0xac: {  	[spmem:s24] =	stream.linear.scatter [tilespmem:s9], [sflag:$0xB], $0x800, $0x38;
	[tilespmem:$0x15D80] =	vst v63  }
0xad: {  	_ =	swait.ge [sflag:s8], $0x800  }
0xae: {  	[sflag:s8] =	ssyncset.done $0x0  }
0xaf: {  	s4 =	rddreg [dreg:$0xf];
	[sflag:s8] =	ssyncadd.s32 $0xFFFFF800  }
0xb0: {  	[spmem:s4] =	stream.linear.scatter [tilespmem:s9], [sflag:$0xB], $0x800, $0x38;
	[tilespmem:$0x15D80] =	vst v63  }
0xb1: {  	_ =	swait.ge [sflag:s8], $0x800  }
0xb2: {  	[sflag:s8] =	ssyncset.done $0x0  }
0xb3: {  	s23 =	rddreg [dreg:$0x10];
	[sflag:s8] =	ssyncadd.s32 $0xFFFFF800  }
0xb4: {  	[spmem:s23] =	stream.linear.scatter [tilespmem:s9], [sflag:$0xB], $0x800, $0x38;
	[tilespmem:$0x15D80] =	vst v63  }
0xb5: {  	_ =	swait.ge [sflag:s8], $0x800  }
0xb6: {  	[sflag:s8] =	ssyncset.done $0x0  }
0xb7: {  	s24 =	rddreg [dreg:$0x11];
	[sflag:s8] =	ssyncadd.s32 $0xFFFFF800  }
0xb8: {  	[spmem:s24] =	stream.linear.scatter [tilespmem:s9], [sflag:$0xB], $0x800, $0x38;
	[tilespmem:$0x15D80] =	vst v63  }
0xb9: {  	_ =	swait.ge [sflag:s8], $0x800  }
0xba: {  	[sflag:s8] =	ssyncset.done $0x0  }
0xbb: {  	s29 =	rddreg [dreg:$0x12];
	[sflag:s8] =	ssyncadd.s32 $0xFFFFF800  }
0xbc: {  	[spmem:s29] =	stream.linear.scatter [tilespmem:s9], [sflag:$0xB], $0x780, $0x38;
	[tilespmem:$0x15D80] =	vst v63  }
0xbd: {  	_ =	swait.ge [sflag:s8], $0x780  }
0xbe: {  	[sflag:s8] =	ssyncset.done $0x0  }
0xbf: {  	s10 =	simm.s32 $0x40;
	s11 =	simm.s32 $0x0;
	[sflag:s8] =	ssyncadd.s32 $0xFFFFF880  }
.LBB2_6:
0xc0: {  	p1 =	sne.s32 s10, $0x1FC0;
	[tilespmem:s11+$0x15580] =	vst v2;
	s11 =	smov.u32 s10;
	s10 =	sadd.s32 $0x40, s10  }
.Ltmp9:
0xc1: {  	(pc) =	sbr.rel @p1 .LBB2_6-.Ltmp9, $2  }
0xc2: {  	_ =	sdelay $0x2  }
0xc3: {  	s11 =	sshra.s32 s11, $0x2  }
0xc4: {  	[tilespmem:s11+$0x15580] =	vst v2  }
0xc5: {  	[bflag:$0x0] =	sbarrier.arrive $0xFFFF  }
0xc6: {  	s22 =	simm.s32 $0x0;
	s10 =	simm.s32 $0x9E00;
	s4 =	rddreg [dreg:$0x13]  }
0xc7: {  	[tilespmem:s10], [sflag:$0xB] =	stream.linear.gather [hbm4b:s4+s22], $0x400, $0x38;
	[tilespmem:$0x15D80] =	vst v63  }
0xc8: {  	_ =	swait.ge [sflag:s8], $0x400  }
0xc9: {  	[sflag:s8] =	ssyncset.done $0x0  }
0xca: {  	s24 =	simm.s32 $0xA600;
	s23 =	rddreg [dreg:$0x17];
	[sflag:s8] =	ssyncadd.s32 $0xFFFFFC00  }
0xcb: {  	[tilespmem:s24], [sflag:$0xB] =	stream.linear.gather [hbm4b:s23+s22], $0x400, $0x38;
	[tilespmem:$0x15D80] =	vst v63  }
0xcc: {  	_ =	swait.ge [sflag:s8], $0x400  }
.Ltmp10:
0xcd: {  	[sflag:s8] =	ssyncset.done $0x0;
	(pc) =	sbr.rel .LBB2_8-.Ltmp10, $4  }
0xce: {  	[sflag:s8] =	ssyncadd.s32 $0xFFFFFC00  }
0xcf: {  	[tilespmem:s7], [sflag:$0x1] =	stream.indirect.gather [hbm4b:s5+s21], $0x40, s10, s21, $0xb8;
	[tilespmem:$0x15D80] =	vst v63  }
0xd0: {  	s29 =	simm.s32 $0x9E80;
	s23 =	simm.s32 $0x1;
	s24 =	simm.s32 $0x0  }
0xd1: {  	[tilespmem:s25], [sflag:$0x2] =	stream.indirect.gather [hbm4b:s5+s21], $0x40, s29, s21, $0xb8;
	[tilespmem:$0x15D80] =	vst v63  }
.LBB2_21:
0xd2: {  	_ =	swait.ge [sflag:s19], $0x2000  }
0xd3: {  	[sflag:s19] =	ssyncset.done $0x0  }
0xd4: {  	p2 =	por $0x0, $0x0;
	[sflag:s19] =	ssyncadd.s32 $0xFFFFE000  }
.LBB2_22:
0xd5: {  	s16 =	sand.u32 $0x400, s22  }
0xd6: {  	s4 =	sadd.s32 $0x9F00, s16  }
0xd7: {  	[tilespmem:s26], [sflag:$0x3] =	stream.indirect.gather [hbm4b:s6+s21], $0x40, s4, s21, $0xb8;
	[tilespmem:$0x15D80] =	vst v63  }
0xd8: {  	_ =	swait.ge [sflag:s28], $0x2000  }
0xd9: {  	[sflag:s28] =	ssyncset.done $0x0  }
0xda: {  	s29 =	sadd.s32 $0xA600, s16;
	[sflag:s28] =	ssyncadd.s32 $0xFFFFE000  }
0xdb: {  	[spmem:s1] =	stream.indirect.scatter.add.bf16 [tilespmem:s7], [sflag:$0x5], $0x40, s29, s21, $0xb8;
	[tilespmem:$0x15D80] =	vst v63  }
0xdc: {  	s4 =	simm.s32 @!p2 $0xA  }
0xdd: {  	[spmem:s3] =	stream.indirect.scatter.add.f32 [tilespmem:s9], [sflag:$0xA], $0x10, s29, s21, $0xb8;
	[tilespmem:$0x15D80] =	vst v63  }
0xde: {  	_ =	swait.ge @!p2 [sflag:s4], $0x800  }
0xdf: {  	[sflag:s4] =	ssyncset.done @!p2 $0x0  }
0xe0: {  	[sflag:s4] =	ssyncadd.s32 @!p2 $0xFFFFF800;
	s4 =	simm.s32 @!p2 $0x8  }
0xe1: {  	_ =	swait.ge @!p2 [sflag:s4], $0x2000  }
0xe2: {  	[sflag:s4] =	ssyncset.done @!p2 $0x0  }
0xe3: {  	s29 =	sadd.s32 $0x9F80, s16;
	[sflag:s4] =	ssyncadd.s32 @!p2 $0xFFFFE000  }
0xe4: {  	[tilespmem:s2], [sflag:$0x4] =	stream.indirect.gather [hbm4b:s6+s21], $0x40, s29, s21, $0xb8;
	[tilespmem:$0x15D80] =	vst v63  }
0xe5: {  	_ =	swait.ge [sflag:s12], $0x2000  }
0xe6: {  	[sflag:s12] =	ssyncset.done $0x0  }
0xe7: {  	s29 =	sadd.s32 $0xA680, s16;
	[sflag:s12] =	ssyncadd.s32 $0xFFFFE000  }
0xe8: {  	[spmem:s1] =	stream.indirect.scatter.add.bf16 [tilespmem:s25], [sflag:$0x6], $0x40, s29, s21, $0xb8;
	[tilespmem:$0x15D80] =	vst v63  }
0xe9: {  	_ = 	snop  }
0xea: {  	[spmem:s3] =	stream.indirect.scatter.add.f32 [tilespmem:s9], [sflag:$0xA], $0x10, s29, s21, $0xb8;
	[tilespmem:$0x15D80] =	vst v63  }
0xeb: {  	_ =	swait.ge [sflag:s13], $0x800  }
0xec: {  	[sflag:s13] =	ssyncset.done $0x0  }
0xed: {  	[sflag:s13] =	ssyncadd.s32 $0xFFFFF800  }
0xee: {  	_ =	swait.ge [sflag:s14], $0x2000  }
0xef: {  	[sflag:s14] =	ssyncset.done $0x0  }
0xf0: {  	s29 =	sor.u32 $0xA000, s16;
	[sflag:s14] =	ssyncadd.s32 $0xFFFFE000  }
0xf1: {  	[tilespmem:s7], [sflag:$0x1] =	stream.indirect.gather [hbm4b:s6+s21], $0x40, s29, s21, $0xb8;
	[tilespmem:$0x15D80] =	vst v63  }
0xf2: {  	_ =	swait.ge [sflag:s15], $0x2000  }
0xf3: {  	s29 =	sor.u32 $0x100, s16;
	[sflag:s15] =	ssyncset.done $0x0  }
0xf4: {  	s4 =	sadd.s32 $0xA600, s29;
	[sflag:s15] =	ssyncadd.s32 $0xFFFFE000  }
0xf5: {  	[spmem:s1] =	stream.indirect.scatter.add.bf16 [tilespmem:s26], [sflag:$0x7], $0x40, s4, s21, $0xb8;
	[tilespmem:$0x15D80] =	vst v63  }
0xf6: {  	_ = 	snop  }
0xf7: {  	[spmem:s3] =	stream.indirect.scatter.add.f32 [tilespmem:s9], [sflag:$0xA], $0x10, s4, s21, $0xb8;
	[tilespmem:$0x15D80] =	vst v63  }
0xf8: {  	_ =	swait.ge [sflag:s13], $0x800  }
0xf9: {  	[sflag:s13] =	ssyncset.done $0x0  }
0xfa: {  	[sflag:s13] =	ssyncadd.s32 $0xFFFFF800  }
0xfb: {  	_ =	swait.ge [sflag:s17], $0x2000  }
0xfc: {  	[sflag:s17] =	ssyncset.done $0x0  }
0xfd: {  	s29 =	sadd.s32 $0xA080, s16;
	[sflag:s17] =	ssyncadd.s32 $0xFFFFE000  }
0xfe: {  	[tilespmem:s25], [sflag:$0x2] =	stream.indirect.gather [hbm4b:s6+s21], $0x40, s29, s21, $0xb8;
	[tilespmem:$0x15D80] =	vst v63  }
0xff: {  	_ =	swait.ge [sflag:s18], $0x2000  }
0x100: {  	[sflag:s18] =	ssyncset.done $0x0  }
0x101: {  	s29 =	sadd.s32 $0xA780, s16;
	[sflag:s18] =	ssyncadd.s32 $0xFFFFE000  }
0x102: {  	[spmem:s1] =	stream.indirect.scatter.add.bf16 [tilespmem:s2], [sflag:$0x8], $0x40, s29, s21, $0xb8;
	[tilespmem:$0x15D80] =	vst v63  }
0x103: {  	_ = 	snop  }
0x104: {  	[spmem:s3] =	stream.indirect.scatter.add.f32 [tilespmem:s9], [sflag:$0xA], $0x10, s29, s21, $0xb8;
	[tilespmem:$0x15D80] =	vst v63  }
0x105: {  	_ =	swait.ge [sflag:s13], $0x800  }
0x106: {  	[sflag:s13] =	ssyncset.done $0x0  }
0x107: {  	[sflag:s13] =	ssyncadd.s32 $0xFFFFF800  }
0x108: {  	_ =	swait.ge [sflag:s19], $0x2000  }
0x109: {  	[sflag:s19] =	ssyncset.done $0x0  }
0x10a: {  	s29 =	sadd.s32 $0xA100, s16;
	[sflag:s19] =	ssyncadd.s32 $0xFFFFE000  }
0x10b: {  	[tilespmem:s26], [sflag:$0x3] =	stream.indirect.gather [hbm4b:s6+s21], $0x40, s29, s21, $0xb8;
	[tilespmem:$0x15D80] =	vst v63  }
0x10c: {  	_ =	swait.ge [sflag:s28], $0x2000  }
0x10d: {  	[sflag:s28] =	ssyncset.done $0x0  }
0x10e: {  	s29 =	sor.u32 $0xA800, s16;
	[sflag:s28] =	ssyncadd.s32 $0xFFFFE000  }
0x10f: {  	[spmem:s1] =	stream.indirect.scatter.add.bf16 [tilespmem:s7], [sflag:$0x5], $0x40, s29, s21, $0xb8;
	[tilespmem:$0x15D80] =	vst v63  }
0x110: {  	_ = 	snop  }
0x111: {  	[spmem:s3] =	stream.indirect.scatter.add.f32 [tilespmem:s9], [sflag:$0xA], $0x10, s29, s21, $0xb8;
	[tilespmem:$0x15D80] =	vst v63  }
0x112: {  	_ =	swait.ge [sflag:s13], $0x800  }
0x113: {  	[sflag:s13] =	ssyncset.done $0x0  }
0x114: {  	[sflag:s13] =	ssyncadd.s32 $0xFFFFF800  }
0x115: {  	_ =	swait.ge [sflag:s20], $0x2000  }
0x116: {  	[sflag:s20] =	ssyncset.done $0x0  }
0x117: {  	s29 =	sadd.s32 $0xA180, s16;
	[sflag:s20] =	ssyncadd.s32 $0xFFFFE000  }
0x118: {  	[tilespmem:s2], [sflag:$0x4] =	stream.indirect.gather [hbm4b:s6+s21], $0x40, s29, s21, $0xb8;
	[tilespmem:$0x15D80] =	vst v63  }
0x119: {  	_ =	swait.ge [sflag:s12], $0x2000  }
0x11a: {  	[sflag:s12] =	ssyncset.done $0x0  }
0x11b: {  	s29 =	sadd.s32 $0xA880, s16;
	[sflag:s12] =	ssyncadd.s32 $0xFFFFE000  }
0x11c: {  	[spmem:s1] =	stream.indirect.scatter.add.bf16 [tilespmem:s25], [sflag:$0x6], $0x40, s29, s21, $0xb8;
	[tilespmem:$0x15D80] =	vst v63  }
0x11d: {  	_ = 	snop  }
0x11e: {  	[spmem:s3] =	stream.indirect.scatter.add.f32 [tilespmem:s9], [sflag:$0xA], $0x10, s29, s21, $0xb8;
	[tilespmem:$0x15D80] =	vst v63  }
0x11f: {  	_ =	swait.ge [sflag:s13], $0x800  }
0x120: {  	[sflag:s13] =	ssyncset.done $0x0  }
0x121: {  	[sflag:s13] =	ssyncadd.s32 $0xFFFFF800  }
0x122: {  	_ =	swait.ge [sflag:s14], $0x2000  }
0x123: {  	[sflag:s14] =	ssyncset.done $0x0  }
0x124: {  	s4 =	simm.s32 @!p1 $0x9;
	[sflag:s14] =	ssyncadd.s32 $0xFFFFE000  }
0x125: {  	_ =	swait.ge @!p1 [sflag:s4], $0x400  }
0x126: {  	[sflag:s4] =	ssyncset.done @!p1 $0x0  }
0x127: {  	[sflag:s4] =	ssyncadd.s32 @!p1 $0xFFFFFC00  }
0x128: {  	_ =	swait.ge @!p1 [sflag:s4], $0x400  }
0x129: {  	[sflag:s4] =	ssyncset.done @!p1 $0x0  }
0x12a: {  	s29 =	simm.s32 @!p1 $0xAE00;
	[sflag:s4] =	ssyncadd.s32 @!p1 $0xFFFFFC00;
	s4 =	simm.s32 @!p1 $0x80  }
0x12b: {  	[tilespmem:s29], [sflag:$0x1] =	stream.indirect.gather @!p1 [hbm4b:s6+s4], $0x40, s11, s4, $0xb8;
	[tilespmem:$0x15D80] =	vst v63  }
0x12c: {  	_ =	swait.ge [sflag:s15], $0x2000  }
0x12d: {  	s29 =	sor.u32 $0x300, s16;
	[sflag:s15] =	ssyncset.done $0x0  }
0x12e: {  	s11 =	sadd.s32 $0xA600, s29;
	[sflag:s15] =	ssyncadd.s32 $0xFFFFE000  }
0x12f: {  	[spmem:s1] =	stream.indirect.scatter.add.bf16 [tilespmem:s26], [sflag:$0x7], $0x40, s11, s21, $0xb8;
	[tilespmem:$0x15D80] =	vst v63  }
0x130: {  	_ = 	snop  }
0x131: {  	[spmem:s3] =	stream.indirect.scatter.add.f32 [tilespmem:s9], [sflag:$0xA], $0x10, s11, s21, $0xb8;
	[tilespmem:$0x15D80] =	vst v63  }
0x132: {  	_ =	swait.ge [sflag:s13], $0x800  }
0x133: {  	[sflag:s13] =	ssyncset.done $0x0  }
0x134: {  	[sflag:s13] =	ssyncadd.s32 $0xFFFFF800  }
0x135: {  	_ =	swait.ge [sflag:s17], $0x2000  }
0x136: {  	[sflag:s17] =	ssyncset.done $0x0  }
0x137: {  	s10 =	sadd.s32 @!p1 $0x9E80, s10;
	s11 =	simm.s32 @!p1 $0xCE00;
	[sflag:s17] =	ssyncadd.s32 $0xFFFFE000  }
0x138: {  	[tilespmem:s11], [sflag:$0x2] =	stream.indirect.gather @!p1 [hbm4b:s6+s4], $0x40, s10, s4, $0xb8;
	[tilespmem:$0x15D80] =	vst v63  }
0x139: {  	_ =	swait.ge [sflag:s18], $0x2000  }
0x13a: {  	s24 =	sadd.s32 $0x80, s24;
	s29 =	sor.u32 $0x380, s16;
	[sflag:s18] =	ssyncset.done $0x0  }
0x13b: {  	s4 =	sadd.s32 $0xA600, s29;
	p1 =	sne.s32 s24, $0xA00;
	[sflag:s18] =	ssyncadd.s32 $0xFFFFE000  }
0x13c: {  	[spmem:s1] =	stream.indirect.scatter.add.bf16 [tilespmem:s2], [sflag:$0x8], $0x40, s4, s21, $0xb8;
	[tilespmem:$0x15D80] =	vst v63  }
.Ltmp11:
0x13d: {  	_ = 	snop;
	(pc) =	sbr.rel @!p1 .LBB2_23-.Ltmp11, $4  }
0x13e: {  	[spmem:s3] =	stream.indirect.scatter.add.f32 [tilespmem:s9], [sflag:$0xA], $0x10, s4, s21, $0xb8;
	[tilespmem:$0x15D80] =	vst v63  }
0x13f: {  	_ =	swait.ge [sflag:s13], $0x800  }
0x140: {  	[sflag:s13] =	ssyncset.done $0x0  }
0x141: {  	s23 =	sadd.s32 $0x1, s23;
	s22 =	sadd.s32 $0x400, s22;
	[sflag:s13] =	ssyncadd.s32 $0xFFFFF800  }
.LBB2_19:
0x142: {  	p1 =	seq.s32 s24, $0x980  }
0x143: {  	p2 =	seq.s32 @!p1 s24, $0x0  }
0x144: {  	s4 =	sand.u32 $0x1, s23;
	p2 =	por p1, !p2  }
.Ltmp12:
0x145: {  	s10 =	sshll.u32 @!p1 s4, $0xA;
	(pc) =	sbr.rel @p2 .LBB2_21-.Ltmp12, $4  }
0x146: {  	s4 =	sadd.s32 @!p1 s24, s0;
	s16 =	simm.s32 @!p1 $0x0;
	s11 =	sadd.s32 @!p1 $0x9E00, s10  }
0x147: {  	[tilespmem:s11], [sflag:$0x9] =	stream.linear.gather @!p1 [hbm4b:s4+s16], $0x400, $0x38;
	[tilespmem:$0x15D80] =	vst v63  }
0x148: {  	s29 =	sadd.s32 @!p1 s24, s31;
	s4 =	sadd.s32 @!p1 $0xA600, s10  }
0x149: {  	[tilespmem:s4], [sflag:$0x9] =	stream.linear.gather @!p1 [hbm4b:s29+s16], $0x400, $0x38;
	[tilespmem:$0x15D80] =	vst v63  }
.Ltmp13:
0x14a: {  	(pc) =	sbr.rel .LBB2_22-.Ltmp13, $2  }
0x14b: {  	_ =	sdelay $0x2  }
0x14c: {  	p2 =	por @!p1 $0x1, $0x1  }
.LBB2_10:
0x14d: {  	_ =	swait.ge [sflag:s19], $0x2000  }
0x14e: {  	[sflag:s19] =	ssyncset.done $0x0  }
0x14f: {  	p2 =	por $0x0, $0x0;
	[sflag:s19] =	ssyncadd.s32 $0xFFFFE000  }
.LBB2_11:
0x150: {  	s16 =	sand.u32 $0x400, s22  }
0x151: {  	s4 =	sadd.s32 $0x9F00, s16  }
0x152: {  	[tilespmem:s26], [sflag:$0x3] =	stream.indirect.gather [hbm4b:s5+s21], $0x40, s4, s21, $0xb8;
	[tilespmem:$0x15D80] =	vst v63  }
0x153: {  	_ =	swait.ge [sflag:s28], $0x2000  }
0x154: {  	[sflag:s28] =	ssyncset.done $0x0  }
0x155: {  	s29 =	sadd.s32 $0xA600, s16;
	[sflag:s28] =	ssyncadd.s32 $0xFFFFE000  }
0x156: {  	[spmem:s1] =	stream.indirect.scatter.add.bf16 [tilespmem:s7], [sflag:$0x5], $0x40, s29, s21, $0xb8;
	[tilespmem:$0x15D80] =	vst v63  }
0x157: {  	s4 =	simm.s32 @!p2 $0xA  }
0x158: {  	[spmem:s3] =	stream.indirect.scatter.add.f32 [tilespmem:s9], [sflag:$0xA], $0x10, s29, s21, $0xb8;
	[tilespmem:$0x15D80] =	vst v63  }
0x159: {  	_ =	swait.ge @!p2 [sflag:s4], $0x800  }
0x15a: {  	[sflag:s4] =	ssyncset.done @!p2 $0x0  }
0x15b: {  	[sflag:s4] =	ssyncadd.s32 @!p2 $0xFFFFF800;
	s4 =	simm.s32 @!p2 $0x8  }
0x15c: {  	_ =	swait.ge @!p2 [sflag:s4], $0x2000  }
0x15d: {  	[sflag:s4] =	ssyncset.done @!p2 $0x0  }
0x15e: {  	s29 =	sadd.s32 $0x9F80, s16;
	[sflag:s4] =	ssyncadd.s32 @!p2 $0xFFFFE000  }
0x15f: {  	[tilespmem:s2], [sflag:$0x4] =	stream.indirect.gather [hbm4b:s5+s21], $0x40, s29, s21, $0xb8;
	[tilespmem:$0x15D80] =	vst v63  }
0x160: {  	_ =	swait.ge [sflag:s12], $0x2000  }
0x161: {  	[sflag:s12] =	ssyncset.done $0x0  }
0x162: {  	s29 =	sadd.s32 $0xA680, s16;
	[sflag:s12] =	ssyncadd.s32 $0xFFFFE000  }
0x163: {  	[spmem:s1] =	stream.indirect.scatter.add.bf16 [tilespmem:s25], [sflag:$0x6], $0x40, s29, s21, $0xb8;
	[tilespmem:$0x15D80] =	vst v63  }
0x164: {  	_ = 	snop  }
0x165: {  	[spmem:s3] =	stream.indirect.scatter.add.f32 [tilespmem:s9], [sflag:$0xA], $0x10, s29, s21, $0xb8;
	[tilespmem:$0x15D80] =	vst v63  }
0x166: {  	_ =	swait.ge [sflag:s13], $0x800  }
0x167: {  	[sflag:s13] =	ssyncset.done $0x0  }
0x168: {  	[sflag:s13] =	ssyncadd.s32 $0xFFFFF800  }
0x169: {  	_ =	swait.ge [sflag:s14], $0x2000  }
0x16a: {  	[sflag:s14] =	ssyncset.done $0x0  }
0x16b: {  	s29 =	sor.u32 $0xA000, s16;
	[sflag:s14] =	ssyncadd.s32 $0xFFFFE000  }
0x16c: {  	[tilespmem:s7], [sflag:$0x1] =	stream.indirect.gather [hbm4b:s5+s21], $0x40, s29, s21, $0xb8;
	[tilespmem:$0x15D80] =	vst v63  }
0x16d: {  	_ =	swait.ge [sflag:s15], $0x2000  }
0x16e: {  	s29 =	sor.u32 $0x100, s16;
	[sflag:s15] =	ssyncset.done $0x0  }
0x16f: {  	s4 =	sadd.s32 $0xA600, s29;
	[sflag:s15] =	ssyncadd.s32 $0xFFFFE000  }
0x170: {  	[spmem:s1] =	stream.indirect.scatter.add.bf16 [tilespmem:s26], [sflag:$0x7], $0x40, s4, s21, $0xb8;
	[tilespmem:$0x15D80] =	vst v63  }
0x171: {  	_ = 	snop  }
0x172: {  	[spmem:s3] =	stream.indirect.scatter.add.f32 [tilespmem:s9], [sflag:$0xA], $0x10, s4, s21, $0xb8;
	[tilespmem:$0x15D80] =	vst v63  }
0x173: {  	_ =	swait.ge [sflag:s13], $0x800  }
0x174: {  	[sflag:s13] =	ssyncset.done $0x0  }
0x175: {  	[sflag:s13] =	ssyncadd.s32 $0xFFFFF800  }
0x176: {  	_ =	swait.ge [sflag:s17], $0x2000  }
0x177: {  	[sflag:s17] =	ssyncset.done $0x0  }
0x178: {  	s29 =	sadd.s32 $0xA080, s16;
	[sflag:s17] =	ssyncadd.s32 $0xFFFFE000  }
0x179: {  	[tilespmem:s25], [sflag:$0x2] =	stream.indirect.gather [hbm4b:s5+s21], $0x40, s29, s21, $0xb8;
	[tilespmem:$0x15D80] =	vst v63  }
0x17a: {  	_ =	swait.ge [sflag:s18], $0x2000  }
0x17b: {  	[sflag:s18] =	ssyncset.done $0x0  }
0x17c: {  	s29 =	sadd.s32 $0xA780, s16;
	[sflag:s18] =	ssyncadd.s32 $0xFFFFE000  }
0x17d: {  	[spmem:s1] =	stream.indirect.scatter.add.bf16 [tilespmem:s2], [sflag:$0x8], $0x40, s29, s21, $0xb8;
	[tilespmem:$0x15D80] =	vst v63  }
0x17e: {  	_ = 	snop  }
0x17f: {  	[spmem:s3] =	stream.indirect.scatter.add.f32 [tilespmem:s9], [sflag:$0xA], $0x10, s29, s21, $0xb8;
	[tilespmem:$0x15D80] =	vst v63  }
0x180: {  	_ =	swait.ge [sflag:s13], $0x800  }
0x181: {  	[sflag:s13] =	ssyncset.done $0x0  }
0x182: {  	[sflag:s13] =	ssyncadd.s32 $0xFFFFF800  }
0x183: {  	_ =	swait.ge [sflag:s19], $0x2000  }
0x184: {  	[sflag:s19] =	ssyncset.done $0x0  }
0x185: {  	s29 =	sadd.s32 $0xA100, s16;
	[sflag:s19] =	ssyncadd.s32 $0xFFFFE000  }
0x186: {  	[tilespmem:s26], [sflag:$0x3] =	stream.indirect.gather [hbm4b:s5+s21], $0x40, s29, s21, $0xb8;
	[tilespmem:$0x15D80] =	vst v63  }
0x187: {  	_ =	swait.ge [sflag:s28], $0x2000  }
0x188: {  	[sflag:s28] =	ssyncset.done $0x0  }
0x189: {  	s29 =	sor.u32 $0xA800, s16;
	[sflag:s28] =	ssyncadd.s32 $0xFFFFE000  }
0x18a: {  	[spmem:s1] =	stream.indirect.scatter.add.bf16 [tilespmem:s7], [sflag:$0x5], $0x40, s29, s21, $0xb8;
	[tilespmem:$0x15D80] =	vst v63  }
0x18b: {  	_ = 	snop  }
0x18c: {  	[spmem:s3] =	stream.indirect.scatter.add.f32 [tilespmem:s9], [sflag:$0xA], $0x10, s29, s21, $0xb8;
	[tilespmem:$0x15D80] =	vst v63  }
0x18d: {  	_ =	swait.ge [sflag:s13], $0x800  }
0x18e: {  	[sflag:s13] =	ssyncset.done $0x0  }
0x18f: {  	[sflag:s13] =	ssyncadd.s32 $0xFFFFF800  }
0x190: {  	_ =	swait.ge [sflag:s20], $0x2000  }
0x191: {  	[sflag:s20] =	ssyncset.done $0x0  }
0x192: {  	s29 =	sadd.s32 $0xA180, s16;
	[sflag:s20] =	ssyncadd.s32 $0xFFFFE000  }
0x193: {  	[tilespmem:s2], [sflag:$0x4] =	stream.indirect.gather [hbm4b:s5+s21], $0x40, s29, s21, $0xb8;
	[tilespmem:$0x15D80] =	vst v63  }
0x194: {  	_ =	swait.ge [sflag:s12], $0x2000  }
0x195: {  	[sflag:s12] =	ssyncset.done $0x0  }
0x196: {  	s29 =	sadd.s32 $0xA880, s16;
	[sflag:s12] =	ssyncadd.s32 $0xFFFFE000  }
0x197: {  	[spmem:s1] =	stream.indirect.scatter.add.bf16 [tilespmem:s25], [sflag:$0x6], $0x40, s29, s21, $0xb8;
	[tilespmem:$0x15D80] =	vst v63  }
0x198: {  	_ = 	snop  }
0x199: {  	[spmem:s3] =	stream.indirect.scatter.add.f32 [tilespmem:s9], [sflag:$0xA], $0x10, s29, s21, $0xb8;
	[tilespmem:$0x15D80] =	vst v63  }
0x19a: {  	_ =	swait.ge [sflag:s13], $0x800  }
0x19b: {  	[sflag:s13] =	ssyncset.done $0x0  }
0x19c: {  	[sflag:s13] =	ssyncadd.s32 $0xFFFFF800  }
0x19d: {  	_ =	swait.ge [sflag:s14], $0x2000  }
0x19e: {  	[sflag:s14] =	ssyncset.done $0x0  }
0x19f: {  	s4 =	simm.s32 @!p1 $0x9;
	[sflag:s14] =	ssyncadd.s32 $0xFFFFE000  }
0x1a0: {  	_ =	swait.ge @!p1 [sflag:s4], $0x400  }
0x1a1: {  	[sflag:s4] =	ssyncset.done @!p1 $0x0  }
0x1a2: {  	[sflag:s4] =	ssyncadd.s32 @!p1 $0xFFFFFC00  }
0x1a3: {  	_ =	swait.ge @!p1 [sflag:s4], $0x400  }
0x1a4: {  	[sflag:s4] =	ssyncset.done @!p1 $0x0  }
0x1a5: {  	s29 =	simm.s32 @!p1 $0xAE00;
	[sflag:s4] =	ssyncadd.s32 @!p1 $0xFFFFFC00;
	s4 =	simm.s32 @!p1 $0x80  }
0x1a6: {  	[tilespmem:s29], [sflag:$0x1] =	stream.indirect.gather @!p1 [hbm4b:s5+s4], $0x40, s11, s4, $0xb8;
	[tilespmem:$0x15D80] =	vst v63  }
0x1a7: {  	_ =	swait.ge [sflag:s15], $0x2000  }
0x1a8: {  	s29 =	sor.u32 $0x300, s16;
	[sflag:s15] =	ssyncset.done $0x0  }
0x1a9: {  	s11 =	sadd.s32 $0xA600, s29;
	[sflag:s15] =	ssyncadd.s32 $0xFFFFE000  }
0x1aa: {  	[spmem:s1] =	stream.indirect.scatter.add.bf16 [tilespmem:s26], [sflag:$0x7], $0x40, s11, s21, $0xb8;
	[tilespmem:$0x15D80] =	vst v63  }
0x1ab: {  	_ = 	snop  }
0x1ac: {  	[spmem:s3] =	stream.indirect.scatter.add.f32 [tilespmem:s9], [sflag:$0xA], $0x10, s11, s21, $0xb8;
	[tilespmem:$0x15D80] =	vst v63  }
0x1ad: {  	_ =	swait.ge [sflag:s13], $0x800  }
0x1ae: {  	[sflag:s13] =	ssyncset.done $0x0  }
0x1af: {  	[sflag:s13] =	ssyncadd.s32 $0xFFFFF800  }
0x1b0: {  	_ =	swait.ge [sflag:s17], $0x2000  }
0x1b1: {  	[sflag:s17] =	ssyncset.done $0x0  }
0x1b2: {  	s10 =	sadd.s32 @!p1 $0x9E80, s10;
	s11 =	simm.s32 @!p1 $0xCE00;
	[sflag:s17] =	ssyncadd.s32 $0xFFFFE000  }
0x1b3: {  	[tilespmem:s11], [sflag:$0x2] =	stream.indirect.gather @!p1 [hbm4b:s5+s4], $0x40, s10, s4, $0xb8;
	[tilespmem:$0x15D80] =	vst v63  }
0x1b4: {  	_ =	swait.ge [sflag:s18], $0x2000  }
0x1b5: {  	s24 =	sadd.s32 $0x80, s24;
	s29 =	sor.u32 $0x380, s16;
	[sflag:s18] =	ssyncset.done $0x0  }
0x1b6: {  	s4 =	sadd.s32 $0xA600, s29;
	p1 =	seq.s32 s24, $0xA00;
	[sflag:s18] =	ssyncadd.s32 $0xFFFFE000  }
0x1b7: {  	[spmem:s1] =	stream.indirect.scatter.add.bf16 [tilespmem:s2], [sflag:$0x8], $0x40, s4, s21, $0xb8;
	[tilespmem:$0x15D80] =	vst v63  }
.Ltmp14:
0x1b8: {  	_ = 	snop;
	(pc) =	sbr.rel @p1 .LBB2_12-.Ltmp14, $4  }
0x1b9: {  	[spmem:s3] =	stream.indirect.scatter.add.f32 [tilespmem:s9], [sflag:$0xA], $0x10, s4, s21, $0xb8;
	[tilespmem:$0x15D80] =	vst v63  }
0x1ba: {  	_ =	swait.ge [sflag:s13], $0x800  }
0x1bb: {  	[sflag:s13] =	ssyncset.done $0x0  }
0x1bc: {  	s23 =	sadd.s32 $0x1, s23;
	s22 =	sadd.s32 $0x400, s22;
	[sflag:s13] =	ssyncadd.s32 $0xFFFFF800  }
.LBB2_8:
0x1bd: {  	p1 =	seq.s32 s24, $0x980  }
0x1be: {  	p2 =	seq.s32 @!p1 s24, $0x0  }
0x1bf: {  	s10 =	sand.u32 $0x1, s23;
	p2 =	por p1, !p2  }
.Ltmp15:
0x1c0: {  	s29 =	rddreg [dreg:$0x1a];
	s10 =	sshll.u32 @!p1 s10, $0xA;
	(pc) =	sbr.rel @p2 .LBB2_10-.Ltmp15, $4  }
0x1c1: {  	s16 =	sadd.s32 @!p1 s24, s30;
	s4 =	simm.s32 @!p1 $0x0;
	s11 =	sadd.s32 @!p1 $0x9E00, s10  }
0x1c2: {  	[tilespmem:s11], [sflag:$0x9] =	stream.linear.gather @!p1 [hbm4b:s16+s4], $0x400, $0x38;
	[tilespmem:$0x15D80] =	vst v63  }
0x1c3: {  	s29 =	sadd.s32 @!p1 s24, s29;
	s16 =	sadd.s32 @!p1 $0xA600, s10  }
0x1c4: {  	[tilespmem:s16], [sflag:$0x9] =	stream.linear.gather @!p1 [hbm4b:s29+s4], $0x400, $0x38;
	[tilespmem:$0x15D80] =	vst v63  }
.Ltmp16:
0x1c5: {  	(pc) =	sbr.rel .LBB2_11-.Ltmp16, $2  }
0x1c6: {  	_ =	sdelay $0x2  }
0x1c7: {  	p2 =	por @!p1 $0x1, $0x1  }
.LBB2_12:
.Ltmp17:
0x1c8: {  	(pc) =	sbr.rel .LBB2_24-.Ltmp17, $4  }
0x1c9: {  	_ = 	snop  }
0x1ca: {  	s11 =	rddreg [dreg:$0x5]  }
0x1cb: {  	s10 =	rddreg [dreg:$0x7]  }
0x1cc: {  	s22 =	rddreg [dreg:$0x4]  }
.LBB2_25:
0x1cd: {  	_ =	sfence.sel $0x180000  }
0x1ce: {  	[bflag:$0x0] =	sbarrier.arrive $0xFFFF  }
0x1cf: {  	_ =	strace $0x90000047  }
0x1d0: {  	s0 =	stileid.u32;
	[bflag:$0x2] =	sbarrier.arrive $0xFFFF  }
0x1d1: {  	p0 =	sne.s32 s0, $0x0;
	s0 =	rddreg [dreg:$0x3]  }
0x1d2: {  	s0 =	sadd.s32 @!p0 $0x100000, s0  }
0x1d3: {  	[sflag:s0] =	ssyncadd.tile.s32 @!p0 $0x1;
	_ =	shalt  }
.Lfunc_end2:
_tile_overlayer_lowered:
.L_overlay_start_2:
0x1d4: {  	(tag) =	ssettag $0x2  }
0x1d5: {  	s0 =	rddreg [dreg:$0x0];
	s2 =	stileid.u32  }
0x1d6: {  	s1 =	rddreg [dreg:$0x1];
	p0 =	sne.s32 s2, $0x0  }
0x1d7: {  	s3 =	rddreg [dreg:$0x2];
	[bflag:$0x3] =	sbarrier.arrive $0xFFFF;
	s2 =	simm.s32 @!p0 $0x1C0B  }
0x1d8: {  	[timem:s3], [sflag:s2] =	dma.local @!p0 [hbm:s0], s1  }
0x1d9: {  	s0 =	simm.s32 @!p0 $0xB  }
0x1da: {  	_ =	swait.ge @!p0 [sflag:s0], s1  }
0x1db: {  	s1 =	ssub.s32 @!p0 $0x0, s1;
	[sflag:s0] =	ssyncset.done @!p0 $0x0  }
0x1dc: {  	[sflag:s0] =	ssyncadd.s32 @!p0 s1  }
0x1dd: {  	[bflag:$0x3] =	sbarrier.arrive $0xFFFF  }
0x1de: {  	_ =	shalt  }

// kernel: segsum_l2.3.cloned.1.call-start
scs
__scs_entry_jumppad:
0x0: {  	(pc) =	sbr.rel $0x88, $3  }
0x1: {  	(tag) =	ssettag $0x0;
	lr =	simm.s32 $0x1  }
0x2: {  	[smem:$0x3F79] =	sst lr;
	_ =	strace $0xD0000000  }
0x3: {  	_ = 	snop  }
0x4: {  	_ = 	snop  }
0x5: {  	_ = 	snop  }
0x6: {  	_ = 	snop  }
0x7: {  	_ = 	snop  }
__scs_overlays_trampoline_lowered:
0x8: {  	[smem:$0x3F88] =	sst s0  }
0x9: {  	[smem:$0x3F89] =	sst s1  }
0xa: {  	[smem:$0x3F8A] =	sst s2  }
0xb: {  	[smem:$0x3F8B] =	sst s3  }
0xc: {  	[smem:$0x3F8C] =	sst s4  }
0xd: {  	[smem:$0x3F8D] =	sst s5  }
0xe: {  	[smem:$0x3F8E] =	sst s6  }
0xf: {  	[smem:$0x3F8F] =	sst s7  }
0x10: {  	[smem:$0x3F90] =	sst s8  }
0x11: {  	[smem:$0x3F91] =	sst s9;
	s0 =	simm.s32 @!p0 $0x0  }
0x12: {  	s1 =	sld [smem:$0x3F77];
	s0 =	simm.s32 @p0 $0x1  }
0x13: {  	[smem:$0x3F92] =	sst s0;
	s0 =	simm.s32 @!p1 $0x0  }
0x14: {  	s2 =	sld [smem:$0x3F76];
	s0 =	simm.s32 @p1 $0x1  }
0x15: {  	[smem:$0x3F93] =	sst s0;
	s0 =	simm.s32 @!p2 $0x0  }
0x16: {  	s3 =	sld [smem:$0x3FDB];
	s0 =	simm.s32 @p2 $0x1  }
0x17: {  	s4 =	simm.s32 $0x1BF5;
	[smem:$0x3F95] =	sst s0  }
0x18: {  	s0 =	sld [smem:$0x3F78];
	_ =	swait.ge [sflag:s4], $0x0  }
0x19: {  	s7 =	sld [smem:$0x3F79]  }
0x1a: {  	s8 =	sadd.s32 $0xFFFFE003, lr  }
0x1b: {  	s9 =	sadd.s32 $0xFFFFFEF7, lr;
	s5 =	simm.s32 $0xFFFFFFFF;
	p2 =	slt.u32 s8, $0xFFFFF086  }
0x1c: {  	p1 =	slt.u32 s9, $0xF7A;
	s5 =	simm.s32 @!p2 $0x0  }
0x1d: {  	s5 =	simm.s32 @p1 $0x1;
	p0 =	seq.s32 s7, s2  }
0x1e: {  	s7 =	smul.u32 @!p0 $0xF7A, s2;
	p2 =	seq.s32 @!p0 s5, $0x0  }
0x1f: {  	s9 =	smul.u32 $0xF7A, s1;
	s8 =	simm.s32 @!p0 $0x1BF5;
	p2 =	por !p2, p0  }
0x20: {  	[sflag:s8] =	ssyncset.s32 @!p0 $0xFFFFF086;
	s6 =	sadd.s32 @!p0 s3, s7;
	s7 =	simm.s32 @!p0 $0x108  }
0x21: {  	s3 =	sadd.s32 s3, s9;
	s6 =	sadd.s32 @!p0 $0x88, s6;
	s7 =	simm.s32 @p2 $0x1082  }
0x22: {  	[simem:s7], [sflag:s8] =	dma.local @!p0 [hbm:s6], $0xF7A  }
0x23: {  	s9 =	sor.u32 $0xD0000000, s2;
	s6 =	simm.s32 $0x108;
	_ =	swait.ge @!p0 [sflag:s8], $0x0  }
0x24: {  	s3 =	sadd.s32 $0x88, s3;
	s6 =	simm.s32 @!p1 $0x1082;
	[sflag:s4] =	ssyncset.s32 $0xFFFFF086  }
0x25: {  	[simem:s6], [sflag:s4] =	dma.local [hbm:s3], $0xF7A  }
0x26: {  	[smem:$0x3F79] =	sst s1;
	(tag) =	ssettag s2;
	_ =	strace s9  }
0x27: {  	s1 =	sld [smem:$0x3F89]  }
0x28: {  	s2 =	sld [smem:$0x3F8A]  }
0x29: {  	s4 =	sld [smem:$0x3F8C]  }
0x2a: {  	p0 =	seq.s32 s5, $0x0;
	s5 =	sld [smem:$0x3F8D]  }
0x2b: {  	s6 =	sld [smem:$0x3F8E]  }
0x2c: {  	s7 =	sld [smem:$0x3F8F]  }
0x2d: {  	s3 =	simm.s32 $0x108;
	s8 =	sld [smem:$0x3F90]  }
0x2e: {  	s3 =	simm.s32 @!p0 $0x1082;
	s9 =	sld [smem:$0x3F91]  }
0x2f: {  	lr =	sadd.s32 s0, s3;
	s0 =	sld [smem:$0x3F88]  }
0x30: {  	s3 =	sld [smem:$0x3F8B]  }
0x31: {  	[smem:$0x3F94] =	sst s10  }
0x32: {  	s10 =	sld [smem:$0x3F92];
	_ =	sdelay $0x3  }
0x33: {  	p0 =	seq.s32 s10, $0x1;
	s10 =	sld [smem:$0x3F94];
	_ =	sdelay $0x3  }
0x34: {  	[smem:$0x3F94] =	sst s10  }
0x35: {  	s10 =	sld [smem:$0x3F93];
	_ =	sdelay $0x3  }
0x36: {  	p1 =	seq.s32 s10, $0x1;
	s10 =	sld [smem:$0x3F94];
	_ =	sdelay $0x3  }
0x37: {  	[smem:$0x3F94] =	sst s10  }
0x38: {  	s10 =	sld [smem:$0x3F95]  }
0x39: {  	_ = 	snop;
	(pc) =	sbr.ind lr, $3  }
0x3a: {  	_ = 	snop  }
0x3b: {  	_ = 	snop  }
0x3c: {  	p2 =	seq.s32 s10, $0x1;
	s10 =	sld [smem:$0x3F94]  }
0x3d: {  	_ =	shalt  }
0x3e: {  	_ =	shalt  }
0x3f: {  	_ =	shalt  }
0x40: {  	_ =	shalt  }
0x41: {  	_ =	shalt  }
0x42: {  	_ =	shalt  }
0x43: {  	_ =	shalt  }
0x44: {  	_ =	shalt  }
0x45: {  	_ =	shalt  }
0x46: {  	_ =	shalt  }
0x47: {  	_ =	shalt  }
0x48: {  	_ =	shalt  }
0x49: {  	_ =	shalt  }
0x4a: {  	_ =	shalt  }
0x4b: {  	_ =	shalt  }
0x4c: {  	_ =	shalt  }
0x4d: {  	_ =	shalt  }
0x4e: {  	_ =	shalt  }
0x4f: {  	_ =	shalt  }
0x50: {  	_ =	shalt  }
0x51: {  	_ =	shalt  }
0x52: {  	_ =	shalt  }
0x53: {  	_ =	shalt  }
0x54: {  	_ =	shalt  }
0x55: {  	_ =	shalt  }
0x56: {  	_ =	shalt  }
0x57: {  	_ =	shalt  }
0x58: {  	_ =	shalt  }
0x59: {  	_ =	shalt  }
0x5a: {  	_ =	shalt  }
0x5b: {  	_ =	shalt  }
0x5c: {  	_ =	shalt  }
0x5d: {  	_ =	shalt  }
0x5e: {  	_ =	shalt  }
0x5f: {  	_ =	shalt  }
0x60: {  	_ =	shalt  }
0x61: {  	_ =	shalt  }
0x62: {  	_ =	shalt  }
0x63: {  	_ =	shalt  }
0x64: {  	_ =	shalt  }
0x65: {  	_ =	shalt  }
0x66: {  	_ =	shalt  }
0x67: {  	_ =	shalt  }
0x68: {  	_ =	shalt  }
0x69: {  	_ =	shalt  }
0x6a: {  	_ =	shalt  }
0x6b: {  	_ =	shalt  }
0x6c: {  	_ =	shalt  }
0x6d: {  	_ =	shalt  }
0x6e: {  	_ =	shalt  }
0x6f: {  	_ =	shalt  }
0x70: {  	_ =	shalt  }
0x71: {  	_ =	shalt  }
0x72: {  	_ =	shalt  }
0x73: {  	_ =	shalt  }
0x74: {  	_ =	shalt  }
0x75: {  	_ =	shalt  }
0x76: {  	_ =	shalt  }
0x77: {  	_ =	shalt  }
0x78: {  	_ =	shalt  }
0x79: {  	_ =	shalt  }
0x7a: {  	_ =	shalt  }
0x7b: {  	_ =	shalt  }
0x7c: {  	_ =	shalt  }
0x7d: {  	_ =	shalt  }
0x7e: {  	_ =	shalt  }
0x7f: {  	_ =	shalt  }
0x80: {  	_ =	shalt  }
0x81: {  	_ =	shalt  }
0x82: {  	_ =	shalt  }
0x83: {  	_ =	shalt  }
0x84: {  	_ =	shalt  }
0x85: {  	_ =	shalt  }
0x86: {  	_ =	shalt  }
0x87: {  	_ =	shalt  }
.Lfunc_end0:
.L_simem_size_0:
called_computation.1_lowered:
.L_overlay_start_0:
0x88: {  	s2 =	sld [smem:$0x3FD9]  }
0x89: {  	s3 =	sld [smem:$0x3FFE];
	_ =	sdelay $0x1  }
0x8a: {  	s1 =	srdreg.scid  }
0x8b: {  	s0 =	sand.u32 $0x1, s1  }
0x8c: {  	s16 =	sshll.u32 s0, $0xA;
	s2 =	sadd.s32 s3, s2  }
0x8d: {  	s2 =	sadd.s32 s2, s16  }
0x8e: {  	[smem:$0x3FA0] =	sst s2  }
0x8f: {  	_ = 	snop  }
0x90: {  	(tm) =	ssettm $0x1  }
0x91: {  	s17 =	sld [smem:$0x3FFB];
	_ =	sdelay $0x3  }
0x92: {  	_ =	strace s17  }
0x93: {  	s2 =	sld [smem:$0x3FFC];
	_ =	sdelay $0x3  }
0x94: {  	_ =	strace s2  }
0x95: {  	s2 =	sld [smem:$0x3FFD];
	_ =	sdelay $0x3  }
0x96: {  	_ =	strace s2  }
0x97: {  	_ =	strace $0x8FFFFFFF  }
0x98: {  	s18 =	sld [smem:$0x3FDB];
	_ =	sdelay $0x1  }
0x99: {  	s19 =	simm.s32 $_scs_section_size  }
0x9a: {  	s4 =	simm.s32 $_size__tile_overlayer_lowered;
	s5 =	simm.s32 $_tile_overlayer_lowered  }
0x9b: {  	s22 =	simm.s32 $0x1BFF;
	s21 =	sshll.u32 s5, $0x1;
	s2 =	sadd.s32 s19, s18  }
0x9c: {  	s6 =	simm.s32 $0x0;
	s20 =	sshll.u32 s4, $0x1;
	s4 =	sadd.s32 s21, s2  }
0x9d: {  	[timem:s6], [sflag:s22] =	dma.local [hbm:s4], s20  }
0x9e: {  	_ =	swait.ge [sflag:s22], s20  }
0x9f: {  	s3 =	ssub.s32 $0x0, s20;
	[sflag:s22] =	ssyncset.done $0x0  }
0xa0: {  	[sflag:s22] =	ssyncadd.s32 s3;
	_ =	sdelay $0x1  }
0xa1: {  	s23 =	simm.s32 $0x1B8B  }
0xa2: {  	_ =	swait.ge [sflag:s23], $0x1  }
0xa3: {  	[sflag:s23] =	ssyncset.done $0x0  }
0xa4: {  	s25 =	simm.s32 $0x1B8E;
	s24 =	sld [smem:$0x3FFE];
	[sflag:s23] =	ssyncadd.s32 $0xFFFFFFFF  }
0xa5: {  	s26 =	simm.s32 $execute0_lowered;
	[smem:$0x3FD2] =	sst s25  }
0xa6: {  	s4 =	sshll.u32 s26, $0x1;
	_ =	strace $0x80000049;
	[dreg:$0x1] =	wrdreg $0xFFFFFFFF  }
0xa7: {  	s28 =	simm.s32 $_size_execute0_lowered;
	s2 =	sadd.s32 s2, s4;
	[dreg:$0x0] =	wrdreg $0x0  }
0xa8: {  	s4 =	sshll.u32 s28, $0x1;
	[dreg:$0x2] =	wrdreg s2  }
0xa9: {  	[dreg:$0x3] =	wrdreg s4  }
0xaa: {  	[dreg:$0x4] =	wrdreg $0xC0  }
0xab: {  	_ =	task [dreg:s6], $0x5FFFF  }
0xac: {  	[dreg:$0x1] =	wrdreg $0xFFFFFFFF  }
0xad: {  	[dreg:$0x0] =	wrdreg $0x60  }
0xae: {  	[dreg:$0x2] =	wrdreg s24  }
0xaf: {  	[dreg:$0x3] =	wrdreg $0x0  }
0xb0: {  	[dreg:$0x4] =	wrdreg $0x9  }
0xb1: {  	_ =	task.clear_ibuf [dreg:s6], $0x5FFFF;
	_ =	strace $0x90000049  }
0xb2: {  	s29 =	simm.s32 $0x9;
	_ =	strace $0x8000004B  }
0xb3: {  	_ =	swait.ge [sflag:s29], $0x1  }
0xb4: {  	[sflag:s29] =	ssyncadd.s32 $0xFFFFFFFF  }
0xb5: {  	_ =	strace $0x9000004B  }
0xb6: {  	_ =	sfence  }
0xb7: {  	s30 =	sld [smem:$0x0];
	_ =	sdelay $0x2  }
0xb8: {  	s31 =	sshll.u32 s1, $0xD;
	s1 =	sshrl.u32 s1, $0x2  }
0xb9: {  	s3 =	sand.u32 $0x4000, s31;
	s1 =	sadd.s32 s1, s30  }
0xba: {  	s0 =	sor.u32 s3, s0;
	s1 =	sshll.u32 s1, $0x11  }
0xbb: {  	s0 =	sor.u32 s1, s0  }
0xbc: {  	s0 =	sadd.s32 $0x8F2B, s0  }
0xbd: {  	[sflag:s0] =	ssyncadd.remote.s32 $0x1  }
0xbe: {  	_ =	sfence.sel $0xFFFF  }
0xbf: {  	[dreg:$0x0] =	wrdreg $0xFFFFFFFF;
	(pc) =	sbr.abs _section_cstart, $3  }
0xc0: {  	[dreg:$0x1] =	wrdreg $0xFFFFFFFF  }
0xc1: {  	_ =	task.clear_ibuf [dreg:s6], $0x2FFFF;
	_ =	strace $0x9FFFFFFF  }
0xc2: {  	(tm) =	ssettm $0x7FFFFFFF  }
0xc3: {  	_ =	shalt  }
tec
execute0_lowered:
.L_overlay_start_1:
0x0: {  	(tag) =	ssettag $0x1  }
0x1: {  	s0 =	rddreg [dreg:$0x0]  }
0x2: {  	s2 =	rddreg [dreg:$0x1];
	s10 =	simm.s32 $0x0  }
0x3: {  	s3 =	stileid.u32;
	s6 =	srdreg.scid;
	s28 =	simm.s32 $0x80  }
0x4: {  	s30 =	simm.s32 $0xCE00;
	s31 =	simm.s32 $0xEE00;
	s13 =	simm.s32 $0x3  }
0x5: {  	s14 =	simm.s32 $0x6;
	s29 =	simm.s32 $0x4;
	[smem:$0x7FF] =	sst s10  }
0x6: {  	s1 =	smul.u32 $0xA00, s3;
	s4 =	sadd.s32 $0x91800, s0;
	s5 =	sadd.s32 $0x56C00, s0  }
0x7: {  	s6 =	sand.u32 $0x1, s6;
	s7 =	smul.u32 $0x27800, s3;
	s8 =	sadd.s32 $0xA5200, s0  }
0x8: {  	s9 =	smul.u32 $0x13C00, s3;
	_ =	strace $0x8000004A;
	[dreg:$0x4] =	wrdreg s8  }
0x9: {  	s15 =	ssub.s32 $0x2, s6;
	p0 =	seq.s32 s6, $0x1;
	s6 =	simm.s32 $0x10E00  }
0xa: {  	s1 =	sadd.s32 s1, s0;
	s0 =	sadd.s32 $0xB8E00, s0;
	s16 =	sshrl.u32 s15, $0x1  }
0xb: {  	s7 =	sshrl.u32 s7, $0x2;
	s24 =	sshrl.u32 s9, $0x4;
	[dreg:$0x5] =	wrdreg s0  }
0xc: {  	s17 =	sshrl.u32 s9, $0x1;
	s22 =	sadd.s32 $0x4CC00, s1;
	[dreg:$0xd] =	wrdreg s24  }
0xd: {  	s0 =	ssub.s32 s15, s16;
	s23 =	sadd.s32 $0x38C00, s1;
	[dreg:$0xb] =	wrdreg s22  }
0xe: {  	s7 =	sadd.s32 s7, s2;
	s25 =	sadd.s32 $0x42C00, s1;
	[dreg:$0xc] =	wrdreg s23  }
0xf: {  	s11 =	sadd.s32 s17, s2;
	s26 =	sadd.s32 $0x2EC00, s1;
	[dreg:$0xe] =	wrdreg s25  }
0x10: {  	s24 =	simm.s32 $0xA;
	s16 =	simm.s32 $0x7;
	[dreg:$0xf] =	wrdreg s26  }
0x11: {  	s17 =	simm.s32 $0x8;
	s18 =	sadd.s32 $0x2000, s7;
	[dreg:$0x6] =	wrdreg s11  }
0x12: {  	s19 =	sadd.s32 $0x4000, s7;
	s20 =	sadd.s32 $0x6000, s7;
	[dreg:$0x7] =	wrdreg s18  }
.Ltmp0:
0x13: {  	s21 =	sadd.s32 $0x8000, s7;
	[dreg:$0x8] =	wrdreg s19;
	(pc) =	sbr.rel .LBB2_1-.Ltmp0, $4  }
0x14: {  	s0 =	smax.u32 s0, $0x1;
	s22 =	sadd.s32 $0x42C80, s1;
	[dreg:$0x9] =	wrdreg s20  }
0x15: {  	s23 =	simm.s32 $0xAE00;
	s7 =	simm.s32 $0x2;
	[dreg:$0xa] =	wrdreg s21  }
0x16: {  	s26 =	simm.s32 $0x5;
	[dreg:$0x10] =	wrdreg s0;
	s19 =	sadd.s32 $0x38C80, s1  }
0x17: {  	v0 =	vimm.bf16 $0.0e+00;
	s20 =	sadd.s32 $0x4CC80, s1;
	s21 =	sadd.s32 $0x2EC80, s1;
	s0 =	simm.s32 $0x1  }
.LBB2_15:
0x18: {  	s1 =	rddreg [dreg:$0x5]  }
0x19: {  	s10 =	rddreg [dreg:$0x3]  }
.LBB2_16:
0x1a: {  	_ =	swait.ge [sflag:s16], $0x2000  }
0x1b: {  	[sflag:s16] =	ssyncset.done $0x0  }
0x1c: {  	[sflag:s16] =	ssyncadd.s32 $0xFFFFE000  }
0x1d: {  	_ =	swait.ge [sflag:s17], $0x2000  }
0x1e: {  	[sflag:s17] =	ssyncset.done $0x0  }
0x1f: {  	[sflag:s17] =	ssyncadd.s32 $0xFFFFE000  }
0x20: {  	s18 =	stileid.u32;
	s3 =	rddreg [dreg:$0xd];
	[bflag:$0x0] =	sbarrier.arrive $0xFFFF  }
0x21: {  	s1 =	sadd.s32 s1, s3;
	s3 =	sshll.u32 s18, $0x6;
	s11 =	rddreg [dreg:$0x6]  }
0x22: {  	s3 =	sor.u32 $0x1C0A, s3;
	s8 =	sshrl.u32 s11, $0x3  }
0x23: {  	[hbm:s1], [sflag:s3] =	dma.local [spmem:s8], $0x13C0  }
0x24: {  	_ =	swait.ge [sflag:s24], $0x13C0  }
0x25: {  	s10 =	sadd.s32 $0x1, s10;
	s25 =	rddreg [dreg:$0x10]  }
0x26: {  	p1 =	sne.s32 s10, s25  }
.Ltmp1:
0x27: {  	_ = 	snop;
	(pc) =	sbr.rel @!p1 .LBB2_17-.Ltmp1, $3  }
0x28: {  	_ =	sdelay $0x1  }
0x29: {  	[sflag:s24] =	ssyncset.done $0x0  }
0x2a: {  	[sflag:s24] =	ssyncadd.s32 $0xFFFFEC40  }
.LBB2_1:
.Ltmp2:
0x2b: {  	(pc) =	sbr.rel @!p0 .LBB2_2-.Ltmp2, $2  }
0x2c: {  	_ =	sdelay $0x2  }
0x2d: {  	[dreg:$0x3] =	wrdreg s10;
	s9 =	simm.s32 $0x100;
	s1 =	simm.s32 $0x0  }
.LBB2_9:
0x2e: {  	p1 =	sne.s32 s9, $0x7F00;
	[tilespmem:s1+$0xAE30] =	vst v0;
	s3 =	smov.u32 s9;
	s9 =	sadd.s32 $0x100, s9  }
.Ltmp3:
0x2f: {  	[tilespmem:s1+$0xAE20] =	vst v0;
	(pc) =	sbr.rel @p1 .LBB2_9-.Ltmp3, $3  }
0x30: {  	[tilespmem:s1+$0xAE00] =	vst v0  }
0x31: {  	[tilespmem:s1+$0xAE10] =	vst v0;
	_ =	sdelay $0x1  }
0x32: {  	s1 =	sshra.s32 s3, $0x2  }
0x33: {  	[tilespmem:s1+$0xAE30] =	vst v0  }
0x34: {  	[tilespmem:s1+$0xAE20] =	vst v0  }
0x35: {  	[tilespmem:s1+$0xAE00] =	vst v0  }
0x36: {  	[tilespmem:s1+$0xAE10] =	vst v0  }
0x37: {  	[spmem:s11] =	stream.linear.scatter [tilespmem:s23], [sflag:$0xA], $0x2000, $0x38;
	[tilespmem:$0x12E00] =	vst v63  }
0x38: {  	_ =	swait.ge [sflag:s24], $0x2000  }
0x39: {  	[sflag:s24] =	ssyncset.done $0x0  }
0x3a: {  	s10 =	rddreg [dreg:$0x7];
	[sflag:s24] =	ssyncadd.s32 $0xFFFFE000  }
0x3b: {  	[spmem:s10] =	stream.linear.scatter [tilespmem:s23], [sflag:$0xA], $0x2000, $0x38;
	[tilespmem:$0x12E00] =	vst v63  }
0x3c: {  	_ =	swait.ge [sflag:s24], $0x2000  }
0x3d: {  	[sflag:s24] =	ssyncset.done $0x0  }
0x3e: {  	s11 =	rddreg [dreg:$0x8];
	[sflag:s24] =	ssyncadd.s32 $0xFFFFE000  }
0x3f: {  	[spmem:s11] =	stream.linear.scatter [tilespmem:s23], [sflag:$0xA], $0x2000, $0x38;
	[tilespmem:$0x12E00] =	vst v63  }
0x40: {  	_ =	swait.ge [sflag:s24], $0x2000  }
0x41: {  	[sflag:s24] =	ssyncset.done $0x0  }
0x42: {  	s12 =	rddreg [dreg:$0x9];
	[sflag:s24] =	ssyncadd.s32 $0xFFFFE000  }
0x43: {  	[spmem:s12] =	stream.linear.scatter [tilespmem:s23], [sflag:$0xA], $0x2000, $0x38;
	[tilespmem:$0x12E00] =	vst v63  }
0x44: {  	_ =	swait.ge [sflag:s24], $0x2000  }
0x45: {  	[sflag:s24] =	ssyncset.done $0x0  }
0x46: {  	s15 =	rddreg [dreg:$0xa];
	[sflag:s24] =	ssyncadd.s32 $0xFFFFE000  }
0x47: {  	[spmem:s15] =	stream.linear.scatter [tilespmem:s23], [sflag:$0xA], $0x1E00, $0x38;
	[tilespmem:$0x12E00] =	vst v63  }
0x48: {  	_ =	swait.ge [sflag:s24], $0x1E00  }
0x49: {  	[sflag:s24] =	ssyncset.done $0x0  }
0x4a: {  	[sflag:s24] =	ssyncadd.s32 $0xFFFFE200  }
0x4b: {  	[bflag:$0x0] =	sbarrier.arrive $0xFFFF  }
0x4c: {  	s1 =	simm.s32 $0x0;
	s8 =	simm.s32 $0x9E00;
	s3 =	rddreg [dreg:$0xe]  }
0x4d: {  	[tilespmem:s8], [sflag:$0xA] =	stream.linear.gather [hbm4b:s3+s1], $0x400, $0x38;
	[tilespmem:$0x12E00] =	vst v63  }
0x4e: {  	_ =	swait.ge [sflag:s24], $0x400  }
0x4f: {  	[sflag:s24] =	ssyncset.done $0x0  }
0x50: {  	s9 =	simm.s32 $0xA600;
	s18 =	rddreg [dreg:$0xf];
	[sflag:s24] =	ssyncadd.s32 $0xFFFFFC00  }
0x51: {  	[tilespmem:s9], [sflag:$0xA] =	stream.linear.gather [hbm4b:s18+s1], $0x400, $0x38;
	[tilespmem:$0x12E00] =	vst v63  }
0x52: {  	_ =	swait.ge [sflag:s24], $0x400  }
.Ltmp4:
0x53: {  	[sflag:s24] =	ssyncset.done $0x0;
	(pc) =	sbr.rel .LBB2_11-.Ltmp4, $4  }
0x54: {  	[sflag:s24] =	ssyncadd.s32 $0xFFFFFC00  }
0x55: {  	[tilespmem:s23], [sflag:$0x1] =	stream.indirect.gather [hbm4b:s5+s28], $0x40, s8, s28, $0xb8;
	[tilespmem:$0x12E00] =	vst v63  }
0x56: {  	s25 =	simm.s32 $0x9E80;
	s10 =	simm.s32 $0x0;
	s9 =	simm.s32 $0x1  }
0x57: {  	[tilespmem:s30], [sflag:$0x2] =	stream.indirect.gather [hbm4b:s5+s28], $0x40, s25, s28, $0xb8;
	[tilespmem:$0x12E00] =	vst v63  }
.LBB2_2:
0x58: {  	p1 =	sne.s32 s9, $0x7F00;
	[tilespmem:s1+$0xAE30] =	vst v0;
	s10 =	smov.u32 s9;
	s9 =	sadd.s32 $0x100, s9  }
.Ltmp5:
0x59: {  	[tilespmem:s1+$0xAE20] =	vst v0;
	(pc) =	sbr.rel @p1 .LBB2_2-.Ltmp5, $3  }
0x5a: {  	[tilespmem:s1+$0xAE00] =	vst v0  }
0x5b: {  	[tilespmem:s1+$0xAE10] =	vst v0;
	_ =	sdelay $0x1  }
0x5c: {  	s1 =	sshra.s32 s10, $0x2  }
0x5d: {  	[tilespmem:s1+$0xAE30] =	vst v0  }
0x5e: {  	[tilespmem:s1+$0xAE20] =	vst v0  }
0x5f: {  	[tilespmem:s1+$0xAE00] =	vst v0  }
0x60: {  	[tilespmem:s1+$0xAE10] =	vst v0  }
0x61: {  	[spmem:s11] =	stream.linear.scatter [tilespmem:s23], [sflag:$0xA], $0x2000, $0x38;
	[tilespmem:$0x12E00] =	vst v63  }
0x62: {  	_ =	swait.ge [sflag:s24], $0x2000  }
0x63: {  	[sflag:s24] =	ssyncset.done $0x0  }
0x64: {  	s10 =	rddreg [dreg:$0x7];
	[sflag:s24] =	ssyncadd.s32 $0xFFFFE000  }
0x65: {  	[spmem:s10] =	stream.linear.scatter [tilespmem:s23], [sflag:$0xA], $0x2000, $0x38;
	[tilespmem:$0x12E00] =	vst v63  }
0x66: {  	_ =	swait.ge [sflag:s24], $0x2000  }
0x67: {  	[sflag:s24] =	ssyncset.done $0x0  }
0x68: {  	s11 =	rddreg [dreg:$0x8];
	[sflag:s24] =	ssyncadd.s32 $0xFFFFE000  }
0x69: {  	[spmem:s11] =	stream.linear.scatter [tilespmem:s23], [sflag:$0xA], $0x2000, $0x38;
	[tilespmem:$0x12E00] =	vst v63  }
0x6a: {  	_ =	swait.ge [sflag:s24], $0x2000  }
0x6b: {  	[sflag:s24] =	ssyncset.done $0x0  }
0x6c: {  	s12 =	rddreg [dreg:$0x9];
	[sflag:s24] =	ssyncadd.s32 $0xFFFFE000  }
0x6d: {  	[spmem:s12] =	stream.linear.scatter [tilespmem:s23], [sflag:$0xA], $0x2000, $0x38;
	[tilespmem:$0x12E00] =	vst v63  }
0x6e: {  	_ =	swait.ge [sflag:s24], $0x2000  }
0x6f: {  	[sflag:s24] =	ssyncset.done $0x0  }
0x70: {  	s15 =	rddreg [dreg:$0xa];
	[sflag:s24] =	ssyncadd.s32 $0xFFFFE000  }
0x71: {  	[spmem:s15] =	stream.linear.scatter [tilespmem:s23], [sflag:$0xA], $0x1E00, $0x38;
	[tilespmem:$0x12E00] =	vst v63  }
0x72: {  	_ =	swait.ge [sflag:s24], $0x1E00  }
0x73: {  	[sflag:s24] =	ssyncset.done $0x0  }
0x74: {  	[sflag:s24] =	ssyncadd.s32 $0xFFFFE200  }
0x75: {  	[bflag:$0x0] =	sbarrier.arrive $0xFFFF  }
0x76: {  	s1 =	simm.s32 $0x0;
	s8 =	simm.s32 $0x9E00;
	s3 =	rddreg [dreg:$0xb]  }
0x77: {  	[tilespmem:s8], [sflag:$0xA] =	stream.linear.gather [hbm4b:s3+s1], $0x400, $0x38;
	[tilespmem:$0x12E00] =	vst v63  }
0x78: {  	_ =	swait.ge [sflag:s24], $0x400  }
0x79: {  	[sflag:s24] =	ssyncset.done $0x0  }
0x7a: {  	s9 =	simm.s32 $0xA600;
	s18 =	rddreg [dreg:$0xc];
	[sflag:s24] =	ssyncadd.s32 $0xFFFFFC00  }
0x7b: {  	[tilespmem:s9], [sflag:$0xA] =	stream.linear.gather [hbm4b:s18+s1], $0x400, $0x38;
	[tilespmem:$0x12E00] =	vst v63  }
0x7c: {  	_ =	swait.ge [sflag:s24], $0x400  }
.Ltmp6:
0x7d: {  	[sflag:s24] =	ssyncset.done $0x0;
	(pc) =	sbr.rel .LBB2_4-.Ltmp6, $4  }
0x7e: {  	[sflag:s24] =	ssyncadd.s32 $0xFFFFFC00  }
0x7f: {  	[tilespmem:s23], [sflag:$0x1] =	stream.indirect.gather [hbm4b:s4+s28], $0x40, s8, s28, $0xb8;
	[tilespmem:$0x12E00] =	vst v63  }
0x80: {  	s25 =	simm.s32 $0x9E80;
	s10 =	simm.s32 $0x0;
	s9 =	simm.s32 $0x1  }
0x81: {  	[tilespmem:s30], [sflag:$0x2] =	stream.indirect.gather [hbm4b:s4+s28], $0x40, s25, s28, $0xb8;
	[tilespmem:$0x12E00] =	vst v63  }
.LBB2_13:
0x82: {  	_ =	swait.ge [sflag:s16], $0x2000  }
0x83: {  	[sflag:s16] =	ssyncset.done $0x0  }
0x84: {  	p2 =	por $0x0, $0x0;
	[sflag:s16] =	ssyncadd.s32 $0xFFFFE000  }
.LBB2_14:
0x85: {  	s15 =	sand.u32 $0x400, s1  }
0x86: {  	s3 =	sadd.s32 $0x9F00, s15  }
0x87: {  	[tilespmem:s31], [sflag:$0x3] =	stream.indirect.gather [hbm4b:s5+s28], $0x40, s3, s28, $0xb8;
	[tilespmem:$0x12E00] =	vst v63  }
0x88: {  	_ =	swait.ge [sflag:s0], $0x2000  }
0x89: {  	[sflag:s0] =	ssyncset.done $0x0  }
0x8a: {  	s8 =	sadd.s32 $0xA600, s15;
	s3 =	simm.s32 @!p2 $0x8;
	[sflag:s0] =	ssyncadd.s32 $0xFFFFE000  }
0x8b: {  	[spmem:s2] =	stream.indirect.scatter.add.bf16 [tilespmem:s23], [sflag:$0x5], $0x40, s8, s28, $0xb8;
	[tilespmem:$0x12E00] =	vst v63  }
0x8c: {  	_ =	swait.ge @!p2 [sflag:s3], $0x2000  }
0x8d: {  	[sflag:s3] =	ssyncset.done @!p2 $0x0  }
0x8e: {  	s18 =	sadd.s32 $0x9F80, s15;
	[sflag:s3] =	ssyncadd.s32 @!p2 $0xFFFFE000  }
0x8f: {  	[tilespmem:s6], [sflag:$0x4] =	stream.indirect.gather [hbm4b:s5+s28], $0x40, s18, s28, $0xb8;
	[tilespmem:$0x12E00] =	vst v63  }
0x90: {  	_ =	swait.ge [sflag:s7], $0x2000  }
0x91: {  	[sflag:s7] =	ssyncset.done $0x0  }
0x92: {  	s25 =	sadd.s32 $0xA680, s15;
	[sflag:s7] =	ssyncadd.s32 $0xFFFFE000  }
0x93: {  	[spmem:s2] =	stream.indirect.scatter.add.bf16 [tilespmem:s30], [sflag:$0x6], $0x40, s25, s28, $0xb8;
	[tilespmem:$0x12E00] =	vst v63  }
0x94: {  	_ =	swait.ge [sflag:s26], $0x2000  }
0x95: {  	[sflag:s26] =	ssyncset.done $0x0  }
0x96: {  	s8 =	sor.u32 $0xA000, s15;
	[sflag:s26] =	ssyncadd.s32 $0xFFFFE000  }
0x97: {  	[tilespmem:s23], [sflag:$0x1] =	stream.indirect.gather [hbm4b:s5+s28], $0x40, s8, s28, $0xb8;
	[tilespmem:$0x12E00] =	vst v63  }
0x98: {  	_ =	swait.ge [sflag:s13], $0x2000  }
0x99: {  	s18 =	sor.u32 $0x100, s15;
	[sflag:s13] =	ssyncset.done $0x0  }
0x9a: {  	s3 =	sadd.s32 $0xA600, s18;
	[sflag:s13] =	ssyncadd.s32 $0xFFFFE000  }
0x9b: {  	[spmem:s2] =	stream.indirect.scatter.add.bf16 [tilespmem:s31], [sflag:$0x7], $0x40, s3, s28, $0xb8;
	[tilespmem:$0x12E00] =	vst v63  }
0x9c: {  	_ =	swait.ge [sflag:s14], $0x2000  }
0x9d: {  	[sflag:s14] =	ssyncset.done $0x0  }
0x9e: {  	s25 =	sadd.s32 $0xA080, s15;
	[sflag:s14] =	ssyncadd.s32 $0xFFFFE000  }
0x9f: {  	[tilespmem:s30], [sflag:$0x2] =	stream.indirect.gather [hbm4b:s5+s28], $0x40, s25, s28, $0xb8;
	[tilespmem:$0x12E00] =	vst v63  }
0xa0: {  	_ =	swait.ge [sflag:s29], $0x2000  }
0xa1: {  	[sflag:s29] =	ssyncset.done $0x0  }
0xa2: {  	s8 =	sadd.s32 $0xA780, s15;
	[sflag:s29] =	ssyncadd.s32 $0xFFFFE000  }
0xa3: {  	[spmem:s2] =	stream.indirect.scatter.add.bf16 [tilespmem:s6], [sflag:$0x8], $0x40, s8, s28, $0xb8;
	[tilespmem:$0x12E00] =	vst v63  }
0xa4: {  	_ =	swait.ge [sflag:s16], $0x2000  }
0xa5: {  	[sflag:s16] =	ssyncset.done $0x0  }
0xa6: {  	s18 =	sadd.s32 $0xA100, s15;
	[sflag:s16] =	ssyncadd.s32 $0xFFFFE000  }
0xa7: {  	[tilespmem:s31], [sflag:$0x3] =	stream.indirect.gather [hbm4b:s5+s28], $0x40, s18, s28, $0xb8;
	[tilespmem:$0x12E00] =	vst v63  }
0xa8: {  	_ =	swait.ge [sflag:s0], $0x2000  }
0xa9: {  	[sflag:s0] =	ssyncset.done $0x0  }
0xaa: {  	s25 =	sor.u32 $0xA800, s15;
	[sflag:s0] =	ssyncadd.s32 $0xFFFFE000  }
0xab: {  	[spmem:s2] =	stream.indirect.scatter.add.bf16 [tilespmem:s23], [sflag:$0x5], $0x40, s25, s28, $0xb8;
	[tilespmem:$0x12E00] =	vst v63  }
0xac: {  	_ =	swait.ge [sflag:s17], $0x2000  }
0xad: {  	[sflag:s17] =	ssyncset.done $0x0  }
0xae: {  	s8 =	sadd.s32 $0xA180, s15;
	[sflag:s17] =	ssyncadd.s32 $0xFFFFE000  }
0xaf: {  	[tilespmem:s6], [sflag:$0x4] =	stream.indirect.gather [hbm4b:s5+s28], $0x40, s8, s28, $0xb8;
	[tilespmem:$0x12E00] =	vst v63  }
0xb0: {  	_ =	swait.ge [sflag:s7], $0x2000  }
0xb1: {  	[sflag:s7] =	ssyncset.done $0x0  }
0xb2: {  	s18 =	sadd.s32 $0xA880, s15;
	[sflag:s7] =	ssyncadd.s32 $0xFFFFE000  }
0xb3: {  	[spmem:s2] =	stream.indirect.scatter.add.bf16 [tilespmem:s30], [sflag:$0x6], $0x40, s18, s28, $0xb8;
	[tilespmem:$0x12E00] =	vst v63  }
0xb4: {  	_ =	swait.ge [sflag:s26], $0x2000  }
0xb5: {  	[sflag:s26] =	ssyncset.done $0x0  }
0xb6: {  	s3 =	simm.s32 @p1 $0x3;
	[sflag:s26] =	ssyncadd.s32 $0xFFFFE000  }
0xb7: {  	_ =	swait.ge @p1 [sflag:s3], $0x2000  }
0xb8: {  	s25 =	simm.s32 @p1 $0xEE00;
	s8 =	sor.u32 $0x300, s15;
	[sflag:s3] =	ssyncset.done @p1 $0x0  }
0xb9: {  	s18 =	simm.s32 @p1 $0x80;
	[sflag:s3] =	ssyncadd.s32 @p1 $0xFFFFE000;
	s3 =	sadd.s32 @p1 $0xA600, s8  }
0xba: {  	[spmem:s2] =	stream.indirect.scatter.add.bf16 @p1 [tilespmem:s25], [sflag:$0x7], $0x40, s3, s18, $0xb8;
	[tilespmem:$0x12E00] =	vst v63  }
0xbb: {  	s3 =	simm.s32 @p1 $0x6  }
0xbc: {  	_ =	swait.ge @p1 [sflag:s3], $0x2000  }
0xbd: {  	[sflag:s3] =	ssyncset.done @p1 $0x0  }
0xbe: {  	[sflag:s3] =	ssyncadd.s32 @p1 $0xFFFFE000;
	s3 =	simm.s32 @!p1 $0x9  }
0xbf: {  	_ =	swait.ge @!p1 [sflag:s3], $0x400  }
0xc0: {  	[sflag:s3] =	ssyncset.done @!p1 $0x0  }
0xc1: {  	[sflag:s3] =	ssyncadd.s32 @!p1 $0xFFFFFC00  }
0xc2: {  	_ =	swait.ge @!p1 [sflag:s3], $0x400  }
0xc3: {  	[sflag:s3] =	ssyncset.done @!p1 $0x0  }
0xc4: {  	s18 =	simm.s32 @!p1 $0xAE00;
	[sflag:s3] =	ssyncadd.s32 @!p1 $0xFFFFFC00;
	s3 =	simm.s32 @!p1 $0x80  }
0xc5: {  	[tilespmem:s18], [sflag:$0x1] =	stream.indirect.gather @!p1 [hbm4b:s5+s3], $0x40, s12, s3, $0xb8;
	[tilespmem:$0x12E00] =	vst v63  }
0xc6: {  	s12 =	simm.s32 @!p1 $0x3  }
0xc7: {  	_ =	swait.ge @!p1 [sflag:s12], $0x2000  }
0xc8: {  	[sflag:s12] =	ssyncset.done @!p1 $0x0  }
0xc9: {  	s8 =	sadd.s32 @!p1 $0xA600, s8;
	[sflag:s12] =	ssyncadd.s32 @!p1 $0xFFFFE000;
	s12 =	simm.s32 @!p1 $0xEE00  }
0xca: {  	[spmem:s2] =	stream.indirect.scatter.add.bf16 @!p1 [tilespmem:s12], [sflag:$0x7], $0x40, s8, s3, $0xb8;
	[tilespmem:$0x12E00] =	vst v63  }
0xcb: {  	s8 =	simm.s32 @!p1 $0x6  }
0xcc: {  	_ =	swait.ge @!p1 [sflag:s8], $0x2000  }
0xcd: {  	s10 =	sadd.s32 $0x80, s10;
	[sflag:s8] =	ssyncset.done @!p1 $0x0  }
0xce: {  	[sflag:s8] =	ssyncadd.s32 @!p1 $0xFFFFE000;
	s8 =	sadd.s32 @!p1 $0x9E80, s11;
	s11 =	simm.s32 @!p1 $0xCE00  }
0xcf: {  	[tilespmem:s11], [sflag:$0x2] =	stream.indirect.gather @!p1 [hbm4b:s5+s3], $0x40, s8, s3, $0xb8;
	[tilespmem:$0x12E00] =	vst v63  }
0xd0: {  	p1 =	sne.s32 s10, $0xA00  }
.Ltmp7:
0xd1: {  	_ = 	snop;
	(pc) =	sbr.rel @!p1 .LBB2_15-.Ltmp7, $4  }
0xd2: {  	_ =	swait.ge [sflag:s29], $0x2000  }
0xd3: {  	s9 =	sadd.s32 $0x1, s9;
	s25 =	sor.u32 $0x380, s15;
	[sflag:s29] =	ssyncset.done $0x0  }
0xd4: {  	s1 =	sadd.s32 $0x400, s1;
	s3 =	sadd.s32 $0xA600, s25;
	[sflag:s29] =	ssyncadd.s32 $0xFFFFE000  }
0xd5: {  	[spmem:s2] =	stream.indirect.scatter.add.bf16 [tilespmem:s6], [sflag:$0x8], $0x40, s3, s28, $0xb8;
	[tilespmem:$0x12E00] =	vst v63  }
.LBB2_11:
0xd6: {  	p1 =	seq.s32 s10, $0x980  }
0xd7: {  	p2 =	seq.s32 @!p1 s10, $0x0  }
0xd8: {  	s3 =	sand.u32 $0x1, s9;
	p2 =	por p1, !p2  }
.Ltmp8:
0xd9: {  	s11 =	sshll.u32 @!p1 s3, $0xA;
	(pc) =	sbr.rel @p2 .LBB2_13-.Ltmp8, $4  }
0xda: {  	s3 =	sadd.s32 @!p1 s10, s22;
	s8 =	simm.s32 @!p1 $0x0;
	s12 =	sadd.s32 @!p1 $0x9E00, s11  }
0xdb: {  	[tilespmem:s12], [sflag:$0x9] =	stream.linear.gather @!p1 [hbm4b:s3+s8], $0x400, $0x38;
	[tilespmem:$0x12E00] =	vst v63  }
0xdc: {  	s15 =	sadd.s32 @!p1 s10, s21;
	s3 =	sadd.s32 @!p1 $0xA600, s11  }
0xdd: {  	[tilespmem:s3], [sflag:$0x9] =	stream.linear.gather @!p1 [hbm4b:s15+s8], $0x400, $0x38;
	[tilespmem:$0x12E00] =	vst v63  }
.Ltmp9:
0xde: {  	(pc) =	sbr.rel .LBB2_14-.Ltmp9, $2  }
0xdf: {  	_ =	sdelay $0x2  }
0xe0: {  	p2 =	por @!p1 $0x1, $0x1  }
.LBB2_6:
0xe1: {  	_ =	swait.ge [sflag:s16], $0x2000  }
0xe2: {  	[sflag:s16] =	ssyncset.done $0x0  }
0xe3: {  	p2 =	por $0x0, $0x0;
	[sflag:s16] =	ssyncadd.s32 $0xFFFFE000  }
.LBB2_7:
0xe4: {  	s15 =	sand.u32 $0x400, s1  }
0xe5: {  	s18 =	sadd.s32 $0x9F00, s15  }
0xe6: {  	[tilespmem:s31], [sflag:$0x3] =	stream.indirect.gather [hbm4b:s4+s28], $0x40, s18, s28, $0xb8;
	[tilespmem:$0x12E00] =	vst v63  }
0xe7: {  	_ =	swait.ge [sflag:s0], $0x2000  }
0xe8: {  	[sflag:s0] =	ssyncset.done $0x0  }
0xe9: {  	s3 =	sadd.s32 $0xA600, s15;
	s18 =	simm.s32 @!p2 $0x8;
	[sflag:s0] =	ssyncadd.s32 $0xFFFFE000  }
0xea: {  	[spmem:s2] =	stream.indirect.scatter.add.bf16 [tilespmem:s23], [sflag:$0x5], $0x40, s3, s28, $0xb8;
	[tilespmem:$0x12E00] =	vst v63  }
0xeb: {  	_ =	swait.ge @!p2 [sflag:s18], $0x2000  }
0xec: {  	[sflag:s18] =	ssyncset.done @!p2 $0x0  }
0xed: {  	s8 =	sadd.s32 $0x9F80, s15;
	[sflag:s18] =	ssyncadd.s32 @!p2 $0xFFFFE000  }
0xee: {  	[tilespmem:s6], [sflag:$0x4] =	stream.indirect.gather [hbm4b:s4+s28], $0x40, s8, s28, $0xb8;
	[tilespmem:$0x12E00] =	vst v63  }
0xef: {  	_ =	swait.ge [sflag:s7], $0x2000  }
0xf0: {  	[sflag:s7] =	ssyncset.done $0x0  }
0xf1: {  	s25 =	sadd.s32 $0xA680, s15;
	[sflag:s7] =	ssyncadd.s32 $0xFFFFE000  }
0xf2: {  	[spmem:s2] =	stream.indirect.scatter.add.bf16 [tilespmem:s30], [sflag:$0x6], $0x40, s25, s28, $0xb8;
	[tilespmem:$0x12E00] =	vst v63  }
0xf3: {  	_ =	swait.ge [sflag:s26], $0x2000  }
0xf4: {  	[sflag:s26] =	ssyncset.done $0x0  }
0xf5: {  	s3 =	sor.u32 $0xA000, s15;
	[sflag:s26] =	ssyncadd.s32 $0xFFFFE000  }
0xf6: {  	[tilespmem:s23], [sflag:$0x1] =	stream.indirect.gather [hbm4b:s4+s28], $0x40, s3, s28, $0xb8;
	[tilespmem:$0x12E00] =	vst v63  }
0xf7: {  	_ =	swait.ge [sflag:s13], $0x2000  }
0xf8: {  	s8 =	sor.u32 $0x100, s15;
	[sflag:s13] =	ssyncset.done $0x0  }
0xf9: {  	s18 =	sadd.s32 $0xA600, s8;
	[sflag:s13] =	ssyncadd.s32 $0xFFFFE000  }
0xfa: {  	[spmem:s2] =	stream.indirect.scatter.add.bf16 [tilespmem:s31], [sflag:$0x7], $0x40, s18, s28, $0xb8;
	[tilespmem:$0x12E00] =	vst v63  }
0xfb: {  	_ =	swait.ge [sflag:s14], $0x2000  }
0xfc: {  	[sflag:s14] =	ssyncset.done $0x0  }
0xfd: {  	s25 =	sadd.s32 $0xA080, s15;
	[sflag:s14] =	ssyncadd.s32 $0xFFFFE000  }
0xfe: {  	[tilespmem:s30], [sflag:$0x2] =	stream.indirect.gather [hbm4b:s4+s28], $0x40, s25, s28, $0xb8;
	[tilespmem:$0x12E00] =	vst v63  }
0xff: {  	_ =	swait.ge [sflag:s29], $0x2000  }
0x100: {  	[sflag:s29] =	ssyncset.done $0x0  }
0x101: {  	s3 =	sadd.s32 $0xA780, s15;
	[sflag:s29] =	ssyncadd.s32 $0xFFFFE000  }
0x102: {  	[spmem:s2] =	stream.indirect.scatter.add.bf16 [tilespmem:s6], [sflag:$0x8], $0x40, s3, s28, $0xb8;
	[tilespmem:$0x12E00] =	vst v63  }
0x103: {  	_ =	swait.ge [sflag:s16], $0x2000  }
0x104: {  	[sflag:s16] =	ssyncset.done $0x0  }
0x105: {  	s8 =	sadd.s32 $0xA100, s15;
	[sflag:s16] =	ssyncadd.s32 $0xFFFFE000  }
0x106: {  	[tilespmem:s31], [sflag:$0x3] =	stream.indirect.gather [hbm4b:s4+s28], $0x40, s8, s28, $0xb8;
	[tilespmem:$0x12E00] =	vst v63  }
0x107: {  	_ =	swait.ge [sflag:s0], $0x2000  }
0x108: {  	[sflag:s0] =	ssyncset.done $0x0  }
0x109: {  	s25 =	sor.u32 $0xA800, s15;
	[sflag:s0] =	ssyncadd.s32 $0xFFFFE000  }
0x10a: {  	[spmem:s2] =	stream.indirect.scatter.add.bf16 [tilespmem:s23], [sflag:$0x5], $0x40, s25, s28, $0xb8;
	[tilespmem:$0x12E00] =	vst v63  }
0x10b: {  	_ =	swait.ge [sflag:s17], $0x2000  }
0x10c: {  	[sflag:s17] =	ssyncset.done $0x0  }
0x10d: {  	s3 =	sadd.s32 $0xA180, s15;
	[sflag:s17] =	ssyncadd.s32 $0xFFFFE000  }
0x10e: {  	[tilespmem:s6], [sflag:$0x4] =	stream.indirect.gather [hbm4b:s4+s28], $0x40, s3, s28, $0xb8;
	[tilespmem:$0x12E00] =	vst v63  }
0x10f: {  	_ =	swait.ge [sflag:s7], $0x2000  }
0x110: {  	[sflag:s7] =	ssyncset.done $0x0  }
0x111: {  	s8 =	sadd.s32 $0xA880, s15;
	[sflag:s7] =	ssyncadd.s32 $0xFFFFE000  }
0x112: {  	[spmem:s2] =	stream.indirect.scatter.add.bf16 [tilespmem:s30], [sflag:$0x6], $0x40, s8, s28, $0xb8;
	[tilespmem:$0x12E00] =	vst v63  }
0x113: {  	_ =	swait.ge [sflag:s26], $0x2000  }
0x114: {  	[sflag:s26] =	ssyncset.done $0x0  }
0x115: {  	s18 =	simm.s32 @p1 $0x3;
	[sflag:s26] =	ssyncadd.s32 $0xFFFFE000  }
0x116: {  	_ =	swait.ge @p1 [sflag:s18], $0x2000  }
0x117: {  	s25 =	sor.u32 $0x300, s15;
	s3 =	simm.s32 @p1 $0xEE00;
	[sflag:s18] =	ssyncset.done @p1 $0x0  }
0x118: {  	s8 =	simm.s32 @p1 $0x80;
	[sflag:s18] =	ssyncadd.s32 @p1 $0xFFFFE000;
	s18 =	sadd.s32 @p1 $0xA600, s25  }
0x119: {  	[spmem:s2] =	stream.indirect.scatter.add.bf16 @p1 [tilespmem:s3], [sflag:$0x7], $0x40, s18, s8, $0xb8;
	[tilespmem:$0x12E00] =	vst v63  }
0x11a: {  	s3 =	simm.s32 @p1 $0x6  }
0x11b: {  	_ =	swait.ge @p1 [sflag:s3], $0x2000  }
0x11c: {  	[sflag:s3] =	ssyncset.done @p1 $0x0  }
0x11d: {  	[sflag:s3] =	ssyncadd.s32 @p1 $0xFFFFE000;
	s3 =	simm.s32 @!p1 $0x9  }
0x11e: {  	_ =	swait.ge @!p1 [sflag:s3], $0x400  }
0x11f: {  	[sflag:s3] =	ssyncset.done @!p1 $0x0  }
0x120: {  	[sflag:s3] =	ssyncadd.s32 @!p1 $0xFFFFFC00  }
0x121: {  	_ =	swait.ge @!p1 [sflag:s3], $0x400  }
0x122: {  	[sflag:s3] =	ssyncset.done @!p1 $0x0  }
0x123: {  	s8 =	simm.s32 @!p1 $0xAE00;
	[sflag:s3] =	ssyncadd.s32 @!p1 $0xFFFFFC00;
	s3 =	simm.s32 @!p1 $0x80  }
0x124: {  	[tilespmem:s8], [sflag:$0x1] =	stream.indirect.gather @!p1 [hbm4b:s4+s3], $0x40, s12, s3, $0xb8;
	[tilespmem:$0x12E00] =	vst v63  }
0x125: {  	s8 =	simm.s32 @!p1 $0x3  }
0x126: {  	_ =	swait.ge @!p1 [sflag:s8], $0x2000  }
0x127: {  	[sflag:s8] =	ssyncset.done @!p1 $0x0  }
0x128: {  	s12 =	simm.s32 @!p1 $0xEE00;
	[sflag:s8] =	ssyncadd.s32 @!p1 $0xFFFFE000;
	s8 =	sadd.s32 @!p1 $0xA600, s25  }
0x129: {  	[spmem:s2] =	stream.indirect.scatter.add.bf16 @!p1 [tilespmem:s12], [sflag:$0x7], $0x40, s8, s3, $0xb8;
	[tilespmem:$0x12E00] =	vst v63  }
0x12a: {  	s8 =	simm.s32 @!p1 $0x6  }
0x12b: {  	_ =	swait.ge @!p1 [sflag:s8], $0x2000  }
0x12c: {  	s10 =	sadd.s32 $0x80, s10;
	[sflag:s8] =	ssyncset.done @!p1 $0x0  }
0x12d: {  	[sflag:s8] =	ssyncadd.s32 @!p1 $0xFFFFE000;
	s8 =	sadd.s32 @!p1 $0x9E80, s11;
	s11 =	simm.s32 @!p1 $0xCE00  }
0x12e: {  	[tilespmem:s11], [sflag:$0x2] =	stream.indirect.gather @!p1 [hbm4b:s4+s3], $0x40, s8, s3, $0xb8;
	[tilespmem:$0x12E00] =	vst v63  }
0x12f: {  	p1 =	seq.s32 s10, $0xA00  }
.Ltmp10:
0x130: {  	_ = 	snop;
	(pc) =	sbr.rel @p1 .LBB2_8-.Ltmp10, $4  }
0x131: {  	_ =	swait.ge [sflag:s29], $0x2000  }
0x132: {  	s9 =	sadd.s32 $0x1, s9;
	s25 =	sor.u32 $0x380, s15;
	[sflag:s29] =	ssyncset.done $0x0  }
0x133: {  	s1 =	sadd.s32 $0x400, s1;
	s3 =	sadd.s32 $0xA600, s25;
	[sflag:s29] =	ssyncadd.s32 $0xFFFFE000  }
0x134: {  	[spmem:s2] =	stream.indirect.scatter.add.bf16 [tilespmem:s6], [sflag:$0x8], $0x40, s3, s28, $0xb8;
	[tilespmem:$0x12E00] =	vst v63  }
.LBB2_4:
0x135: {  	p1 =	seq.s32 s10, $0x980  }
0x136: {  	p2 =	seq.s32 @!p1 s10, $0x0  }
0x137: {  	s11 =	sand.u32 $0x1, s9;
	p2 =	por p1, !p2  }
.Ltmp11:
0x138: {  	s11 =	sshll.u32 @!p1 s11, $0xA;
	(pc) =	sbr.rel @p2 .LBB2_6-.Ltmp11, $4  }
0x139: {  	s15 =	sadd.s32 @!p1 s10, s20;
	s18 =	simm.s32 @!p1 $0x0;
	s12 =	sadd.s32 @!p1 $0x9E00, s11  }
0x13a: {  	[tilespmem:s12], [sflag:$0x9] =	stream.linear.gather @!p1 [hbm4b:s15+s18], $0x400, $0x38;
	[tilespmem:$0x12E00] =	vst v63  }
0x13b: {  	s25 =	sadd.s32 @!p1 s10, s19;
	s15 =	sadd.s32 @!p1 $0xA600, s11  }
0x13c: {  	[tilespmem:s15], [sflag:$0x9] =	stream.linear.gather @!p1 [hbm4b:s25+s18], $0x400, $0x38;
	[tilespmem:$0x12E00] =	vst v63  }
.Ltmp12:
0x13d: {  	(pc) =	sbr.rel .LBB2_7-.Ltmp12, $2  }
0x13e: {  	_ =	sdelay $0x2  }
0x13f: {  	p2 =	por @!p1 $0x1, $0x1  }
.LBB2_8:
.Ltmp13:
0x140: {  	(pc) =	sbr.rel .LBB2_16-.Ltmp13, $3  }
0x141: {  	_ =	sdelay $0x1  }
0x142: {  	s1 =	rddreg [dreg:$0x4]  }
0x143: {  	s10 =	rddreg [dreg:$0x3]  }
.LBB2_17:
0x144: {  	_ =	sfence.sel $0x180000  }
0x145: {  	[bflag:$0x0] =	sbarrier.arrive $0xFFFF  }
0x146: {  	_ =	strace $0x9000004A  }
0x147: {  	s0 =	stileid.u32;
	[bflag:$0x2] =	sbarrier.arrive $0xFFFF  }
0x148: {  	p0 =	sne.s32 s0, $0x0;
	s0 =	rddreg [dreg:$0x2]  }
0x149: {  	s0 =	sadd.s32 @!p0 $0x100000, s0  }
0x14a: {  	[sflag:s0] =	ssyncadd.tile.s32 @!p0 $0x1;
	_ =	shalt  }
.Lfunc_end2:
_tile_overlayer_lowered:
.L_overlay_start_2:
0x14b: {  	(tag) =	ssettag $0x2  }
0x14c: {  	s0 =	rddreg [dreg:$0x0];
	s2 =	stileid.u32  }
0x14d: {  	s1 =	rddreg [dreg:$0x1];
	p0 =	sne.s32 s2, $0x0  }
0x14e: {  	s3 =	rddreg [dreg:$0x2];
	[bflag:$0x3] =	sbarrier.arrive $0xFFFF;
	s2 =	simm.s32 @!p0 $0x1C0A  }
0x14f: {  	[timem:s3], [sflag:s2] =	dma.local @!p0 [hbm:s0], s1  }
0x150: {  	s0 =	simm.s32 @!p0 $0xA  }
0x151: {  	_ =	swait.ge @!p0 [sflag:s0], s1  }
0x152: {  	s1 =	ssub.s32 @!p0 $0x0, s1;
	[sflag:s0] =	ssyncset.done @!p0 $0x0  }
0x153: {  	[sflag:s0] =	ssyncadd.s32 @!p0 s1  }
0x154: {  	[bflag:$0x3] =	sbarrier.arrive $0xFFFF  }
0x155: {  	_ =	shalt  }

</sc_bundles>
